<compile_context>
chip_gen: v7x
topology: tpu7x:2x2x1
jax: 0.10.2.dev20260603
libtpu: 0.0.44.dev20260713+nightly
codegen_flags: <defaults>
</compile_context>

<pallas_src>
import functools

import jax
import jax.numpy as jnp
from jax import lax
from jax.experimental import pallas as pl
from jax.experimental.pallas import tpu as pltpu
from jax.experimental.pallas import tpu_sc as plsc

N_NODES = 10000
N_EDGES = 320000
HID = 128

NC = 2
NS = 16
NW = NC * NS

N_PAD = 10112
ROWS_PER_TILE = N_PAD // NS

CH = 128
E_TILE = 10240
NCH = E_TILE // CH
NPAIR = NCH // 2
N_EDGES_P = NW * E_TILE

D_TILE = N_EDGES_P // NS


@functools.cache
def _mesh():
    return plsc.VectorSubcoreMesh(
        core_axis_name="c", subcore_axis_name="s", num_cores=NC, num_subcores=NS
    )


_WB_CHUNKS = [(0, 128), (128, 128), (256, 128), (384, 128), (512, 120)]


def _deg_body(ids_hbm, out_hbm, idx_v, hist_v):
    c = lax.axis_index("c")
    s = lax.axis_index("s")

    def zero(i, carry):
        hist_v[pl.ds(i * 16, 16)] = jnp.zeros((16,), jnp.float32)
        return carry

    lax.fori_loop(0, N_PAD // 16, zero, 0)
    pltpu.sync_copy(ids_hbm.at[c, s], idx_v)
    ones = jnp.ones((16,), jnp.float32)

    def acc(i, carry):
        vec = idx_v[pl.ds(i * 16, 16)]
        plsc.addupdate_scatter(hist_v, [vec], ones)
        return carry

    lax.fori_loop(0, D_TILE // 16, acc, 0)
    pltpu.sync_copy(hist_v, out_hbm.at[c, s])


def _msgpass_body(h_hbm, sd_hbm, zeros_hbm, out_hbm,
                  sd_v, msg_v, agg_sh, sem_i, sem_g0, sem_g1, sem_s0, sem_s1):
    c = lax.axis_index("c")
    s = lax.axis_index("s")
    wid = c * NS + s
    row0 = s * ROWS_PER_TILE
    pltpu.sync_copy(zeros_hbm, msg_v.at[0])
    for off, sz in _WB_CHUNKS:
        pltpu.async_copy(msg_v.at[0, pl.ds(0, sz)], agg_sh.at[pl.ds(row0 + off, sz)], sem_i)
    for off, sz in _WB_CHUNKS:
        pltpu.make_async_copy(
            msg_v.at[0, pl.ds(0, sz)], agg_sh.at[pl.ds(row0 + off, sz)], sem_i
        ).wait()
    plsc.subcore_barrier()

    def gstart(q, j, b, sem):
        pltpu.async_copy(h_hbm.at[sd_v.at[q, j, 0]], msg_v.at[b], sem)

    def gwait(sem):
        pltpu.make_async_copy(h_hbm.at[sd_v.at[0, 0, 0]], msg_v.at[0], sem).wait()

    def sstart(q, j, b, sem):
        pltpu.async_copy(msg_v.at[b], agg_sh.at[sd_v.at[q, j, 1]], sem, add=True)

    def swait(sem):
        pltpu.make_async_copy(msg_v.at[0], agg_sh.at[sd_v.at[0, 0, 1]], sem).wait()

    def istart(p, slot):
        pltpu.async_copy(sd_hbm.at[wid, p], sd_v.at[slot], sem_i)

    def iwait():
        pltpu.make_async_copy(sd_hbm.at[0, 0], sd_v.at[0], sem_i).wait()

    pltpu.sync_copy(sd_hbm.at[wid, 0], sd_v.at[0])
    gstart(0, 0, 0, sem_g0)
    istart(1, 1)
    gstart(0, 1, 1, sem_g1)
    gwait(sem_g0)
    sstart(0, 0, 0, sem_s0)
    iwait()
    swait(sem_s0)
    gstart(1, 0, 0, sem_g0)
    gwait(sem_g1)
    sstart(0, 1, 1, sem_s1)

    def body(p, carry):
        q = p % 2
        swait(sem_s1)
        istart(p + 1, 1 - q)
        gstart(q, 1, 1, sem_g1)
        gwait(sem_g0)
        sstart(q, 0, 0, sem_s0)
        iwait()
        swait(sem_s0)
        gstart(1 - q, 0, 0, sem_g0)
        gwait(sem_g1)
        sstart(q, 1, 1, sem_s1)
        return carry

    lax.fori_loop(1, NPAIR - 1, body, 0)

    swait(sem_s1)
    gstart(1, 1, 1, sem_g1)
    gwait(sem_g0)
    sstart(1, 0, 0, sem_s0)
    gwait(sem_g1)
    sstart(1, 1, 1, sem_s1)
    swait(sem_s0)
    swait(sem_s1)

    plsc.subcore_barrier()

    def rstart(i):
        off, sz = _WB_CHUNKS[i]
        pltpu.async_copy(
            agg_sh.at[pl.ds(row0 + off, sz)], msg_v.at[i % 2, pl.ds(0, sz)], sem_g0)

    def rwait(i):
        off, sz = _WB_CHUNKS[i]
        pltpu.make_async_copy(
            agg_sh.at[pl.ds(row0 + off, sz)], msg_v.at[i % 2, pl.ds(0, sz)], sem_g0
        ).wait()

    def wstart(i):
        off, sz = _WB_CHUNKS[i]
        pltpu.async_copy(
            msg_v.at[i % 2, pl.ds(0, sz)], out_hbm.at[c, pl.ds(row0 + off, sz)], sem_g1)

    def wwait(i):
        off, sz = _WB_CHUNKS[i]
        pltpu.make_async_copy(
            msg_v.at[i % 2, pl.ds(0, sz)], out_hbm.at[c, pl.ds(row0 + off, sz)], sem_g1
        ).wait()

    n_wb = len(_WB_CHUNKS)
    rstart(0)
    for i in range(n_wb):
        rwait(i)
        wstart(i)
        if i + 1 < n_wb:
            if i >= 1:
                wwait(i - 1)
            rstart(i + 1)
    wwait(n_wb - 2)
    wwait(n_wb - 1)


@functools.cache
def _deg_kernel():
    return pl.kernel(
        _deg_body,
        out_type=jax.ShapeDtypeStruct((NC, NS, N_PAD), jnp.float32),
        mesh=_mesh(),
        compiler_params=pltpu.CompilerParams(needs_layout_passes=False),
        scratch_types=[
            pltpu.VMEM((D_TILE,), jnp.int32),
            pltpu.VMEM((N_PAD,), jnp.float32),
        ],
    )


@functools.cache
def _msgpass_kernel():
    return pl.kernel(
        _msgpass_body,
        out_type=jax.ShapeDtypeStruct((NC, N_PAD, HID), jnp.float32),
        mesh=_mesh(),
        scratch_types=[
            pltpu.VMEM((2, 2, 2, CH), jnp.int32),
            pltpu.VMEM((2, CH, HID), jnp.float32),
            pltpu.VMEM_SHARED((N_PAD, HID), jnp.float32),
            pltpu.SemaphoreType.DMA,
            pltpu.SemaphoreType.DMA,
            pltpu.SemaphoreType.DMA,
            pltpu.SemaphoreType.DMA,
            pltpu.SemaphoreType.DMA,
        ],
    )


def _proj_body(f0_ref, f1_ref, f2_ref, w0_ref, b0_ref, w1_ref, b1_ref,
               w2_ref, b2_ref, hist_ref, hh_ref, ns_ref, nd_ref):
    h0 = jnp.dot(f0_ref[...], w0_ref[...], preferred_element_type=jnp.float32) + b0_ref[...]
    h1 = jnp.dot(f1_ref[...], w1_ref[...], preferred_element_type=jnp.float32) + b1_ref[...]
    h2 = jnp.dot(f2_ref[...], w2_ref[...], preferred_element_type=jnp.float32) + b2_ref[...]
    h = jnp.concatenate([h0, h1, h2], axis=0)
    out_deg = jnp.sum(hist_ref[0], axis=0)[:N_NODES]
    in_deg = jnp.sum(hist_ref[1], axis=0)[:N_NODES]
    ns = lax.rsqrt(jnp.maximum(out_deg, 1.0))
    nd = lax.rsqrt(jnp.maximum(in_deg, 1.0))
    hh_ref[...] = h * ns[:, None]
    ns_ref[...] = ns[:, None]
    nd_ref[...] = nd[:, None]


def _scale_body(p_ref, nd_ref, ns_ref, out_ref):
    a = p_ref[0, :N_NODES, :] + p_ref[1, :N_NODES, :]
    out_ref[...] = jnp.maximum(a * nd_ref[...], 0.0) * ns_ref[...]


def _final_body(q_ref, nd_ref, w2_ref, b2_ref, out_ref):
    a = q_ref[0, :N_NODES, :] + q_ref[1, :N_NODES, :]
    a = a * nd_ref[...]
    z = jnp.dot(a, w2_ref[...], preferred_element_type=jnp.float32) + b2_ref[...]
    out_ref[...] = jnp.maximum(z, 0.0)


def kernel(feat0, feat1, feat2, edge_index, Wf0, bf0, Wf1, bf1, Wf2, bf2,
           W2, b2, semantic_weight):
    src = edge_index[0].astype(jnp.int32)
    dst = edge_index[1].astype(jnp.int32)
    n_pad_edges = N_EDGES_P - N_EDGES
    pad_iota = jnp.arange(n_pad_edges, dtype=jnp.int32)
    junk = N_NODES + pad_iota % (N_PAD - N_NODES)
    src_mp = jnp.concatenate([src, pad_iota % N_NODES])
    dst_mp = jnp.concatenate([dst, junk])
    srcr = src_mp.reshape(NW, NPAIR, 2, CH)
    dstr = dst_mp.reshape(NW, NPAIR, 2, CH)
    sd = jnp.stack([srcr, dstr], axis=3)
    ids = jnp.stack([
        jnp.concatenate([src, junk]).reshape(NS, D_TILE),
        jnp.concatenate([dst, junk]).reshape(NS, D_TILE),
    ])

    zeros_mp = jnp.zeros((CH, HID), jnp.float32)

    hist = _deg_kernel()(ids)

    hh0, ns, nd = pl.pallas_call(
        _proj_body,
        out_shape=[
            jax.ShapeDtypeStruct((N_NODES, HID), jnp.float32),
            jax.ShapeDtypeStruct((N_NODES, 1), jnp.float32),
            jax.ShapeDtypeStruct((N_NODES, 1), jnp.float32),
        ],
    )(feat0, feat1, feat2, Wf0, bf0, Wf1, bf1, Wf2, bf2, hist)

    p0 = _msgpass_kernel()(hh0, sd, zeros_mp)

    hh1 = pl.pallas_call(
        _scale_body,
        out_shape=jax.ShapeDtypeStruct((N_NODES, HID), jnp.float32),
    )(p0, nd, ns)

    p1 = _msgpass_kernel()(hh1, sd, zeros_mp)

    out = pl.pallas_call(
        _final_body,
        out_shape=jax.ShapeDtypeStruct((N_NODES, HID), jnp.float32),
    )(p1, nd, W2, b2)

    return (out, semantic_weight)

# --- scband reference (transcript-rebuilt; emitter-appended) ---
"""Pipeline reference for scband-semantic-gcn-21534966022326 (READ-ONLY COPY).

The authoritative reference and input builder live on the scoring server;
editing this copy changes nothing except your own understanding.
"""

import jax, jax.numpy as jnp
import numpy as np

N_NODES = 10000
N_EDGES = 320000
HID = 128
IN_DIMS = [128, 256, 64]
TYPE_COUNTS = [4000, 3000, 3000]


def _glorot(key, fan_in, fan_out, gain=1.414):
    std = gain * np.sqrt(2.0 / (fan_in + fan_out))
    return jax.random.normal(key, (fan_in, fan_out), dtype=jnp.float32) * std


def setup_inputs(seed: int = 0) -> dict:
    key = jax.random.key(seed)
    ks = jax.random.split(key, 12)
    feat0 = jax.random.normal(ks[0], (TYPE_COUNTS[0], IN_DIMS[0]), dtype=jnp.float32)
    feat1 = jax.random.normal(ks[1], (TYPE_COUNTS[1], IN_DIMS[1]), dtype=jnp.float32)
    feat2 = jax.random.normal(ks[2], (TYPE_COUNTS[2], IN_DIMS[2]), dtype=jnp.float32)
    edge_index = jax.random.randint(ks[3], (2, N_EDGES), 0, N_NODES)
    Wf0 = _glorot(ks[4], IN_DIMS[0], HID)
    bf0 = jnp.zeros((HID,), dtype=jnp.float32)
    Wf1 = _glorot(ks[5], IN_DIMS[1], HID)
    bf1 = jnp.zeros((HID,), dtype=jnp.float32)
    Wf2 = _glorot(ks[6], IN_DIMS[2], HID)
    bf2 = jnp.zeros((HID,), dtype=jnp.float32)
    W2 = _glorot(ks[7], HID, HID, gain=1.0)
    b2 = jnp.zeros((HID,), dtype=jnp.float32)
    semantic_weight = jax.random.normal(ks[8], (1, 5), dtype=jnp.float32)
    return {"feat0": feat0, "feat1": feat1, "feat2": feat2, "edge_index": edge_index,
            "Wf0": Wf0, "bf0": bf0, "Wf1": Wf1, "bf1": bf1, "Wf2": Wf2, "bf2": bf2,
            "W2": W2, "b2": b2, "semantic_weight": semantic_weight}


def _graph_conv(h, src, dst, W, b):
    # DGL GraphConv with norm='both': D_out^{-1/2} A D_in^{-1/2} h (W), then activation
    out_deg = jnp.zeros((N_NODES,), h.dtype).at[src].add(1.0)
    in_deg = jnp.zeros((N_NODES,), h.dtype).at[dst].add(1.0)
    norm_src = jnp.maximum(out_deg, 1.0) ** -0.5
    norm_dst = jnp.maximum(in_deg, 1.0) ** -0.5
    hh = h * norm_src[:, None]
    msg = hh[src]                                   # gather over edges
    agg = jnp.zeros_like(h).at[dst].add(msg)        # scatter-add per dst node
    agg = agg * norm_dst[:, None]
    if W is not None:
        agg = agg @ W + b
    return jax.nn.relu(agg)


def reference(feat0, feat1, feat2, edge_index, Wf0, bf0, Wf1, bf1, Wf2, bf2, W2, b2, semantic_weight):
    src = edge_index[0]
    dst = edge_index[1]
    h = jnp.concatenate([feat0 @ Wf0 + bf0, feat1 @ Wf1 + bf1, feat2 @ Wf2 + bf2], axis=0)
    # dropout p=0.0 (eval) -> identity
    h = _graph_conv(h, src, dst, None, None)  # layer 0: weight=False
    h = _graph_conv(h, src, dst, W2, b2)      # layer 1: weight=True
    return (h, semantic_weight)

if __name__ == "__main__":
    import jax
    _d = setup_inputs()
    print(jax.jit(kernel)(*tuple(_d.values())))

</pallas_src>

<mosaic_0001>
#map = affine_map<(d0, d1) -> (0, 0, 0)>
module attributes {stable_mosaic.version = 14 : i64} {
  func.func @_deg_body(%arg0: i32, %arg1: i32, %arg2: memref<2x16x20480xi32, #tpu.memory_space<hbm>>, %arg3: memref<2x16x10112xf32, #tpu.memory_space<hbm>>, %arg4: memref<20480xi32, #tpu.memory_space<vmem>>, %arg5: memref<10112xf32, #tpu.memory_space<vmem>>) attributes {dimension_semantics = [#tpu.dimension_semantics<core_parallel>, #tpu.dimension_semantics<subcore_parallel>], iteration_bounds = array<i64: 2, 16>, scalar_prefetch = 0 : i64, scratch_operands = 2 : i64, tpu.core_type = #tpu.core_type<sc_vector_subcore>, window_params = [{transform_indices = #map}, {transform_indices = #map}]} {
    %scan3A = arith.constant 0 : i32
    %scan3A_0 = arith.constant 0 : i32
    %scan3A_1 = arith.constant 632 : i32
    %scan3A_2 = arith.addi %scan3A_0, %scan3A_1 : i32
    %scan3A_3 = arith.constant 1 : i32
    scf.for %scan3A_12 = %scan3A_0 to %scan3A_2 step %scan3A_3  : i32 {
      %broadcast_in_dim3A_13 = arith.constant 0.000000e+00 : f32
      %broadcast_in_dim3A_14 = vector.broadcast %broadcast_in_dim3A_13 : f32 to vector<16xf32>
      %mul3A = arith.constant 16 : i32
      %mul3A_15 = arith.muli %scan3A_12, %mul3A : i32
      %swap3A = arith.index_cast %mul3A_15 : i32 to index
      %swap3A_16 = tpu.vector_load %arg5[%swap3A] {strides = array<i32>} : memref<10112xf32, #tpu.memory_space<vmem>>, vector<16xf32>,
      tpu.vector_store %arg5[%swap3A], %broadcast_in_dim3A_14 {strides = array<i32>} : memref<10112xf32, #tpu.memory_space<vmem>>, vector<16xf32>,
    }
    %scan3A_4 = arith.constant 632 : i32
    "tpu.region"() ({
      %run_scoped3A = tpu.sem_alloc : memref<!tpu.dma_semaphore, #tpu.memory_space<semaphore_mem>>
      %dma_start3A = arith.constant 0 : i32
      %dma_start3A_12 = tpu.memref_slice %arg2[%arg0, %arg1, %dma_start3A] : memref<2x16x20480xi32, #tpu.memory_space<hbm>> -> memref<1x1x20480xi32, #tpu.memory_space<hbm>>
      %dma_start3A_13 = tpu.memref_squeeze %dma_start3A_12 : memref<1x1x20480xi32, #tpu.memory_space<hbm>> -> memref<20480xi32, #tpu.memory_space<hbm>>
      %dma_start3A_14 = arith.constant 0 : i32
      %dma_start3A_15 = tpu.memref_slice %arg2[%arg0, %arg1, %dma_start3A_14] : memref<2x16x20480xi32, #tpu.memory_space<hbm>> -> memref<1x1x20480xi32, #tpu.memory_space<hbm>>
      %dma_start3A_16 = tpu.memref_squeeze %dma_start3A_15 : memref<1x1x20480xi32, #tpu.memory_space<hbm>> -> memref<20480xi32, #tpu.memory_space<hbm>>
      tpu.enqueue_dma source(%dma_start3A_16 : memref<20480xi32, #tpu.memory_space<hbm>>) target(%arg4 : memref<20480xi32, #tpu.memory_space<vmem>>) target_semaphore(%run_scoped3A : memref<!tpu.dma_semaphore, #tpu.memory_space<semaphore_mem>>)
      %dma_wait3A = arith.constant 0 : i32
      %dma_wait3A_17 = tpu.memref_slice %arg2[%arg0, %arg1, %dma_wait3A] : memref<2x16x20480xi32, #tpu.memory_space<hbm>> -> memref<1x1x20480xi32, #tpu.memory_space<hbm>>
      %dma_wait3A_18 = tpu.memref_squeeze %dma_wait3A_17 : memref<1x1x20480xi32, #tpu.memory_space<hbm>> -> memref<20480xi32, #tpu.memory_space<hbm>>
      %dma_wait3A_19 = arith.constant 0 : i32
      %dma_wait3A_20 = tpu.memref_slice %arg2[%arg0, %arg1, %dma_wait3A_19] : memref<2x16x20480xi32, #tpu.memory_space<hbm>> -> memref<1x1x20480xi32, #tpu.memory_space<hbm>>
      %dma_wait3A_21 = tpu.memref_squeeze %dma_wait3A_20 : memref<1x1x20480xi32, #tpu.memory_space<hbm>> -> memref<20480xi32, #tpu.memory_space<hbm>>
      tpu.wait_dma2 semaphore(%run_scoped3A : memref<!tpu.dma_semaphore, #tpu.memory_space<semaphore_mem>>) src(%dma_wait3A_21 : memref<20480xi32, #tpu.memory_space<hbm>>) dst(%arg4 : memref<20480xi32, #tpu.memory_space<vmem>>)
      tpu.yield
    }) : () -> ()
    %broadcast_in_dim3A = arith.constant 1.000000e+00 : f32
    %broadcast_in_dim3A_5 = vector.broadcast %broadcast_in_dim3A : f32 to vector<16xf32>
    %scan3A_6 = arith.constant 0 : i32
    %scan3A_7 = arith.constant 0 : i32
    %scan3A_8 = arith.constant 1280 : i32
    %scan3A_9 = arith.addi %scan3A_7, %scan3A_8 : i32
    %scan3A_10 = arith.constant 1 : i32
    scf.for %scan3A_12 = %scan3A_7 to %scan3A_9 step %scan3A_10  : i32 {
      %mul3A = arith.constant 16 : i32
      %mul3A_13 = arith.muli %scan3A_12, %mul3A : i32
      %get3A = arith.index_cast %mul3A_13 : i32 to index
      %get3A_14 = tpu.vector_load %arg4[%get3A] {strides = array<i32>} : memref<20480xi32, #tpu.memory_space<vmem>>, vector<16xi32>,
      tpu.vector_store_idx %arg5[%get3A_14], %broadcast_in_dim3A_5 {add = true} : memref<10112xf32, #tpu.memory_space<vmem>>[vector<16xi32>], vector<16xf32>,
    }
    %scan3A_11 = arith.constant 1280 : i32
    "tpu.region"() ({
      %run_scoped3A = tpu.sem_alloc : memref<!tpu.dma_semaphore, #tpu.memory_space<semaphore_mem>>
      %dma_start3A = arith.constant 0 : i32
      %dma_start3A_12 = tpu.memref_slice %arg3[%arg0, %arg1, %dma_start3A] : memref<2x16x10112xf32, #tpu.memory_space<hbm>> -> memref<1x1x10112xf32, #tpu.memory_space<hbm>>
      %dma_start3A_13 = tpu.memref_squeeze %dma_start3A_12 : memref<1x1x10112xf32, #tpu.memory_space<hbm>> -> memref<10112xf32, #tpu.memory_space<hbm>>
      %dma_start3A_14 = arith.constant 0 : i32
      %dma_start3A_15 = tpu.memref_slice %arg3[%arg0, %arg1, %dma_start3A_14] : memref<2x16x10112xf32, #tpu.memory_space<hbm>> -> memref<1x1x10112xf32, #tpu.memory_space<hbm>>
      %dma_start3A_16 = tpu.memref_squeeze %dma_start3A_15 : memref<1x1x10112xf32, #tpu.memory_space<hbm>> -> memref<10112xf32, #tpu.memory_space<hbm>>
      tpu.enqueue_dma source(%arg5 : memref<10112xf32, #tpu.memory_space<vmem>>) target(%dma_start3A_16 : memref<10112xf32, #tpu.memory_space<hbm>>) target_semaphore(%run_scoped3A : memref<!tpu.dma_semaphore, #tpu.memory_space<semaphore_mem>>)
      %dma_wait3A = arith.constant 0 : i32
      %dma_wait3A_17 = tpu.memref_slice %arg3[%arg0, %arg1, %dma_wait3A] : memref<2x16x10112xf32, #tpu.memory_space<hbm>> -> memref<1x1x10112xf32, #tpu.memory_space<hbm>>
      %dma_wait3A_18 = tpu.memref_squeeze %dma_wait3A_17 : memref<1x1x10112xf32, #tpu.memory_space<hbm>> -> memref<10112xf32, #tpu.memory_space<hbm>>
      %dma_wait3A_19 = arith.constant 0 : i32
      %dma_wait3A_20 = tpu.memref_slice %arg3[%arg0, %arg1, %dma_wait3A_19] : memref<2x16x10112xf32, #tpu.memory_space<hbm>> -> memref<1x1x10112xf32, #tpu.memory_space<hbm>>
      %dma_wait3A_21 = tpu.memref_squeeze %dma_wait3A_20 : memref<1x1x10112xf32, #tpu.memory_space<hbm>> -> memref<10112xf32, #tpu.memory_space<hbm>>
      tpu.wait_dma2 semaphore(%run_scoped3A : memref<!tpu.dma_semaphore, #tpu.memory_space<semaphore_mem>>) src(%arg5 : memref<10112xf32, #tpu.memory_space<vmem>>) dst(%dma_wait3A_21 : memref<10112xf32, #tpu.memory_space<hbm>>)
      tpu.yield
    }) : () -> ()
    return
  }
}

#map = affine_map<(d0, d1) -> (0, 0)>
#map1 = affine_map<(d0, d1) -> (0, 0, 0, 0, 0)>
#map2 = affine_map<(d0, d1) -> (0, 0, 0)>
module attributes {stable_mosaic.version = 14 : i64} {
  func.func @_msgpass_body(%arg0: i32, %arg1: i32, %arg2: memref<10000x128xf32, #tpu.memory_space<hbm>>, %arg3: memref<32x40x2x2x128xi32, #tpu.memory_space<hbm>>, %arg4: memref<128x128xf32, #tpu.memory_space<hbm>>, %arg5: memref<2x10112x128xf32, #tpu.memory_space<hbm>>, %arg6: memref<2x2x2x128xi32, #tpu.memory_space<vmem>>, %arg7: memref<2x128x128xf32, #tpu.memory_space<vmem>>, %arg8: memref<10112x128xf32, #tpu.memory_space<vmem_shared>>, %arg9: memref<!tpu.dma_semaphore, #tpu.memory_space<semaphore_mem>>, %arg10: memref<!tpu.dma_semaphore, #tpu.memory_space<semaphore_mem>>, %arg11: memref<!tpu.dma_semaphore, #tpu.memory_space<semaphore_mem>>, %arg12: memref<!tpu.dma_semaphore, #tpu.memory_space<semaphore_mem>>, %arg13: memref<!tpu.dma_semaphore, #tpu.memory_space<semaphore_mem>>) attributes {dimension_semantics = [#tpu.dimension_semantics<core_parallel>, #tpu.dimension_semantics<subcore_parallel>], iteration_bounds = array<i64: 2, 16>, scalar_prefetch = 0 : i64, scratch_operands = 8 : i64, tpu.core_type = #tpu.core_type<sc_vector_subcore>, window_params = [{transform_indices = #map}, {transform_indices = #map1}, {transform_indices = #map}, {transform_indices = #map2}]} {
    %mul3A = arith.constant 16 : i32
    %mul3A_0 = arith.muli %arg0, %mul3A : i32
    %add3A = arith.addi %mul3A_0, %arg1 : i32
    %mul3A_1 = arith.constant 632 : i32
    %mul3A_2 = arith.muli %arg1, %mul3A_1 : i32
    %run_scoped3A = arith.constant 0 : i32
    "tpu.region"() ({
      %run_scoped3A_748 = tpu.sem_alloc : memref<!tpu.dma_semaphore, #tpu.memory_space<semaphore_mem>>
      %dma_start3A_749 = arith.constant 0 : i32
      %dma_start3A_750 = arith.constant 0 : i32
      %dma_start3A_751 = tpu.memref_slice %arg7[%run_scoped3A, %dma_start3A_749, %dma_start3A_750] : memref<2x128x128xf32, #tpu.memory_space<vmem>> -> memref<1x128x128xf32, #tpu.memory_space<vmem>>
      %dma_start3A_752 = tpu.memref_squeeze %dma_start3A_751 : memref<1x128x128xf32, #tpu.memory_space<vmem>> -> memref<128x128xf32, #tpu.memory_space<vmem>>
      %dma_start3A_753 = arith.constant 0 : i32
      %dma_start3A_754 = arith.constant 0 : i32
      %dma_start3A_755 = tpu.memref_slice %arg7[%run_scoped3A, %dma_start3A_753, %dma_start3A_754] : memref<2x128x128xf32, #tpu.memory_space<vmem>> -> memref<1x128x128xf32, #tpu.memory_space<vmem>>
      %dma_start3A_756 = tpu.memref_squeeze %dma_start3A_755 : memref<1x128x128xf32, #tpu.memory_space<vmem>> -> memref<128x128xf32, #tpu.memory_space<vmem>>
      tpu.enqueue_dma source(%arg4 : memref<128x128xf32, #tpu.memory_space<hbm>>) target(%dma_start3A_756 : memref<128x128xf32, #tpu.memory_space<vmem>>) target_semaphore(%run_scoped3A_748 : memref<!tpu.dma_semaphore, #tpu.memory_space<semaphore_mem>>)
      %dma_wait3A_757 = arith.constant 0 : i32
      %dma_wait3A_758 = arith.constant 0 : i32
      %dma_wait3A_759 = tpu.memref_slice %arg7[%run_scoped3A, %dma_wait3A_757, %dma_wait3A_758] : memref<2x128x128xf32, #tpu.memory_space<vmem>> -> memref<1x128x128xf32, #tpu.memory_space<vmem>>
      %dma_wait3A_760 = tpu.memref_squeeze %dma_wait3A_759 : memref<1x128x128xf32, #tpu.memory_space<vmem>> -> memref<128x128xf32, #tpu.memory_space<vmem>>
      %dma_wait3A_761 = arith.constant 0 : i32
      %dma_wait3A_762 = arith.constant 0 : i32
      %dma_wait3A_763 = tpu.memref_slice %arg7[%run_scoped3A, %dma_wait3A_761, %dma_wait3A_762] : memref<2x128x128xf32, #tpu.memory_space<vmem>> -> memref<1x128x128xf32, #tpu.memory_space<vmem>>
      %dma_wait3A_764 = tpu.memref_squeeze %dma_wait3A_763 : memref<1x128x128xf32, #tpu.memory_space<vmem>> -> memref<128x128xf32, #tpu.memory_space<vmem>>
      tpu.wait_dma2 semaphore(%run_scoped3A_748 : memref<!tpu.dma_semaphore, #tpu.memory_space<semaphore_mem>>) src(%arg4 : memref<128x128xf32, #tpu.memory_space<hbm>>) dst(%dma_wait3A_764 : memref<128x128xf32, #tpu.memory_space<vmem>>)
      tpu.yield
    }) : () -> ()
    %add3A_3 = arith.constant 0 : i32
    %add3A_4 = arith.addi %mul3A_2, %add3A_3 : i32
    %dma_start3A = arith.constant 0 : i32
    %dma_start3A_5 = arith.constant 0 : i32
    %dma_start3A_6 = arith.constant 0 : i32
    %dma_start3A_7 = tpu.memref_slice %arg7[%dma_start3A, %dma_start3A_5, %dma_start3A_6] : memref<2x128x128xf32, #tpu.memory_space<vmem>> -> memref<1x128x128xf32, #tpu.memory_space<vmem>>
    %dma_start3A_8 = tpu.memref_squeeze %dma_start3A_7 : memref<1x128x128xf32, #tpu.memory_space<vmem>> -> memref<128x128xf32, #tpu.memory_space<vmem>>
    %dma_start3A_9 = arith.constant 0 : i32
    %dma_start3A_10 = tpu.memref_slice %arg8[%add3A_4, %dma_start3A_9] : memref<10112x128xf32, #tpu.memory_space<vmem_shared>> -> memref<128x128xf32, #tpu.memory_space<vmem_shared>>
    %dma_start3A_11 = arith.constant 0 : i32
    %dma_start3A_12 = tpu.memref_slice %arg8[%add3A_4, %dma_start3A_11] : memref<10112x128xf32, #tpu.memory_space<vmem_shared>> -> memref<128x128xf32, #tpu.memory_space<vmem_shared>>
    %dma_start3A_13 = arith.constant 0 : i32
    %dma_start3A_14 = arith.constant 0 : i32
    %dma_start3A_15 = tpu.memref_slice %arg7[%dma_start3A, %dma_start3A_13, %dma_start3A_14] : memref<2x128x128xf32, #tpu.memory_space<vmem>> -> memref<1x128x128xf32, #tpu.memory_space<vmem>>
    %dma_start3A_16 = tpu.memref_squeeze %dma_start3A_15 : memref<1x128x128xf32, #tpu.memory_space<vmem>> -> memref<128x128xf32, #tpu.memory_space<vmem>>
    tpu.enqueue_dma source(%dma_start3A_16 : memref<128x128xf32, #tpu.memory_space<vmem>>) target(%dma_start3A_12 : memref<128x128xf32, #tpu.memory_space<vmem_shared>>) target_semaphore(%arg9 : memref<!tpu.dma_semaphore, #tpu.memory_space<semaphore_mem>>)
    %add3A_17 = arith.constant 128 : i32
    %add3A_18 = arith.addi %mul3A_2, %add3A_17 : i32
    %dma_start3A_19 = arith.constant 0 : i32
    %dma_start3A_20 = arith.constant 0 : i32
    %dma_start3A_21 = arith.constant 0 : i32
    %dma_start3A_22 = tpu.memref_slice %arg7[%dma_start3A_19, %dma_start3A_20, %dma_start3A_21] : memref<2x128x128xf32, #tpu.memory_space<vmem>> -> memref<1x128x128xf32, #tpu.memory_space<vmem>>
    %dma_start3A_23 = tpu.memref_squeeze %dma_start3A_22 : memref<1x128x128xf32, #tpu.memory_space<vmem>> -> memref<128x128xf32, #tpu.memory_space<vmem>>
    %dma_start3A_24 = arith.constant 0 : i32
    %dma_start3A_25 = tpu.memref_slice %arg8[%add3A_18, %dma_start3A_24] : memref<10112x128xf32, #tpu.memory_space<vmem_shared>> -> memref<128x128xf32, #tpu.memory_space<vmem_shared>>
    %dma_start3A_26 = arith.constant 0 : i32
    %dma_start3A_27 = tpu.memref_slice %arg8[%add3A_18, %dma_start3A_26] : memref<10112x128xf32, #tpu.memory_space<vmem_shared>> -> memref<128x128xf32, #tpu.memory_space<vmem_shared>>
    %dma_start3A_28 = arith.constant 0 : i32
    %dma_start3A_29 = arith.constant 0 : i32
    %dma_start3A_30 = tpu.memref_slice %arg7[%dma_start3A_19, %dma_start3A_28, %dma_start3A_29] : memref<2x128x128xf32, #tpu.memory_space<vmem>> -> memref<1x128x128xf32, #tpu.memory_space<vmem>>
    %dma_start3A_31 = tpu.memref_squeeze %dma_start3A_30 : memref<1x128x128xf32, #tpu.memory_space<vmem>> -> memref<128x128xf32, #tpu.memory_space<vmem>>
    tpu.enqueue_dma source(%dma_start3A_31 : memref<128x128xf32, #tpu.memory_space<vmem>>) target(%dma_start3A_27 : memref<128x128xf32, #tpu.memory_space<vmem_shared>>) target_semaphore(%arg9 : memref<!tpu.dma_semaphore, #tpu.memory_space<semaphore_mem>>)
    %add3A_32 = arith.constant 256 : i32
    %add3A_33 = arith.addi %mul3A_2, %add3A_32 : i32
    %dma_start3A_34 = arith.constant 0 : i32
    %dma_start3A_35 = arith.constant 0 : i32
    %dma_start3A_36 = arith.constant 0 : i32
    %dma_start3A_37 = tpu.memref_slice %arg7[%dma_start3A_34, %dma_start3A_35, %dma_start3A_36] : memref<2x128x128xf32, #tpu.memory_space<vmem>> -> memref<1x128x128xf32, #tpu.memory_space<vmem>>
    %dma_start3A_38 = tpu.memref_squeeze %dma_start3A_37 : memref<1x128x128xf32, #tpu.memory_space<vmem>> -> memref<128x128xf32, #tpu.memory_space<vmem>>
    %dma_start3A_39 = arith.constant 0 : i32
    %dma_start3A_40 = tpu.memref_slice %arg8[%add3A_33, %dma_start3A_39] : memref<10112x128xf32, #tpu.memory_space<vmem_shared>> -> memref<128x128xf32, #tpu.memory_space<vmem_shared>>
    %dma_start3A_41 = arith.constant 0 : i32
    %dma_start3A_42 = tpu.memref_slice %arg8[%add3A_33, %dma_start3A_41] : memref<10112x128xf32, #tpu.memory_space<vmem_shared>> -> memref<128x128xf32, #tpu.memory_space<vmem_shared>>
    %dma_start3A_43 = arith.constant 0 : i32
    %dma_start3A_44 = arith.constant 0 : i32
    %dma_start3A_45 = tpu.memref_slice %arg7[%dma_start3A_34, %dma_start3A_43, %dma_start3A_44] : memref<2x128x128xf32, #tpu.memory_space<vmem>> -> memref<1x128x128xf32, #tpu.memory_space<vmem>>
    %dma_start3A_46 = tpu.memref_squeeze %dma_start3A_45 : memref<1x128x128xf32, #tpu.memory_space<vmem>> -> memref<128x128xf32, #tpu.memory_space<vmem>>
    tpu.enqueue_dma source(%dma_start3A_46 : memref<128x128xf32, #tpu.memory_space<vmem>>) target(%dma_start3A_42 : memref<128x128xf32, #tpu.memory_space<vmem_shared>>) target_semaphore(%arg9 : memref<!tpu.dma_semaphore, #tpu.memory_space<semaphore_mem>>)
    %add3A_47 = arith.constant 384 : i32
    %add3A_48 = arith.addi %mul3A_2, %add3A_47 : i32
    %dma_start3A_49 = arith.constant 0 : i32
    %dma_start3A_50 = arith.constant 0 : i32
    %dma_start3A_51 = arith.constant 0 : i32
    %dma_start3A_52 = tpu.memref_slice %arg7[%dma_start3A_49, %dma_start3A_50, %dma_start3A_51] : memref<2x128x128xf32, #tpu.memory_space<vmem>> -> memref<1x128x128xf32, #tpu.memory_space<vmem>>
    %dma_start3A_53 = tpu.memref_squeeze %dma_start3A_52 : memref<1x128x128xf32, #tpu.memory_space<vmem>> -> memref<128x128xf32, #tpu.memory_space<vmem>>
    %dma_start3A_54 = arith.constant 0 : i32
    %dma_start3A_55 = tpu.memref_slice %arg8[%add3A_48, %dma_start3A_54] : memref<10112x128xf32, #tpu.memory_space<vmem_shared>> -> memref<128x128xf32, #tpu.memory_space<vmem_shared>>
    %dma_start3A_56 = arith.constant 0 : i32
    %dma_start3A_57 = tpu.memref_slice %arg8[%add3A_48, %dma_start3A_56] : memref<10112x128xf32, #tpu.memory_space<vmem_shared>> -> memref<128x128xf32, #tpu.memory_space<vmem_shared>>
    %dma_start3A_58 = arith.constant 0 : i32
    %dma_start3A_59 = arith.constant 0 : i32
    %dma_start3A_60 = tpu.memref_slice %arg7[%dma_start3A_49, %dma_start3A_58, %dma_start3A_59] : memref<2x128x128xf32, #tpu.memory_space<vmem>> -> memref<1x128x128xf32, #tpu.memory_space<vmem>>
    %dma_start3A_61 = tpu.memref_squeeze %dma_start3A_60 : memref<1x128x128xf32, #tpu.memory_space<vmem>> -> memref<128x128xf32, #tpu.memory_space<vmem>>
    tpu.enqueue_dma source(%dma_start3A_61 : memref<128x128xf32, #tpu.memory_space<vmem>>) target(%dma_start3A_57 : memref<128x128xf32, #tpu.memory_space<vmem_shared>>) target_semaphore(%arg9 : memref<!tpu.dma_semaphore, #tpu.memory_space<semaphore_mem>>)
    %add3A_62 = arith.constant 512 : i32
    %add3A_63 = arith.addi %mul3A_2, %add3A_62 : i32
    %dma_start3A_64 = arith.constant 0 : i32
    %dma_start3A_65 = arith.constant 0 : i32
    %dma_start3A_66 = arith.constant 0 : i32
    %dma_start3A_67 = tpu.memref_slice %arg7[%dma_start3A_64, %dma_start3A_65, %dma_start3A_66] : memref<2x128x128xf32, #tpu.memory_space<vmem>> -> memref<1x120x128xf32, #tpu.memory_space<vmem>>
    %dma_start3A_68 = tpu.memref_squeeze %dma_start3A_67 : memref<1x120x128xf32, #tpu.memory_space<vmem>> -> memref<120x128xf32, #tpu.memory_space<vmem>>
    %dma_start3A_69 = arith.constant 0 : i32
    %dma_start3A_70 = tpu.memref_slice %arg8[%add3A_63, %dma_start3A_69] : memref<10112x128xf32, #tpu.memory_space<vmem_shared>> -> memref<120x128xf32, #tpu.memory_space<vmem_shared>>
    %dma_start3A_71 = arith.constant 0 : i32
    %dma_start3A_72 = tpu.memref_slice %arg8[%add3A_63, %dma_start3A_71] : memref<10112x128xf32, #tpu.memory_space<vmem_shared>> -> memref<120x128xf32, #tpu.memory_space<vmem_shared>>
    %dma_start3A_73 = arith.constant 0 : i32
    %dma_start3A_74 = arith.constant 0 : i32
    %dma_start3A_75 = tpu.memref_slice %arg7[%dma_start3A_64, %dma_start3A_73, %dma_start3A_74] : memref<2x128x128xf32, #tpu.memory_space<vmem>> -> memref<1x120x128xf32, #tpu.memory_space<vmem>>
    %dma_start3A_76 = tpu.memref_squeeze %dma_start3A_75 : memref<1x120x128xf32, #tpu.memory_space<vmem>> -> memref<120x128xf32, #tpu.memory_space<vmem>>
    tpu.enqueue_dma source(%dma_start3A_76 : memref<120x128xf32, #tpu.memory_space<vmem>>) target(%dma_start3A_72 : memref<120x128xf32, #tpu.memory_space<vmem_shared>>) target_semaphore(%arg9 : memref<!tpu.dma_semaphore, #tpu.memory_space<semaphore_mem>>)
    %add3A_77 = arith.constant 0 : i32
    %add3A_78 = arith.addi %mul3A_2, %add3A_77 : i32
    %dma_wait3A = arith.constant 0 : i32
    %dma_wait3A_79 = arith.constant 0 : i32
    %dma_wait3A_80 = arith.constant 0 : i32
    %dma_wait3A_81 = tpu.memref_slice %arg7[%dma_wait3A, %dma_wait3A_79, %dma_wait3A_80] : memref<2x128x128xf32, #tpu.memory_space<vmem>> -> memref<1x128x128xf32, #tpu.memory_space<vmem>>
    %dma_wait3A_82 = tpu.memref_squeeze %dma_wait3A_81 : memref<1x128x128xf32, #tpu.memory_space<vmem>> -> memref<128x128xf32, #tpu.memory_space<vmem>>
    %dma_wait3A_83 = arith.constant 0 : i32
    %dma_wait3A_84 = tpu.memref_slice %arg8[%add3A_78, %dma_wait3A_83] : memref<10112x128xf32, #tpu.memory_space<vmem_shared>> -> memref<128x128xf32, #tpu.memory_space<vmem_shared>>
    %dma_wait3A_85 = arith.constant 0 : i32
    %dma_wait3A_86 = tpu.memref_slice %arg8[%add3A_78, %dma_wait3A_85] : memref<10112x128xf32, #tpu.memory_space<vmem_shared>> -> memref<128x128xf32, #tpu.memory_space<vmem_shared>>
    %dma_wait3A_87 = arith.constant 0 : i32
    %dma_wait3A_88 = arith.constant 0 : i32
    %dma_wait3A_89 = tpu.memref_slice %arg7[%dma_wait3A, %dma_wait3A_87, %dma_wait3A_88] : memref<2x128x128xf32, #tpu.memory_space<vmem>> -> memref<1x128x128xf32, #tpu.memory_space<vmem>>
    %dma_wait3A_90 = tpu.memref_squeeze %dma_wait3A_89 : memref<1x128x128xf32, #tpu.memory_space<vmem>> -> memref<128x128xf32, #tpu.memory_space<vmem>>
    tpu.wait_dma2 semaphore(%arg9 : memref<!tpu.dma_semaphore, #tpu.memory_space<semaphore_mem>>) src(%dma_wait3A_90 : memref<128x128xf32, #tpu.memory_space<vmem>>) dst(%dma_wait3A_86 : memref<128x128xf32, #tpu.memory_space<vmem_shared>>)
    %add3A_91 = arith.constant 128 : i32
    %add3A_92 = arith.addi %mul3A_2, %add3A_91 : i32
    %dma_wait3A_93 = arith.constant 0 : i32
    %dma_wait3A_94 = arith.constant 0 : i32
    %dma_wait3A_95 = arith.constant 0 : i32
    %dma_wait3A_96 = tpu.memref_slice %arg7[%dma_wait3A_93, %dma_wait3A_94, %dma_wait3A_95] : memref<2x128x128xf32, #tpu.memory_space<vmem>> -> memref<1x128x128xf32, #tpu.memory_space<vmem>>
    %dma_wait3A_97 = tpu.memref_squeeze %dma_wait3A_96 : memref<1x128x128xf32, #tpu.memory_space<vmem>> -> memref<128x128xf32, #tpu.memory_space<vmem>>
    %dma_wait3A_98 = arith.constant 0 : i32
    %dma_wait3A_99 = tpu.memref_slice %arg8[%add3A_92, %dma_wait3A_98] : memref<10112x128xf32, #tpu.memory_space<vmem_shared>> -> memref<128x128xf32, #tpu.memory_space<vmem_shared>>
    %dma_wait3A_100 = arith.constant 0 : i32
    %dma_wait3A_101 = tpu.memref_slice %arg8[%add3A_92, %dma_wait3A_100] : memref<10112x128xf32, #tpu.memory_space<vmem_shared>> -> memref<128x128xf32, #tpu.memory_space<vmem_shared>>
    %dma_wait3A_102 = arith.constant 0 : i32
    %dma_wait3A_103 = arith.constant 0 : i32
    %dma_wait3A_104 = tpu.memref_slice %arg7[%dma_wait3A_93, %dma_wait3A_102, %dma_wait3A_103] : memref<2x128x128xf32, #tpu.memory_space<vmem>> -> memref<1x128x128xf32, #tpu.memory_space<vmem>>
    %dma_wait3A_105 = tpu.memref_squeeze %dma_wait3A_104 : memref<1x128x128xf32, #tpu.memory_space<vmem>> -> memref<128x128xf32, #tpu.memory_space<vmem>>
    tpu.wait_dma2 semaphore(%arg9 : memref<!tpu.dma_semaphore, #tpu.memory_space<semaphore_mem>>) src(%dma_wait3A_105 : memref<128x128xf32, #tpu.memory_space<vmem>>) dst(%dma_wait3A_101 : memref<128x128xf32, #tpu.memory_space<vmem_shared>>)
    %add3A_106 = arith.constant 256 : i32
    %add3A_107 = arith.addi %mul3A_2, %add3A_106 : i32
    %dma_wait3A_108 = arith.constant 0 : i32
    %dma_wait3A_109 = arith.constant 0 : i32
    %dma_wait3A_110 = arith.constant 0 : i32
    %dma_wait3A_111 = tpu.memref_slice %arg7[%dma_wait3A_108, %dma_wait3A_109, %dma_wait3A_110] : memref<2x128x128xf32, #tpu.memory_space<vmem>> -> memref<1x128x128xf32, #tpu.memory_space<vmem>>
    %dma_wait3A_112 = tpu.memref_squeeze %dma_wait3A_111 : memref<1x128x128xf32, #tpu.memory_space<vmem>> -> memref<128x128xf32, #tpu.memory_space<vmem>>
    %dma_wait3A_113 = arith.constant 0 : i32
    %dma_wait3A_114 = tpu.memref_slice %arg8[%add3A_107, %dma_wait3A_113] : memref<10112x128xf32, #tpu.memory_space<vmem_shared>> -> memref<128x128xf32, #tpu.memory_space<vmem_shared>>
    %dma_wait3A_115 = arith.constant 0 : i32
    %dma_wait3A_116 = tpu.memref_slice %arg8[%add3A_107, %dma_wait3A_115] : memref<10112x128xf32, #tpu.memory_space<vmem_shared>> -> memref<128x128xf32, #tpu.memory_space<vmem_shared>>
    %dma_wait3A_117 = arith.constant 0 : i32
    %dma_wait3A_118 = arith.constant 0 : i32
    %dma_wait3A_119 = tpu.memref_slice %arg7[%dma_wait3A_108, %dma_wait3A_117, %dma_wait3A_118] : memref<2x128x128xf32, #tpu.memory_space<vmem>> -> memref<1x128x128xf32, #tpu.memory_space<vmem>>
    %dma_wait3A_120 = tpu.memref_squeeze %dma_wait3A_119 : memref<1x128x128xf32, #tpu.memory_space<vmem>> -> memref<128x128xf32, #tpu.memory_space<vmem>>
    tpu.wait_dma2 semaphore(%arg9 : memref<!tpu.dma_semaphore, #tpu.memory_space<semaphore_mem>>) src(%dma_wait3A_120 : memref<128x128xf32, #tpu.memory_space<vmem>>) dst(%dma_wait3A_116 : memref<128x128xf32, #tpu.memory_space<vmem_shared>>)
    %add3A_121 = arith.constant 384 : i32
    %add3A_122 = arith.addi %mul3A_2, %add3A_121 : i32
    %dma_wait3A_123 = arith.constant 0 : i32
    %dma_wait3A_124 = arith.constant 0 : i32
    %dma_wait3A_125 = arith.constant 0 : i32
    %dma_wait3A_126 = tpu.memref_slice %arg7[%dma_wait3A_123, %dma_wait3A_124, %dma_wait3A_125] : memref<2x128x128xf32, #tpu.memory_space<vmem>> -> memref<1x128x128xf32, #tpu.memory_space<vmem>>
    %dma_wait3A_127 = tpu.memref_squeeze %dma_wait3A_126 : memref<1x128x128xf32, #tpu.memory_space<vmem>> -> memref<128x128xf32, #tpu.memory_space<vmem>>
    %dma_wait3A_128 = arith.constant 0 : i32
    %dma_wait3A_129 = tpu.memref_slice %arg8[%add3A_122, %dma_wait3A_128] : memref<10112x128xf32, #tpu.memory_space<vmem_shared>> -> memref<128x128xf32, #tpu.memory_space<vmem_shared>>
    %dma_wait3A_130 = arith.constant 0 : i32
    %dma_wait3A_131 = tpu.memref_slice %arg8[%add3A_122, %dma_wait3A_130] : memref<10112x128xf32, #tpu.memory_space<vmem_shared>> -> memref<128x128xf32, #tpu.memory_space<vmem_shared>>
    %dma_wait3A_132 = arith.constant 0 : i32
    %dma_wait3A_133 = arith.constant 0 : i32
    %dma_wait3A_134 = tpu.memref_slice %arg7[%dma_wait3A_123, %dma_wait3A_132, %dma_wait3A_133] : memref<2x128x128xf32, #tpu.memory_space<vmem>> -> memref<1x128x128xf32, #tpu.memory_space<vmem>>
    %dma_wait3A_135 = tpu.memref_squeeze %dma_wait3A_134 : memref<1x128x128xf32, #tpu.memory_space<vmem>> -> memref<128x128xf32, #tpu.memory_space<vmem>>
    tpu.wait_dma2 semaphore(%arg9 : memref<!tpu.dma_semaphore, #tpu.memory_space<semaphore_mem>>) src(%dma_wait3A_135 : memref<128x128xf32, #tpu.memory_space<vmem>>) dst(%dma_wait3A_131 : memref<128x128xf32, #tpu.memory_space<vmem_shared>>)
    %add3A_136 = arith.constant 512 : i32
    %add3A_137 = arith.addi %mul3A_2, %add3A_136 : i32
    %dma_wait3A_138 = arith.constant 0 : i32
    %dma_wait3A_139 = arith.constant 0 : i32
    %dma_wait3A_140 = arith.constant 0 : i32
    %dma_wait3A_141 = tpu.memref_slice %arg7[%dma_wait3A_138, %dma_wait3A_139, %dma_wait3A_140] : memref<2x128x128xf32, #tpu.memory_space<vmem>> -> memref<1x120x128xf32, #tpu.memory_space<vmem>>
    %dma_wait3A_142 = tpu.memref_squeeze %dma_wait3A_141 : memref<1x120x128xf32, #tpu.memory_space<vmem>> -> memref<120x128xf32, #tpu.memory_space<vmem>>
    %dma_wait3A_143 = arith.constant 0 : i32
    %dma_wait3A_144 = tpu.memref_slice %arg8[%add3A_137, %dma_wait3A_143] : memref<10112x128xf32, #tpu.memory_space<vmem_shared>> -> memref<120x128xf32, #tpu.memory_space<vmem_shared>>
    %dma_wait3A_145 = arith.constant 0 : i32
    %dma_wait3A_146 = tpu.memref_slice %arg8[%add3A_137, %dma_wait3A_145] : memref<10112x128xf32, #tpu.memory_space<vmem_shared>> -> memref<120x128xf32, #tpu.memory_space<vmem_shared>>
    %dma_wait3A_147 = arith.constant 0 : i32
    %dma_wait3A_148 = arith.constant 0 : i32
    %dma_wait3A_149 = tpu.memref_slice %arg7[%dma_wait3A_138, %dma_wait3A_147, %dma_wait3A_148] : memref<2x128x128xf32, #tpu.memory_space<vmem>> -> memref<1x120x128xf32, #tpu.memory_space<vmem>>
    %dma_wait3A_150 = tpu.memref_squeeze %dma_wait3A_149 : memref<1x120x128xf32, #tpu.memory_space<vmem>> -> memref<120x128xf32, #tpu.memory_space<vmem>>
    tpu.wait_dma2 semaphore(%arg9 : memref<!tpu.dma_semaphore, #tpu.memory_space<semaphore_mem>>) src(%dma_wait3A_150 : memref<120x128xf32, #tpu.memory_space<vmem>>) dst(%dma_wait3A_146 : memref<120x128xf32, #tpu.memory_space<vmem_shared>>)
    %barrier3A = arith.constant 0 : index
    tpu.barrier barrier_id(%barrier3A)
    %run_scoped3A_151 = arith.constant 0 : i32
    %run_scoped3A_152 = arith.constant 0 : i32
    "tpu.region"() ({
      %run_scoped3A_748 = tpu.sem_alloc : memref<!tpu.dma_semaphore, #tpu.memory_space<semaphore_mem>>
      %dma_start3A_749 = arith.constant 0 : i32
      %dma_start3A_750 = arith.constant 0 : i32
      %dma_start3A_751 = arith.constant 0 : i32
      %dma_start3A_752 = tpu.memref_slice %arg6[%run_scoped3A_152, %dma_start3A_749, %dma_start3A_750, %dma_start3A_751] : memref<2x2x2x128xi32, #tpu.memory_space<vmem>> -> memref<1x2x2x128xi32, #tpu.memory_space<vmem>>
      %dma_start3A_753 = tpu.memref_squeeze %dma_start3A_752 : memref<1x2x2x128xi32, #tpu.memory_space<vmem>> -> memref<2x2x128xi32, #tpu.memory_space<vmem>>
      %dma_start3A_754 = arith.constant 0 : i32
      %dma_start3A_755 = arith.constant 0 : i32
      %dma_start3A_756 = arith.constant 0 : i32
      %dma_start3A_757 = tpu.memref_slice %arg3[%add3A, %run_scoped3A_151, %dma_start3A_754, %dma_start3A_755, %dma_start3A_756] : memref<32x40x2x2x128xi32, #tpu.memory_space<hbm>> -> memref<1x1x2x2x128xi32, #tpu.memory_space<hbm>>
      %dma_start3A_758 = tpu.memref_squeeze %dma_start3A_757 : memref<1x1x2x2x128xi32, #tpu.memory_space<hbm>> -> memref<2x2x128xi32, #tpu.memory_space<hbm>>
      %dma_start3A_759 = arith.constant 0 : i32
      %dma_start3A_760 = arith.constant 0 : i32
      %dma_start3A_761 = arith.constant 0 : i32
      %dma_start3A_762 = tpu.memref_slice %arg6[%run_scoped3A_152, %dma_start3A_759, %dma_start3A_760, %dma_start3A_761] : memref<2x2x2x128xi32, #tpu.memory_space<vmem>> -> memref<1x2x2x128xi32, #tpu.memory_space<vmem>>
      %dma_start3A_763 = tpu.memref_squeeze %dma_start3A_762 : memref<1x2x2x128xi32, #tpu.memory_space<vmem>> -> memref<2x2x128xi32, #tpu.memory_space<vmem>>
      %dma_start3A_764 = arith.constant 0 : i32
      %dma_start3A_765 = arith.constant 0 : i32
      %dma_start3A_766 = arith.constant 0 : i32
      %dma_start3A_767 = tpu.memref_slice %arg3[%add3A, %run_scoped3A_151, %dma_start3A_764, %dma_start3A_765, %dma_start3A_766] : memref<32x40x2x2x128xi32, #tpu.memory_space<hbm>> -> memref<1x1x2x2x128xi32, #tpu.memory_space<hbm>>
      %dma_start3A_768 = tpu.memref_squeeze %dma_start3A_767 : memref<1x1x2x2x128xi32, #tpu.memory_space<hbm>> -> memref<2x2x128xi32, #tpu.memory_space<hbm>>
      tpu.enqueue_dma source(%dma_start3A_768 : memref<2x2x128xi32, #tpu.memory_space<hbm>>) target(%dma_start3A_763 : memref<2x2x128xi32, #tpu.memory_space<vmem>>) target_semaphore(%run_scoped3A_748 : memref<!tpu.dma_semaphore, #tpu.memory_space<semaphore_mem>>)
      %dma_wait3A_769 = arith.constant 0 : i32
      %dma_wait3A_770 = arith.constant 0 : i32
      %dma_wait3A_771 = arith.constant 0 : i32
      %dma_wait3A_772 = tpu.memref_slice %arg6[%run_scoped3A_152, %dma_wait3A_769, %dma_wait3A_770, %dma_wait3A_771] : memref<2x2x2x128xi32, #tpu.memory_space<vmem>> -> memref<1x2x2x128xi32, #tpu.memory_space<vmem>>
      %dma_wait3A_773 = tpu.memref_squeeze %dma_wait3A_772 : memref<1x2x2x128xi32, #tpu.memory_space<vmem>> -> memref<2x2x128xi32, #tpu.memory_space<vmem>>
      %dma_wait3A_774 = arith.constant 0 : i32
      %dma_wait3A_775 = arith.constant 0 : i32
      %dma_wait3A_776 = arith.constant 0 : i32
      %dma_wait3A_777 = tpu.memref_slice %arg3[%add3A, %run_scoped3A_151, %dma_wait3A_774, %dma_wait3A_775, %dma_wait3A_776] : memref<32x40x2x2x128xi32, #tpu.memory_space<hbm>> -> memref<1x1x2x2x128xi32, #tpu.memory_space<hbm>>
      %dma_wait3A_778 = tpu.memref_squeeze %dma_wait3A_777 : memref<1x1x2x2x128xi32, #tpu.memory_space<hbm>> -> memref<2x2x128xi32, #tpu.memory_space<hbm>>
      %dma_wait3A_779 = arith.constant 0 : i32
      %dma_wait3A_780 = arith.constant 0 : i32
      %dma_wait3A_781 = arith.constant 0 : i32
      %dma_wait3A_782 = tpu.memref_slice %arg6[%run_scoped3A_152, %dma_wait3A_779, %dma_wait3A_780, %dma_wait3A_781] : memref<2x2x2x128xi32, #tpu.memory_space<vmem>> -> memref<1x2x2x128xi32, #tpu.memory_space<vmem>>
      %dma_wait3A_783 = tpu.memref_squeeze %dma_wait3A_782 : memref<1x2x2x128xi32, #tpu.memory_space<vmem>> -> memref<2x2x128xi32, #tpu.memory_space<vmem>>
      %dma_wait3A_784 = arith.constant 0 : i32
      %dma_wait3A_785 = arith.constant 0 : i32
      %dma_wait3A_786 = arith.constant 0 : i32
      %dma_wait3A_787 = tpu.memref_slice %arg3[%add3A, %run_scoped3A_151, %dma_wait3A_784, %dma_wait3A_785, %dma_wait3A_786] : memref<32x40x2x2x128xi32, #tpu.memory_space<hbm>> -> memref<1x1x2x2x128xi32, #tpu.memory_space<hbm>>
      %dma_wait3A_788 = tpu.memref_squeeze %dma_wait3A_787 : memref<1x1x2x2x128xi32, #tpu.memory_space<hbm>> -> memref<2x2x128xi32, #tpu.memory_space<hbm>>
      tpu.wait_dma2 semaphore(%run_scoped3A_748 : memref<!tpu.dma_semaphore, #tpu.memory_space<semaphore_mem>>) src(%dma_wait3A_788 : memref<2x2x128xi32, #tpu.memory_space<hbm>>) dst(%dma_wait3A_783 : memref<2x2x128xi32, #tpu.memory_space<vmem>>)
      tpu.yield
    }) : () -> ()
    %dma_start3A_153 = arith.constant 0 : i32
    %dma_start3A_154 = arith.constant 0 : i32
    %dma_start3A_155 = arith.constant 0 : i32
    %dma_start3A_156 = arith.constant 0 : i32
    %dma_start3A_157 = arith.constant 0 : i32
    %dma_start3A_158 = arith.constant 0 : i32
    %dma_start3A_159 = tpu.memref_slice %arg7[%dma_start3A_156, %dma_start3A_157, %dma_start3A_158] : memref<2x128x128xf32, #tpu.memory_space<vmem>> -> memref<1x128x128xf32, #tpu.memory_space<vmem>>
    %dma_start3A_160 = tpu.memref_squeeze %dma_start3A_159 : memref<1x128x128xf32, #tpu.memory_space<vmem>> -> memref<128x128xf32, #tpu.memory_space<vmem>>
    %dma_start3A_161 = arith.constant 0 : i32
    %dma_start3A_162 = tpu.memref_slice %arg6[%dma_start3A_153, %dma_start3A_154, %dma_start3A_155, %dma_start3A_161] : memref<2x2x2x128xi32, #tpu.memory_space<vmem>> -> memref<1x1x1x128xi32, #tpu.memory_space<vmem>>
    %dma_start3A_163 = tpu.memref_squeeze %dma_start3A_162 : memref<1x1x1x128xi32, #tpu.memory_space<vmem>> -> memref<128xi32, #tpu.memory_space<vmem>>
    %dma_start3A_164 = arith.constant 0 : i32
    %dma_start3A_165 = arith.constant 0 : i32
    %dma_start3A_166 = tpu.memref_slice %arg2[%dma_start3A_164, %dma_start3A_165] : memref<10000x128xf32, #tpu.memory_space<hbm>> -> memref<10000x128xf32, #tpu.memory_space<hbm>>
    tpu.enqueue_indirect_dma source(%dma_start3A_166 : memref<10000x128xf32, #tpu.memory_space<hbm>>) target(%dma_start3A_160 : memref<128x128xf32, #tpu.memory_space<vmem>>) offsets(%dma_start3A_163 : memref<128xi32, #tpu.memory_space<vmem>>) semaphore(%arg10 : memref<!tpu.dma_semaphore, #tpu.memory_space<semaphore_mem>>)
    %dma_start3A_167 = arith.constant 1 : i32
    %dma_start3A_168 = arith.constant 1 : i32
    %dma_start3A_169 = arith.constant 0 : i32
    %dma_start3A_170 = arith.constant 0 : i32
    %dma_start3A_171 = arith.constant 0 : i32
    %dma_start3A_172 = tpu.memref_slice %arg6[%dma_start3A_168, %dma_start3A_169, %dma_start3A_170, %dma_start3A_171] : memref<2x2x2x128xi32, #tpu.memory_space<vmem>> -> memref<1x2x2x128xi32, #tpu.memory_space<vmem>>
    %dma_start3A_173 = tpu.memref_squeeze %dma_start3A_172 : memref<1x2x2x128xi32, #tpu.memory_space<vmem>> -> memref<2x2x128xi32, #tpu.memory_space<vmem>>
    %dma_start3A_174 = arith.constant 0 : i32
    %dma_start3A_175 = arith.constant 0 : i32
    %dma_start3A_176 = arith.constant 0 : i32
    %dma_start3A_177 = tpu.memref_slice %arg3[%add3A, %dma_start3A_167, %dma_start3A_174, %dma_start3A_175, %dma_start3A_176] : memref<32x40x2x2x128xi32, #tpu.memory_space<hbm>> -> memref<1x1x2x2x128xi32, #tpu.memory_space<hbm>>
    %dma_start3A_178 = tpu.memref_squeeze %dma_start3A_177 : memref<1x1x2x2x128xi32, #tpu.memory_space<hbm>> -> memref<2x2x128xi32, #tpu.memory_space<hbm>>
    %dma_start3A_179 = arith.constant 0 : i32
    %dma_start3A_180 = arith.constant 0 : i32
    %dma_start3A_181 = arith.constant 0 : i32
    %dma_start3A_182 = tpu.memref_slice %arg6[%dma_start3A_168, %dma_start3A_179, %dma_start3A_180, %dma_start3A_181] : memref<2x2x2x128xi32, #tpu.memory_space<vmem>> -> memref<1x2x2x128xi32, #tpu.memory_space<vmem>>
    %dma_start3A_183 = tpu.memref_squeeze %dma_start3A_182 : memref<1x2x2x128xi32, #tpu.memory_space<vmem>> -> memref<2x2x128xi32, #tpu.memory_space<vmem>>
    %dma_start3A_184 = arith.constant 0 : i32
    %dma_start3A_185 = arith.constant 0 : i32
    %dma_start3A_186 = arith.constant 0 : i32
    %dma_start3A_187 = tpu.memref_slice %arg3[%add3A, %dma_start3A_167, %dma_start3A_184, %dma_start3A_185, %dma_start3A_186] : memref<32x40x2x2x128xi32, #tpu.memory_space<hbm>> -> memref<1x1x2x2x128xi32, #tpu.memory_space<hbm>>
    %dma_start3A_188 = tpu.memref_squeeze %dma_start3A_187 : memref<1x1x2x2x128xi32, #tpu.memory_space<hbm>> -> memref<2x2x128xi32, #tpu.memory_space<hbm>>
    tpu.enqueue_dma source(%dma_start3A_188 : memref<2x2x128xi32, #tpu.memory_space<hbm>>) target(%dma_start3A_183 : memref<2x2x128xi32, #tpu.memory_space<vmem>>) target_semaphore(%arg9 : memref<!tpu.dma_semaphore, #tpu.memory_space<semaphore_mem>>)
    %dma_start3A_189 = arith.constant 0 : i32
    %dma_start3A_190 = arith.constant 1 : i32
    %dma_start3A_191 = arith.constant 0 : i32
    %dma_start3A_192 = arith.constant 1 : i32
    %dma_start3A_193 = arith.constant 0 : i32
    %dma_start3A_194 = arith.constant 0 : i32
    %dma_start3A_195 = tpu.memref_slice %arg7[%dma_start3A_192, %dma_start3A_193, %dma_start3A_194] : memref<2x128x128xf32, #tpu.memory_space<vmem>> -> memref<1x128x128xf32, #tpu.memory_space<vmem>>
    %dma_start3A_196 = tpu.memref_squeeze %dma_start3A_195 : memref<1x128x128xf32, #tpu.memory_space<vmem>> -> memref<128x128xf32, #tpu.memory_space<vmem>>
    %dma_start3A_197 = arith.constant 0 : i32
    %dma_start3A_198 = tpu.memref_slice %arg6[%dma_start3A_189, %dma_start3A_190, %dma_start3A_191, %dma_start3A_197] : memref<2x2x2x128xi32, #tpu.memory_space<vmem>> -> memref<1x1x1x128xi32, #tpu.memory_space<vmem>>
    %dma_start3A_199 = tpu.memref_squeeze %dma_start3A_198 : memref<1x1x1x128xi32, #tpu.memory_space<vmem>> -> memref<128xi32, #tpu.memory_space<vmem>>
    %dma_start3A_200 = arith.constant 0 : i32
    %dma_start3A_201 = arith.constant 0 : i32
    %dma_start3A_202 = tpu.memref_slice %arg2[%dma_start3A_200, %dma_start3A_201] : memref<10000x128xf32, #tpu.memory_space<hbm>> -> memref<10000x128xf32, #tpu.memory_space<hbm>>
    tpu.enqueue_indirect_dma source(%dma_start3A_202 : memref<10000x128xf32, #tpu.memory_space<hbm>>) target(%dma_start3A_196 : memref<128x128xf32, #tpu.memory_space<vmem>>) offsets(%dma_start3A_199 : memref<128xi32, #tpu.memory_space<vmem>>) semaphore(%arg11 : memref<!tpu.dma_semaphore, #tpu.memory_space<semaphore_mem>>)
    %dma_wait3A_203 = arith.constant 0 : i32
    %dma_wait3A_204 = arith.constant 0 : i32
    %dma_wait3A_205 = arith.constant 0 : i32
    %dma_wait3A_206 = arith.constant 0 : i32
    %dma_wait3A_207 = arith.constant 0 : i32
    %dma_wait3A_208 = arith.constant 0 : i32
    %dma_wait3A_209 = tpu.memref_slice %arg7[%dma_wait3A_206, %dma_wait3A_207, %dma_wait3A_208] : memref<2x128x128xf32, #tpu.memory_space<vmem>> -> memref<1x128x128xf32, #tpu.memory_space<vmem>>
    %dma_wait3A_210 = tpu.memref_squeeze %dma_wait3A_209 : memref<1x128x128xf32, #tpu.memory_space<vmem>> -> memref<128x128xf32, #tpu.memory_space<vmem>>
    %dma_wait3A_211 = arith.constant 0 : i32
    %dma_wait3A_212 = tpu.memref_slice %arg6[%dma_wait3A_203, %dma_wait3A_204, %dma_wait3A_205, %dma_wait3A_211] : memref<2x2x2x128xi32, #tpu.memory_space<vmem>> -> memref<1x1x1x128xi32, #tpu.memory_space<vmem>>
    %dma_wait3A_213 = tpu.memref_squeeze %dma_wait3A_212 : memref<1x1x1x128xi32, #tpu.memory_space<vmem>> -> memref<128xi32, #tpu.memory_space<vmem>>
    %dma_wait3A_214 = arith.constant 0 : i32
    %dma_wait3A_215 = arith.constant 0 : i32
    %dma_wait3A_216 = tpu.memref_slice %arg2[%dma_wait3A_214, %dma_wait3A_215] : memref<10000x128xf32, #tpu.memory_space<hbm>> -> memref<10000x128xf32, #tpu.memory_space<hbm>>
    tpu.wait_indirect_dma semaphore(%arg10 : memref<!tpu.dma_semaphore, #tpu.memory_space<semaphore_mem>>) src(%dma_wait3A_216 : memref<10000x128xf32, #tpu.memory_space<hbm>>) dst(%dma_wait3A_210 : memref<128x128xf32, #tpu.memory_space<vmem>>)
    %dma_start3A_217 = arith.constant 0 : i32
    %dma_start3A_218 = arith.constant 0 : i32
    %dma_start3A_219 = arith.constant 0 : i32
    %dma_start3A_220 = arith.constant 1 : i32
    %dma_start3A_221 = arith.constant 0 : i32
    %dma_start3A_222 = arith.constant 0 : i32
    %dma_start3A_223 = tpu.memref_slice %arg7[%dma_start3A_217, %dma_start3A_221, %dma_start3A_222] : memref<2x128x128xf32, #tpu.memory_space<vmem>> -> memref<1x128x128xf32, #tpu.memory_space<vmem>>
    %dma_start3A_224 = tpu.memref_squeeze %dma_start3A_223 : memref<1x128x128xf32, #tpu.memory_space<vmem>> -> memref<128x128xf32, #tpu.memory_space<vmem>>
    %dma_start3A_225 = arith.constant 0 : i32
    %dma_start3A_226 = tpu.memref_slice %arg6[%dma_start3A_218, %dma_start3A_219, %dma_start3A_220, %dma_start3A_225] : memref<2x2x2x128xi32, #tpu.memory_space<vmem>> -> memref<1x1x1x128xi32, #tpu.memory_space<vmem>>
    %dma_start3A_227 = tpu.memref_squeeze %dma_start3A_226 : memref<1x1x1x128xi32, #tpu.memory_space<vmem>> -> memref<128xi32, #tpu.memory_space<vmem>>
    %dma_start3A_228 = arith.constant 0 : i32
    %dma_start3A_229 = arith.constant 0 : i32
    %dma_start3A_230 = tpu.memref_slice %arg8[%dma_start3A_228, %dma_start3A_229] : memref<10112x128xf32, #tpu.memory_space<vmem_shared>> -> memref<10112x128xf32, #tpu.memory_space<vmem_shared>>
    tpu.enqueue_indirect_dma source(%dma_start3A_224 : memref<128x128xf32, #tpu.memory_space<vmem>>) target(%dma_start3A_230 : memref<10112x128xf32, #tpu.memory_space<vmem_shared>>) offsets(%dma_start3A_227 : memref<128xi32, #tpu.memory_space<vmem>>) semaphore(%arg12 : memref<!tpu.dma_semaphore, #tpu.memory_space<semaphore_mem>>) {add = true}
    %dma_wait3A_231 = arith.constant 0 : i32
    %dma_wait3A_232 = arith.constant 0 : i32
    %dma_wait3A_233 = arith.constant 0 : i32
    %dma_wait3A_234 = arith.constant 0 : i32
    %dma_wait3A_235 = arith.constant 0 : i32
    %dma_wait3A_236 = arith.constant 0 : i32
    %dma_wait3A_237 = tpu.memref_slice %arg6[%dma_wait3A_233, %dma_wait3A_234, %dma_wait3A_235, %dma_wait3A_236] : memref<2x2x2x128xi32, #tpu.memory_space<vmem>> -> memref<1x2x2x128xi32, #tpu.memory_space<vmem>>
    %dma_wait3A_238 = tpu.memref_squeeze %dma_wait3A_237 : memref<1x2x2x128xi32, #tpu.memory_space<vmem>> -> memref<2x2x128xi32, #tpu.memory_space<vmem>>
    %dma_wait3A_239 = arith.constant 0 : i32
    %dma_wait3A_240 = arith.constant 0 : i32
    %dma_wait3A_241 = arith.constant 0 : i32
    %dma_wait3A_242 = tpu.memref_slice %arg3[%dma_wait3A_231, %dma_wait3A_232, %dma_wait3A_239, %dma_wait3A_240, %dma_wait3A_241] : memref<32x40x2x2x128xi32, #tpu.memory_space<hbm>> -> memref<1x1x2x2x128xi32, #tpu.memory_space<hbm>>
    %dma_wait3A_243 = tpu.memref_squeeze %dma_wait3A_242 : memref<1x1x2x2x128xi32, #tpu.memory_space<hbm>> -> memref<2x2x128xi32, #tpu.memory_space<hbm>>
    %dma_wait3A_244 = arith.constant 0 : i32
    %dma_wait3A_245 = arith.constant 0 : i32
    %dma_wait3A_246 = arith.constant 0 : i32
    %dma_wait3A_247 = tpu.memref_slice %arg6[%dma_wait3A_233, %dma_wait3A_244, %dma_wait3A_245, %dma_wait3A_246] : memref<2x2x2x128xi32, #tpu.memory_space<vmem>> -> memref<1x2x2x128xi32, #tpu.memory_space<vmem>>
    %dma_wait3A_248 = tpu.memref_squeeze %dma_wait3A_247 : memref<1x2x2x128xi32, #tpu.memory_space<vmem>> -> memref<2x2x128xi32, #tpu.memory_space<vmem>>
    %dma_wait3A_249 = arith.constant 0 : i32
    %dma_wait3A_250 = arith.constant 0 : i32
    %dma_wait3A_251 = arith.constant 0 : i32
    %dma_wait3A_252 = tpu.memref_slice %arg3[%dma_wait3A_231, %dma_wait3A_232, %dma_wait3A_249, %dma_wait3A_250, %dma_wait3A_251] : memref<32x40x2x2x128xi32, #tpu.memory_space<hbm>> -> memref<1x1x2x2x128xi32, #tpu.memory_space<hbm>>
    %dma_wait3A_253 = tpu.memref_squeeze %dma_wait3A_252 : memref<1x1x2x2x128xi32, #tpu.memory_space<hbm>> -> memref<2x2x128xi32, #tpu.memory_space<hbm>>
    tpu.wait_dma2 semaphore(%arg9 : memref<!tpu.dma_semaphore, #tpu.memory_space<semaphore_mem>>) src(%dma_wait3A_253 : memref<2x2x128xi32, #tpu.memory_space<hbm>>) dst(%dma_wait3A_248 : memref<2x2x128xi32, #tpu.memory_space<vmem>>)
    %dma_wait3A_254 = arith.constant 0 : i32
    %dma_wait3A_255 = arith.constant 0 : i32
    %dma_wait3A_256 = arith.constant 0 : i32
    %dma_wait3A_257 = arith.constant 1 : i32
    %dma_wait3A_258 = arith.constant 0 : i32
    %dma_wait3A_259 = arith.constant 0 : i32
    %dma_wait3A_260 = tpu.memref_slice %arg7[%dma_wait3A_254, %dma_wait3A_258, %dma_wait3A_259] : memref<2x128x128xf32, #tpu.memory_space<vmem>> -> memref<1x128x128xf32, #tpu.memory_space<vmem>>
    %dma_wait3A_261 = tpu.memref_squeeze %dma_wait3A_260 : memref<1x128x128xf32, #tpu.memory_space<vmem>> -> memref<128x128xf32, #tpu.memory_space<vmem>>
    %dma_wait3A_262 = arith.constant 0 : i32
    %dma_wait3A_263 = tpu.memref_slice %arg6[%dma_wait3A_255, %dma_wait3A_256, %dma_wait3A_257, %dma_wait3A_262] : memref<2x2x2x128xi32, #tpu.memory_space<vmem>> -> memref<1x1x1x128xi32, #tpu.memory_space<vmem>>
    %dma_wait3A_264 = tpu.memref_squeeze %dma_wait3A_263 : memref<1x1x1x128xi32, #tpu.memory_space<vmem>> -> memref<128xi32, #tpu.memory_space<vmem>>
    %dma_wait3A_265 = arith.constant 0 : i32
    %dma_wait3A_266 = arith.constant 0 : i32
    %dma_wait3A_267 = tpu.memref_slice %arg8[%dma_wait3A_265, %dma_wait3A_266] : memref<10112x128xf32, #tpu.memory_space<vmem_shared>> -> memref<10112x128xf32, #tpu.memory_space<vmem_shared>>
    tpu.wait_indirect_dma semaphore(%arg12 : memref<!tpu.dma_semaphore, #tpu.memory_space<semaphore_mem>>) src(%dma_wait3A_261 : memref<128x128xf32, #tpu.memory_space<vmem>>) dst(%dma_wait3A_267 : memref<10112x128xf32, #tpu.memory_space<vmem_shared>>)
    %dma_start3A_268 = arith.constant 1 : i32
    %dma_start3A_269 = arith.constant 0 : i32
    %dma_start3A_270 = arith.constant 0 : i32
    %dma_start3A_271 = arith.constant 0 : i32
    %dma_start3A_272 = arith.constant 0 : i32
    %dma_start3A_273 = arith.constant 0 : i32
    %dma_start3A_274 = tpu.memref_slice %arg7[%dma_start3A_271, %dma_start3A_272, %dma_start3A_273] : memref<2x128x128xf32, #tpu.memory_space<vmem>> -> memref<1x128x128xf32, #tpu.memory_space<vmem>>
    %dma_start3A_275 = tpu.memref_squeeze %dma_start3A_274 : memref<1x128x128xf32, #tpu.memory_space<vmem>> -> memref<128x128xf32, #tpu.memory_space<vmem>>
    %dma_start3A_276 = arith.constant 0 : i32
    %dma_start3A_277 = tpu.memref_slice %arg6[%dma_start3A_268, %dma_start3A_269, %dma_start3A_270, %dma_start3A_276] : memref<2x2x2x128xi32, #tpu.memory_space<vmem>> -> memref<1x1x1x128xi32, #tpu.memory_space<vmem>>
    %dma_start3A_278 = tpu.memref_squeeze %dma_start3A_277 : memref<1x1x1x128xi32, #tpu.memory_space<vmem>> -> memref<128xi32, #tpu.memory_space<vmem>>
    %dma_start3A_279 = arith.constant 0 : i32
    %dma_start3A_280 = arith.constant 0 : i32
    %dma_start3A_281 = tpu.memref_slice %arg2[%dma_start3A_279, %dma_start3A_280] : memref<10000x128xf32, #tpu.memory_space<hbm>> -> memref<10000x128xf32, #tpu.memory_space<hbm>>
    tpu.enqueue_indirect_dma source(%dma_start3A_281 : memref<10000x128xf32, #tpu.memory_space<hbm>>) target(%dma_start3A_275 : memref<128x128xf32, #tpu.memory_space<vmem>>) offsets(%dma_start3A_278 : memref<128xi32, #tpu.memory_space<vmem>>) semaphore(%arg10 : memref<!tpu.dma_semaphore, #tpu.memory_space<semaphore_mem>>)
    %dma_wait3A_282 = arith.constant 0 : i32
    %dma_wait3A_283 = arith.constant 0 : i32
    %dma_wait3A_284 = arith.constant 0 : i32
    %dma_wait3A_285 = arith.constant 0 : i32
    %dma_wait3A_286 = arith.constant 0 : i32
    %dma_wait3A_287 = arith.constant 0 : i32
    %dma_wait3A_288 = tpu.memref_slice %arg7[%dma_wait3A_285, %dma_wait3A_286, %dma_wait3A_287] : memref<2x128x128xf32, #tpu.memory_space<vmem>> -> memref<1x128x128xf32, #tpu.memory_space<vmem>>
    %dma_wait3A_289 = tpu.memref_squeeze %dma_wait3A_288 : memref<1x128x128xf32, #tpu.memory_space<vmem>> -> memref<128x128xf32, #tpu.memory_space<vmem>>
    %dma_wait3A_290 = arith.constant 0 : i32
    %dma_wait3A_291 = tpu.memref_slice %arg6[%dma_wait3A_282, %dma_wait3A_283, %dma_wait3A_284, %dma_wait3A_290] : memref<2x2x2x128xi32, #tpu.memory_space<vmem>> -> memref<1x1x1x128xi32, #tpu.memory_space<vmem>>
    %dma_wait3A_292 = tpu.memref_squeeze %dma_wait3A_291 : memref<1x1x1x128xi32, #tpu.memory_space<vmem>> -> memref<128xi32, #tpu.memory_space<vmem>>
    %dma_wait3A_293 = arith.constant 0 : i32
    %dma_wait3A_294 = arith.constant 0 : i32
    %dma_wait3A_295 = tpu.memref_slice %arg2[%dma_wait3A_293, %dma_wait3A_294] : memref<10000x128xf32, #tpu.memory_space<hbm>> -> memref<10000x128xf32, #tpu.memory_space<hbm>>
    tpu.wait_indirect_dma semaphore(%arg11 : memref<!tpu.dma_semaphore, #tpu.memory_space<semaphore_mem>>) src(%dma_wait3A_295 : memref<10000x128xf32, #tpu.memory_space<hbm>>) dst(%dma_wait3A_289 : memref<128x128xf32, #tpu.memory_space<vmem>>)
    %dma_start3A_296 = arith.constant 1 : i32
    %dma_start3A_297 = arith.constant 0 : i32
    %dma_start3A_298 = arith.constant 1 : i32
    %dma_start3A_299 = arith.constant 1 : i32
    %dma_start3A_300 = arith.constant 0 : i32
    %dma_start3A_301 = arith.constant 0 : i32
    %dma_start3A_302 = tpu.memref_slice %arg7[%dma_start3A_296, %dma_start3A_300, %dma_start3A_301] : memref<2x128x128xf32, #tpu.memory_space<vmem>> -> memref<1x128x128xf32, #tpu.memory_space<vmem>>
    %dma_start3A_303 = tpu.memref_squeeze %dma_start3A_302 : memref<1x128x128xf32, #tpu.memory_space<vmem>> -> memref<128x128xf32, #tpu.memory_space<vmem>>
    %dma_start3A_304 = arith.constant 0 : i32
    %dma_start3A_305 = tpu.memref_slice %arg6[%dma_start3A_297, %dma_start3A_298, %dma_start3A_299, %dma_start3A_304] : memref<2x2x2x128xi32, #tpu.memory_space<vmem>> -> memref<1x1x1x128xi32, #tpu.memory_space<vmem>>
    %dma_start3A_306 = tpu.memref_squeeze %dma_start3A_305 : memref<1x1x1x128xi32, #tpu.memory_space<vmem>> -> memref<128xi32, #tpu.memory_space<vmem>>
    %dma_start3A_307 = arith.constant 0 : i32
    %dma_start3A_308 = arith.constant 0 : i32
    %dma_start3A_309 = tpu.memref_slice %arg8[%dma_start3A_307, %dma_start3A_308] : memref<10112x128xf32, #tpu.memory_space<vmem_shared>> -> memref<10112x128xf32, #tpu.memory_space<vmem_shared>>
    tpu.enqueue_indirect_dma source(%dma_start3A_303 : memref<128x128xf32, #tpu.memory_space<vmem>>) target(%dma_start3A_309 : memref<10112x128xf32, #tpu.memory_space<vmem_shared>>) offsets(%dma_start3A_306 : memref<128xi32, #tpu.memory_space<vmem>>) semaphore(%arg13 : memref<!tpu.dma_semaphore, #tpu.memory_space<semaphore_mem>>) {add = true}
    %scan3A = arith.constant 0 : i32
    %scan3A_310 = arith.constant 1 : i32
    %scan3A_311 = arith.constant 38 : i32
    %scan3A_312 = arith.addi %scan3A_310, %scan3A_311 : i32
    %scan3A_313 = arith.constant 1 : i32
    scf.for %scan3A_748 = %scan3A_310 to %scan3A_312 step %scan3A_313  : i32 {
      %jit3A = arith.constant 2 : i32
      %eq3A = arith.constant 0 : i32
      %eq3A_749 = arith.cmpi eq, %jit3A, %eq3A : i32
      %jit3A_750 = arith.constant 1 : i32
      %select_n3A = arith.select %eq3A_749, %jit3A_750, %jit3A : i32
      %rem3A = arith.remsi %scan3A_748, %select_n3A : i32
      %ne3A = arith.constant 0 : i32
      %ne3A_751 = arith.cmpi ne, %rem3A, %ne3A : i32
      %lt3A = arith.constant 0 : i32
      %lt3A_752 = arith.cmpi slt, %rem3A, %lt3A : i32
      %lt3A_753 = arith.constant 0 : i32
      %lt3A_754 = arith.cmpi slt, %select_n3A, %lt3A_753 : i32
      %ne3A_755 = arith.xori %lt3A_752, %lt3A_754 : i1
      %and3A = arith.andi %ne3A_755, %ne3A_751 : i1
      %add3A_756 = arith.addi %rem3A, %select_n3A : i32
      %select_n3A_757 = arith.select %and3A, %add3A_756, %rem3A : i32
      %dma_wait3A_758 = arith.constant 0 : i32
      %dma_wait3A_759 = arith.constant 0 : i32
      %dma_wait3A_760 = arith.constant 0 : i32
      %dma_wait3A_761 = arith.constant 1 : i32
      %dma_wait3A_762 = arith.constant 0 : i32
      %dma_wait3A_763 = arith.constant 0 : i32
      %dma_wait3A_764 = tpu.memref_slice %arg7[%dma_wait3A_758, %dma_wait3A_762, %dma_wait3A_763] : memref<2x128x128xf32, #tpu.memory_space<vmem>> -> memref<1x128x128xf32, #tpu.memory_space<vmem>>
      %dma_wait3A_765 = tpu.memref_squeeze %dma_wait3A_764 : memref<1x128x128xf32, #tpu.memory_space<vmem>> -> memref<128x128xf32, #tpu.memory_space<vmem>>
      %dma_wait3A_766 = arith.constant 0 : i32
      %dma_wait3A_767 = tpu.memref_slice %arg6[%dma_wait3A_759, %dma_wait3A_760, %dma_wait3A_761, %dma_wait3A_766] : memref<2x2x2x128xi32, #tpu.memory_space<vmem>> -> memref<1x1x1x128xi32, #tpu.memory_space<vmem>>
      %dma_wait3A_768 = tpu.memref_squeeze %dma_wait3A_767 : memref<1x1x1x128xi32, #tpu.memory_space<vmem>> -> memref<128xi32, #tpu.memory_space<vmem>>
      %dma_wait3A_769 = arith.constant 0 : i32
      %dma_wait3A_770 = arith.constant 0 : i32
      %dma_wait3A_771 = tpu.memref_slice %arg8[%dma_wait3A_769, %dma_wait3A_770] : memref<10112x128xf32, #tpu.memory_space<vmem_shared>> -> memref<10112x128xf32, #tpu.memory_space<vmem_shared>>
      tpu.wait_indirect_dma semaphore(%arg13 : memref<!tpu.dma_semaphore, #tpu.memory_space<semaphore_mem>>) src(%dma_wait3A_765 : memref<128x128xf32, #tpu.memory_space<vmem>>) dst(%dma_wait3A_771 : memref<10112x128xf32, #tpu.memory_space<vmem_shared>>)
      %add3A_772 = arith.constant 1 : i32
      %add3A_773 = arith.addi %scan3A_748, %add3A_772 : i32
      %sub3A = arith.constant 1 : i32
      %sub3A_774 = arith.subi %sub3A, %select_n3A_757 : i32
      %dma_start3A_775 = arith.constant 0 : i32
      %dma_start3A_776 = arith.constant 0 : i32
      %dma_start3A_777 = arith.constant 0 : i32
      %dma_start3A_778 = tpu.memref_slice %arg6[%sub3A_774, %dma_start3A_775, %dma_start3A_776, %dma_start3A_777] : memref<2x2x2x128xi32, #tpu.memory_space<vmem>> -> memref<1x2x2x128xi32, #tpu.memory_space<vmem>>
      %dma_start3A_779 = tpu.memref_squeeze %dma_start3A_778 : memref<1x2x2x128xi32, #tpu.memory_space<vmem>> -> memref<2x2x128xi32, #tpu.memory_space<vmem>>
      %dma_start3A_780 = arith.constant 0 : i32
      %dma_start3A_781 = arith.constant 0 : i32
      %dma_start3A_782 = arith.constant 0 : i32
      %dma_start3A_783 = tpu.memref_slice %arg3[%add3A, %add3A_773, %dma_start3A_780, %dma_start3A_781, %dma_start3A_782] : memref<32x40x2x2x128xi32, #tpu.memory_space<hbm>> -> memref<1x1x2x2x128xi32, #tpu.memory_space<hbm>>
      %dma_start3A_784 = tpu.memref_squeeze %dma_start3A_783 : memref<1x1x2x2x128xi32, #tpu.memory_space<hbm>> -> memref<2x2x128xi32, #tpu.memory_space<hbm>>
      %dma_start3A_785 = arith.constant 0 : i32
      %dma_start3A_786 = arith.constant 0 : i32
      %dma_start3A_787 = arith.constant 0 : i32
      %dma_start3A_788 = tpu.memref_slice %arg6[%sub3A_774, %dma_start3A_785, %dma_start3A_786, %dma_start3A_787] : memref<2x2x2x128xi32, #tpu.memory_space<vmem>> -> memref<1x2x2x128xi32, #tpu.memory_space<vmem>>
      %dma_start3A_789 = tpu.memref_squeeze %dma_start3A_788 : memref<1x2x2x128xi32, #tpu.memory_space<vmem>> -> memref<2x2x128xi32, #tpu.memory_space<vmem>>
      %dma_start3A_790 = arith.constant 0 : i32
      %dma_start3A_791 = arith.constant 0 : i32
      %dma_start3A_792 = arith.constant 0 : i32
      %dma_start3A_793 = tpu.memref_slice %arg3[%add3A, %add3A_773, %dma_start3A_790, %dma_start3A_791, %dma_start3A_792] : memref<32x40x2x2x128xi32, #tpu.memory_space<hbm>> -> memref<1x1x2x2x128xi32, #tpu.memory_space<hbm>>
      %dma_start3A_794 = tpu.memref_squeeze %dma_start3A_793 : memref<1x1x2x2x128xi32, #tpu.memory_space<hbm>> -> memref<2x2x128xi32, #tpu.memory_space<hbm>>
      tpu.enqueue_dma source(%dma_start3A_794 : memref<2x2x128xi32, #tpu.memory_space<hbm>>) target(%dma_start3A_789 : memref<2x2x128xi32, #tpu.memory_space<vmem>>) target_semaphore(%arg9 : memref<!tpu.dma_semaphore, #tpu.memory_space<semaphore_mem>>)
      %dma_start3A_795 = arith.constant 1 : i32
      %dma_start3A_796 = arith.constant 0 : i32
      %dma_start3A_797 = arith.constant 1 : i32
      %dma_start3A_798 = arith.constant 0 : i32
      %dma_start3A_799 = arith.constant 0 : i32
      %dma_start3A_800 = tpu.memref_slice %arg7[%dma_start3A_797, %dma_start3A_798, %dma_start3A_799] : memref<2x128x128xf32, #tpu.memory_space<vmem>> -> memref<1x128x128xf32, #tpu.memory_space<vmem>>
      %dma_start3A_801 = tpu.memref_squeeze %dma_start3A_800 : memref<1x128x128xf32, #tpu.memory_space<vmem>> -> memref<128x128xf32, #tpu.memory_space<vmem>>
      %dma_start3A_802 = arith.constant 0 : i32
      %dma_start3A_803 = tpu.memref_slice %arg6[%select_n3A_757, %dma_start3A_795, %dma_start3A_796, %dma_start3A_802] : memref<2x2x2x128xi32, #tpu.memory_space<vmem>> -> memref<1x1x1x128xi32, #tpu.memory_space<vmem>>
      %dma_start3A_804 = tpu.memref_squeeze %dma_start3A_803 : memref<1x1x1x128xi32, #tpu.memory_space<vmem>> -> memref<128xi32, #tpu.memory_space<vmem>>
      %dma_start3A_805 = arith.constant 0 : i32
      %dma_start3A_806 = arith.constant 0 : i32
      %dma_start3A_807 = tpu.memref_slice %arg2[%dma_start3A_805, %dma_start3A_806] : memref<10000x128xf32, #tpu.memory_space<hbm>> -> memref<10000x128xf32, #tpu.memory_space<hbm>>
      tpu.enqueue_indirect_dma source(%dma_start3A_807 : memref<10000x128xf32, #tpu.memory_space<hbm>>) target(%dma_start3A_801 : memref<128x128xf32, #tpu.memory_space<vmem>>) offsets(%dma_start3A_804 : memref<128xi32, #tpu.memory_space<vmem>>) semaphore(%arg11 : memref<!tpu.dma_semaphore, #tpu.memory_space<semaphore_mem>>)
      %dma_wait3A_808 = arith.constant 0 : i32
      %dma_wait3A_809 = arith.constant 0 : i32
      %dma_wait3A_810 = arith.constant 0 : i32
      %dma_wait3A_811 = arith.constant 0 : i32
      %dma_wait3A_812 = arith.constant 0 : i32
      %dma_wait3A_813 = arith.constant 0 : i32
      %dma_wait3A_814 = tpu.memref_slice %arg7[%dma_wait3A_811, %dma_wait3A_812, %dma_wait3A_813] : memref<2x128x128xf32, #tpu.memory_space<vmem>> -> memref<1x128x128xf32, #tpu.memory_space<vmem>>
      %dma_wait3A_815 = tpu.memref_squeeze %dma_wait3A_814 : memref<1x128x128xf32, #tpu.memory_space<vmem>> -> memref<128x128xf32, #tpu.memory_space<vmem>>
      %dma_wait3A_816 = arith.constant 0 : i32
      %dma_wait3A_817 = tpu.memref_slice %arg6[%dma_wait3A_808, %dma_wait3A_809, %dma_wait3A_810, %dma_wait3A_816] : memref<2x2x2x128xi32, #tpu.memory_space<vmem>> -> memref<1x1x1x128xi32, #tpu.memory_space<vmem>>
      %dma_wait3A_818 = tpu.memref_squeeze %dma_wait3A_817 : memref<1x1x1x128xi32, #tpu.memory_space<vmem>> -> memref<128xi32, #tpu.memory_space<vmem>>
      %dma_wait3A_819 = arith.constant 0 : i32
      %dma_wait3A_820 = arith.constant 0 : i32
      %dma_wait3A_821 = tpu.memref_slice %arg2[%dma_wait3A_819, %dma_wait3A_820] : memref<10000x128xf32, #tpu.memory_space<hbm>> -> memref<10000x128xf32, #tpu.memory_space<hbm>>
      tpu.wait_indirect_dma semaphore(%arg10 : memref<!tpu.dma_semaphore, #tpu.memory_space<semaphore_mem>>) src(%dma_wait3A_821 : memref<10000x128xf32, #tpu.memory_space<hbm>>) dst(%dma_wait3A_815 : memref<128x128xf32, #tpu.memory_space<vmem>>)
      %dma_start3A_822 = arith.constant 0 : i32
      %dma_start3A_823 = arith.constant 0 : i32
      %dma_start3A_824 = arith.constant 1 : i32
      %dma_start3A_825 = arith.constant 0 : i32
      %dma_start3A_826 = arith.constant 0 : i32
      %dma_start3A_827 = tpu.memref_slice %arg7[%dma_start3A_822, %dma_start3A_825, %dma_start3A_826] : memref<2x128x128xf32, #tpu.memory_space<vmem>> -> memref<1x128x128xf32, #tpu.memory_space<vmem>>
      %dma_start3A_828 = tpu.memref_squeeze %dma_start3A_827 : memref<1x128x128xf32, #tpu.memory_space<vmem>> -> memref<128x128xf32, #tpu.memory_space<vmem>>
      %dma_start3A_829 = arith.constant 0 : i32
      %dma_start3A_830 = tpu.memref_slice %arg6[%select_n3A_757, %dma_start3A_823, %dma_start3A_824, %dma_start3A_829] : memref<2x2x2x128xi32, #tpu.memory_space<vmem>> -> memref<1x1x1x128xi32, #tpu.memory_space<vmem>>
      %dma_start3A_831 = tpu.memref_squeeze %dma_start3A_830 : memref<1x1x1x128xi32, #tpu.memory_space<vmem>> -> memref<128xi32, #tpu.memory_space<vmem>>
      %dma_start3A_832 = arith.constant 0 : i32
      %dma_start3A_833 = arith.constant 0 : i32
      %dma_start3A_834 = tpu.memref_slice %arg8[%dma_start3A_832, %dma_start3A_833] : memref<10112x128xf32, #tpu.memory_space<vmem_shared>> -> memref<10112x128xf32, #tpu.memory_space<vmem_shared>>
      tpu.enqueue_indirect_dma source(%dma_start3A_828 : memref<128x128xf32, #tpu.memory_space<vmem>>) target(%dma_start3A_834 : memref<10112x128xf32, #tpu.memory_space<vmem_shared>>) offsets(%dma_start3A_831 : memref<128xi32, #tpu.memory_space<vmem>>) semaphore(%arg12 : memref<!tpu.dma_semaphore, #tpu.memory_space<semaphore_mem>>) {add = true}
      %dma_wait3A_835 = arith.constant 0 : i32
      %dma_wait3A_836 = arith.constant 0 : i32
      %dma_wait3A_837 = arith.constant 0 : i32
      %dma_wait3A_838 = arith.constant 0 : i32
      %dma_wait3A_839 = arith.constant 0 : i32
      %dma_wait3A_840 = arith.constant 0 : i32
      %dma_wait3A_841 = tpu.memref_slice %arg6[%dma_wait3A_837, %dma_wait3A_838, %dma_wait3A_839, %dma_wait3A_840] : memref<2x2x2x128xi32, #tpu.memory_space<vmem>> -> memref<1x2x2x128xi32, #tpu.memory_space<vmem>>
      %dma_wait3A_842 = tpu.memref_squeeze %dma_wait3A_841 : memref<1x2x2x128xi32, #tpu.memory_space<vmem>> -> memref<2x2x128xi32, #tpu.memory_space<vmem>>
      %dma_wait3A_843 = arith.constant 0 : i32
      %dma_wait3A_844 = arith.constant 0 : i32
      %dma_wait3A_845 = arith.constant 0 : i32
      %dma_wait3A_846 = tpu.memref_slice %arg3[%dma_wait3A_835, %dma_wait3A_836, %dma_wait3A_843, %dma_wait3A_844, %dma_wait3A_845] : memref<32x40x2x2x128xi32, #tpu.memory_space<hbm>> -> memref<1x1x2x2x128xi32, #tpu.memory_space<hbm>>
      %dma_wait3A_847 = tpu.memref_squeeze %dma_wait3A_846 : memref<1x1x2x2x128xi32, #tpu.memory_space<hbm>> -> memref<2x2x128xi32, #tpu.memory_space<hbm>>
      %dma_wait3A_848 = arith.constant 0 : i32
      %dma_wait3A_849 = arith.constant 0 : i32
      %dma_wait3A_850 = arith.constant 0 : i32
      %dma_wait3A_851 = tpu.memref_slice %arg6[%dma_wait3A_837, %dma_wait3A_848, %dma_wait3A_849, %dma_wait3A_850] : memref<2x2x2x128xi32, #tpu.memory_space<vmem>> -> memref<1x2x2x128xi32, #tpu.memory_space<vmem>>
      %dma_wait3A_852 = tpu.memref_squeeze %dma_wait3A_851 : memref<1x2x2x128xi32, #tpu.memory_space<vmem>> -> memref<2x2x128xi32, #tpu.memory_space<vmem>>
      %dma_wait3A_853 = arith.constant 0 : i32
      %dma_wait3A_854 = arith.constant 0 : i32
      %dma_wait3A_855 = arith.constant 0 : i32
      %dma_wait3A_856 = tpu.memref_slice %arg3[%dma_wait3A_835, %dma_wait3A_836, %dma_wait3A_853, %dma_wait3A_854, %dma_wait3A_855] : memref<32x40x2x2x128xi32, #tpu.memory_space<hbm>> -> memref<1x1x2x2x128xi32, #tpu.memory_space<hbm>>
      %dma_wait3A_857 = tpu.memref_squeeze %dma_wait3A_856 : memref<1x1x2x2x128xi32, #tpu.memory_space<hbm>> -> memref<2x2x128xi32, #tpu.memory_space<hbm>>
      tpu.wait_dma2 semaphore(%arg9 : memref<!tpu.dma_semaphore, #tpu.memory_space<semaphore_mem>>) src(%dma_wait3A_857 : memref<2x2x128xi32, #tpu.memory_space<hbm>>) dst(%dma_wait3A_852 : memref<2x2x128xi32, #tpu.memory_space<vmem>>)
      %dma_wait3A_858 = arith.constant 0 : i32
      %dma_wait3A_859 = arith.constant 0 : i32
      %dma_wait3A_860 = arith.constant 0 : i32
      %dma_wait3A_861 = arith.constant 1 : i32
      %dma_wait3A_862 = arith.constant 0 : i32
      %dma_wait3A_863 = arith.constant 0 : i32
      %dma_wait3A_864 = tpu.memref_slice %arg7[%dma_wait3A_858, %dma_wait3A_862, %dma_wait3A_863] : memref<2x128x128xf32, #tpu.memory_space<vmem>> -> memref<1x128x128xf32, #tpu.memory_space<vmem>>
      %dma_wait3A_865 = tpu.memref_squeeze %dma_wait3A_864 : memref<1x128x128xf32, #tpu.memory_space<vmem>> -> memref<128x128xf32, #tpu.memory_space<vmem>>
      %dma_wait3A_866 = arith.constant 0 : i32
      %dma_wait3A_867 = tpu.memref_slice %arg6[%dma_wait3A_859, %dma_wait3A_860, %dma_wait3A_861, %dma_wait3A_866] : memref<2x2x2x128xi32, #tpu.memory_space<vmem>> -> memref<1x1x1x128xi32, #tpu.memory_space<vmem>>
      %dma_wait3A_868 = tpu.memref_squeeze %dma_wait3A_867 : memref<1x1x1x128xi32, #tpu.memory_space<vmem>> -> memref<128xi32, #tpu.memory_space<vmem>>
      %dma_wait3A_869 = arith.constant 0 : i32
      %dma_wait3A_870 = arith.constant 0 : i32
      %dma_wait3A_871 = tpu.memref_slice %arg8[%dma_wait3A_869, %dma_wait3A_870] : memref<10112x128xf32, #tpu.memory_space<vmem_shared>> -> memref<10112x128xf32, #tpu.memory_space<vmem_shared>>
      tpu.wait_indirect_dma semaphore(%arg12 : memref<!tpu.dma_semaphore, #tpu.memory_space<semaphore_mem>>) src(%dma_wait3A_865 : memref<128x128xf32, #tpu.memory_space<vmem>>) dst(%dma_wait3A_871 : memref<10112x128xf32, #tpu.memory_space<vmem_shared>>)
      %sub3A_872 = arith.constant 1 : i32
      %sub3A_873 = arith.subi %sub3A_872, %select_n3A_757 : i32
      %dma_start3A_874 = arith.constant 0 : i32
      %dma_start3A_875 = arith.constant 0 : i32
      %dma_start3A_876 = arith.constant 0 : i32
      %dma_start3A_877 = arith.constant 0 : i32
      %dma_start3A_878 = arith.constant 0 : i32
      %dma_start3A_879 = tpu.memref_slice %arg7[%dma_start3A_876, %dma_start3A_877, %dma_start3A_878] : memref<2x128x128xf32, #tpu.memory_space<vmem>> -> memref<1x128x128xf32, #tpu.memory_space<vmem>>
      %dma_start3A_880 = tpu.memref_squeeze %dma_start3A_879 : memref<1x128x128xf32, #tpu.memory_space<vmem>> -> memref<128x128xf32, #tpu.memory_space<vmem>>
      %dma_start3A_881 = arith.constant 0 : i32
      %dma_start3A_882 = tpu.memref_slice %arg6[%sub3A_873, %dma_start3A_874, %dma_start3A_875, %dma_start3A_881] : memref<2x2x2x128xi32, #tpu.memory_space<vmem>> -> memref<1x1x1x128xi32, #tpu.memory_space<vmem>>
      %dma_start3A_883 = tpu.memref_squeeze %dma_start3A_882 : memref<1x1x1x128xi32, #tpu.memory_space<vmem>> -> memref<128xi32, #tpu.memory_space<vmem>>
      %dma_start3A_884 = arith.constant 0 : i32
      %dma_start3A_885 = arith.constant 0 : i32
      %dma_start3A_886 = tpu.memref_slice %arg2[%dma_start3A_884, %dma_start3A_885] : memref<10000x128xf32, #tpu.memory_space<hbm>> -> memref<10000x128xf32, #tpu.memory_space<hbm>>
      tpu.enqueue_indirect_dma source(%dma_start3A_886 : memref<10000x128xf32, #tpu.memory_space<hbm>>) target(%dma_start3A_880 : memref<128x128xf32, #tpu.memory_space<vmem>>) offsets(%dma_start3A_883 : memref<128xi32, #tpu.memory_space<vmem>>) semaphore(%arg10 : memref<!tpu.dma_semaphore, #tpu.memory_space<semaphore_mem>>)
      %dma_wait3A_887 = arith.constant 0 : i32
      %dma_wait3A_888 = arith.constant 0 : i32
      %dma_wait3A_889 = arith.constant 0 : i32
      %dma_wait3A_890 = arith.constant 0 : i32
      %dma_wait3A_891 = arith.constant 0 : i32
      %dma_wait3A_892 = arith.constant 0 : i32
      %dma_wait3A_893 = tpu.memref_slice %arg7[%dma_wait3A_890, %dma_wait3A_891, %dma_wait3A_892] : memref<2x128x128xf32, #tpu.memory_space<vmem>> -> memref<1x128x128xf32, #tpu.memory_space<vmem>>
      %dma_wait3A_894 = tpu.memref_squeeze %dma_wait3A_893 : memref<1x128x128xf32, #tpu.memory_space<vmem>> -> memref<128x128xf32, #tpu.memory_space<vmem>>
      %dma_wait3A_895 = arith.constant 0 : i32
      %dma_wait3A_896 = tpu.memref_slice %arg6[%dma_wait3A_887, %dma_wait3A_888, %dma_wait3A_889, %dma_wait3A_895] : memref<2x2x2x128xi32, #tpu.memory_space<vmem>> -> memref<1x1x1x128xi32, #tpu.memory_space<vmem>>
      %dma_wait3A_897 = tpu.memref_squeeze %dma_wait3A_896 : memref<1x1x1x128xi32, #tpu.memory_space<vmem>> -> memref<128xi32, #tpu.memory_space<vmem>>
      %dma_wait3A_898 = arith.constant 0 : i32
      %dma_wait3A_899 = arith.constant 0 : i32
      %dma_wait3A_900 = tpu.memref_slice %arg2[%dma_wait3A_898, %dma_wait3A_899] : memref<10000x128xf32, #tpu.memory_space<hbm>> -> memref<10000x128xf32, #tpu.memory_space<hbm>>
      tpu.wait_indirect_dma semaphore(%arg11 : memref<!tpu.dma_semaphore, #tpu.memory_space<semaphore_mem>>) src(%dma_wait3A_900 : memref<10000x128xf32, #tpu.memory_space<hbm>>) dst(%dma_wait3A_894 : memref<128x128xf32, #tpu.memory_space<vmem>>)
      %dma_start3A_901 = arith.constant 1 : i32
      %dma_start3A_902 = arith.constant 1 : i32
      %dma_start3A_903 = arith.constant 1 : i32
      %dma_start3A_904 = arith.constant 0 : i32
      %dma_start3A_905 = arith.constant 0 : i32
      %dma_start3A_906 = tpu.memref_slice %arg7[%dma_start3A_901, %dma_start3A_904, %dma_start3A_905] : memref<2x128x128xf32, #tpu.memory_space<vmem>> -> memref<1x128x128xf32, #tpu.memory_space<vmem>>
      %dma_start3A_907 = tpu.memref_squeeze %dma_start3A_906 : memref<1x128x128xf32, #tpu.memory_space<vmem>> -> memref<128x128xf32, #tpu.memory_space<vmem>>
      %dma_start3A_908 = arith.constant 0 : i32
      %dma_start3A_909 = tpu.memref_slice %arg6[%select_n3A_757, %dma_start3A_902, %dma_start3A_903, %dma_start3A_908] : memref<2x2x2x128xi32, #tpu.memory_space<vmem>> -> memref<1x1x1x128xi32, #tpu.memory_space<vmem>>
      %dma_start3A_910 = tpu.memref_squeeze %dma_start3A_909 : memref<1x1x1x128xi32, #tpu.memory_space<vmem>> -> memref<128xi32, #tpu.memory_space<vmem>>
      %dma_start3A_911 = arith.constant 0 : i32
      %dma_start3A_912 = arith.constant 0 : i32
      %dma_start3A_913 = tpu.memref_slice %arg8[%dma_start3A_911, %dma_start3A_912] : memref<10112x128xf32, #tpu.memory_space<vmem_shared>> -> memref<10112x128xf32, #tpu.memory_space<vmem_shared>>
      tpu.enqueue_indirect_dma source(%dma_start3A_907 : memref<128x128xf32, #tpu.memory_space<vmem>>) target(%dma_start3A_913 : memref<10112x128xf32, #tpu.memory_space<vmem_shared>>) offsets(%dma_start3A_910 : memref<128xi32, #tpu.memory_space<vmem>>) semaphore(%arg13 : memref<!tpu.dma_semaphore, #tpu.memory_space<semaphore_mem>>) {add = true}
    }
    %scan3A_314 = arith.constant 38 : i32
    %dma_wait3A_315 = arith.constant 0 : i32
    %dma_wait3A_316 = arith.constant 0 : i32
    %dma_wait3A_317 = arith.constant 0 : i32
    %dma_wait3A_318 = arith.constant 1 : i32
    %dma_wait3A_319 = arith.constant 0 : i32
    %dma_wait3A_320 = arith.constant 0 : i32
    %dma_wait3A_321 = tpu.memref_slice %arg7[%dma_wait3A_315, %dma_wait3A_319, %dma_wait3A_320] : memref<2x128x128xf32, #tpu.memory_space<vmem>> -> memref<1x128x128xf32, #tpu.memory_space<vmem>>
    %dma_wait3A_322 = tpu.memref_squeeze %dma_wait3A_321 : memref<1x128x128xf32, #tpu.memory_space<vmem>> -> memref<128x128xf32, #tpu.memory_space<vmem>>
    %dma_wait3A_323 = arith.constant 0 : i32
    %dma_wait3A_324 = tpu.memref_slice %arg6[%dma_wait3A_316, %dma_wait3A_317, %dma_wait3A_318, %dma_wait3A_323] : memref<2x2x2x128xi32, #tpu.memory_space<vmem>> -> memref<1x1x1x128xi32, #tpu.memory_space<vmem>>
    %dma_wait3A_325 = tpu.memref_squeeze %dma_wait3A_324 : memref<1x1x1x128xi32, #tpu.memory_space<vmem>> -> memref<128xi32, #tpu.memory_space<vmem>>
    %dma_wait3A_326 = arith.constant 0 : i32
    %dma_wait3A_327 = arith.constant 0 : i32
    %dma_wait3A_328 = tpu.memref_slice %arg8[%dma_wait3A_326, %dma_wait3A_327] : memref<10112x128xf32, #tpu.memory_space<vmem_shared>> -> memref<10112x128xf32, #tpu.memory_space<vmem_shared>>
    tpu.wait_indirect_dma semaphore(%arg13 : memref<!tpu.dma_semaphore, #tpu.memory_space<semaphore_mem>>) src(%dma_wait3A_322 : memref<128x128xf32, #tpu.memory_space<vmem>>) dst(%dma_wait3A_328 : memref<10112x128xf32, #tpu.memory_space<vmem_shared>>)
    %dma_start3A_329 = arith.constant 1 : i32
    %dma_start3A_330 = arith.constant 1 : i32
    %dma_start3A_331 = arith.constant 0 : i32
    %dma_start3A_332 = arith.constant 1 : i32
    %dma_start3A_333 = arith.constant 0 : i32
    %dma_start3A_334 = arith.constant 0 : i32
    %dma_start3A_335 = tpu.memref_slice %arg7[%dma_start3A_332, %dma_start3A_333, %dma_start3A_334] : memref<2x128x128xf32, #tpu.memory_space<vmem>> -> memref<1x128x128xf32, #tpu.memory_space<vmem>>
    %dma_start3A_336 = tpu.memref_squeeze %dma_start3A_335 : memref<1x128x128xf32, #tpu.memory_space<vmem>> -> memref<128x128xf32, #tpu.memory_space<vmem>>
    %dma_start3A_337 = arith.constant 0 : i32
    %dma_start3A_338 = tpu.memref_slice %arg6[%dma_start3A_329, %dma_start3A_330, %dma_start3A_331, %dma_start3A_337] : memref<2x2x2x128xi32, #tpu.memory_space<vmem>> -> memref<1x1x1x128xi32, #tpu.memory_space<vmem>>
    %dma_start3A_339 = tpu.memref_squeeze %dma_start3A_338 : memref<1x1x1x128xi32, #tpu.memory_space<vmem>> -> memref<128xi32, #tpu.memory_space<vmem>>
    %dma_start3A_340 = arith.constant 0 : i32
    %dma_start3A_341 = arith.constant 0 : i32
    %dma_start3A_342 = tpu.memref_slice %arg2[%dma_start3A_340, %dma_start3A_341] : memref<10000x128xf32, #tpu.memory_space<hbm>> -> memref<10000x128xf32, #tpu.memory_space<hbm>>
    tpu.enqueue_indirect_dma source(%dma_start3A_342 : memref<10000x128xf32, #tpu.memory_space<hbm>>) target(%dma_start3A_336 : memref<128x128xf32, #tpu.memory_space<vmem>>) offsets(%dma_start3A_339 : memref<128xi32, #tpu.memory_space<vmem>>) semaphore(%arg11 : memref<!tpu.dma_semaphore, #tpu.memory_space<semaphore_mem>>)
    %dma_wait3A_343 = arith.constant 0 : i32
    %dma_wait3A_344 = arith.constant 0 : i32
    %dma_wait3A_345 = arith.constant 0 : i32
    %dma_wait3A_346 = arith.constant 0 : i32
    %dma_wait3A_347 = arith.constant 0 : i32
    %dma_wait3A_348 = arith.constant 0 : i32
    %dma_wait3A_349 = tpu.memref_slice %arg7[%dma_wait3A_346, %dma_wait3A_347, %dma_wait3A_348] : memref<2x128x128xf32, #tpu.memory_space<vmem>> -> memref<1x128x128xf32, #tpu.memory_space<vmem>>
    %dma_wait3A_350 = tpu.memref_squeeze %dma_wait3A_349 : memref<1x128x128xf32, #tpu.memory_space<vmem>> -> memref<128x128xf32, #tpu.memory_space<vmem>>
    %dma_wait3A_351 = arith.constant 0 : i32
    %dma_wait3A_352 = tpu.memref_slice %arg6[%dma_wait3A_343, %dma_wait3A_344, %dma_wait3A_345, %dma_wait3A_351] : memref<2x2x2x128xi32, #tpu.memory_space<vmem>> -> memref<1x1x1x128xi32, #tpu.memory_space<vmem>>
    %dma_wait3A_353 = tpu.memref_squeeze %dma_wait3A_352 : memref<1x1x1x128xi32, #tpu.memory_space<vmem>> -> memref<128xi32, #tpu.memory_space<vmem>>
    %dma_wait3A_354 = arith.constant 0 : i32
    %dma_wait3A_355 = arith.constant 0 : i32
    %dma_wait3A_356 = tpu.memref_slice %arg2[%dma_wait3A_354, %dma_wait3A_355] : memref<10000x128xf32, #tpu.memory_space<hbm>> -> memref<10000x128xf32, #tpu.memory_space<hbm>>
    tpu.wait_indirect_dma semaphore(%arg10 : memref<!tpu.dma_semaphore, #tpu.memory_space<semaphore_mem>>) src(%dma_wait3A_356 : memref<10000x128xf32, #tpu.memory_space<hbm>>) dst(%dma_wait3A_350 : memref<128x128xf32, #tpu.memory_space<vmem>>)
    %dma_start3A_357 = arith.constant 0 : i32
    %dma_start3A_358 = arith.constant 1 : i32
    %dma_start3A_359 = arith.constant 0 : i32
    %dma_start3A_360 = arith.constant 1 : i32
    %dma_start3A_361 = arith.constant 0 : i32
    %dma_start3A_362 = arith.constant 0 : i32
    %dma_start3A_363 = tpu.memref_slice %arg7[%dma_start3A_357, %dma_start3A_361, %dma_start3A_362] : memref<2x128x128xf32, #tpu.memory_space<vmem>> -> memref<1x128x128xf32, #tpu.memory_space<vmem>>
    %dma_start3A_364 = tpu.memref_squeeze %dma_start3A_363 : memref<1x128x128xf32, #tpu.memory_space<vmem>> -> memref<128x128xf32, #tpu.memory_space<vmem>>
    %dma_start3A_365 = arith.constant 0 : i32
    %dma_start3A_366 = tpu.memref_slice %arg6[%dma_start3A_358, %dma_start3A_359, %dma_start3A_360, %dma_start3A_365] : memref<2x2x2x128xi32, #tpu.memory_space<vmem>> -> memref<1x1x1x128xi32, #tpu.memory_space<vmem>>
    %dma_start3A_367 = tpu.memref_squeeze %dma_start3A_366 : memref<1x1x1x128xi32, #tpu.memory_space<vmem>> -> memref<128xi32, #tpu.memory_space<vmem>>
    %dma_start3A_368 = arith.constant 0 : i32
    %dma_start3A_369 = arith.constant 0 : i32
    %dma_start3A_370 = tpu.memref_slice %arg8[%dma_start3A_368, %dma_start3A_369] : memref<10112x128xf32, #tpu.memory_space<vmem_shared>> -> memref<10112x128xf32, #tpu.memory_space<vmem_shared>>
    tpu.enqueue_indirect_dma source(%dma_start3A_364 : memref<128x128xf32, #tpu.memory_space<vmem>>) target(%dma_start3A_370 : memref<10112x128xf32, #tpu.memory_space<vmem_shared>>) offsets(%dma_start3A_367 : memref<128xi32, #tpu.memory_space<vmem>>) semaphore(%arg12 : memref<!tpu.dma_semaphore, #tpu.memory_space<semaphore_mem>>) {add = true}
    %dma_wait3A_371 = arith.constant 0 : i32
    %dma_wait3A_372 = arith.constant 0 : i32
    %dma_wait3A_373 = arith.constant 0 : i32
    %dma_wait3A_374 = arith.constant 0 : i32
    %dma_wait3A_375 = arith.constant 0 : i32
    %dma_wait3A_376 = arith.constant 0 : i32
    %dma_wait3A_377 = tpu.memref_slice %arg7[%dma_wait3A_374, %dma_wait3A_375, %dma_wait3A_376] : memref<2x128x128xf32, #tpu.memory_space<vmem>> -> memref<1x128x128xf32, #tpu.memory_space<vmem>>
    %dma_wait3A_378 = tpu.memref_squeeze %dma_wait3A_377 : memref<1x128x128xf32, #tpu.memory_space<vmem>> -> memref<128x128xf32, #tpu.memory_space<vmem>>
    %dma_wait3A_379 = arith.constant 0 : i32
    %dma_wait3A_380 = tpu.memref_slice %arg6[%dma_wait3A_371, %dma_wait3A_372, %dma_wait3A_373, %dma_wait3A_379] : memref<2x2x2x128xi32, #tpu.memory_space<vmem>> -> memref<1x1x1x128xi32, #tpu.memory_space<vmem>>
    %dma_wait3A_381 = tpu.memref_squeeze %dma_wait3A_380 : memref<1x1x1x128xi32, #tpu.memory_space<vmem>> -> memref<128xi32, #tpu.memory_space<vmem>>
    %dma_wait3A_382 = arith.constant 0 : i32
    %dma_wait3A_383 = arith.constant 0 : i32
    %dma_wait3A_384 = tpu.memref_slice %arg2[%dma_wait3A_382, %dma_wait3A_383] : memref<10000x128xf32, #tpu.memory_space<hbm>> -> memref<10000x128xf32, #tpu.memory_space<hbm>>
    tpu.wait_indirect_dma semaphore(%arg11 : memref<!tpu.dma_semaphore, #tpu.memory_space<semaphore_mem>>) src(%dma_wait3A_384 : memref<10000x128xf32, #tpu.memory_space<hbm>>) dst(%dma_wait3A_378 : memref<128x128xf32, #tpu.memory_space<vmem>>)
    %dma_start3A_385 = arith.constant 1 : i32
    %dma_start3A_386 = arith.constant 1 : i32
    %dma_start3A_387 = arith.constant 1 : i32
    %dma_start3A_388 = arith.constant 1 : i32
    %dma_start3A_389 = arith.constant 0 : i32
    %dma_start3A_390 = arith.constant 0 : i32
    %dma_start3A_391 = tpu.memref_slice %arg7[%dma_start3A_385, %dma_start3A_389, %dma_start3A_390] : memref<2x128x128xf32, #tpu.memory_space<vmem>> -> memref<1x128x128xf32, #tpu.memory_space<vmem>>
    %dma_start3A_392 = tpu.memref_squeeze %dma_start3A_391 : memref<1x128x128xf32, #tpu.memory_space<vmem>> -> memref<128x128xf32, #tpu.memory_space<vmem>>
    %dma_start3A_393 = arith.constant 0 : i32
    %dma_start3A_394 = tpu.memref_slice %arg6[%dma_start3A_386, %dma_start3A_387, %dma_start3A_388, %dma_start3A_393] : memref<2x2x2x128xi32, #tpu.memory_space<vmem>> -> memref<1x1x1x128xi32, #tpu.memory_space<vmem>>
    %dma_start3A_395 = tpu.memref_squeeze %dma_start3A_394 : memref<1x1x1x128xi32, #tpu.memory_space<vmem>> -> memref<128xi32, #tpu.memory_space<vmem>>
    %dma_start3A_396 = arith.constant 0 : i32
    %dma_start3A_397 = arith.constant 0 : i32
    %dma_start3A_398 = tpu.memref_slice %arg8[%dma_start3A_396, %dma_start3A_397] : memref<10112x128xf32, #tpu.memory_space<vmem_shared>> -> memref<10112x128xf32, #tpu.memory_space<vmem_shared>>
    tpu.enqueue_indirect_dma source(%dma_start3A_392 : memref<128x128xf32, #tpu.memory_space<vmem>>) target(%dma_start3A_398 : memref<10112x128xf32, #tpu.memory_space<vmem_shared>>) offsets(%dma_start3A_395 : memref<128xi32, #tpu.memory_space<vmem>>) semaphore(%arg13 : memref<!tpu.dma_semaphore, #tpu.memory_space<semaphore_mem>>) {add = true}
    %dma_wait3A_399 = arith.constant 0 : i32
    %dma_wait3A_400 = arith.constant 0 : i32
    %dma_wait3A_401 = arith.constant 0 : i32
    %dma_wait3A_402 = arith.constant 1 : i32
    %dma_wait3A_403 = arith.constant 0 : i32
    %dma_wait3A_404 = arith.constant 0 : i32
    %dma_wait3A_405 = tpu.memref_slice %arg7[%dma_wait3A_399, %dma_wait3A_403, %dma_wait3A_404] : memref<2x128x128xf32, #tpu.memory_space<vmem>> -> memref<1x128x128xf32, #tpu.memory_space<vmem>>
    %dma_wait3A_406 = tpu.memref_squeeze %dma_wait3A_405 : memref<1x128x128xf32, #tpu.memory_space<vmem>> -> memref<128x128xf32, #tpu.memory_space<vmem>>
    %dma_wait3A_407 = arith.constant 0 : i32
    %dma_wait3A_408 = tpu.memref_slice %arg6[%dma_wait3A_400, %dma_wait3A_401, %dma_wait3A_402, %dma_wait3A_407] : memref<2x2x2x128xi32, #tpu.memory_space<vmem>> -> memref<1x1x1x128xi32, #tpu.memory_space<vmem>>
    %dma_wait3A_409 = tpu.memref_squeeze %dma_wait3A_408 : memref<1x1x1x128xi32, #tpu.memory_space<vmem>> -> memref<128xi32, #tpu.memory_space<vmem>>
    %dma_wait3A_410 = arith.constant 0 : i32
    %dma_wait3A_411 = arith.constant 0 : i32
    %dma_wait3A_412 = tpu.memref_slice %arg8[%dma_wait3A_410, %dma_wait3A_411] : memref<10112x128xf32, #tpu.memory_space<vmem_shared>> -> memref<10112x128xf32, #tpu.memory_space<vmem_shared>>
    tpu.wait_indirect_dma semaphore(%arg12 : memref<!tpu.dma_semaphore, #tpu.memory_space<semaphore_mem>>) src(%dma_wait3A_406 : memref<128x128xf32, #tpu.memory_space<vmem>>) dst(%dma_wait3A_412 : memref<10112x128xf32, #tpu.memory_space<vmem_shared>>)
    %dma_wait3A_413 = arith.constant 0 : i32
    %dma_wait3A_414 = arith.constant 0 : i32
    %dma_wait3A_415 = arith.constant 0 : i32
    %dma_wait3A_416 = arith.constant 1 : i32
    %dma_wait3A_417 = arith.constant 0 : i32
    %dma_wait3A_418 = arith.constant 0 : i32
    %dma_wait3A_419 = tpu.memref_slice %arg7[%dma_wait3A_413, %dma_wait3A_417, %dma_wait3A_418] : memref<2x128x128xf32, #tpu.memory_space<vmem>> -> memref<1x128x128xf32, #tpu.memory_space<vmem>>
    %dma_wait3A_420 = tpu.memref_squeeze %dma_wait3A_419 : memref<1x128x128xf32, #tpu.memory_space<vmem>> -> memref<128x128xf32, #tpu.memory_space<vmem>>
    %dma_wait3A_421 = arith.constant 0 : i32
    %dma_wait3A_422 = tpu.memref_slice %arg6[%dma_wait3A_414, %dma_wait3A_415, %dma_wait3A_416, %dma_wait3A_421] : memref<2x2x2x128xi32, #tpu.memory_space<vmem>> -> memref<1x1x1x128xi32, #tpu.memory_space<vmem>>
    %dma_wait3A_423 = tpu.memref_squeeze %dma_wait3A_422 : memref<1x1x1x128xi32, #tpu.memory_space<vmem>> -> memref<128xi32, #tpu.memory_space<vmem>>
    %dma_wait3A_424 = arith.constant 0 : i32
    %dma_wait3A_425 = arith.constant 0 : i32
    %dma_wait3A_426 = tpu.memref_slice %arg8[%dma_wait3A_424, %dma_wait3A_425] : memref<10112x128xf32, #tpu.memory_space<vmem_shared>> -> memref<10112x128xf32, #tpu.memory_space<vmem_shared>>
    tpu.wait_indirect_dma semaphore(%arg13 : memref<!tpu.dma_semaphore, #tpu.memory_space<semaphore_mem>>) src(%dma_wait3A_420 : memref<128x128xf32, #tpu.memory_space<vmem>>) dst(%dma_wait3A_426 : memref<10112x128xf32, #tpu.memory_space<vmem_shared>>)
    %barrier3A_427 = arith.constant 0 : index
    tpu.barrier barrier_id(%barrier3A_427)
    %add3A_428 = arith.constant 0 : i32
    %add3A_429 = arith.addi %mul3A_2, %add3A_428 : i32
    %dma_start3A_430 = arith.constant 0 : i32
    %dma_start3A_431 = arith.constant 0 : i32
    %dma_start3A_432 = arith.constant 0 : i32
    %dma_start3A_433 = tpu.memref_slice %arg7[%dma_start3A_430, %dma_start3A_431, %dma_start3A_432] : memref<2x128x128xf32, #tpu.memory_space<vmem>> -> memref<1x128x128xf32, #tpu.memory_space<vmem>>
    %dma_start3A_434 = tpu.memref_squeeze %dma_start3A_433 : memref<1x128x128xf32, #tpu.memory_space<vmem>> -> memref<128x128xf32, #tpu.memory_space<vmem>>
    %dma_start3A_435 = arith.constant 0 : i32
    %dma_start3A_436 = tpu.memref_slice %arg8[%add3A_429, %dma_start3A_435] : memref<10112x128xf32, #tpu.memory_space<vmem_shared>> -> memref<128x128xf32, #tpu.memory_space<vmem_shared>>
    %dma_start3A_437 = arith.constant 0 : i32
    %dma_start3A_438 = arith.constant 0 : i32
    %dma_start3A_439 = tpu.memref_slice %arg7[%dma_start3A_430, %dma_start3A_437, %dma_start3A_438] : memref<2x128x128xf32, #tpu.memory_space<vmem>> -> memref<1x128x128xf32, #tpu.memory_space<vmem>>
    %dma_start3A_440 = tpu.memref_squeeze %dma_start3A_439 : memref<1x128x128xf32, #tpu.memory_space<vmem>> -> memref<128x128xf32, #tpu.memory_space<vmem>>
    %dma_start3A_441 = arith.constant 0 : i32
    %dma_start3A_442 = tpu.memref_slice %arg8[%add3A_429, %dma_start3A_441] : memref<10112x128xf32, #tpu.memory_space<vmem_shared>> -> memref<128x128xf32, #tpu.memory_space<vmem_shared>>
    tpu.enqueue_dma source(%dma_start3A_442 : memref<128x128xf32, #tpu.memory_space<vmem_shared>>) target(%dma_start3A_440 : memref<128x128xf32, #tpu.memory_space<vmem>>) target_semaphore(%arg10 : memref<!tpu.dma_semaphore, #tpu.memory_space<semaphore_mem>>)
    %add3A_443 = arith.constant 0 : i32
    %add3A_444 = arith.addi %mul3A_2, %add3A_443 : i32
    %dma_wait3A_445 = arith.constant 0 : i32
    %dma_wait3A_446 = arith.constant 0 : i32
    %dma_wait3A_447 = arith.constant 0 : i32
    %dma_wait3A_448 = tpu.memref_slice %arg7[%dma_wait3A_445, %dma_wait3A_446, %dma_wait3A_447] : memref<2x128x128xf32, #tpu.memory_space<vmem>> -> memref<1x128x128xf32, #tpu.memory_space<vmem>>
    %dma_wait3A_449 = tpu.memref_squeeze %dma_wait3A_448 : memref<1x128x128xf32, #tpu.memory_space<vmem>> -> memref<128x128xf32, #tpu.memory_space<vmem>>
    %dma_wait3A_450 = arith.constant 0 : i32
    %dma_wait3A_451 = tpu.memref_slice %arg8[%add3A_444, %dma_wait3A_450] : memref<10112x128xf32, #tpu.memory_space<vmem_shared>> -> memref<128x128xf32, #tpu.memory_space<vmem_shared>>
    %dma_wait3A_452 = arith.constant 0 : i32
    %dma_wait3A_453 = arith.constant 0 : i32
    %dma_wait3A_454 = tpu.memref_slice %arg7[%dma_wait3A_445, %dma_wait3A_452, %dma_wait3A_453] : memref<2x128x128xf32, #tpu.memory_space<vmem>> -> memref<1x128x128xf32, #tpu.memory_space<vmem>>
    %dma_wait3A_455 = tpu.memref_squeeze %dma_wait3A_454 : memref<1x128x128xf32, #tpu.memory_space<vmem>> -> memref<128x128xf32, #tpu.memory_space<vmem>>
    %dma_wait3A_456 = arith.constant 0 : i32
    %dma_wait3A_457 = tpu.memref_slice %arg8[%add3A_444, %dma_wait3A_456] : memref<10112x128xf32, #tpu.memory_space<vmem_shared>> -> memref<128x128xf32, #tpu.memory_space<vmem_shared>>
    tpu.wait_dma2 semaphore(%arg10 : memref<!tpu.dma_semaphore, #tpu.memory_space<semaphore_mem>>) src(%dma_wait3A_457 : memref<128x128xf32, #tpu.memory_space<vmem_shared>>) dst(%dma_wait3A_455 : memref<128x128xf32, #tpu.memory_space<vmem>>)
    %add3A_458 = arith.constant 0 : i32
    %add3A_459 = arith.addi %mul3A_2, %add3A_458 : i32
    %dma_start3A_460 = arith.constant 0 : i32
    %dma_start3A_461 = arith.constant 0 : i32
    %dma_start3A_462 = arith.constant 0 : i32
    %dma_start3A_463 = tpu.memref_slice %arg7[%dma_start3A_460, %dma_start3A_461, %dma_start3A_462] : memref<2x128x128xf32, #tpu.memory_space<vmem>> -> memref<1x128x128xf32, #tpu.memory_space<vmem>>
    %dma_start3A_464 = tpu.memref_squeeze %dma_start3A_463 : memref<1x128x128xf32, #tpu.memory_space<vmem>> -> memref<128x128xf32, #tpu.memory_space<vmem>>
    %dma_start3A_465 = arith.constant 0 : i32
    %dma_start3A_466 = tpu.memref_slice %arg5[%arg0, %add3A_459, %dma_start3A_465] : memref<2x10112x128xf32, #tpu.memory_space<hbm>> -> memref<1x128x128xf32, #tpu.memory_space<hbm>>
    %dma_start3A_467 = tpu.memref_squeeze %dma_start3A_466 : memref<1x128x128xf32, #tpu.memory_space<hbm>> -> memref<128x128xf32, #tpu.memory_space<hbm>>
    %dma_start3A_468 = arith.constant 0 : i32
    %dma_start3A_469 = tpu.memref_slice %arg5[%arg0, %add3A_459, %dma_start3A_468] : memref<2x10112x128xf32, #tpu.memory_space<hbm>> -> memref<1x128x128xf32, #tpu.memory_space<hbm>>
    %dma_start3A_470 = tpu.memref_squeeze %dma_start3A_469 : memref<1x128x128xf32, #tpu.memory_space<hbm>> -> memref<128x128xf32, #tpu.memory_space<hbm>>
    %dma_start3A_471 = arith.constant 0 : i32
    %dma_start3A_472 = arith.constant 0 : i32
    %dma_start3A_473 = tpu.memref_slice %arg7[%dma_start3A_460, %dma_start3A_471, %dma_start3A_472] : memref<2x128x128xf32, #tpu.memory_space<vmem>> -> memref<1x128x128xf32, #tpu.memory_space<vmem>>
    %dma_start3A_474 = tpu.memref_squeeze %dma_start3A_473 : memref<1x128x128xf32, #tpu.memory_space<vmem>> -> memref<128x128xf32, #tpu.memory_space<vmem>>
    tpu.enqueue_dma source(%dma_start3A_474 : memref<128x128xf32, #tpu.memory_space<vmem>>) target(%dma_start3A_470 : memref<128x128xf32, #tpu.memory_space<hbm>>) target_semaphore(%arg11 : memref<!tpu.dma_semaphore, #tpu.memory_space<semaphore_mem>>)
    %add3A_475 = arith.constant 128 : i32
    %add3A_476 = arith.addi %mul3A_2, %add3A_475 : i32
    %dma_start3A_477 = arith.constant 1 : i32
    %dma_start3A_478 = arith.constant 0 : i32
    %dma_start3A_479 = arith.constant 0 : i32
    %dma_start3A_480 = tpu.memref_slice %arg7[%dma_start3A_477, %dma_start3A_478, %dma_start3A_479] : memref<2x128x128xf32, #tpu.memory_space<vmem>> -> memref<1x128x128xf32, #tpu.memory_space<vmem>>
    %dma_start3A_481 = tpu.memref_squeeze %dma_start3A_480 : memref<1x128x128xf32, #tpu.memory_space<vmem>> -> memref<128x128xf32, #tpu.memory_space<vmem>>
    %dma_start3A_482 = arith.constant 0 : i32
    %dma_start3A_483 = tpu.memref_slice %arg8[%add3A_476, %dma_start3A_482] : memref<10112x128xf32, #tpu.memory_space<vmem_shared>> -> memref<128x128xf32, #tpu.memory_space<vmem_shared>>
    %dma_start3A_484 = arith.constant 0 : i32
    %dma_start3A_485 = arith.constant 0 : i32
    %dma_start3A_486 = tpu.memref_slice %arg7[%dma_start3A_477, %dma_start3A_484, %dma_start3A_485] : memref<2x128x128xf32, #tpu.memory_space<vmem>> -> memref<1x128x128xf32, #tpu.memory_space<vmem>>
    %dma_start3A_487 = tpu.memref_squeeze %dma_start3A_486 : memref<1x128x128xf32, #tpu.memory_space<vmem>> -> memref<128x128xf32, #tpu.memory_space<vmem>>
    %dma_start3A_488 = arith.constant 0 : i32
    %dma_start3A_489 = tpu.memref_slice %arg8[%add3A_476, %dma_start3A_488] : memref<10112x128xf32, #tpu.memory_space<vmem_shared>> -> memref<128x128xf32, #tpu.memory_space<vmem_shared>>
    tpu.enqueue_dma source(%dma_start3A_489 : memref<128x128xf32, #tpu.memory_space<vmem_shared>>) target(%dma_start3A_487 : memref<128x128xf32, #tpu.memory_space<vmem>>) target_semaphore(%arg10 : memref<!tpu.dma_semaphore, #tpu.memory_space<semaphore_mem>>)
    %add3A_490 = arith.constant 128 : i32
    %add3A_491 = arith.addi %mul3A_2, %add3A_490 : i32
    %dma_wait3A_492 = arith.constant 1 : i32
    %dma_wait3A_493 = arith.constant 0 : i32
    %dma_wait3A_494 = arith.constant 0 : i32
    %dma_wait3A_495 = tpu.memref_slice %arg7[%dma_wait3A_492, %dma_wait3A_493, %dma_wait3A_494] : memref<2x128x128xf32, #tpu.memory_space<vmem>> -> memref<1x128x128xf32, #tpu.memory_space<vmem>>
    %dma_wait3A_496 = tpu.memref_squeeze %dma_wait3A_495 : memref<1x128x128xf32, #tpu.memory_space<vmem>> -> memref<128x128xf32, #tpu.memory_space<vmem>>
    %dma_wait3A_497 = arith.constant 0 : i32
    %dma_wait3A_498 = tpu.memref_slice %arg8[%add3A_491, %dma_wait3A_497] : memref<10112x128xf32, #tpu.memory_space<vmem_shared>> -> memref<128x128xf32, #tpu.memory_space<vmem_shared>>
    %dma_wait3A_499 = arith.constant 0 : i32
    %dma_wait3A_500 = arith.constant 0 : i32
    %dma_wait3A_501 = tpu.memref_slice %arg7[%dma_wait3A_492, %dma_wait3A_499, %dma_wait3A_500] : memref<2x128x128xf32, #tpu.memory_space<vmem>> -> memref<1x128x128xf32, #tpu.memory_space<vmem>>
    %dma_wait3A_502 = tpu.memref_squeeze %dma_wait3A_501 : memref<1x128x128xf32, #tpu.memory_space<vmem>> -> memref<128x128xf32, #tpu.memory_space<vmem>>
    %dma_wait3A_503 = arith.constant 0 : i32
    %dma_wait3A_504 = tpu.memref_slice %arg8[%add3A_491, %dma_wait3A_503] : memref<10112x128xf32, #tpu.memory_space<vmem_shared>> -> memref<128x128xf32, #tpu.memory_space<vmem_shared>>
    tpu.wait_dma2 semaphore(%arg10 : memref<!tpu.dma_semaphore, #tpu.memory_space<semaphore_mem>>) src(%dma_wait3A_504 : memref<128x128xf32, #tpu.memory_space<vmem_shared>>) dst(%dma_wait3A_502 : memref<128x128xf32, #tpu.memory_space<vmem>>)
    %add3A_505 = arith.constant 128 : i32
    %add3A_506 = arith.addi %mul3A_2, %add3A_505 : i32
    %dma_start3A_507 = arith.constant 1 : i32
    %dma_start3A_508 = arith.constant 0 : i32
    %dma_start3A_509 = arith.constant 0 : i32
    %dma_start3A_510 = tpu.memref_slice %arg7[%dma_start3A_507, %dma_start3A_508, %dma_start3A_509] : memref<2x128x128xf32, #tpu.memory_space<vmem>> -> memref<1x128x128xf32, #tpu.memory_space<vmem>>
    %dma_start3A_511 = tpu.memref_squeeze %dma_start3A_510 : memref<1x128x128xf32, #tpu.memory_space<vmem>> -> memref<128x128xf32, #tpu.memory_space<vmem>>
    %dma_start3A_512 = arith.constant 0 : i32
    %dma_start3A_513 = tpu.memref_slice %arg5[%arg0, %add3A_506, %dma_start3A_512] : memref<2x10112x128xf32, #tpu.memory_space<hbm>> -> memref<1x128x128xf32, #tpu.memory_space<hbm>>
    %dma_start3A_514 = tpu.memref_squeeze %dma_start3A_513 : memref<1x128x128xf32, #tpu.memory_space<hbm>> -> memref<128x128xf32, #tpu.memory_space<hbm>>
    %dma_start3A_515 = arith.constant 0 : i32
    %dma_start3A_516 = tpu.memref_slice %arg5[%arg0, %add3A_506, %dma_start3A_515] : memref<2x10112x128xf32, #tpu.memory_space<hbm>> -> memref<1x128x128xf32, #tpu.memory_space<hbm>>
    %dma_start3A_517 = tpu.memref_squeeze %dma_start3A_516 : memref<1x128x128xf32, #tpu.memory_space<hbm>> -> memref<128x128xf32, #tpu.memory_space<hbm>>
    %dma_start3A_518 = arith.constant 0 : i32
    %dma_start3A_519 = arith.constant 0 : i32
    %dma_start3A_520 = tpu.memref_slice %arg7[%dma_start3A_507, %dma_start3A_518, %dma_start3A_519] : memref<2x128x128xf32, #tpu.memory_space<vmem>> -> memref<1x128x128xf32, #tpu.memory_space<vmem>>
    %dma_start3A_521 = tpu.memref_squeeze %dma_start3A_520 : memref<1x128x128xf32, #tpu.memory_space<vmem>> -> memref<128x128xf32, #tpu.memory_space<vmem>>
    tpu.enqueue_dma source(%dma_start3A_521 : memref<128x128xf32, #tpu.memory_space<vmem>>) target(%dma_start3A_517 : memref<128x128xf32, #tpu.memory_space<hbm>>) target_semaphore(%arg11 : memref<!tpu.dma_semaphore, #tpu.memory_space<semaphore_mem>>)
    %add3A_522 = arith.constant 0 : i32
    %add3A_523 = arith.addi %mul3A_2, %add3A_522 : i32
    %dma_wait3A_524 = arith.constant 0 : i32
    %dma_wait3A_525 = arith.constant 0 : i32
    %dma_wait3A_526 = arith.constant 0 : i32
    %dma_wait3A_527 = tpu.memref_slice %arg7[%dma_wait3A_524, %dma_wait3A_525, %dma_wait3A_526] : memref<2x128x128xf32, #tpu.memory_space<vmem>> -> memref<1x128x128xf32, #tpu.memory_space<vmem>>
    %dma_wait3A_528 = tpu.memref_squeeze %dma_wait3A_527 : memref<1x128x128xf32, #tpu.memory_space<vmem>> -> memref<128x128xf32, #tpu.memory_space<vmem>>
    %dma_wait3A_529 = arith.constant 0 : i32
    %dma_wait3A_530 = tpu.memref_slice %arg5[%arg0, %add3A_523, %dma_wait3A_529] : memref<2x10112x128xf32, #tpu.memory_space<hbm>> -> memref<1x128x128xf32, #tpu.memory_space<hbm>>
    %dma_wait3A_531 = tpu.memref_squeeze %dma_wait3A_530 : memref<1x128x128xf32, #tpu.memory_space<hbm>> -> memref<128x128xf32, #tpu.memory_space<hbm>>
    %dma_wait3A_532 = arith.constant 0 : i32
    %dma_wait3A_533 = tpu.memref_slice %arg5[%arg0, %add3A_523, %dma_wait3A_532] : memref<2x10112x128xf32, #tpu.memory_space<hbm>> -> memref<1x128x128xf32, #tpu.memory_space<hbm>>
    %dma_wait3A_534 = tpu.memref_squeeze %dma_wait3A_533 : memref<1x128x128xf32, #tpu.memory_space<hbm>> -> memref<128x128xf32, #tpu.memory_space<hbm>>
    %dma_wait3A_535 = arith.constant 0 : i32
    %dma_wait3A_536 = arith.constant 0 : i32
    %dma_wait3A_537 = tpu.memref_slice %arg7[%dma_wait3A_524, %dma_wait3A_535, %dma_wait3A_536] : memref<2x128x128xf32, #tpu.memory_space<vmem>> -> memref<1x128x128xf32, #tpu.memory_space<vmem>>
    %dma_wait3A_538 = tpu.memref_squeeze %dma_wait3A_537 : memref<1x128x128xf32, #tpu.memory_space<vmem>> -> memref<128x128xf32, #tpu.memory_space<vmem>>
    tpu.wait_dma2 semaphore(%arg11 : memref<!tpu.dma_semaphore, #tpu.memory_space<semaphore_mem>>) src(%dma_wait3A_538 : memref<128x128xf32, #tpu.memory_space<vmem>>) dst(%dma_wait3A_534 : memref<128x128xf32, #tpu.memory_space<hbm>>)
    %add3A_539 = arith.constant 256 : i32
    %add3A_540 = arith.addi %mul3A_2, %add3A_539 : i32
    %dma_start3A_541 = arith.constant 0 : i32
    %dma_start3A_542 = arith.constant 0 : i32
    %dma_start3A_543 = arith.constant 0 : i32
    %dma_start3A_544 = tpu.memref_slice %arg7[%dma_start3A_541, %dma_start3A_542, %dma_start3A_543] : memref<2x128x128xf32, #tpu.memory_space<vmem>> -> memref<1x128x128xf32, #tpu.memory_space<vmem>>
    %dma_start3A_545 = tpu.memref_squeeze %dma_start3A_544 : memref<1x128x128xf32, #tpu.memory_space<vmem>> -> memref<128x128xf32, #tpu.memory_space<vmem>>
    %dma_start3A_546 = arith.constant 0 : i32
    %dma_start3A_547 = tpu.memref_slice %arg8[%add3A_540, %dma_start3A_546] : memref<10112x128xf32, #tpu.memory_space<vmem_shared>> -> memref<128x128xf32, #tpu.memory_space<vmem_shared>>
    %dma_start3A_548 = arith.constant 0 : i32
    %dma_start3A_549 = arith.constant 0 : i32
    %dma_start3A_550 = tpu.memref_slice %arg7[%dma_start3A_541, %dma_start3A_548, %dma_start3A_549] : memref<2x128x128xf32, #tpu.memory_space<vmem>> -> memref<1x128x128xf32, #tpu.memory_space<vmem>>
    %dma_start3A_551 = tpu.memref_squeeze %dma_start3A_550 : memref<1x128x128xf32, #tpu.memory_space<vmem>> -> memref<128x128xf32, #tpu.memory_space<vmem>>
    %dma_start3A_552 = arith.constant 0 : i32
    %dma_start3A_553 = tpu.memref_slice %arg8[%add3A_540, %dma_start3A_552] : memref<10112x128xf32, #tpu.memory_space<vmem_shared>> -> memref<128x128xf32, #tpu.memory_space<vmem_shared>>
    tpu.enqueue_dma source(%dma_start3A_553 : memref<128x128xf32, #tpu.memory_space<vmem_shared>>) target(%dma_start3A_551 : memref<128x128xf32, #tpu.memory_space<vmem>>) target_semaphore(%arg10 : memref<!tpu.dma_semaphore, #tpu.memory_space<semaphore_mem>>)
    %add3A_554 = arith.constant 256 : i32
    %add3A_555 = arith.addi %mul3A_2, %add3A_554 : i32
    %dma_wait3A_556 = arith.constant 0 : i32
    %dma_wait3A_557 = arith.constant 0 : i32
    %dma_wait3A_558 = arith.constant 0 : i32
    %dma_wait3A_559 = tpu.memref_slice %arg7[%dma_wait3A_556, %dma_wait3A_557, %dma_wait3A_558] : memref<2x128x128xf32, #tpu.memory_space<vmem>> -> memref<1x128x128xf32, #tpu.memory_space<vmem>>
    %dma_wait3A_560 = tpu.memref_squeeze %dma_wait3A_559 : memref<1x128x128xf32, #tpu.memory_space<vmem>> -> memref<128x128xf32, #tpu.memory_space<vmem>>
    %dma_wait3A_561 = arith.constant 0 : i32
    %dma_wait3A_562 = tpu.memref_slice %arg8[%add3A_555, %dma_wait3A_561] : memref<10112x128xf32, #tpu.memory_space<vmem_shared>> -> memref<128x128xf32, #tpu.memory_space<vmem_shared>>
    %dma_wait3A_563 = arith.constant 0 : i32
    %dma_wait3A_564 = arith.constant 0 : i32
    %dma_wait3A_565 = tpu.memref_slice %arg7[%dma_wait3A_556, %dma_wait3A_563, %dma_wait3A_564] : memref<2x128x128xf32, #tpu.memory_space<vmem>> -> memref<1x128x128xf32, #tpu.memory_space<vmem>>
    %dma_wait3A_566 = tpu.memref_squeeze %dma_wait3A_565 : memref<1x128x128xf32, #tpu.memory_space<vmem>> -> memref<128x128xf32, #tpu.memory_space<vmem>>
    %dma_wait3A_567 = arith.constant 0 : i32
    %dma_wait3A_568 = tpu.memref_slice %arg8[%add3A_555, %dma_wait3A_567] : memref<10112x128xf32, #tpu.memory_space<vmem_shared>> -> memref<128x128xf32, #tpu.memory_space<vmem_shared>>
    tpu.wait_dma2 semaphore(%arg10 : memref<!tpu.dma_semaphore, #tpu.memory_space<semaphore_mem>>) src(%dma_wait3A_568 : memref<128x128xf32, #tpu.memory_space<vmem_shared>>) dst(%dma_wait3A_566 : memref<128x128xf32, #tpu.memory_space<vmem>>)
    %add3A_569 = arith.constant 256 : i32
    %add3A_570 = arith.addi %mul3A_2, %add3A_569 : i32
    %dma_start3A_571 = arith.constant 0 : i32
    %dma_start3A_572 = arith.constant 0 : i32
    %dma_start3A_573 = arith.constant 0 : i32
    %dma_start3A_574 = tpu.memref_slice %arg7[%dma_start3A_571, %dma_start3A_572, %dma_start3A_573] : memref<2x128x128xf32, #tpu.memory_space<vmem>> -> memref<1x128x128xf32, #tpu.memory_space<vmem>>
    %dma_start3A_575 = tpu.memref_squeeze %dma_start3A_574 : memref<1x128x128xf32, #tpu.memory_space<vmem>> -> memref<128x128xf32, #tpu.memory_space<vmem>>
    %dma_start3A_576 = arith.constant 0 : i32
    %dma_start3A_577 = tpu.memref_slice %arg5[%arg0, %add3A_570, %dma_start3A_576] : memref<2x10112x128xf32, #tpu.memory_space<hbm>> -> memref<1x128x128xf32, #tpu.memory_space<hbm>>
    %dma_start3A_578 = tpu.memref_squeeze %dma_start3A_577 : memref<1x128x128xf32, #tpu.memory_space<hbm>> -> memref<128x128xf32, #tpu.memory_space<hbm>>
    %dma_start3A_579 = arith.constant 0 : i32
    %dma_start3A_580 = tpu.memref_slice %arg5[%arg0, %add3A_570, %dma_start3A_579] : memref<2x10112x128xf32, #tpu.memory_space<hbm>> -> memref<1x128x128xf32, #tpu.memory_space<hbm>>
    %dma_start3A_581 = tpu.memref_squeeze %dma_start3A_580 : memref<1x128x128xf32, #tpu.memory_space<hbm>> -> memref<128x128xf32, #tpu.memory_space<hbm>>
    %dma_start3A_582 = arith.constant 0 : i32
    %dma_start3A_583 = arith.constant 0 : i32
    %dma_start3A_584 = tpu.memref_slice %arg7[%dma_start3A_571, %dma_start3A_582, %dma_start3A_583] : memref<2x128x128xf32, #tpu.memory_space<vmem>> -> memref<1x128x128xf32, #tpu.memory_space<vmem>>
    %dma_start3A_585 = tpu.memref_squeeze %dma_start3A_584 : memref<1x128x128xf32, #tpu.memory_space<vmem>> -> memref<128x128xf32, #tpu.memory_space<vmem>>
    tpu.enqueue_dma source(%dma_start3A_585 : memref<128x128xf32, #tpu.memory_space<vmem>>) target(%dma_start3A_581 : memref<128x128xf32, #tpu.memory_space<hbm>>) target_semaphore(%arg11 : memref<!tpu.dma_semaphore, #tpu.memory_space<semaphore_mem>>)
    %add3A_586 = arith.constant 128 : i32
    %add3A_587 = arith.addi %mul3A_2, %add3A_586 : i32
    %dma_wait3A_588 = arith.constant 1 : i32
    %dma_wait3A_589 = arith.constant 0 : i32
    %dma_wait3A_590 = arith.constant 0 : i32
    %dma_wait3A_591 = tpu.memref_slice %arg7[%dma_wait3A_588, %dma_wait3A_589, %dma_wait3A_590] : memref<2x128x128xf32, #tpu.memory_space<vmem>> -> memref<1x128x128xf32, #tpu.memory_space<vmem>>
    %dma_wait3A_592 = tpu.memref_squeeze %dma_wait3A_591 : memref<1x128x128xf32, #tpu.memory_space<vmem>> -> memref<128x128xf32, #tpu.memory_space<vmem>>
    %dma_wait3A_593 = arith.constant 0 : i32
    %dma_wait3A_594 = tpu.memref_slice %arg5[%arg0, %add3A_587, %dma_wait3A_593] : memref<2x10112x128xf32, #tpu.memory_space<hbm>> -> memref<1x128x128xf32, #tpu.memory_space<hbm>>
    %dma_wait3A_595 = tpu.memref_squeeze %dma_wait3A_594 : memref<1x128x128xf32, #tpu.memory_space<hbm>> -> memref<128x128xf32, #tpu.memory_space<hbm>>
    %dma_wait3A_596 = arith.constant 0 : i32
    %dma_wait3A_597 = tpu.memref_slice %arg5[%arg0, %add3A_587, %dma_wait3A_596] : memref<2x10112x128xf32, #tpu.memory_space<hbm>> -> memref<1x128x128xf32, #tpu.memory_space<hbm>>
    %dma_wait3A_598 = tpu.memref_squeeze %dma_wait3A_597 : memref<1x128x128xf32, #tpu.memory_space<hbm>> -> memref<128x128xf32, #tpu.memory_space<hbm>>
    %dma_wait3A_599 = arith.constant 0 : i32
    %dma_wait3A_600 = arith.constant 0 : i32
    %dma_wait3A_601 = tpu.memref_slice %arg7[%dma_wait3A_588, %dma_wait3A_599, %dma_wait3A_600] : memref<2x128x128xf32, #tpu.memory_space<vmem>> -> memref<1x128x128xf32, #tpu.memory_space<vmem>>
    %dma_wait3A_602 = tpu.memref_squeeze %dma_wait3A_601 : memref<1x128x128xf32, #tpu.memory_space<vmem>> -> memref<128x128xf32, #tpu.memory_space<vmem>>
    tpu.wait_dma2 semaphore(%arg11 : memref<!tpu.dma_semaphore, #tpu.memory_space<semaphore_mem>>) src(%dma_wait3A_602 : memref<128x128xf32, #tpu.memory_space<vmem>>) dst(%dma_wait3A_598 : memref<128x128xf32, #tpu.memory_space<hbm>>)
    %add3A_603 = arith.constant 384 : i32
    %add3A_604 = arith.addi %mul3A_2, %add3A_603 : i32
    %dma_start3A_605 = arith.constant 1 : i32
    %dma_start3A_606 = arith.constant 0 : i32
    %dma_start3A_607 = arith.constant 0 : i32
    %dma_start3A_608 = tpu.memref_slice %arg7[%dma_start3A_605, %dma_start3A_606, %dma_start3A_607] : memref<2x128x128xf32, #tpu.memory_space<vmem>> -> memref<1x128x128xf32, #tpu.memory_space<vmem>>
    %dma_start3A_609 = tpu.memref_squeeze %dma_start3A_608 : memref<1x128x128xf32, #tpu.memory_space<vmem>> -> memref<128x128xf32, #tpu.memory_space<vmem>>
    %dma_start3A_610 = arith.constant 0 : i32
    %dma_start3A_611 = tpu.memref_slice %arg8[%add3A_604, %dma_start3A_610] : memref<10112x128xf32, #tpu.memory_space<vmem_shared>> -> memref<128x128xf32, #tpu.memory_space<vmem_shared>>
    %dma_start3A_612 = arith.constant 0 : i32
    %dma_start3A_613 = arith.constant 0 : i32
    %dma_start3A_614 = tpu.memref_slice %arg7[%dma_start3A_605, %dma_start3A_612, %dma_start3A_613] : memref<2x128x128xf32, #tpu.memory_space<vmem>> -> memref<1x128x128xf32, #tpu.memory_space<vmem>>
    %dma_start3A_615 = tpu.memref_squeeze %dma_start3A_614 : memref<1x128x128xf32, #tpu.memory_space<vmem>> -> memref<128x128xf32, #tpu.memory_space<vmem>>
    %dma_start3A_616 = arith.constant 0 : i32
    %dma_start3A_617 = tpu.memref_slice %arg8[%add3A_604, %dma_start3A_616] : memref<10112x128xf32, #tpu.memory_space<vmem_shared>> -> memref<128x128xf32, #tpu.memory_space<vmem_shared>>
    tpu.enqueue_dma source(%dma_start3A_617 : memref<128x128xf32, #tpu.memory_space<vmem_shared>>) target(%dma_start3A_615 : memref<128x128xf32, #tpu.memory_space<vmem>>) target_semaphore(%arg10 : memref<!tpu.dma_semaphore, #tpu.memory_space<semaphore_mem>>)
    %add3A_618 = arith.constant 384 : i32
    %add3A_619 = arith.addi %mul3A_2, %add3A_618 : i32
    %dma_wait3A_620 = arith.constant 1 : i32
    %dma_wait3A_621 = arith.constant 0 : i32
    %dma_wait3A_622 = arith.constant 0 : i32
    %dma_wait3A_623 = tpu.memref_slice %arg7[%dma_wait3A_620, %dma_wait3A_621, %dma_wait3A_622] : memref<2x128x128xf32, #tpu.memory_space<vmem>> -> memref<1x128x128xf32, #tpu.memory_space<vmem>>
    %dma_wait3A_624 = tpu.memref_squeeze %dma_wait3A_623 : memref<1x128x128xf32, #tpu.memory_space<vmem>> -> memref<128x128xf32, #tpu.memory_space<vmem>>
    %dma_wait3A_625 = arith.constant 0 : i32
    %dma_wait3A_626 = tpu.memref_slice %arg8[%add3A_619, %dma_wait3A_625] : memref<10112x128xf32, #tpu.memory_space<vmem_shared>> -> memref<128x128xf32, #tpu.memory_space<vmem_shared>>
    %dma_wait3A_627 = arith.constant 0 : i32
    %dma_wait3A_628 = arith.constant 0 : i32
    %dma_wait3A_629 = tpu.memref_slice %arg7[%dma_wait3A_620, %dma_wait3A_627, %dma_wait3A_628] : memref<2x128x128xf32, #tpu.memory_space<vmem>> -> memref<1x128x128xf32, #tpu.memory_space<vmem>>
    %dma_wait3A_630 = tpu.memref_squeeze %dma_wait3A_629 : memref<1x128x128xf32, #tpu.memory_space<vmem>> -> memref<128x128xf32, #tpu.memory_space<vmem>>
    %dma_wait3A_631 = arith.constant 0 : i32
    %dma_wait3A_632 = tpu.memref_slice %arg8[%add3A_619, %dma_wait3A_631] : memref<10112x128xf32, #tpu.memory_space<vmem_shared>> -> memref<128x128xf32, #tpu.memory_space<vmem_shared>>
    tpu.wait_dma2 semaphore(%arg10 : memref<!tpu.dma_semaphore, #tpu.memory_space<semaphore_mem>>) src(%dma_wait3A_632 : memref<128x128xf32, #tpu.memory_space<vmem_shared>>) dst(%dma_wait3A_630 : memref<128x128xf32, #tpu.memory_space<vmem>>)
    %add3A_633 = arith.constant 384 : i32
    %add3A_634 = arith.addi %mul3A_2, %add3A_633 : i32
    %dma_start3A_635 = arith.constant 1 : i32
    %dma_start3A_636 = arith.constant 0 : i32
    %dma_start3A_637 = arith.constant 0 : i32
    %dma_start3A_638 = tpu.memref_slice %arg7[%dma_start3A_635, %dma_start3A_636, %dma_start3A_637] : memref<2x128x128xf32, #tpu.memory_space<vmem>> -> memref<1x128x128xf32, #tpu.memory_space<vmem>>
    %dma_start3A_639 = tpu.memref_squeeze %dma_start3A_638 : memref<1x128x128xf32, #tpu.memory_space<vmem>> -> memref<128x128xf32, #tpu.memory_space<vmem>>
    %dma_start3A_640 = arith.constant 0 : i32
    %dma_start3A_641 = tpu.memref_slice %arg5[%arg0, %add3A_634, %dma_start3A_640] : memref<2x10112x128xf32, #tpu.memory_space<hbm>> -> memref<1x128x128xf32, #tpu.memory_space<hbm>>
    %dma_start3A_642 = tpu.memref_squeeze %dma_start3A_641 : memref<1x128x128xf32, #tpu.memory_space<hbm>> -> memref<128x128xf32, #tpu.memory_space<hbm>>
    %dma_start3A_643 = arith.constant 0 : i32
    %dma_start3A_644 = tpu.memref_slice %arg5[%arg0, %add3A_634, %dma_start3A_643] : memref<2x10112x128xf32, #tpu.memory_space<hbm>> -> memref<1x128x128xf32, #tpu.memory_space<hbm>>
    %dma_start3A_645 = tpu.memref_squeeze %dma_start3A_644 : memref<1x128x128xf32, #tpu.memory_space<hbm>> -> memref<128x128xf32, #tpu.memory_space<hbm>>
    %dma_start3A_646 = arith.constant 0 : i32
    %dma_start3A_647 = arith.constant 0 : i32
    %dma_start3A_648 = tpu.memref_slice %arg7[%dma_start3A_635, %dma_start3A_646, %dma_start3A_647] : memref<2x128x128xf32, #tpu.memory_space<vmem>> -> memref<1x128x128xf32, #tpu.memory_space<vmem>>
    %dma_start3A_649 = tpu.memref_squeeze %dma_start3A_648 : memref<1x128x128xf32, #tpu.memory_space<vmem>> -> memref<128x128xf32, #tpu.memory_space<vmem>>
    tpu.enqueue_dma source(%dma_start3A_649 : memref<128x128xf32, #tpu.memory_space<vmem>>) target(%dma_start3A_645 : memref<128x128xf32, #tpu.memory_space<hbm>>) target_semaphore(%arg11 : memref<!tpu.dma_semaphore, #tpu.memory_space<semaphore_mem>>)
    %add3A_650 = arith.constant 256 : i32
    %add3A_651 = arith.addi %mul3A_2, %add3A_650 : i32
    %dma_wait3A_652 = arith.constant 0 : i32
    %dma_wait3A_653 = arith.constant 0 : i32
    %dma_wait3A_654 = arith.constant 0 : i32
    %dma_wait3A_655 = tpu.memref_slice %arg7[%dma_wait3A_652, %dma_wait3A_653, %dma_wait3A_654] : memref<2x128x128xf32, #tpu.memory_space<vmem>> -> memref<1x128x128xf32, #tpu.memory_space<vmem>>
    %dma_wait3A_656 = tpu.memref_squeeze %dma_wait3A_655 : memref<1x128x128xf32, #tpu.memory_space<vmem>> -> memref<128x128xf32, #tpu.memory_space<vmem>>
    %dma_wait3A_657 = arith.constant 0 : i32
    %dma_wait3A_658 = tpu.memref_slice %arg5[%arg0, %add3A_651, %dma_wait3A_657] : memref<2x10112x128xf32, #tpu.memory_space<hbm>> -> memref<1x128x128xf32, #tpu.memory_space<hbm>>
    %dma_wait3A_659 = tpu.memref_squeeze %dma_wait3A_658 : memref<1x128x128xf32, #tpu.memory_space<hbm>> -> memref<128x128xf32, #tpu.memory_space<hbm>>
    %dma_wait3A_660 = arith.constant 0 : i32
    %dma_wait3A_661 = tpu.memref_slice %arg5[%arg0, %add3A_651, %dma_wait3A_660] : memref<2x10112x128xf32, #tpu.memory_space<hbm>> -> memref<1x128x128xf32, #tpu.memory_space<hbm>>
    %dma_wait3A_662 = tpu.memref_squeeze %dma_wait3A_661 : memref<1x128x128xf32, #tpu.memory_space<hbm>> -> memref<128x128xf32, #tpu.memory_space<hbm>>
    %dma_wait3A_663 = arith.constant 0 : i32
    %dma_wait3A_664 = arith.constant 0 : i32
    %dma_wait3A_665 = tpu.memref_slice %arg7[%dma_wait3A_652, %dma_wait3A_663, %dma_wait3A_664] : memref<2x128x128xf32, #tpu.memory_space<vmem>> -> memref<1x128x128xf32, #tpu.memory_space<vmem>>
    %dma_wait3A_666 = tpu.memref_squeeze %dma_wait3A_665 : memref<1x128x128xf32, #tpu.memory_space<vmem>> -> memref<128x128xf32, #tpu.memory_space<vmem>>
    tpu.wait_dma2 semaphore(%arg11 : memref<!tpu.dma_semaphore, #tpu.memory_space<semaphore_mem>>) src(%dma_wait3A_666 : memref<128x128xf32, #tpu.memory_space<vmem>>) dst(%dma_wait3A_662 : memref<128x128xf32, #tpu.memory_space<hbm>>)
    %add3A_667 = arith.constant 512 : i32
    %add3A_668 = arith.addi %mul3A_2, %add3A_667 : i32
    %dma_start3A_669 = arith.constant 0 : i32
    %dma_start3A_670 = arith.constant 0 : i32
    %dma_start3A_671 = arith.constant 0 : i32
    %dma_start3A_672 = tpu.memref_slice %arg7[%dma_start3A_669, %dma_start3A_670, %dma_start3A_671] : memref<2x128x128xf32, #tpu.memory_space<vmem>> -> memref<1x120x128xf32, #tpu.memory_space<vmem>>
    %dma_start3A_673 = tpu.memref_squeeze %dma_start3A_672 : memref<1x120x128xf32, #tpu.memory_space<vmem>> -> memref<120x128xf32, #tpu.memory_space<vmem>>
    %dma_start3A_674 = arith.constant 0 : i32
    %dma_start3A_675 = tpu.memref_slice %arg8[%add3A_668, %dma_start3A_674] : memref<10112x128xf32, #tpu.memory_space<vmem_shared>> -> memref<120x128xf32, #tpu.memory_space<vmem_shared>>
    %dma_start3A_676 = arith.constant 0 : i32
    %dma_start3A_677 = arith.constant 0 : i32
    %dma_start3A_678 = tpu.memref_slice %arg7[%dma_start3A_669, %dma_start3A_676, %dma_start3A_677] : memref<2x128x128xf32, #tpu.memory_space<vmem>> -> memref<1x120x128xf32, #tpu.memory_space<vmem>>
    %dma_start3A_679 = tpu.memref_squeeze %dma_start3A_678 : memref<1x120x128xf32, #tpu.memory_space<vmem>> -> memref<120x128xf32, #tpu.memory_space<vmem>>
    %dma_start3A_680 = arith.constant 0 : i32
    %dma_start3A_681 = tpu.memref_slice %arg8[%add3A_668, %dma_start3A_680] : memref<10112x128xf32, #tpu.memory_space<vmem_shared>> -> memref<120x128xf32, #tpu.memory_space<vmem_shared>>
    tpu.enqueue_dma source(%dma_start3A_681 : memref<120x128xf32, #tpu.memory_space<vmem_shared>>) target(%dma_start3A_679 : memref<120x128xf32, #tpu.memory_space<vmem>>) target_semaphore(%arg10 : memref<!tpu.dma_semaphore, #tpu.memory_space<semaphore_mem>>)
    %add3A_682 = arith.constant 512 : i32
    %add3A_683 = arith.addi %mul3A_2, %add3A_682 : i32
    %dma_wait3A_684 = arith.constant 0 : i32
    %dma_wait3A_685 = arith.constant 0 : i32
    %dma_wait3A_686 = arith.constant 0 : i32
    %dma_wait3A_687 = tpu.memref_slice %arg7[%dma_wait3A_684, %dma_wait3A_685, %dma_wait3A_686] : memref<2x128x128xf32, #tpu.memory_space<vmem>> -> memref<1x120x128xf32, #tpu.memory_space<vmem>>
    %dma_wait3A_688 = tpu.memref_squeeze %dma_wait3A_687 : memref<1x120x128xf32, #tpu.memory_space<vmem>> -> memref<120x128xf32, #tpu.memory_space<vmem>>
    %dma_wait3A_689 = arith.constant 0 : i32
    %dma_wait3A_690 = tpu.memref_slice %arg8[%add3A_683, %dma_wait3A_689] : memref<10112x128xf32, #tpu.memory_space<vmem_shared>> -> memref<120x128xf32, #tpu.memory_space<vmem_shared>>
    %dma_wait3A_691 = arith.constant 0 : i32
    %dma_wait3A_692 = arith.constant 0 : i32
    %dma_wait3A_693 = tpu.memref_slice %arg7[%dma_wait3A_684, %dma_wait3A_691, %dma_wait3A_692] : memref<2x128x128xf32, #tpu.memory_space<vmem>> -> memref<1x120x128xf32, #tpu.memory_space<vmem>>
    %dma_wait3A_694 = tpu.memref_squeeze %dma_wait3A_693 : memref<1x120x128xf32, #tpu.memory_space<vmem>> -> memref<120x128xf32, #tpu.memory_space<vmem>>
    %dma_wait3A_695 = arith.constant 0 : i32
    %dma_wait3A_696 = tpu.memref_slice %arg8[%add3A_683, %dma_wait3A_695] : memref<10112x128xf32, #tpu.memory_space<vmem_shared>> -> memref<120x128xf32, #tpu.memory_space<vmem_shared>>
    tpu.wait_dma2 semaphore(%arg10 : memref<!tpu.dma_semaphore, #tpu.memory_space<semaphore_mem>>) src(%dma_wait3A_696 : memref<120x128xf32, #tpu.memory_space<vmem_shared>>) dst(%dma_wait3A_694 : memref<120x128xf32, #tpu.memory_space<vmem>>)
    %add3A_697 = arith.constant 512 : i32
    %add3A_698 = arith.addi %mul3A_2, %add3A_697 : i32
    %dma_start3A_699 = arith.constant 0 : i32
    %dma_start3A_700 = arith.constant 0 : i32
    %dma_start3A_701 = arith.constant 0 : i32
    %dma_start3A_702 = tpu.memref_slice %arg7[%dma_start3A_699, %dma_start3A_700, %dma_start3A_701] : memref<2x128x128xf32, #tpu.memory_space<vmem>> -> memref<1x120x128xf32, #tpu.memory_space<vmem>>
    %dma_start3A_703 = tpu.memref_squeeze %dma_start3A_702 : memref<1x120x128xf32, #tpu.memory_space<vmem>> -> memref<120x128xf32, #tpu.memory_space<vmem>>
    %dma_start3A_704 = arith.constant 0 : i32
    %dma_start3A_705 = tpu.memref_slice %arg5[%arg0, %add3A_698, %dma_start3A_704] : memref<2x10112x128xf32, #tpu.memory_space<hbm>> -> memref<1x120x128xf32, #tpu.memory_space<hbm>>
    %dma_start3A_706 = tpu.memref_squeeze %dma_start3A_705 : memref<1x120x128xf32, #tpu.memory_space<hbm>> -> memref<120x128xf32, #tpu.memory_space<hbm>>
    %dma_start3A_707 = arith.constant 0 : i32
    %dma_start3A_708 = tpu.memref_slice %arg5[%arg0, %add3A_698, %dma_start3A_707] : memref<2x10112x128xf32, #tpu.memory_space<hbm>> -> memref<1x120x128xf32, #tpu.memory_space<hbm>>
    %dma_start3A_709 = tpu.memref_squeeze %dma_start3A_708 : memref<1x120x128xf32, #tpu.memory_space<hbm>> -> memref<120x128xf32, #tpu.memory_space<hbm>>
    %dma_start3A_710 = arith.constant 0 : i32
    %dma_start3A_711 = arith.constant 0 : i32
    %dma_start3A_712 = tpu.memref_slice %arg7[%dma_start3A_699, %dma_start3A_710, %dma_start3A_711] : memref<2x128x128xf32, #tpu.memory_space<vmem>> -> memref<1x120x128xf32, #tpu.memory_space<vmem>>
    %dma_start3A_713 = tpu.memref_squeeze %dma_start3A_712 : memref<1x120x128xf32, #tpu.memory_space<vmem>> -> memref<120x128xf32, #tpu.memory_space<vmem>>
    tpu.enqueue_dma source(%dma_start3A_713 : memref<120x128xf32, #tpu.memory_space<vmem>>) target(%dma_start3A_709 : memref<120x128xf32, #tpu.memory_space<hbm>>) target_semaphore(%arg11 : memref<!tpu.dma_semaphore, #tpu.memory_space<semaphore_mem>>)
    %add3A_714 = arith.constant 384 : i32
    %add3A_715 = arith.addi %mul3A_2, %add3A_714 : i32
    %dma_wait3A_716 = arith.constant 1 : i32
    %dma_wait3A_717 = arith.constant 0 : i32
    %dma_wait3A_718 = arith.constant 0 : i32
    %dma_wait3A_719 = tpu.memref_slice %arg7[%dma_wait3A_716, %dma_wait3A_717, %dma_wait3A_718] : memref<2x128x128xf32, #tpu.memory_space<vmem>> -> memref<1x128x128xf32, #tpu.memory_space<vmem>>
    %dma_wait3A_720 = tpu.memref_squeeze %dma_wait3A_719 : memref<1x128x128xf32, #tpu.memory_space<vmem>> -> memref<128x128xf32, #tpu.memory_space<vmem>>
    %dma_wait3A_721 = arith.constant 0 : i32
    %dma_wait3A_722 = tpu.memref_slice %arg5[%arg0, %add3A_715, %dma_wait3A_721] : memref<2x10112x128xf32, #tpu.memory_space<hbm>> -> memref<1x128x128xf32, #tpu.memory_space<hbm>>
    %dma_wait3A_723 = tpu.memref_squeeze %dma_wait3A_722 : memref<1x128x128xf32, #tpu.memory_space<hbm>> -> memref<128x128xf32, #tpu.memory_space<hbm>>
    %dma_wait3A_724 = arith.constant 0 : i32
    %dma_wait3A_725 = tpu.memref_slice %arg5[%arg0, %add3A_715, %dma_wait3A_724] : memref<2x10112x128xf32, #tpu.memory_space<hbm>> -> memref<1x128x128xf32, #tpu.memory_space<hbm>>
    %dma_wait3A_726 = tpu.memref_squeeze %dma_wait3A_725 : memref<1x128x128xf32, #tpu.memory_space<hbm>> -> memref<128x128xf32, #tpu.memory_space<hbm>>
    %dma_wait3A_727 = arith.constant 0 : i32
    %dma_wait3A_728 = arith.constant 0 : i32
    %dma_wait3A_729 = tpu.memref_slice %arg7[%dma_wait3A_716, %dma_wait3A_727, %dma_wait3A_728] : memref<2x128x128xf32, #tpu.memory_space<vmem>> -> memref<1x128x128xf32, #tpu.memory_space<vmem>>
    %dma_wait3A_730 = tpu.memref_squeeze %dma_wait3A_729 : memref<1x128x128xf32, #tpu.memory_space<vmem>> -> memref<128x128xf32, #tpu.memory_space<vmem>>
    tpu.wait_dma2 semaphore(%arg11 : memref<!tpu.dma_semaphore, #tpu.memory_space<semaphore_mem>>) src(%dma_wait3A_730 : memref<128x128xf32, #tpu.memory_space<vmem>>) dst(%dma_wait3A_726 : memref<128x128xf32, #tpu.memory_space<hbm>>)
    %add3A_731 = arith.constant 512 : i32
    %add3A_732 = arith.addi %mul3A_2, %add3A_731 : i32
    %dma_wait3A_733 = arith.constant 0 : i32
    %dma_wait3A_734 = arith.constant 0 : i32
    %dma_wait3A_735 = arith.constant 0 : i32
    %dma_wait3A_736 = tpu.memref_slice %arg7[%dma_wait3A_733, %dma_wait3A_734, %dma_wait3A_735] : memref<2x128x128xf32, #tpu.memory_space<vmem>> -> memref<1x120x128xf32, #tpu.memory_space<vmem>>
    %dma_wait3A_737 = tpu.memref_squeeze %dma_wait3A_736 : memref<1x120x128xf32, #tpu.memory_space<vmem>> -> memref<120x128xf32, #tpu.memory_space<vmem>>
    %dma_wait3A_738 = arith.constant 0 : i32
    %dma_wait3A_739 = tpu.memref_slice %arg5[%arg0, %add3A_732, %dma_wait3A_738] : memref<2x10112x128xf32, #tpu.memory_space<hbm>> -> memref<1x120x128xf32, #tpu.memory_space<hbm>>
    %dma_wait3A_740 = tpu.memref_squeeze %dma_wait3A_739 : memref<1x120x128xf32, #tpu.memory_space<hbm>> -> memref<120x128xf32, #tpu.memory_space<hbm>>
    %dma_wait3A_741 = arith.constant 0 : i32
    %dma_wait3A_742 = tpu.memref_slice %arg5[%arg0, %add3A_732, %dma_wait3A_741] : memref<2x10112x128xf32, #tpu.memory_space<hbm>> -> memref<1x120x128xf32, #tpu.memory_space<hbm>>
    %dma_wait3A_743 = tpu.memref_squeeze %dma_wait3A_742 : memref<1x120x128xf32, #tpu.memory_space<hbm>> -> memref<120x128xf32, #tpu.memory_space<hbm>>
    %dma_wait3A_744 = arith.constant 0 : i32
    %dma_wait3A_745 = arith.constant 0 : i32
    %dma_wait3A_746 = tpu.memref_slice %arg7[%dma_wait3A_733, %dma_wait3A_744, %dma_wait3A_745] : memref<2x128x128xf32, #tpu.memory_space<vmem>> -> memref<1x120x128xf32, #tpu.memory_space<vmem>>
    %dma_wait3A_747 = tpu.memref_squeeze %dma_wait3A_746 : memref<1x120x128xf32, #tpu.memory_space<vmem>> -> memref<120x128xf32, #tpu.memory_space<vmem>>
    tpu.wait_dma2 semaphore(%arg11 : memref<!tpu.dma_semaphore, #tpu.memory_space<semaphore_mem>>) src(%dma_wait3A_747 : memref<120x128xf32, #tpu.memory_space<vmem>>) dst(%dma_wait3A_743 : memref<120x128xf32, #tpu.memory_space<hbm>>)
    return
  }
}

#map = affine_map<(d0, d1) -> (0, 0)>
#map1 = affine_map<(d0, d1) -> (0, 0, 0, 0, 0)>
#map2 = affine_map<(d0, d1) -> (0, 0, 0)>
module attributes {stable_mosaic.version = 14 : i64} {
  func.func @_msgpass_body(%arg0: i32, %arg1: i32, %arg2: memref<10000x128xf32, #tpu.memory_space<hbm>>, %arg3: memref<32x40x2x2x128xi32, #tpu.memory_space<hbm>>, %arg4: memref<128x128xf32, #tpu.memory_space<hbm>>, %arg5: memref<2x10112x128xf32, #tpu.memory_space<hbm>>, %arg6: memref<2x2x2x128xi32, #tpu.memory_space<vmem>>, %arg7: memref<2x128x128xf32, #tpu.memory_space<vmem>>, %arg8: memref<10112x128xf32, #tpu.memory_space<vmem_shared>>, %arg9: memref<!tpu.dma_semaphore, #tpu.memory_space<semaphore_mem>>, %arg10: memref<!tpu.dma_semaphore, #tpu.memory_space<semaphore_mem>>, %arg11: memref<!tpu.dma_semaphore, #tpu.memory_space<semaphore_mem>>, %arg12: memref<!tpu.dma_semaphore, #tpu.memory_space<semaphore_mem>>, %arg13: memref<!tpu.dma_semaphore, #tpu.memory_space<semaphore_mem>>) attributes {dimension_semantics = [#tpu.dimension_semantics<core_parallel>, #tpu.dimension_semantics<subcore_parallel>], iteration_bounds = array<i64: 2, 16>, scalar_prefetch = 0 : i64, scratch_operands = 8 : i64, tpu.core_type = #tpu.core_type<sc_vector_subcore>, window_params = [{transform_indices = #map}, {transform_indices = #map1}, {transform_indices = #map}, {transform_indices = #map2}]} {
    %mul3A = arith.constant 16 : i32
    %mul3A_0 = arith.muli %arg0, %mul3A : i32
    %add3A = arith.addi %mul3A_0, %arg1 : i32
    %mul3A_1 = arith.constant 632 : i32
    %mul3A_2 = arith.muli %arg1, %mul3A_1 : i32
    %run_scoped3A = arith.constant 0 : i32
    "tpu.region"() ({
      %run_scoped3A_748 = tpu.sem_alloc : memref<!tpu.dma_semaphore, #tpu.memory_space<semaphore_mem>>
      %dma_start3A_749 = arith.constant 0 : i32
      %dma_start3A_750 = arith.constant 0 : i32
      %dma_start3A_751 = tpu.memref_slice %arg7[%run_scoped3A, %dma_start3A_749, %dma_start3A_750] : memref<2x128x128xf32, #tpu.memory_space<vmem>> -> memref<1x128x128xf32, #tpu.memory_space<vmem>>
      %dma_start3A_752 = tpu.memref_squeeze %dma_start3A_751 : memref<1x128x128xf32, #tpu.memory_space<vmem>> -> memref<128x128xf32, #tpu.memory_space<vmem>>
      %dma_start3A_753 = arith.constant 0 : i32
      %dma_start3A_754 = arith.constant 0 : i32
      %dma_start3A_755 = tpu.memref_slice %arg7[%run_scoped3A, %dma_start3A_753, %dma_start3A_754] : memref<2x128x128xf32, #tpu.memory_space<vmem>> -> memref<1x128x128xf32, #tpu.memory_space<vmem>>
      %dma_start3A_756 = tpu.memref_squeeze %dma_start3A_755 : memref<1x128x128xf32, #tpu.memory_space<vmem>> -> memref<128x128xf32, #tpu.memory_space<vmem>>
      tpu.enqueue_dma source(%arg4 : memref<128x128xf32, #tpu.memory_space<hbm>>) target(%dma_start3A_756 : memref<128x128xf32, #tpu.memory_space<vmem>>) target_semaphore(%run_scoped3A_748 : memref<!tpu.dma_semaphore, #tpu.memory_space<semaphore_mem>>)
      %dma_wait3A_757 = arith.constant 0 : i32
      %dma_wait3A_758 = arith.constant 0 : i32
      %dma_wait3A_759 = tpu.memref_slice %arg7[%run_scoped3A, %dma_wait3A_757, %dma_wait3A_758] : memref<2x128x128xf32, #tpu.memory_space<vmem>> -> memref<1x128x128xf32, #tpu.memory_space<vmem>>
      %dma_wait3A_760 = tpu.memref_squeeze %dma_wait3A_759 : memref<1x128x128xf32, #tpu.memory_space<vmem>> -> memref<128x128xf32, #tpu.memory_space<vmem>>
      %dma_wait3A_761 = arith.constant 0 : i32
      %dma_wait3A_762 = arith.constant 0 : i32
      %dma_wait3A_763 = tpu.memref_slice %arg7[%run_scoped3A, %dma_wait3A_761, %dma_wait3A_762] : memref<2x128x128xf32, #tpu.memory_space<vmem>> -> memref<1x128x128xf32, #tpu.memory_space<vmem>>
      %dma_wait3A_764 = tpu.memref_squeeze %dma_wait3A_763 : memref<1x128x128xf32, #tpu.memory_space<vmem>> -> memref<128x128xf32, #tpu.memory_space<vmem>>
      tpu.wait_dma2 semaphore(%run_scoped3A_748 : memref<!tpu.dma_semaphore, #tpu.memory_space<semaphore_mem>>) src(%arg4 : memref<128x128xf32, #tpu.memory_space<hbm>>) dst(%dma_wait3A_764 : memref<128x128xf32, #tpu.memory_space<vmem>>)
      tpu.yield
    }) : () -> ()
    %add3A_3 = arith.constant 0 : i32
    %add3A_4 = arith.addi %mul3A_2, %add3A_3 : i32
    %dma_start3A = arith.constant 0 : i32
    %dma_start3A_5 = arith.constant 0 : i32
    %dma_start3A_6 = arith.constant 0 : i32
    %dma_start3A_7 = tpu.memref_slice %arg7[%dma_start3A, %dma_start3A_5, %dma_start3A_6] : memref<2x128x128xf32, #tpu.memory_space<vmem>> -> memref<1x128x128xf32, #tpu.memory_space<vmem>>
    %dma_start3A_8 = tpu.memref_squeeze %dma_start3A_7 : memref<1x128x128xf32, #tpu.memory_space<vmem>> -> memref<128x128xf32, #tpu.memory_space<vmem>>
    %dma_start3A_9 = arith.constant 0 : i32
    %dma_start3A_10 = tpu.memref_slice %arg8[%add3A_4, %dma_start3A_9] : memref<10112x128xf32, #tpu.memory_space<vmem_shared>> -> memref<128x128xf32, #tpu.memory_space<vmem_shared>>
    %dma_start3A_11 = arith.constant 0 : i32
    %dma_start3A_12 = tpu.memref_slice %arg8[%add3A_4, %dma_start3A_11] : memref<10112x128xf32, #tpu.memory_space<vmem_shared>> -> memref<128x128xf32, #tpu.memory_space<vmem_shared>>
    %dma_start3A_13 = arith.constant 0 : i32
    %dma_start3A_14 = arith.constant 0 : i32
    %dma_start3A_15 = tpu.memref_slice %arg7[%dma_start3A, %dma_start3A_13, %dma_start3A_14] : memref<2x128x128xf32, #tpu.memory_space<vmem>> -> memref<1x128x128xf32, #tpu.memory_space<vmem>>
    %dma_start3A_16 = tpu.memref_squeeze %dma_start3A_15 : memref<1x128x128xf32, #tpu.memory_space<vmem>> -> memref<128x128xf32, #tpu.memory_space<vmem>>
    tpu.enqueue_dma source(%dma_start3A_16 : memref<128x128xf32, #tpu.memory_space<vmem>>) target(%dma_start3A_12 : memref<128x128xf32, #tpu.memory_space<vmem_shared>>) target_semaphore(%arg9 : memref<!tpu.dma_semaphore, #tpu.memory_space<semaphore_mem>>)
    %add3A_17 = arith.constant 128 : i32
    %add3A_18 = arith.addi %mul3A_2, %add3A_17 : i32
    %dma_start3A_19 = arith.constant 0 : i32
    %dma_start3A_20 = arith.constant 0 : i32
    %dma_start3A_21 = arith.constant 0 : i32
    %dma_start3A_22 = tpu.memref_slice %arg7[%dma_start3A_19, %dma_start3A_20, %dma_start3A_21] : memref<2x128x128xf32, #tpu.memory_space<vmem>> -> memref<1x128x128xf32, #tpu.memory_space<vmem>>
    %dma_start3A_23 = tpu.memref_squeeze %dma_start3A_22 : memref<1x128x128xf32, #tpu.memory_space<vmem>> -> memref<128x128xf32, #tpu.memory_space<vmem>>
    %dma_start3A_24 = arith.constant 0 : i32
    %dma_start3A_25 = tpu.memref_slice %arg8[%add3A_18, %dma_start3A_24] : memref<10112x128xf32, #tpu.memory_space<vmem_shared>> -> memref<128x128xf32, #tpu.memory_space<vmem_shared>>
    %dma_start3A_26 = arith.constant 0 : i32
    %dma_start3A_27 = tpu.memref_slice %arg8[%add3A_18, %dma_start3A_26] : memref<10112x128xf32, #tpu.memory_space<vmem_shared>> -> memref<128x128xf32, #tpu.memory_space<vmem_shared>>
    %dma_start3A_28 = arith.constant 0 : i32
    %dma_start3A_29 = arith.constant 0 : i32
    %dma_start3A_30 = tpu.memref_slice %arg7[%dma_start3A_19, %dma_start3A_28, %dma_start3A_29] : memref<2x128x128xf32, #tpu.memory_space<vmem>> -> memref<1x128x128xf32, #tpu.memory_space<vmem>>
    %dma_start3A_31 = tpu.memref_squeeze %dma_start3A_30 : memref<1x128x128xf32, #tpu.memory_space<vmem>> -> memref<128x128xf32, #tpu.memory_space<vmem>>
    tpu.enqueue_dma source(%dma_start3A_31 : memref<128x128xf32, #tpu.memory_space<vmem>>) target(%dma_start3A_27 : memref<128x128xf32, #tpu.memory_space<vmem_shared>>) target_semaphore(%arg9 : memref<!tpu.dma_semaphore, #tpu.memory_space<semaphore_mem>>)
    %add3A_32 = arith.constant 256 : i32
    %add3A_33 = arith.addi %mul3A_2, %add3A_32 : i32
    %dma_start3A_34 = arith.constant 0 : i32
    %dma_start3A_35 = arith.constant 0 : i32
    %dma_start3A_36 = arith.constant 0 : i32
    %dma_start3A_37 = tpu.memref_slice %arg7[%dma_start3A_34, %dma_start3A_35, %dma_start3A_36] : memref<2x128x128xf32, #tpu.memory_space<vmem>> -> memref<1x128x128xf32, #tpu.memory_space<vmem>>
    %dma_start3A_38 = tpu.memref_squeeze %dma_start3A_37 : memref<1x128x128xf32, #tpu.memory_space<vmem>> -> memref<128x128xf32, #tpu.memory_space<vmem>>
    %dma_start3A_39 = arith.constant 0 : i32
    %dma_start3A_40 = tpu.memref_slice %arg8[%add3A_33, %dma_start3A_39] : memref<10112x128xf32, #tpu.memory_space<vmem_shared>> -> memref<128x128xf32, #tpu.memory_space<vmem_shared>>
    %dma_start3A_41 = arith.constant 0 : i32
    %dma_start3A_42 = tpu.memref_slice %arg8[%add3A_33, %dma_start3A_41] : memref<10112x128xf32, #tpu.memory_space<vmem_shared>> -> memref<128x128xf32, #tpu.memory_space<vmem_shared>>
    %dma_start3A_43 = arith.constant 0 : i32
    %dma_start3A_44 = arith.constant 0 : i32
    %dma_start3A_45 = tpu.memref_slice %arg7[%dma_start3A_34, %dma_start3A_43, %dma_start3A_44] : memref<2x128x128xf32, #tpu.memory_space<vmem>> -> memref<1x128x128xf32, #tpu.memory_space<vmem>>
    %dma_start3A_46 = tpu.memref_squeeze %dma_start3A_45 : memref<1x128x128xf32, #tpu.memory_space<vmem>> -> memref<128x128xf32, #tpu.memory_space<vmem>>
    tpu.enqueue_dma source(%dma_start3A_46 : memref<128x128xf32, #tpu.memory_space<vmem>>) target(%dma_start3A_42 : memref<128x128xf32, #tpu.memory_space<vmem_shared>>) target_semaphore(%arg9 : memref<!tpu.dma_semaphore, #tpu.memory_space<semaphore_mem>>)
    %add3A_47 = arith.constant 384 : i32
    %add3A_48 = arith.addi %mul3A_2, %add3A_47 : i32
    %dma_start3A_49 = arith.constant 0 : i32
    %dma_start3A_50 = arith.constant 0 : i32
    %dma_start3A_51 = arith.constant 0 : i32
    %dma_start3A_52 = tpu.memref_slice %arg7[%dma_start3A_49, %dma_start3A_50, %dma_start3A_51] : memref<2x128x128xf32, #tpu.memory_space<vmem>> -> memref<1x128x128xf32, #tpu.memory_space<vmem>>
    %dma_start3A_53 = tpu.memref_squeeze %dma_start3A_52 : memref<1x128x128xf32, #tpu.memory_space<vmem>> -> memref<128x128xf32, #tpu.memory_space<vmem>>
    %dma_start3A_54 = arith.constant 0 : i32
    %dma_start3A_55 = tpu.memref_slice %arg8[%add3A_48, %dma_start3A_54] : memref<10112x128xf32, #tpu.memory_space<vmem_shared>> -> memref<128x128xf32, #tpu.memory_space<vmem_shared>>
    %dma_start3A_56 = arith.constant 0 : i32
    %dma_start3A_57 = tpu.memref_slice %arg8[%add3A_48, %dma_start3A_56] : memref<10112x128xf32, #tpu.memory_space<vmem_shared>> -> memref<128x128xf32, #tpu.memory_space<vmem_shared>>
    %dma_start3A_58 = arith.constant 0 : i32
    %dma_start3A_59 = arith.constant 0 : i32
    %dma_start3A_60 = tpu.memref_slice %arg7[%dma_start3A_49, %dma_start3A_58, %dma_start3A_59] : memref<2x128x128xf32, #tpu.memory_space<vmem>> -> memref<1x128x128xf32, #tpu.memory_space<vmem>>
    %dma_start3A_61 = tpu.memref_squeeze %dma_start3A_60 : memref<1x128x128xf32, #tpu.memory_space<vmem>> -> memref<128x128xf32, #tpu.memory_space<vmem>>
    tpu.enqueue_dma source(%dma_start3A_61 : memref<128x128xf32, #tpu.memory_space<vmem>>) target(%dma_start3A_57 : memref<128x128xf32, #tpu.memory_space<vmem_shared>>) target_semaphore(%arg9 : memref<!tpu.dma_semaphore, #tpu.memory_space<semaphore_mem>>)
    %add3A_62 = arith.constant 512 : i32
    %add3A_63 = arith.addi %mul3A_2, %add3A_62 : i32
    %dma_start3A_64 = arith.constant 0 : i32
    %dma_start3A_65 = arith.constant 0 : i32
    %dma_start3A_66 = arith.constant 0 : i32
    %dma_start3A_67 = tpu.memref_slice %arg7[%dma_start3A_64, %dma_start3A_65, %dma_start3A_66] : memref<2x128x128xf32, #tpu.memory_space<vmem>> -> memref<1x120x128xf32, #tpu.memory_space<vmem>>
    %dma_start3A_68 = tpu.memref_squeeze %dma_start3A_67 : memref<1x120x128xf32, #tpu.memory_space<vmem>> -> memref<120x128xf32, #tpu.memory_space<vmem>>
    %dma_start3A_69 = arith.constant 0 : i32
    %dma_start3A_70 = tpu.memref_slice %arg8[%add3A_63, %dma_start3A_69] : memref<10112x128xf32, #tpu.memory_space<vmem_shared>> -> memref<120x128xf32, #tpu.memory_space<vmem_shared>>
    %dma_start3A_71 = arith.constant 0 : i32
    %dma_start3A_72 = tpu.memref_slice %arg8[%add3A_63, %dma_start3A_71] : memref<10112x128xf32, #tpu.memory_space<vmem_shared>> -> memref<120x128xf32, #tpu.memory_space<vmem_shared>>
    %dma_start3A_73 = arith.constant 0 : i32
    %dma_start3A_74 = arith.constant 0 : i32
    %dma_start3A_75 = tpu.memref_slice %arg7[%dma_start3A_64, %dma_start3A_73, %dma_start3A_74] : memref<2x128x128xf32, #tpu.memory_space<vmem>> -> memref<1x120x128xf32, #tpu.memory_space<vmem>>
    %dma_start3A_76 = tpu.memref_squeeze %dma_start3A_75 : memref<1x120x128xf32, #tpu.memory_space<vmem>> -> memref<120x128xf32, #tpu.memory_space<vmem>>
    tpu.enqueue_dma source(%dma_start3A_76 : memref<120x128xf32, #tpu.memory_space<vmem>>) target(%dma_start3A_72 : memref<120x128xf32, #tpu.memory_space<vmem_shared>>) target_semaphore(%arg9 : memref<!tpu.dma_semaphore, #tpu.memory_space<semaphore_mem>>)
    %add3A_77 = arith.constant 0 : i32
    %add3A_78 = arith.addi %mul3A_2, %add3A_77 : i32
    %dma_wait3A = arith.constant 0 : i32
    %dma_wait3A_79 = arith.constant 0 : i32
    %dma_wait3A_80 = arith.constant 0 : i32
    %dma_wait3A_81 = tpu.memref_slice %arg7[%dma_wait3A, %dma_wait3A_79, %dma_wait3A_80] : memref<2x128x128xf32, #tpu.memory_space<vmem>> -> memref<1x128x128xf32, #tpu.memory_space<vmem>>
    %dma_wait3A_82 = tpu.memref_squeeze %dma_wait3A_81 : memref<1x128x128xf32, #tpu.memory_space<vmem>> -> memref<128x128xf32, #tpu.memory_space<vmem>>
    %dma_wait3A_83 = arith.constant 0 : i32
    %dma_wait3A_84 = tpu.memref_slice %arg8[%add3A_78, %dma_wait3A_83] : memref<10112x128xf32, #tpu.memory_space<vmem_shared>> -> memref<128x128xf32, #tpu.memory_space<vmem_shared>>
    %dma_wait3A_85 = arith.constant 0 : i32
    %dma_wait3A_86 = tpu.memref_slice %arg8[%add3A_78, %dma_wait3A_85] : memref<10112x128xf32, #tpu.memory_space<vmem_shared>> -> memref<128x128xf32, #tpu.memory_space<vmem_shared>>
    %dma_wait3A_87 = arith.constant 0 : i32
    %dma_wait3A_88 = arith.constant 0 : i32
    %dma_wait3A_89 = tpu.memref_slice %arg7[%dma_wait3A, %dma_wait3A_87, %dma_wait3A_88] : memref<2x128x128xf32, #tpu.memory_space<vmem>> -> memref<1x128x128xf32, #tpu.memory_space<vmem>>
    %dma_wait3A_90 = tpu.memref_squeeze %dma_wait3A_89 : memref<1x128x128xf32, #tpu.memory_space<vmem>> -> memref<128x128xf32, #tpu.memory_space<vmem>>
    tpu.wait_dma2 semaphore(%arg9 : memref<!tpu.dma_semaphore, #tpu.memory_space<semaphore_mem>>) src(%dma_wait3A_90 : memref<128x128xf32, #tpu.memory_space<vmem>>) dst(%dma_wait3A_86 : memref<128x128xf32, #tpu.memory_space<vmem_shared>>)
    %add3A_91 = arith.constant 128 : i32
    %add3A_92 = arith.addi %mul3A_2, %add3A_91 : i32
    %dma_wait3A_93 = arith.constant 0 : i32
    %dma_wait3A_94 = arith.constant 0 : i32
    %dma_wait3A_95 = arith.constant 0 : i32
    %dma_wait3A_96 = tpu.memref_slice %arg7[%dma_wait3A_93, %dma_wait3A_94, %dma_wait3A_95] : memref<2x128x128xf32, #tpu.memory_space<vmem>> -> memref<1x128x128xf32, #tpu.memory_space<vmem>>
    %dma_wait3A_97 = tpu.memref_squeeze %dma_wait3A_96 : memref<1x128x128xf32, #tpu.memory_space<vmem>> -> memref<128x128xf32, #tpu.memory_space<vmem>>
    %dma_wait3A_98 = arith.constant 0 : i32
    %dma_wait3A_99 = tpu.memref_slice %arg8[%add3A_92, %dma_wait3A_98] : memref<10112x128xf32, #tpu.memory_space<vmem_shared>> -> memref<128x128xf32, #tpu.memory_space<vmem_shared>>
    %dma_wait3A_100 = arith.constant 0 : i32
    %dma_wait3A_101 = tpu.memref_slice %arg8[%add3A_92, %dma_wait3A_100] : memref<10112x128xf32, #tpu.memory_space<vmem_shared>> -> memref<128x128xf32, #tpu.memory_space<vmem_shared>>
    %dma_wait3A_102 = arith.constant 0 : i32
    %dma_wait3A_103 = arith.constant 0 : i32
    %dma_wait3A_104 = tpu.memref_slice %arg7[%dma_wait3A_93, %dma_wait3A_102, %dma_wait3A_103] : memref<2x128x128xf32, #tpu.memory_space<vmem>> -> memref<1x128x128xf32, #tpu.memory_space<vmem>>
    %dma_wait3A_105 = tpu.memref_squeeze %dma_wait3A_104 : memref<1x128x128xf32, #tpu.memory_space<vmem>> -> memref<128x128xf32, #tpu.memory_space<vmem>>
    tpu.wait_dma2 semaphore(%arg9 : memref<!tpu.dma_semaphore, #tpu.memory_space<semaphore_mem>>) src(%dma_wait3A_105 : memref<128x128xf32, #tpu.memory_space<vmem>>) dst(%dma_wait3A_101 : memref<128x128xf32, #tpu.memory_space<vmem_shared>>)
    %add3A_106 = arith.constant 256 : i32
    %add3A_107 = arith.addi %mul3A_2, %add3A_106 : i32
    %dma_wait3A_108 = arith.constant 0 : i32
    %dma_wait3A_109 = arith.constant 0 : i32
    %dma_wait3A_110 = arith.constant 0 : i32
    %dma_wait3A_111 = tpu.memref_slice %arg7[%dma_wait3A_108, %dma_wait3A_109, %dma_wait3A_110] : memref<2x128x128xf32, #tpu.memory_space<vmem>> -> memref<1x128x128xf32, #tpu.memory_space<vmem>>
    %dma_wait3A_112 = tpu.memref_squeeze %dma_wait3A_111 : memref<1x128x128xf32, #tpu.memory_space<vmem>> -> memref<128x128xf32, #tpu.memory_space<vmem>>
    %dma_wait3A_113 = arith.constant 0 : i32
    %dma_wait3A_114 = tpu.memref_slice %arg8[%add3A_107, %dma_wait3A_113] : memref<10112x128xf32, #tpu.memory_space<vmem_shared>> -> memref<128x128xf32, #tpu.memory_space<vmem_shared>>
    %dma_wait3A_115 = arith.constant 0 : i32
    %dma_wait3A_116 = tpu.memref_slice %arg8[%add3A_107, %dma_wait3A_115] : memref<10112x128xf32, #tpu.memory_space<vmem_shared>> -> memref<128x128xf32, #tpu.memory_space<vmem_shared>>
    %dma_wait3A_117 = arith.constant 0 : i32
    %dma_wait3A_118 = arith.constant 0 : i32
    %dma_wait3A_119 = tpu.memref_slice %arg7[%dma_wait3A_108, %dma_wait3A_117, %dma_wait3A_118] : memref<2x128x128xf32, #tpu.memory_space<vmem>> -> memref<1x128x128xf32, #tpu.memory_space<vmem>>
    %dma_wait3A_120 = tpu.memref_squeeze %dma_wait3A_119 : memref<1x128x128xf32, #tpu.memory_space<vmem>> -> memref<128x128xf32, #tpu.memory_space<vmem>>
    tpu.wait_dma2 semaphore(%arg9 : memref<!tpu.dma_semaphore, #tpu.memory_space<semaphore_mem>>) src(%dma_wait3A_120 : memref<128x128xf32, #tpu.memory_space<vmem>>) dst(%dma_wait3A_116 : memref<128x128xf32, #tpu.memory_space<vmem_shared>>)
    %add3A_121 = arith.constant 384 : i32
    %add3A_122 = arith.addi %mul3A_2, %add3A_121 : i32
    %dma_wait3A_123 = arith.constant 0 : i32
    %dma_wait3A_124 = arith.constant 0 : i32
    %dma_wait3A_125 = arith.constant 0 : i32
    %dma_wait3A_126 = tpu.memref_slice %arg7[%dma_wait3A_123, %dma_wait3A_124, %dma_wait3A_125] : memref<2x128x128xf32, #tpu.memory_space<vmem>> -> memref<1x128x128xf32, #tpu.memory_space<vmem>>
    %dma_wait3A_127 = tpu.memref_squeeze %dma_wait3A_126 : memref<1x128x128xf32, #tpu.memory_space<vmem>> -> memref<128x128xf32, #tpu.memory_space<vmem>>
    %dma_wait3A_128 = arith.constant 0 : i32
    %dma_wait3A_129 = tpu.memref_slice %arg8[%add3A_122, %dma_wait3A_128] : memref<10112x128xf32, #tpu.memory_space<vmem_shared>> -> memref<128x128xf32, #tpu.memory_space<vmem_shared>>
    %dma_wait3A_130 = arith.constant 0 : i32
    %dma_wait3A_131 = tpu.memref_slice %arg8[%add3A_122, %dma_wait3A_130] : memref<10112x128xf32, #tpu.memory_space<vmem_shared>> -> memref<128x128xf32, #tpu.memory_space<vmem_shared>>
    %dma_wait3A_132 = arith.constant 0 : i32
    %dma_wait3A_133 = arith.constant 0 : i32
    %dma_wait3A_134 = tpu.memref_slice %arg7[%dma_wait3A_123, %dma_wait3A_132, %dma_wait3A_133] : memref<2x128x128xf32, #tpu.memory_space<vmem>> -> memref<1x128x128xf32, #tpu.memory_space<vmem>>
    %dma_wait3A_135 = tpu.memref_squeeze %dma_wait3A_134 : memref<1x128x128xf32, #tpu.memory_space<vmem>> -> memref<128x128xf32, #tpu.memory_space<vmem>>
    tpu.wait_dma2 semaphore(%arg9 : memref<!tpu.dma_semaphore, #tpu.memory_space<semaphore_mem>>) src(%dma_wait3A_135 : memref<128x128xf32, #tpu.memory_space<vmem>>) dst(%dma_wait3A_131 : memref<128x128xf32, #tpu.memory_space<vmem_shared>>)
    %add3A_136 = arith.constant 512 : i32
    %add3A_137 = arith.addi %mul3A_2, %add3A_136 : i32
    %dma_wait3A_138 = arith.constant 0 : i32
    %dma_wait3A_139 = arith.constant 0 : i32
    %dma_wait3A_140 = arith.constant 0 : i32
    %dma_wait3A_141 = tpu.memref_slice %arg7[%dma_wait3A_138, %dma_wait3A_139, %dma_wait3A_140] : memref<2x128x128xf32, #tpu.memory_space<vmem>> -> memref<1x120x128xf32, #tpu.memory_space<vmem>>
    %dma_wait3A_142 = tpu.memref_squeeze %dma_wait3A_141 : memref<1x120x128xf32, #tpu.memory_space<vmem>> -> memref<120x128xf32, #tpu.memory_space<vmem>>
    %dma_wait3A_143 = arith.constant 0 : i32
    %dma_wait3A_144 = tpu.memref_slice %arg8[%add3A_137, %dma_wait3A_143] : memref<10112x128xf32, #tpu.memory_space<vmem_shared>> -> memref<120x128xf32, #tpu.memory_space<vmem_shared>>
    %dma_wait3A_145 = arith.constant 0 : i32
    %dma_wait3A_146 = tpu.memref_slice %arg8[%add3A_137, %dma_wait3A_145] : memref<10112x128xf32, #tpu.memory_space<vmem_shared>> -> memref<120x128xf32, #tpu.memory_space<vmem_shared>>
    %dma_wait3A_147 = arith.constant 0 : i32
    %dma_wait3A_148 = arith.constant 0 : i32
    %dma_wait3A_149 = tpu.memref_slice %arg7[%dma_wait3A_138, %dma_wait3A_147, %dma_wait3A_148] : memref<2x128x128xf32, #tpu.memory_space<vmem>> -> memref<1x120x128xf32, #tpu.memory_space<vmem>>
    %dma_wait3A_150 = tpu.memref_squeeze %dma_wait3A_149 : memref<1x120x128xf32, #tpu.memory_space<vmem>> -> memref<120x128xf32, #tpu.memory_space<vmem>>
    tpu.wait_dma2 semaphore(%arg9 : memref<!tpu.dma_semaphore, #tpu.memory_space<semaphore_mem>>) src(%dma_wait3A_150 : memref<120x128xf32, #tpu.memory_space<vmem>>) dst(%dma_wait3A_146 : memref<120x128xf32, #tpu.memory_space<vmem_shared>>)
    %barrier3A = arith.constant 0 : index
    tpu.barrier barrier_id(%barrier3A)
    %run_scoped3A_151 = arith.constant 0 : i32
    %run_scoped3A_152 = arith.constant 0 : i32
    "tpu.region"() ({
      %run_scoped3A_748 = tpu.sem_alloc : memref<!tpu.dma_semaphore, #tpu.memory_space<semaphore_mem>>
      %dma_start3A_749 = arith.constant 0 : i32
      %dma_start3A_750 = arith.constant 0 : i32
      %dma_start3A_751 = arith.constant 0 : i32
      %dma_start3A_752 = tpu.memref_slice %arg6[%run_scoped3A_152, %dma_start3A_749, %dma_start3A_750, %dma_start3A_751] : memref<2x2x2x128xi32, #tpu.memory_space<vmem>> -> memref<1x2x2x128xi32, #tpu.memory_space<vmem>>
      %dma_start3A_753 = tpu.memref_squeeze %dma_start3A_752 : memref<1x2x2x128xi32, #tpu.memory_space<vmem>> -> memref<2x2x128xi32, #tpu.memory_space<vmem>>
      %dma_start3A_754 = arith.constant 0 : i32
      %dma_start3A_755 = arith.constant 0 : i32
      %dma_start3A_756 = arith.constant 0 : i32
      %dma_start3A_757 = tpu.memref_slice %arg3[%add3A, %run_scoped3A_151, %dma_start3A_754, %dma_start3A_755, %dma_start3A_756] : memref<32x40x2x2x128xi32, #tpu.memory_space<hbm>> -> memref<1x1x2x2x128xi32, #tpu.memory_space<hbm>>
      %dma_start3A_758 = tpu.memref_squeeze %dma_start3A_757 : memref<1x1x2x2x128xi32, #tpu.memory_space<hbm>> -> memref<2x2x128xi32, #tpu.memory_space<hbm>>
      %dma_start3A_759 = arith.constant 0 : i32
      %dma_start3A_760 = arith.constant 0 : i32
      %dma_start3A_761 = arith.constant 0 : i32
      %dma_start3A_762 = tpu.memref_slice %arg6[%run_scoped3A_152, %dma_start3A_759, %dma_start3A_760, %dma_start3A_761] : memref<2x2x2x128xi32, #tpu.memory_space<vmem>> -> memref<1x2x2x128xi32, #tpu.memory_space<vmem>>
      %dma_start3A_763 = tpu.memref_squeeze %dma_start3A_762 : memref<1x2x2x128xi32, #tpu.memory_space<vmem>> -> memref<2x2x128xi32, #tpu.memory_space<vmem>>
      %dma_start3A_764 = arith.constant 0 : i32
      %dma_start3A_765 = arith.constant 0 : i32
      %dma_start3A_766 = arith.constant 0 : i32
      %dma_start3A_767 = tpu.memref_slice %arg3[%add3A, %run_scoped3A_151, %dma_start3A_764, %dma_start3A_765, %dma_start3A_766] : memref<32x40x2x2x128xi32, #tpu.memory_space<hbm>> -> memref<1x1x2x2x128xi32, #tpu.memory_space<hbm>>
      %dma_start3A_768 = tpu.memref_squeeze %dma_start3A_767 : memref<1x1x2x2x128xi32, #tpu.memory_space<hbm>> -> memref<2x2x128xi32, #tpu.memory_space<hbm>>
      tpu.enqueue_dma source(%dma_start3A_768 : memref<2x2x128xi32, #tpu.memory_space<hbm>>) target(%dma_start3A_763 : memref<2x2x128xi32, #tpu.memory_space<vmem>>) target_semaphore(%run_scoped3A_748 : memref<!tpu.dma_semaphore, #tpu.memory_space<semaphore_mem>>)
      %dma_wait3A_769 = arith.constant 0 : i32
      %dma_wait3A_770 = arith.constant 0 : i32
      %dma_wait3A_771 = arith.constant 0 : i32
      %dma_wait3A_772 = tpu.memref_slice %arg6[%run_scoped3A_152, %dma_wait3A_769, %dma_wait3A_770, %dma_wait3A_771] : memref<2x2x2x128xi32, #tpu.memory_space<vmem>> -> memref<1x2x2x128xi32, #tpu.memory_space<vmem>>
      %dma_wait3A_773 = tpu.memref_squeeze %dma_wait3A_772 : memref<1x2x2x128xi32, #tpu.memory_space<vmem>> -> memref<2x2x128xi32, #tpu.memory_space<vmem>>
      %dma_wait3A_774 = arith.constant 0 : i32
      %dma_wait3A_775 = arith.constant 0 : i32
      %dma_wait3A_776 = arith.constant 0 : i32
      %dma_wait3A_777 = tpu.memref_slice %arg3[%add3A, %run_scoped3A_151, %dma_wait3A_774, %dma_wait3A_775, %dma_wait3A_776] : memref<32x40x2x2x128xi32, #tpu.memory_space<hbm>> -> memref<1x1x2x2x128xi32, #tpu.memory_space<hbm>>
      %dma_wait3A_778 = tpu.memref_squeeze %dma_wait3A_777 : memref<1x1x2x2x128xi32, #tpu.memory_space<hbm>> -> memref<2x2x128xi32, #tpu.memory_space<hbm>>
      %dma_wait3A_779 = arith.constant 0 : i32
      %dma_wait3A_780 = arith.constant 0 : i32
      %dma_wait3A_781 = arith.constant 0 : i32
      %dma_wait3A_782 = tpu.memref_slice %arg6[%run_scoped3A_152, %dma_wait3A_779, %dma_wait3A_780, %dma_wait3A_781] : memref<2x2x2x128xi32, #tpu.memory_space<vmem>> -> memref<1x2x2x128xi32, #tpu.memory_space<vmem>>
      %dma_wait3A_783 = tpu.memref_squeeze %dma_wait3A_782 : memref<1x2x2x128xi32, #tpu.memory_space<vmem>> -> memref<2x2x128xi32, #tpu.memory_space<vmem>>
      %dma_wait3A_784 = arith.constant 0 : i32
      %dma_wait3A_785 = arith.constant 0 : i32
      %dma_wait3A_786 = arith.constant 0 : i32
      %dma_wait3A_787 = tpu.memref_slice %arg3[%add3A, %run_scoped3A_151, %dma_wait3A_784, %dma_wait3A_785, %dma_wait3A_786] : memref<32x40x2x2x128xi32, #tpu.memory_space<hbm>> -> memref<1x1x2x2x128xi32, #tpu.memory_space<hbm>>
      %dma_wait3A_788 = tpu.memref_squeeze %dma_wait3A_787 : memref<1x1x2x2x128xi32, #tpu.memory_space<hbm>> -> memref<2x2x128xi32, #tpu.memory_space<hbm>>
      tpu.wait_dma2 semaphore(%run_scoped3A_748 : memref<!tpu.dma_semaphore, #tpu.memory_space<semaphore_mem>>) src(%dma_wait3A_788 : memref<2x2x128xi32, #tpu.memory_space<hbm>>) dst(%dma_wait3A_783 : memref<2x2x128xi32, #tpu.memory_space<vmem>>)
      tpu.yield
    }) : () -> ()
    %dma_start3A_153 = arith.constant 0 : i32
    %dma_start3A_154 = arith.constant 0 : i32
    %dma_start3A_155 = arith.constant 0 : i32
    %dma_start3A_156 = arith.constant 0 : i32
    %dma_start3A_157 = arith.constant 0 : i32
    %dma_start3A_158 = arith.constant 0 : i32
    %dma_start3A_159 = tpu.memref_slice %arg7[%dma_start3A_156, %dma_start3A_157, %dma_start3A_158] : memref<2x128x128xf32, #tpu.memory_space<vmem>> -> memref<1x128x128xf32, #tpu.memory_space<vmem>>
    %dma_start3A_160 = tpu.memref_squeeze %dma_start3A_159 : memref<1x128x128xf32, #tpu.memory_space<vmem>> -> memref<128x128xf32, #tpu.memory_space<vmem>>
    %dma_start3A_161 = arith.constant 0 : i32
    %dma_start3A_162 = tpu.memref_slice %arg6[%dma_start3A_153, %dma_start3A_154, %dma_start3A_155, %dma_start3A_161] : memref<2x2x2x128xi32, #tpu.memory_space<vmem>> -> memref<1x1x1x128xi32, #tpu.memory_space<vmem>>
    %dma_start3A_163 = tpu.memref_squeeze %dma_start3A_162 : memref<1x1x1x128xi32, #tpu.memory_space<vmem>> -> memref<128xi32, #tpu.memory_space<vmem>>
    %dma_start3A_164 = arith.constant 0 : i32
    %dma_start3A_165 = arith.constant 0 : i32
    %dma_start3A_166 = tpu.memref_slice %arg2[%dma_start3A_164, %dma_start3A_165] : memref<10000x128xf32, #tpu.memory_space<hbm>> -> memref<10000x128xf32, #tpu.memory_space<hbm>>
    tpu.enqueue_indirect_dma source(%dma_start3A_166 : memref<10000x128xf32, #tpu.memory_space<hbm>>) target(%dma_start3A_160 : memref<128x128xf32, #tpu.memory_space<vmem>>) offsets(%dma_start3A_163 : memref<128xi32, #tpu.memory_space<vmem>>) semaphore(%arg10 : memref<!tpu.dma_semaphore, #tpu.memory_space<semaphore_mem>>)
    %dma_start3A_167 = arith.constant 1 : i32
    %dma_start3A_168 = arith.constant 1 : i32
    %dma_start3A_169 = arith.constant 0 : i32
    %dma_start3A_170 = arith.constant 0 : i32
    %dma_start3A_171 = arith.constant 0 : i32
    %dma_start3A_172 = tpu.memref_slice %arg6[%dma_start3A_168, %dma_start3A_169, %dma_start3A_170, %dma_start3A_171] : memref<2x2x2x128xi32, #tpu.memory_space<vmem>> -> memref<1x2x2x128xi32, #tpu.memory_space<vmem>>
    %dma_start3A_173 = tpu.memref_squeeze %dma_start3A_172 : memref<1x2x2x128xi32, #tpu.memory_space<vmem>> -> memref<2x2x128xi32, #tpu.memory_space<vmem>>
    %dma_start3A_174 = arith.constant 0 : i32
    %dma_start3A_175 = arith.constant 0 : i32
    %dma_start3A_176 = arith.constant 0 : i32
    %dma_start3A_177 = tpu.memref_slice %arg3[%add3A, %dma_start3A_167, %dma_start3A_174, %dma_start3A_175, %dma_start3A_176] : memref<32x40x2x2x128xi32, #tpu.memory_space<hbm>> -> memref<1x1x2x2x128xi32, #tpu.memory_space<hbm>>
    %dma_start3A_178 = tpu.memref_squeeze %dma_start3A_177 : memref<1x1x2x2x128xi32, #tpu.memory_space<hbm>> -> memref<2x2x128xi32, #tpu.memory_space<hbm>>
    %dma_start3A_179 = arith.constant 0 : i32
    %dma_start3A_180 = arith.constant 0 : i32
    %dma_start3A_181 = arith.constant 0 : i32
    %dma_start3A_182 = tpu.memref_slice %arg6[%dma_start3A_168, %dma_start3A_179, %dma_start3A_180, %dma_start3A_181] : memref<2x2x2x128xi32, #tpu.memory_space<vmem>> -> memref<1x2x2x128xi32, #tpu.memory_space<vmem>>
    %dma_start3A_183 = tpu.memref_squeeze %dma_start3A_182 : memref<1x2x2x128xi32, #tpu.memory_space<vmem>> -> memref<2x2x128xi32, #tpu.memory_space<vmem>>
    %dma_start3A_184 = arith.constant 0 : i32
    %dma_start3A_185 = arith.constant 0 : i32
    %dma_start3A_186 = arith.constant 0 : i32
    %dma_start3A_187 = tpu.memref_slice %arg3[%add3A, %dma_start3A_167, %dma_start3A_184, %dma_start3A_185, %dma_start3A_186] : memref<32x40x2x2x128xi32, #tpu.memory_space<hbm>> -> memref<1x1x2x2x128xi32, #tpu.memory_space<hbm>>
    %dma_start3A_188 = tpu.memref_squeeze %dma_start3A_187 : memref<1x1x2x2x128xi32, #tpu.memory_space<hbm>> -> memref<2x2x128xi32, #tpu.memory_space<hbm>>
    tpu.enqueue_dma source(%dma_start3A_188 : memref<2x2x128xi32, #tpu.memory_space<hbm>>) target(%dma_start3A_183 : memref<2x2x128xi32, #tpu.memory_space<vmem>>) target_semaphore(%arg9 : memref<!tpu.dma_semaphore, #tpu.memory_space<semaphore_mem>>)
    %dma_start3A_189 = arith.constant 0 : i32
    %dma_start3A_190 = arith.constant 1 : i32
    %dma_start3A_191 = arith.constant 0 : i32
    %dma_start3A_192 = arith.constant 1 : i32
    %dma_start3A_193 = arith.constant 0 : i32
    %dma_start3A_194 = arith.constant 0 : i32
    %dma_start3A_195 = tpu.memref_slice %arg7[%dma_start3A_192, %dma_start3A_193, %dma_start3A_194] : memref<2x128x128xf32, #tpu.memory_space<vmem>> -> memref<1x128x128xf32, #tpu.memory_space<vmem>>
    %dma_start3A_196 = tpu.memref_squeeze %dma_start3A_195 : memref<1x128x128xf32, #tpu.memory_space<vmem>> -> memref<128x128xf32, #tpu.memory_space<vmem>>
    %dma_start3A_197 = arith.constant 0 : i32
    %dma_start3A_198 = tpu.memref_slice %arg6[%dma_start3A_189, %dma_start3A_190, %dma_start3A_191, %dma_start3A_197] : memref<2x2x2x128xi32, #tpu.memory_space<vmem>> -> memref<1x1x1x128xi32, #tpu.memory_space<vmem>>
    %dma_start3A_199 = tpu.memref_squeeze %dma_start3A_198 : memref<1x1x1x128xi32, #tpu.memory_space<vmem>> -> memref<128xi32, #tpu.memory_space<vmem>>
    %dma_start3A_200 = arith.constant 0 : i32
    %dma_start3A_201 = arith.constant 0 : i32
    %dma_start3A_202 = tpu.memref_slice %arg2[%dma_start3A_200, %dma_start3A_201] : memref<10000x128xf32, #tpu.memory_space<hbm>> -> memref<10000x128xf32, #tpu.memory_space<hbm>>
    tpu.enqueue_indirect_dma source(%dma_start3A_202 : memref<10000x128xf32, #tpu.memory_space<hbm>>) target(%dma_start3A_196 : memref<128x128xf32, #tpu.memory_space<vmem>>) offsets(%dma_start3A_199 : memref<128xi32, #tpu.memory_space<vmem>>) semaphore(%arg11 : memref<!tpu.dma_semaphore, #tpu.memory_space<semaphore_mem>>)
    %dma_wait3A_203 = arith.constant 0 : i32
    %dma_wait3A_204 = arith.constant 0 : i32
    %dma_wait3A_205 = arith.constant 0 : i32
    %dma_wait3A_206 = arith.constant 0 : i32
    %dma_wait3A_207 = arith.constant 0 : i32
    %dma_wait3A_208 = arith.constant 0 : i32
    %dma_wait3A_209 = tpu.memref_slice %arg7[%dma_wait3A_206, %dma_wait3A_207, %dma_wait3A_208] : memref<2x128x128xf32, #tpu.memory_space<vmem>> -> memref<1x128x128xf32, #tpu.memory_space<vmem>>
    %dma_wait3A_210 = tpu.memref_squeeze %dma_wait3A_209 : memref<1x128x128xf32, #tpu.memory_space<vmem>> -> memref<128x128xf32, #tpu.memory_space<vmem>>
    %dma_wait3A_211 = arith.constant 0 : i32
    %dma_wait3A_212 = tpu.memref_slice %arg6[%dma_wait3A_203, %dma_wait3A_204, %dma_wait3A_205, %dma_wait3A_211] : memref<2x2x2x128xi32, #tpu.memory_space<vmem>> -> memref<1x1x1x128xi32, #tpu.memory_space<vmem>>
    %dma_wait3A_213 = tpu.memref_squeeze %dma_wait3A_212 : memref<1x1x1x128xi32, #tpu.memory_space<vmem>> -> memref<128xi32, #tpu.memory_space<vmem>>
    %dma_wait3A_214 = arith.constant 0 : i32
    %dma_wait3A_215 = arith.constant 0 : i32
    %dma_wait3A_216 = tpu.memref_slice %arg2[%dma_wait3A_214, %dma_wait3A_215] : memref<10000x128xf32, #tpu.memory_space<hbm>> -> memref<10000x128xf32, #tpu.memory_space<hbm>>
    tpu.wait_indirect_dma semaphore(%arg10 : memref<!tpu.dma_semaphore, #tpu.memory_space<semaphore_mem>>) src(%dma_wait3A_216 : memref<10000x128xf32, #tpu.memory_space<hbm>>) dst(%dma_wait3A_210 : memref<128x128xf32, #tpu.memory_space<vmem>>)
    %dma_start3A_217 = arith.constant 0 : i32
    %dma_start3A_218 = arith.constant 0 : i32
    %dma_start3A_219 = arith.constant 0 : i32
    %dma_start3A_220 = arith.constant 1 : i32
    %dma_start3A_221 = arith.constant 0 : i32
    %dma_start3A_222 = arith.constant 0 : i32
    %dma_start3A_223 = tpu.memref_slice %arg7[%dma_start3A_217, %dma_start3A_221, %dma_start3A_222] : memref<2x128x128xf32, #tpu.memory_space<vmem>> -> memref<1x128x128xf32, #tpu.memory_space<vmem>>
    %dma_start3A_224 = tpu.memref_squeeze %dma_start3A_223 : memref<1x128x128xf32, #tpu.memory_space<vmem>> -> memref<128x128xf32, #tpu.memory_space<vmem>>
    %dma_start3A_225 = arith.constant 0 : i32
    %dma_start3A_226 = tpu.memref_slice %arg6[%dma_start3A_218, %dma_start3A_219, %dma_start3A_220, %dma_start3A_225] : memref<2x2x2x128xi32, #tpu.memory_space<vmem>> -> memref<1x1x1x128xi32, #tpu.memory_space<vmem>>
    %dma_start3A_227 = tpu.memref_squeeze %dma_start3A_226 : memref<1x1x1x128xi32, #tpu.memory_space<vmem>> -> memref<128xi32, #tpu.memory_space<vmem>>
    %dma_start3A_228 = arith.constant 0 : i32
    %dma_start3A_229 = arith.constant 0 : i32
    %dma_start3A_230 = tpu.memref_slice %arg8[%dma_start3A_228, %dma_start3A_229] : memref<10112x128xf32, #tpu.memory_space<vmem_shared>> -> memref<10112x128xf32, #tpu.memory_space<vmem_shared>>
    tpu.enqueue_indirect_dma source(%dma_start3A_224 : memref<128x128xf32, #tpu.memory_space<vmem>>) target(%dma_start3A_230 : memref<10112x128xf32, #tpu.memory_space<vmem_shared>>) offsets(%dma_start3A_227 : memref<128xi32, #tpu.memory_space<vmem>>) semaphore(%arg12 : memref<!tpu.dma_semaphore, #tpu.memory_space<semaphore_mem>>) {add = true}
    %dma_wait3A_231 = arith.constant 0 : i32
    %dma_wait3A_232 = arith.constant 0 : i32
    %dma_wait3A_233 = arith.constant 0 : i32
    %dma_wait3A_234 = arith.constant 0 : i32
    %dma_wait3A_235 = arith.constant 0 : i32
    %dma_wait3A_236 = arith.constant 0 : i32
    %dma_wait3A_237 = tpu.memref_slice %arg6[%dma_wait3A_233, %dma_wait3A_234, %dma_wait3A_235, %dma_wait3A_236] : memref<2x2x2x128xi32, #tpu.memory_space<vmem>> -> memref<1x2x2x128xi32, #tpu.memory_space<vmem>>
    %dma_wait3A_238 = tpu.memref_squeeze %dma_wait3A_237 : memref<1x2x2x128xi32, #tpu.memory_space<vmem>> -> memref<2x2x128xi32, #tpu.memory_space<vmem>>
    %dma_wait3A_239 = arith.constant 0 : i32
    %dma_wait3A_240 = arith.constant 0 : i32
    %dma_wait3A_241 = arith.constant 0 : i32
    %dma_wait3A_242 = tpu.memref_slice %arg3[%dma_wait3A_231, %dma_wait3A_232, %dma_wait3A_239, %dma_wait3A_240, %dma_wait3A_241] : memref<32x40x2x2x128xi32, #tpu.memory_space<hbm>> -> memref<1x1x2x2x128xi32, #tpu.memory_space<hbm>>
    %dma_wait3A_243 = tpu.memref_squeeze %dma_wait3A_242 : memref<1x1x2x2x128xi32, #tpu.memory_space<hbm>> -> memref<2x2x128xi32, #tpu.memory_space<hbm>>
    %dma_wait3A_244 = arith.constant 0 : i32
    %dma_wait3A_245 = arith.constant 0 : i32
    %dma_wait3A_246 = arith.constant 0 : i32
    %dma_wait3A_247 = tpu.memref_slice %arg6[%dma_wait3A_233, %dma_wait3A_244, %dma_wait3A_245, %dma_wait3A_246] : memref<2x2x2x128xi32, #tpu.memory_space<vmem>> -> memref<1x2x2x128xi32, #tpu.memory_space<vmem>>
    %dma_wait3A_248 = tpu.memref_squeeze %dma_wait3A_247 : memref<1x2x2x128xi32, #tpu.memory_space<vmem>> -> memref<2x2x128xi32, #tpu.memory_space<vmem>>
    %dma_wait3A_249 = arith.constant 0 : i32
    %dma_wait3A_250 = arith.constant 0 : i32
    %dma_wait3A_251 = arith.constant 0 : i32
    %dma_wait3A_252 = tpu.memref_slice %arg3[%dma_wait3A_231, %dma_wait3A_232, %dma_wait3A_249, %dma_wait3A_250, %dma_wait3A_251] : memref<32x40x2x2x128xi32, #tpu.memory_space<hbm>> -> memref<1x1x2x2x128xi32, #tpu.memory_space<hbm>>
    %dma_wait3A_253 = tpu.memref_squeeze %dma_wait3A_252 : memref<1x1x2x2x128xi32, #tpu.memory_space<hbm>> -> memref<2x2x128xi32, #tpu.memory_space<hbm>>
    tpu.wait_dma2 semaphore(%arg9 : memref<!tpu.dma_semaphore, #tpu.memory_space<semaphore_mem>>) src(%dma_wait3A_253 : memref<2x2x128xi32, #tpu.memory_space<hbm>>) dst(%dma_wait3A_248 : memref<2x2x128xi32, #tpu.memory_space<vmem>>)
    %dma_wait3A_254 = arith.constant 0 : i32
    %dma_wait3A_255 = arith.constant 0 : i32
    %dma_wait3A_256 = arith.constant 0 : i32
    %dma_wait3A_257 = arith.constant 1 : i32
    %dma_wait3A_258 = arith.constant 0 : i32
    %dma_wait3A_259 = arith.constant 0 : i32
    %dma_wait3A_260 = tpu.memref_slice %arg7[%dma_wait3A_254, %dma_wait3A_258, %dma_wait3A_259] : memref<2x128x128xf32, #tpu.memory_space<vmem>> -> memref<1x128x128xf32, #tpu.memory_space<vmem>>
    %dma_wait3A_261 = tpu.memref_squeeze %dma_wait3A_260 : memref<1x128x128xf32, #tpu.memory_space<vmem>> -> memref<128x128xf32, #tpu.memory_space<vmem>>
    %dma_wait3A_262 = arith.constant 0 : i32
    %dma_wait3A_263 = tpu.memref_slice %arg6[%dma_wait3A_255, %dma_wait3A_256, %dma_wait3A_257, %dma_wait3A_262] : memref<2x2x2x128xi32, #tpu.memory_space<vmem>> -> memref<1x1x1x128xi32, #tpu.memory_space<vmem>>
    %dma_wait3A_264 = tpu.memref_squeeze %dma_wait3A_263 : memref<1x1x1x128xi32, #tpu.memory_space<vmem>> -> memref<128xi32, #tpu.memory_space<vmem>>
    %dma_wait3A_265 = arith.constant 0 : i32
    %dma_wait3A_266 = arith.constant 0 : i32
    %dma_wait3A_267 = tpu.memref_slice %arg8[%dma_wait3A_265, %dma_wait3A_266] : memref<10112x128xf32, #tpu.memory_space<vmem_shared>> -> memref<10112x128xf32, #tpu.memory_space<vmem_shared>>
    tpu.wait_indirect_dma semaphore(%arg12 : memref<!tpu.dma_semaphore, #tpu.memory_space<semaphore_mem>>) src(%dma_wait3A_261 : memref<128x128xf32, #tpu.memory_space<vmem>>) dst(%dma_wait3A_267 : memref<10112x128xf32, #tpu.memory_space<vmem_shared>>)
    %dma_start3A_268 = arith.constant 1 : i32
    %dma_start3A_269 = arith.constant 0 : i32
    %dma_start3A_270 = arith.constant 0 : i32
    %dma_start3A_271 = arith.constant 0 : i32
    %dma_start3A_272 = arith.constant 0 : i32
    %dma_start3A_273 = arith.constant 0 : i32
    %dma_start3A_274 = tpu.memref_slice %arg7[%dma_start3A_271, %dma_start3A_272, %dma_start3A_273] : memref<2x128x128xf32, #tpu.memory_space<vmem>> -> memref<1x128x128xf32, #tpu.memory_space<vmem>>
    %dma_start3A_275 = tpu.memref_squeeze %dma_start3A_274 : memref<1x128x128xf32, #tpu.memory_space<vmem>> -> memref<128x128xf32, #tpu.memory_space<vmem>>
    %dma_start3A_276 = arith.constant 0 : i32
    %dma_start3A_277 = tpu.memref_slice %arg6[%dma_start3A_268, %dma_start3A_269, %dma_start3A_270, %dma_start3A_276] : memref<2x2x2x128xi32, #tpu.memory_space<vmem>> -> memref<1x1x1x128xi32, #tpu.memory_space<vmem>>
    %dma_start3A_278 = tpu.memref_squeeze %dma_start3A_277 : memref<1x1x1x128xi32, #tpu.memory_space<vmem>> -> memref<128xi32, #tpu.memory_space<vmem>>
    %dma_start3A_279 = arith.constant 0 : i32
    %dma_start3A_280 = arith.constant 0 : i32
    %dma_start3A_281 = tpu.memref_slice %arg2[%dma_start3A_279, %dma_start3A_280] : memref<10000x128xf32, #tpu.memory_space<hbm>> -> memref<10000x128xf32, #tpu.memory_space<hbm>>
    tpu.enqueue_indirect_dma source(%dma_start3A_281 : memref<10000x128xf32, #tpu.memory_space<hbm>>) target(%dma_start3A_275 : memref<128x128xf32, #tpu.memory_space<vmem>>) offsets(%dma_start3A_278 : memref<128xi32, #tpu.memory_space<vmem>>) semaphore(%arg10 : memref<!tpu.dma_semaphore, #tpu.memory_space<semaphore_mem>>)
    %dma_wait3A_282 = arith.constant 0 : i32
    %dma_wait3A_283 = arith.constant 0 : i32
    %dma_wait3A_284 = arith.constant 0 : i32
    %dma_wait3A_285 = arith.constant 0 : i32
    %dma_wait3A_286 = arith.constant 0 : i32
    %dma_wait3A_287 = arith.constant 0 : i32
    %dma_wait3A_288 = tpu.memref_slice %arg7[%dma_wait3A_285, %dma_wait3A_286, %dma_wait3A_287] : memref<2x128x128xf32, #tpu.memory_space<vmem>> -> memref<1x128x128xf32, #tpu.memory_space<vmem>>
    %dma_wait3A_289 = tpu.memref_squeeze %dma_wait3A_288 : memref<1x128x128xf32, #tpu.memory_space<vmem>> -> memref<128x128xf32, #tpu.memory_space<vmem>>
    %dma_wait3A_290 = arith.constant 0 : i32
    %dma_wait3A_291 = tpu.memref_slice %arg6[%dma_wait3A_282, %dma_wait3A_283, %dma_wait3A_284, %dma_wait3A_290] : memref<2x2x2x128xi32, #tpu.memory_space<vmem>> -> memref<1x1x1x128xi32, #tpu.memory_space<vmem>>
    %dma_wait3A_292 = tpu.memref_squeeze %dma_wait3A_291 : memref<1x1x1x128xi32, #tpu.memory_space<vmem>> -> memref<128xi32, #tpu.memory_space<vmem>>
    %dma_wait3A_293 = arith.constant 0 : i32
    %dma_wait3A_294 = arith.constant 0 : i32
    %dma_wait3A_295 = tpu.memref_slice %arg2[%dma_wait3A_293, %dma_wait3A_294] : memref<10000x128xf32, #tpu.memory_space<hbm>> -> memref<10000x128xf32, #tpu.memory_space<hbm>>
    tpu.wait_indirect_dma semaphore(%arg11 : memref<!tpu.dma_semaphore, #tpu.memory_space<semaphore_mem>>) src(%dma_wait3A_295 : memref<10000x128xf32, #tpu.memory_space<hbm>>) dst(%dma_wait3A_289 : memref<128x128xf32, #tpu.memory_space<vmem>>)
    %dma_start3A_296 = arith.constant 1 : i32
    %dma_start3A_297 = arith.constant 0 : i32
    %dma_start3A_298 = arith.constant 1 : i32
    %dma_start3A_299 = arith.constant 1 : i32
    %dma_start3A_300 = arith.constant 0 : i32
    %dma_start3A_301 = arith.constant 0 : i32
    %dma_start3A_302 = tpu.memref_slice %arg7[%dma_start3A_296, %dma_start3A_300, %dma_start3A_301] : memref<2x128x128xf32, #tpu.memory_space<vmem>> -> memref<1x128x128xf32, #tpu.memory_space<vmem>>
    %dma_start3A_303 = tpu.memref_squeeze %dma_start3A_302 : memref<1x128x128xf32, #tpu.memory_space<vmem>> -> memref<128x128xf32, #tpu.memory_space<vmem>>
    %dma_start3A_304 = arith.constant 0 : i32
    %dma_start3A_305 = tpu.memref_slice %arg6[%dma_start3A_297, %dma_start3A_298, %dma_start3A_299, %dma_start3A_304] : memref<2x2x2x128xi32, #tpu.memory_space<vmem>> -> memref<1x1x1x128xi32, #tpu.memory_space<vmem>>
    %dma_start3A_306 = tpu.memref_squeeze %dma_start3A_305 : memref<1x1x1x128xi32, #tpu.memory_space<vmem>> -> memref<128xi32, #tpu.memory_space<vmem>>
    %dma_start3A_307 = arith.constant 0 : i32
    %dma_start3A_308 = arith.constant 0 : i32
    %dma_start3A_309 = tpu.memref_slice %arg8[%dma_start3A_307, %dma_start3A_308] : memref<10112x128xf32, #tpu.memory_space<vmem_shared>> -> memref<10112x128xf32, #tpu.memory_space<vmem_shared>>
    tpu.enqueue_indirect_dma source(%dma_start3A_303 : memref<128x128xf32, #tpu.memory_space<vmem>>) target(%dma_start3A_309 : memref<10112x128xf32, #tpu.memory_space<vmem_shared>>) offsets(%dma_start3A_306 : memref<128xi32, #tpu.memory_space<vmem>>) semaphore(%arg13 : memref<!tpu.dma_semaphore, #tpu.memory_space<semaphore_mem>>) {add = true}
    %scan3A = arith.constant 0 : i32
    %scan3A_310 = arith.constant 1 : i32
    %scan3A_311 = arith.constant 38 : i32
    %scan3A_312 = arith.addi %scan3A_310, %scan3A_311 : i32
    %scan3A_313 = arith.constant 1 : i32
    scf.for %scan3A_748 = %scan3A_310 to %scan3A_312 step %scan3A_313  : i32 {
      %jit3A = arith.constant 2 : i32
      %eq3A = arith.constant 0 : i32
      %eq3A_749 = arith.cmpi eq, %jit3A, %eq3A : i32
      %jit3A_750 = arith.constant 1 : i32
      %select_n3A = arith.select %eq3A_749, %jit3A_750, %jit3A : i32
      %rem3A = arith.remsi %scan3A_748, %select_n3A : i32
      %ne3A = arith.constant 0 : i32
      %ne3A_751 = arith.cmpi ne, %rem3A, %ne3A : i32
      %lt3A = arith.constant 0 : i32
      %lt3A_752 = arith.cmpi slt, %rem3A, %lt3A : i32
      %lt3A_753 = arith.constant 0 : i32
      %lt3A_754 = arith.cmpi slt, %select_n3A, %lt3A_753 : i32
      %ne3A_755 = arith.xori %lt3A_752, %lt3A_754 : i1
      %and3A = arith.andi %ne3A_755, %ne3A_751 : i1
      %add3A_756 = arith.addi %rem3A, %select_n3A : i32
      %select_n3A_757 = arith.select %and3A, %add3A_756, %rem3A : i32
      %dma_wait3A_758 = arith.constant 0 : i32
      %dma_wait3A_759 = arith.constant 0 : i32
      %dma_wait3A_760 = arith.constant 0 : i32
      %dma_wait3A_761 = arith.constant 1 : i32
      %dma_wait3A_762 = arith.constant 0 : i32
      %dma_wait3A_763 = arith.constant 0 : i32
      %dma_wait3A_764 = tpu.memref_slice %arg7[%dma_wait3A_758, %dma_wait3A_762, %dma_wait3A_763] : memref<2x128x128xf32, #tpu.memory_space<vmem>> -> memref<1x128x128xf32, #tpu.memory_space<vmem>>
      %dma_wait3A_765 = tpu.memref_squeeze %dma_wait3A_764 : memref<1x128x128xf32, #tpu.memory_space<vmem>> -> memref<128x128xf32, #tpu.memory_space<vmem>>
      %dma_wait3A_766 = arith.constant 0 : i32
      %dma_wait3A_767 = tpu.memref_slice %arg6[%dma_wait3A_759, %dma_wait3A_760, %dma_wait3A_761, %dma_wait3A_766] : memref<2x2x2x128xi32, #tpu.memory_space<vmem>> -> memref<1x1x1x128xi32, #tpu.memory_space<vmem>>
      %dma_wait3A_768 = tpu.memref_squeeze %dma_wait3A_767 : memref<1x1x1x128xi32, #tpu.memory_space<vmem>> -> memref<128xi32, #tpu.memory_space<vmem>>
      %dma_wait3A_769 = arith.constant 0 : i32
      %dma_wait3A_770 = arith.constant 0 : i32
      %dma_wait3A_771 = tpu.memref_slice %arg8[%dma_wait3A_769, %dma_wait3A_770] : memref<10112x128xf32, #tpu.memory_space<vmem_shared>> -> memref<10112x128xf32, #tpu.memory_space<vmem_shared>>
      tpu.wait_indirect_dma semaphore(%arg13 : memref<!tpu.dma_semaphore, #tpu.memory_space<semaphore_mem>>) src(%dma_wait3A_765 : memref<128x128xf32, #tpu.memory_space<vmem>>) dst(%dma_wait3A_771 : memref<10112x128xf32, #tpu.memory_space<vmem_shared>>)
      %add3A_772 = arith.constant 1 : i32
      %add3A_773 = arith.addi %scan3A_748, %add3A_772 : i32
      %sub3A = arith.constant 1 : i32
      %sub3A_774 = arith.subi %sub3A, %select_n3A_757 : i32
      %dma_start3A_775 = arith.constant 0 : i32
      %dma_start3A_776 = arith.constant 0 : i32
      %dma_start3A_777 = arith.constant 0 : i32
      %dma_start3A_778 = tpu.memref_slice %arg6[%sub3A_774, %dma_start3A_775, %dma_start3A_776, %dma_start3A_777] : memref<2x2x2x128xi32, #tpu.memory_space<vmem>> -> memref<1x2x2x128xi32, #tpu.memory_space<vmem>>
      %dma_start3A_779 = tpu.memref_squeeze %dma_start3A_778 : memref<1x2x2x128xi32, #tpu.memory_space<vmem>> -> memref<2x2x128xi32, #tpu.memory_space<vmem>>
      %dma_start3A_780 = arith.constant 0 : i32
      %dma_start3A_781 = arith.constant 0 : i32
      %dma_start3A_782 = arith.constant 0 : i32
      %dma_start3A_783 = tpu.memref_slice %arg3[%add3A, %add3A_773, %dma_start3A_780, %dma_start3A_781, %dma_start3A_782] : memref<32x40x2x2x128xi32, #tpu.memory_space<hbm>> -> memref<1x1x2x2x128xi32, #tpu.memory_space<hbm>>
      %dma_start3A_784 = tpu.memref_squeeze %dma_start3A_783 : memref<1x1x2x2x128xi32, #tpu.memory_space<hbm>> -> memref<2x2x128xi32, #tpu.memory_space<hbm>>
      %dma_start3A_785 = arith.constant 0 : i32
      %dma_start3A_786 = arith.constant 0 : i32
      %dma_start3A_787 = arith.constant 0 : i32
      %dma_start3A_788 = tpu.memref_slice %arg6[%sub3A_774, %dma_start3A_785, %dma_start3A_786, %dma_start3A_787] : memref<2x2x2x128xi32, #tpu.memory_space<vmem>> -> memref<1x2x2x128xi32, #tpu.memory_space<vmem>>
      %dma_start3A_789 = tpu.memref_squeeze %dma_start3A_788 : memref<1x2x2x128xi32, #tpu.memory_space<vmem>> -> memref<2x2x128xi32, #tpu.memory_space<vmem>>
      %dma_start3A_790 = arith.constant 0 : i32
      %dma_start3A_791 = arith.constant 0 : i32
      %dma_start3A_792 = arith.constant 0 : i32
      %dma_start3A_793 = tpu.memref_slice %arg3[%add3A, %add3A_773, %dma_start3A_790, %dma_start3A_791, %dma_start3A_792] : memref<32x40x2x2x128xi32, #tpu.memory_space<hbm>> -> memref<1x1x2x2x128xi32, #tpu.memory_space<hbm>>
      %dma_start3A_794 = tpu.memref_squeeze %dma_start3A_793 : memref<1x1x2x2x128xi32, #tpu.memory_space<hbm>> -> memref<2x2x128xi32, #tpu.memory_space<hbm>>
      tpu.enqueue_dma source(%dma_start3A_794 : memref<2x2x128xi32, #tpu.memory_space<hbm>>) target(%dma_start3A_789 : memref<2x2x128xi32, #tpu.memory_space<vmem>>) target_semaphore(%arg9 : memref<!tpu.dma_semaphore, #tpu.memory_space<semaphore_mem>>)
      %dma_start3A_795 = arith.constant 1 : i32
      %dma_start3A_796 = arith.constant 0 : i32
      %dma_start3A_797 = arith.constant 1 : i32
      %dma_start3A_798 = arith.constant 0 : i32
      %dma_start3A_799 = arith.constant 0 : i32
      %dma_start3A_800 = tpu.memref_slice %arg7[%dma_start3A_797, %dma_start3A_798, %dma_start3A_799] : memref<2x128x128xf32, #tpu.memory_space<vmem>> -> memref<1x128x128xf32, #tpu.memory_space<vmem>>
      %dma_start3A_801 = tpu.memref_squeeze %dma_start3A_800 : memref<1x128x128xf32, #tpu.memory_space<vmem>> -> memref<128x128xf32, #tpu.memory_space<vmem>>
      %dma_start3A_802 = arith.constant 0 : i32
      %dma_start3A_803 = tpu.memref_slice %arg6[%select_n3A_757, %dma_start3A_795, %dma_start3A_796, %dma_start3A_802] : memref<2x2x2x128xi32, #tpu.memory_space<vmem>> -> memref<1x1x1x128xi32, #tpu.memory_space<vmem>>
      %dma_start3A_804 = tpu.memref_squeeze %dma_start3A_803 : memref<1x1x1x128xi32, #tpu.memory_space<vmem>> -> memref<128xi32, #tpu.memory_space<vmem>>
      %dma_start3A_805 = arith.constant 0 : i32
      %dma_start3A_806 = arith.constant 0 : i32
      %dma_start3A_807 = tpu.memref_slice %arg2[%dma_start3A_805, %dma_start3A_806] : memref<10000x128xf32, #tpu.memory_space<hbm>> -> memref<10000x128xf32, #tpu.memory_space<hbm>>
      tpu.enqueue_indirect_dma source(%dma_start3A_807 : memref<10000x128xf32, #tpu.memory_space<hbm>>) target(%dma_start3A_801 : memref<128x128xf32, #tpu.memory_space<vmem>>) offsets(%dma_start3A_804 : memref<128xi32, #tpu.memory_space<vmem>>) semaphore(%arg11 : memref<!tpu.dma_semaphore, #tpu.memory_space<semaphore_mem>>)
      %dma_wait3A_808 = arith.constant 0 : i32
      %dma_wait3A_809 = arith.constant 0 : i32
      %dma_wait3A_810 = arith.constant 0 : i32
      %dma_wait3A_811 = arith.constant 0 : i32
      %dma_wait3A_812 = arith.constant 0 : i32
      %dma_wait3A_813 = arith.constant 0 : i32
      %dma_wait3A_814 = tpu.memref_slice %arg7[%dma_wait3A_811, %dma_wait3A_812, %dma_wait3A_813] : memref<2x128x128xf32, #tpu.memory_space<vmem>> -> memref<1x128x128xf32, #tpu.memory_space<vmem>>
      %dma_wait3A_815 = tpu.memref_squeeze %dma_wait3A_814 : memref<1x128x128xf32, #tpu.memory_space<vmem>> -> memref<128x128xf32, #tpu.memory_space<vmem>>
      %dma_wait3A_816 = arith.constant 0 : i32
      %dma_wait3A_817 = tpu.memref_slice %arg6[%dma_wait3A_808, %dma_wait3A_809, %dma_wait3A_810, %dma_wait3A_816] : memref<2x2x2x128xi32, #tpu.memory_space<vmem>> -> memref<1x1x1x128xi32, #tpu.memory_space<vmem>>
      %dma_wait3A_818 = tpu.memref_squeeze %dma_wait3A_817 : memref<1x1x1x128xi32, #tpu.memory_space<vmem>> -> memref<128xi32, #tpu.memory_space<vmem>>
      %dma_wait3A_819 = arith.constant 0 : i32
      %dma_wait3A_820 = arith.constant 0 : i32
      %dma_wait3A_821 = tpu.memref_slice %arg2[%dma_wait3A_819, %dma_wait3A_820] : memref<10000x128xf32, #tpu.memory_space<hbm>> -> memref<10000x128xf32, #tpu.memory_space<hbm>>
      tpu.wait_indirect_dma semaphore(%arg10 : memref<!tpu.dma_semaphore, #tpu.memory_space<semaphore_mem>>) src(%dma_wait3A_821 : memref<10000x128xf32, #tpu.memory_space<hbm>>) dst(%dma_wait3A_815 : memref<128x128xf32, #tpu.memory_space<vmem>>)
      %dma_start3A_822 = arith.constant 0 : i32
      %dma_start3A_823 = arith.constant 0 : i32
      %dma_start3A_824 = arith.constant 1 : i32
      %dma_start3A_825 = arith.constant 0 : i32
      %dma_start3A_826 = arith.constant 0 : i32
      %dma_start3A_827 = tpu.memref_slice %arg7[%dma_start3A_822, %dma_start3A_825, %dma_start3A_826] : memref<2x128x128xf32, #tpu.memory_space<vmem>> -> memref<1x128x128xf32, #tpu.memory_space<vmem>>
      %dma_start3A_828 = tpu.memref_squeeze %dma_start3A_827 : memref<1x128x128xf32, #tpu.memory_space<vmem>> -> memref<128x128xf32, #tpu.memory_space<vmem>>
      %dma_start3A_829 = arith.constant 0 : i32
      %dma_start3A_830 = tpu.memref_slice %arg6[%select_n3A_757, %dma_start3A_823, %dma_start3A_824, %dma_start3A_829] : memref<2x2x2x128xi32, #tpu.memory_space<vmem>> -> memref<1x1x1x128xi32, #tpu.memory_space<vmem>>
      %dma_start3A_831 = tpu.memref_squeeze %dma_start3A_830 : memref<1x1x1x128xi32, #tpu.memory_space<vmem>> -> memref<128xi32, #tpu.memory_space<vmem>>
      %dma_start3A_832 = arith.constant 0 : i32
      %dma_start3A_833 = arith.constant 0 : i32
      %dma_start3A_834 = tpu.memref_slice %arg8[%dma_start3A_832, %dma_start3A_833] : memref<10112x128xf32, #tpu.memory_space<vmem_shared>> -> memref<10112x128xf32, #tpu.memory_space<vmem_shared>>
      tpu.enqueue_indirect_dma source(%dma_start3A_828 : memref<128x128xf32, #tpu.memory_space<vmem>>) target(%dma_start3A_834 : memref<10112x128xf32, #tpu.memory_space<vmem_shared>>) offsets(%dma_start3A_831 : memref<128xi32, #tpu.memory_space<vmem>>) semaphore(%arg12 : memref<!tpu.dma_semaphore, #tpu.memory_space<semaphore_mem>>) {add = true}
      %dma_wait3A_835 = arith.constant 0 : i32
      %dma_wait3A_836 = arith.constant 0 : i32
      %dma_wait3A_837 = arith.constant 0 : i32
      %dma_wait3A_838 = arith.constant 0 : i32
      %dma_wait3A_839 = arith.constant 0 : i32
      %dma_wait3A_840 = arith.constant 0 : i32
      %dma_wait3A_841 = tpu.memref_slice %arg6[%dma_wait3A_837, %dma_wait3A_838, %dma_wait3A_839, %dma_wait3A_840] : memref<2x2x2x128xi32, #tpu.memory_space<vmem>> -> memref<1x2x2x128xi32, #tpu.memory_space<vmem>>
      %dma_wait3A_842 = tpu.memref_squeeze %dma_wait3A_841 : memref<1x2x2x128xi32, #tpu.memory_space<vmem>> -> memref<2x2x128xi32, #tpu.memory_space<vmem>>
      %dma_wait3A_843 = arith.constant 0 : i32
      %dma_wait3A_844 = arith.constant 0 : i32
      %dma_wait3A_845 = arith.constant 0 : i32
      %dma_wait3A_846 = tpu.memref_slice %arg3[%dma_wait3A_835, %dma_wait3A_836, %dma_wait3A_843, %dma_wait3A_844, %dma_wait3A_845] : memref<32x40x2x2x128xi32, #tpu.memory_space<hbm>> -> memref<1x1x2x2x128xi32, #tpu.memory_space<hbm>>
      %dma_wait3A_847 = tpu.memref_squeeze %dma_wait3A_846 : memref<1x1x2x2x128xi32, #tpu.memory_space<hbm>> -> memref<2x2x128xi32, #tpu.memory_space<hbm>>
      %dma_wait3A_848 = arith.constant 0 : i32
      %dma_wait3A_849 = arith.constant 0 : i32
      %dma_wait3A_850 = arith.constant 0 : i32
      %dma_wait3A_851 = tpu.memref_slice %arg6[%dma_wait3A_837, %dma_wait3A_848, %dma_wait3A_849, %dma_wait3A_850] : memref<2x2x2x128xi32, #tpu.memory_space<vmem>> -> memref<1x2x2x128xi32, #tpu.memory_space<vmem>>
      %dma_wait3A_852 = tpu.memref_squeeze %dma_wait3A_851 : memref<1x2x2x128xi32, #tpu.memory_space<vmem>> -> memref<2x2x128xi32, #tpu.memory_space<vmem>>
      %dma_wait3A_853 = arith.constant 0 : i32
      %dma_wait3A_854 = arith.constant 0 : i32
      %dma_wait3A_855 = arith.constant 0 : i32
      %dma_wait3A_856 = tpu.memref_slice %arg3[%dma_wait3A_835, %dma_wait3A_836, %dma_wait3A_853, %dma_wait3A_854, %dma_wait3A_855] : memref<32x40x2x2x128xi32, #tpu.memory_space<hbm>> -> memref<1x1x2x2x128xi32, #tpu.memory_space<hbm>>
      %dma_wait3A_857 = tpu.memref_squeeze %dma_wait3A_856 : memref<1x1x2x2x128xi32, #tpu.memory_space<hbm>> -> memref<2x2x128xi32, #tpu.memory_space<hbm>>
      tpu.wait_dma2 semaphore(%arg9 : memref<!tpu.dma_semaphore, #tpu.memory_space<semaphore_mem>>) src(%dma_wait3A_857 : memref<2x2x128xi32, #tpu.memory_space<hbm>>) dst(%dma_wait3A_852 : memref<2x2x128xi32, #tpu.memory_space<vmem>>)
      %dma_wait3A_858 = arith.constant 0 : i32
      %dma_wait3A_859 = arith.constant 0 : i32
      %dma_wait3A_860 = arith.constant 0 : i32
      %dma_wait3A_861 = arith.constant 1 : i32
      %dma_wait3A_862 = arith.constant 0 : i32
      %dma_wait3A_863 = arith.constant 0 : i32
      %dma_wait3A_864 = tpu.memref_slice %arg7[%dma_wait3A_858, %dma_wait3A_862, %dma_wait3A_863] : memref<2x128x128xf32, #tpu.memory_space<vmem>> -> memref<1x128x128xf32, #tpu.memory_space<vmem>>
      %dma_wait3A_865 = tpu.memref_squeeze %dma_wait3A_864 : memref<1x128x128xf32, #tpu.memory_space<vmem>> -> memref<128x128xf32, #tpu.memory_space<vmem>>
      %dma_wait3A_866 = arith.constant 0 : i32
      %dma_wait3A_867 = tpu.memref_slice %arg6[%dma_wait3A_859, %dma_wait3A_860, %dma_wait3A_861, %dma_wait3A_866] : memref<2x2x2x128xi32, #tpu.memory_space<vmem>> -> memref<1x1x1x128xi32, #tpu.memory_space<vmem>>
      %dma_wait3A_868 = tpu.memref_squeeze %dma_wait3A_867 : memref<1x1x1x128xi32, #tpu.memory_space<vmem>> -> memref<128xi32, #tpu.memory_space<vmem>>
      %dma_wait3A_869 = arith.constant 0 : i32
      %dma_wait3A_870 = arith.constant 0 : i32
      %dma_wait3A_871 = tpu.memref_slice %arg8[%dma_wait3A_869, %dma_wait3A_870] : memref<10112x128xf32, #tpu.memory_space<vmem_shared>> -> memref<10112x128xf32, #tpu.memory_space<vmem_shared>>
      tpu.wait_indirect_dma semaphore(%arg12 : memref<!tpu.dma_semaphore, #tpu.memory_space<semaphore_mem>>) src(%dma_wait3A_865 : memref<128x128xf32, #tpu.memory_space<vmem>>) dst(%dma_wait3A_871 : memref<10112x128xf32, #tpu.memory_space<vmem_shared>>)
      %sub3A_872 = arith.constant 1 : i32
      %sub3A_873 = arith.subi %sub3A_872, %select_n3A_757 : i32
      %dma_start3A_874 = arith.constant 0 : i32
      %dma_start3A_875 = arith.constant 0 : i32
      %dma_start3A_876 = arith.constant 0 : i32
      %dma_start3A_877 = arith.constant 0 : i32
      %dma_start3A_878 = arith.constant 0 : i32
      %dma_start3A_879 = tpu.memref_slice %arg7[%dma_start3A_876, %dma_start3A_877, %dma_start3A_878] : memref<2x128x128xf32, #tpu.memory_space<vmem>> -> memref<1x128x128xf32, #tpu.memory_space<vmem>>
      %dma_start3A_880 = tpu.memref_squeeze %dma_start3A_879 : memref<1x128x128xf32, #tpu.memory_space<vmem>> -> memref<128x128xf32, #tpu.memory_space<vmem>>
      %dma_start3A_881 = arith.constant 0 : i32
      %dma_start3A_882 = tpu.memref_slice %arg6[%sub3A_873, %dma_start3A_874, %dma_start3A_875, %dma_start3A_881] : memref<2x2x2x128xi32, #tpu.memory_space<vmem>> -> memref<1x1x1x128xi32, #tpu.memory_space<vmem>>
      %dma_start3A_883 = tpu.memref_squeeze %dma_start3A_882 : memref<1x1x1x128xi32, #tpu.memory_space<vmem>> -> memref<128xi32, #tpu.memory_space<vmem>>
      %dma_start3A_884 = arith.constant 0 : i32
      %dma_start3A_885 = arith.constant 0 : i32
      %dma_start3A_886 = tpu.memref_slice %arg2[%dma_start3A_884, %dma_start3A_885] : memref<10000x128xf32, #tpu.memory_space<hbm>> -> memref<10000x128xf32, #tpu.memory_space<hbm>>
      tpu.enqueue_indirect_dma source(%dma_start3A_886 : memref<10000x128xf32, #tpu.memory_space<hbm>>) target(%dma_start3A_880 : memref<128x128xf32, #tpu.memory_space<vmem>>) offsets(%dma_start3A_883 : memref<128xi32, #tpu.memory_space<vmem>>) semaphore(%arg10 : memref<!tpu.dma_semaphore, #tpu.memory_space<semaphore_mem>>)
      %dma_wait3A_887 = arith.constant 0 : i32
      %dma_wait3A_888 = arith.constant 0 : i32
      %dma_wait3A_889 = arith.constant 0 : i32
      %dma_wait3A_890 = arith.constant 0 : i32
      %dma_wait3A_891 = arith.constant 0 : i32
      %dma_wait3A_892 = arith.constant 0 : i32
      %dma_wait3A_893 = tpu.memref_slice %arg7[%dma_wait3A_890, %dma_wait3A_891, %dma_wait3A_892] : memref<2x128x128xf32, #tpu.memory_space<vmem>> -> memref<1x128x128xf32, #tpu.memory_space<vmem>>
      %dma_wait3A_894 = tpu.memref_squeeze %dma_wait3A_893 : memref<1x128x128xf32, #tpu.memory_space<vmem>> -> memref<128x128xf32, #tpu.memory_space<vmem>>
      %dma_wait3A_895 = arith.constant 0 : i32
      %dma_wait3A_896 = tpu.memref_slice %arg6[%dma_wait3A_887, %dma_wait3A_888, %dma_wait3A_889, %dma_wait3A_895] : memref<2x2x2x128xi32, #tpu.memory_space<vmem>> -> memref<1x1x1x128xi32, #tpu.memory_space<vmem>>
      %dma_wait3A_897 = tpu.memref_squeeze %dma_wait3A_896 : memref<1x1x1x128xi32, #tpu.memory_space<vmem>> -> memref<128xi32, #tpu.memory_space<vmem>>
      %dma_wait3A_898 = arith.constant 0 : i32
      %dma_wait3A_899 = arith.constant 0 : i32
      %dma_wait3A_900 = tpu.memref_slice %arg2[%dma_wait3A_898, %dma_wait3A_899] : memref<10000x128xf32, #tpu.memory_space<hbm>> -> memref<10000x128xf32, #tpu.memory_space<hbm>>
      tpu.wait_indirect_dma semaphore(%arg11 : memref<!tpu.dma_semaphore, #tpu.memory_space<semaphore_mem>>) src(%dma_wait3A_900 : memref<10000x128xf32, #tpu.memory_space<hbm>>) dst(%dma_wait3A_894 : memref<128x128xf32, #tpu.memory_space<vmem>>)
      %dma_start3A_901 = arith.constant 1 : i32
      %dma_start3A_902 = arith.constant 1 : i32
      %dma_start3A_903 = arith.constant 1 : i32
      %dma_start3A_904 = arith.constant 0 : i32
      %dma_start3A_905 = arith.constant 0 : i32
      %dma_start3A_906 = tpu.memref_slice %arg7[%dma_start3A_901, %dma_start3A_904, %dma_start3A_905] : memref<2x128x128xf32, #tpu.memory_space<vmem>> -> memref<1x128x128xf32, #tpu.memory_space<vmem>>
      %dma_start3A_907 = tpu.memref_squeeze %dma_start3A_906 : memref<1x128x128xf32, #tpu.memory_space<vmem>> -> memref<128x128xf32, #tpu.memory_space<vmem>>
      %dma_start3A_908 = arith.constant 0 : i32
      %dma_start3A_909 = tpu.memref_slice %arg6[%select_n3A_757, %dma_start3A_902, %dma_start3A_903, %dma_start3A_908] : memref<2x2x2x128xi32, #tpu.memory_space<vmem>> -> memref<1x1x1x128xi32, #tpu.memory_space<vmem>>
      %dma_start3A_910 = tpu.memref_squeeze %dma_start3A_909 : memref<1x1x1x128xi32, #tpu.memory_space<vmem>> -> memref<128xi32, #tpu.memory_space<vmem>>
      %dma_start3A_911 = arith.constant 0 : i32
      %dma_start3A_912 = arith.constant 0 : i32
      %dma_start3A_913 = tpu.memref_slice %arg8[%dma_start3A_911, %dma_start3A_912] : memref<10112x128xf32, #tpu.memory_space<vmem_shared>> -> memref<10112x128xf32, #tpu.memory_space<vmem_shared>>
      tpu.enqueue_indirect_dma source(%dma_start3A_907 : memref<128x128xf32, #tpu.memory_space<vmem>>) target(%dma_start3A_913 : memref<10112x128xf32, #tpu.memory_space<vmem_shared>>) offsets(%dma_start3A_910 : memref<128xi32, #tpu.memory_space<vmem>>) semaphore(%arg13 : memref<!tpu.dma_semaphore, #tpu.memory_space<semaphore_mem>>) {add = true}
    }
    %scan3A_314 = arith.constant 38 : i32
    %dma_wait3A_315 = arith.constant 0 : i32
    %dma_wait3A_316 = arith.constant 0 : i32
    %dma_wait3A_317 = arith.constant 0 : i32
    %dma_wait3A_318 = arith.constant 1 : i32
    %dma_wait3A_319 = arith.constant 0 : i32
    %dma_wait3A_320 = arith.constant 0 : i32
    %dma_wait3A_321 = tpu.memref_slice %arg7[%dma_wait3A_315, %dma_wait3A_319, %dma_wait3A_320] : memref<2x128x128xf32, #tpu.memory_space<vmem>> -> memref<1x128x128xf32, #tpu.memory_space<vmem>>
    %dma_wait3A_322 = tpu.memref_squeeze %dma_wait3A_321 : memref<1x128x128xf32, #tpu.memory_space<vmem>> -> memref<128x128xf32, #tpu.memory_space<vmem>>
    %dma_wait3A_323 = arith.constant 0 : i32
    %dma_wait3A_324 = tpu.memref_slice %arg6[%dma_wait3A_316, %dma_wait3A_317, %dma_wait3A_318, %dma_wait3A_323] : memref<2x2x2x128xi32, #tpu.memory_space<vmem>> -> memref<1x1x1x128xi32, #tpu.memory_space<vmem>>
    %dma_wait3A_325 = tpu.memref_squeeze %dma_wait3A_324 : memref<1x1x1x128xi32, #tpu.memory_space<vmem>> -> memref<128xi32, #tpu.memory_space<vmem>>
    %dma_wait3A_326 = arith.constant 0 : i32
    %dma_wait3A_327 = arith.constant 0 : i32
    %dma_wait3A_328 = tpu.memref_slice %arg8[%dma_wait3A_326, %dma_wait3A_327] : memref<10112x128xf32, #tpu.memory_space<vmem_shared>> -> memref<10112x128xf32, #tpu.memory_space<vmem_shared>>
    tpu.wait_indirect_dma semaphore(%arg13 : memref<!tpu.dma_semaphore, #tpu.memory_space<semaphore_mem>>) src(%dma_wait3A_322 : memref<128x128xf32, #tpu.memory_space<vmem>>) dst(%dma_wait3A_328 : memref<10112x128xf32, #tpu.memory_space<vmem_shared>>)
    %dma_start3A_329 = arith.constant 1 : i32
    %dma_start3A_330 = arith.constant 1 : i32
    %dma_start3A_331 = arith.constant 0 : i32
    %dma_start3A_332 = arith.constant 1 : i32
    %dma_start3A_333 = arith.constant 0 : i32
    %dma_start3A_334 = arith.constant 0 : i32
    %dma_start3A_335 = tpu.memref_slice %arg7[%dma_start3A_332, %dma_start3A_333, %dma_start3A_334] : memref<2x128x128xf32, #tpu.memory_space<vmem>> -> memref<1x128x128xf32, #tpu.memory_space<vmem>>
    %dma_start3A_336 = tpu.memref_squeeze %dma_start3A_335 : memref<1x128x128xf32, #tpu.memory_space<vmem>> -> memref<128x128xf32, #tpu.memory_space<vmem>>
    %dma_start3A_337 = arith.constant 0 : i32
    %dma_start3A_338 = tpu.memref_slice %arg6[%dma_start3A_329, %dma_start3A_330, %dma_start3A_331, %dma_start3A_337] : memref<2x2x2x128xi32, #tpu.memory_space<vmem>> -> memref<1x1x1x128xi32, #tpu.memory_space<vmem>>
    %dma_start3A_339 = tpu.memref_squeeze %dma_start3A_338 : memref<1x1x1x128xi32, #tpu.memory_space<vmem>> -> memref<128xi32, #tpu.memory_space<vmem>>
    %dma_start3A_340 = arith.constant 0 : i32
    %dma_start3A_341 = arith.constant 0 : i32
    %dma_start3A_342 = tpu.memref_slice %arg2[%dma_start3A_340, %dma_start3A_341] : memref<10000x128xf32, #tpu.memory_space<hbm>> -> memref<10000x128xf32, #tpu.memory_space<hbm>>
    tpu.enqueue_indirect_dma source(%dma_start3A_342 : memref<10000x128xf32, #tpu.memory_space<hbm>>) target(%dma_start3A_336 : memref<128x128xf32, #tpu.memory_space<vmem>>) offsets(%dma_start3A_339 : memref<128xi32, #tpu.memory_space<vmem>>) semaphore(%arg11 : memref<!tpu.dma_semaphore, #tpu.memory_space<semaphore_mem>>)
    %dma_wait3A_343 = arith.constant 0 : i32
    %dma_wait3A_344 = arith.constant 0 : i32
    %dma_wait3A_345 = arith.constant 0 : i32
    %dma_wait3A_346 = arith.constant 0 : i32
    %dma_wait3A_347 = arith.constant 0 : i32
    %dma_wait3A_348 = arith.constant 0 : i32
    %dma_wait3A_349 = tpu.memref_slice %arg7[%dma_wait3A_346, %dma_wait3A_347, %dma_wait3A_348] : memref<2x128x128xf32, #tpu.memory_space<vmem>> -> memref<1x128x128xf32, #tpu.memory_space<vmem>>
    %dma_wait3A_350 = tpu.memref_squeeze %dma_wait3A_349 : memref<1x128x128xf32, #tpu.memory_space<vmem>> -> memref<128x128xf32, #tpu.memory_space<vmem>>
    %dma_wait3A_351 = arith.constant 0 : i32
    %dma_wait3A_352 = tpu.memref_slice %arg6[%dma_wait3A_343, %dma_wait3A_344, %dma_wait3A_345, %dma_wait3A_351] : memref<2x2x2x128xi32, #tpu.memory_space<vmem>> -> memref<1x1x1x128xi32, #tpu.memory_space<vmem>>
    %dma_wait3A_353 = tpu.memref_squeeze %dma_wait3A_352 : memref<1x1x1x128xi32, #tpu.memory_space<vmem>> -> memref<128xi32, #tpu.memory_space<vmem>>
    %dma_wait3A_354 = arith.constant 0 : i32
    %dma_wait3A_355 = arith.constant 0 : i32
    %dma_wait3A_356 = tpu.memref_slice %arg2[%dma_wait3A_354, %dma_wait3A_355] : memref<10000x128xf32, #tpu.memory_space<hbm>> -> memref<10000x128xf32, #tpu.memory_space<hbm>>
    tpu.wait_indirect_dma semaphore(%arg10 : memref<!tpu.dma_semaphore, #tpu.memory_space<semaphore_mem>>) src(%dma_wait3A_356 : memref<10000x128xf32, #tpu.memory_space<hbm>>) dst(%dma_wait3A_350 : memref<128x128xf32, #tpu.memory_space<vmem>>)
    %dma_start3A_357 = arith.constant 0 : i32
    %dma_start3A_358 = arith.constant 1 : i32
    %dma_start3A_359 = arith.constant 0 : i32
    %dma_start3A_360 = arith.constant 1 : i32
    %dma_start3A_361 = arith.constant 0 : i32
    %dma_start3A_362 = arith.constant 0 : i32
    %dma_start3A_363 = tpu.memref_slice %arg7[%dma_start3A_357, %dma_start3A_361, %dma_start3A_362] : memref<2x128x128xf32, #tpu.memory_space<vmem>> -> memref<1x128x128xf32, #tpu.memory_space<vmem>>
    %dma_start3A_364 = tpu.memref_squeeze %dma_start3A_363 : memref<1x128x128xf32, #tpu.memory_space<vmem>> -> memref<128x128xf32, #tpu.memory_space<vmem>>
    %dma_start3A_365 = arith.constant 0 : i32
    %dma_start3A_366 = tpu.memref_slice %arg6[%dma_start3A_358, %dma_start3A_359, %dma_start3A_360, %dma_start3A_365] : memref<2x2x2x128xi32, #tpu.memory_space<vmem>> -> memref<1x1x1x128xi32, #tpu.memory_space<vmem>>
    %dma_start3A_367 = tpu.memref_squeeze %dma_start3A_366 : memref<1x1x1x128xi32, #tpu.memory_space<vmem>> -> memref<128xi32, #tpu.memory_space<vmem>>
    %dma_start3A_368 = arith.constant 0 : i32
    %dma_start3A_369 = arith.constant 0 : i32
    %dma_start3A_370 = tpu.memref_slice %arg8[%dma_start3A_368, %dma_start3A_369] : memref<10112x128xf32, #tpu.memory_space<vmem_shared>> -> memref<10112x128xf32, #tpu.memory_space<vmem_shared>>
    tpu.enqueue_indirect_dma source(%dma_start3A_364 : memref<128x128xf32, #tpu.memory_space<vmem>>) target(%dma_start3A_370 : memref<10112x128xf32, #tpu.memory_space<vmem_shared>>) offsets(%dma_start3A_367 : memref<128xi32, #tpu.memory_space<vmem>>) semaphore(%arg12 : memref<!tpu.dma_semaphore, #tpu.memory_space<semaphore_mem>>) {add = true}
    %dma_wait3A_371 = arith.constant 0 : i32
    %dma_wait3A_372 = arith.constant 0 : i32
    %dma_wait3A_373 = arith.constant 0 : i32
    %dma_wait3A_374 = arith.constant 0 : i32
    %dma_wait3A_375 = arith.constant 0 : i32
    %dma_wait3A_376 = arith.constant 0 : i32
    %dma_wait3A_377 = tpu.memref_slice %arg7[%dma_wait3A_374, %dma_wait3A_375, %dma_wait3A_376] : memref<2x128x128xf32, #tpu.memory_space<vmem>> -> memref<1x128x128xf32, #tpu.memory_space<vmem>>
    %dma_wait3A_378 = tpu.memref_squeeze %dma_wait3A_377 : memref<1x128x128xf32, #tpu.memory_space<vmem>> -> memref<128x128xf32, #tpu.memory_space<vmem>>
    %dma_wait3A_379 = arith.constant 0 : i32
    %dma_wait3A_380 = tpu.memref_slice %arg6[%dma_wait3A_371, %dma_wait3A_372, %dma_wait3A_373, %dma_wait3A_379] : memref<2x2x2x128xi32, #tpu.memory_space<vmem>> -> memref<1x1x1x128xi32, #tpu.memory_space<vmem>>
    %dma_wait3A_381 = tpu.memref_squeeze %dma_wait3A_380 : memref<1x1x1x128xi32, #tpu.memory_space<vmem>> -> memref<128xi32, #tpu.memory_space<vmem>>
    %dma_wait3A_382 = arith.constant 0 : i32
    %dma_wait3A_383 = arith.constant 0 : i32
    %dma_wait3A_384 = tpu.memref_slice %arg2[%dma_wait3A_382, %dma_wait3A_383] : memref<10000x128xf32, #tpu.memory_space<hbm>> -> memref<10000x128xf32, #tpu.memory_space<hbm>>
    tpu.wait_indirect_dma semaphore(%arg11 : memref<!tpu.dma_semaphore, #tpu.memory_space<semaphore_mem>>) src(%dma_wait3A_384 : memref<10000x128xf32, #tpu.memory_space<hbm>>) dst(%dma_wait3A_378 : memref<128x128xf32, #tpu.memory_space<vmem>>)
    %dma_start3A_385 = arith.constant 1 : i32
    %dma_start3A_386 = arith.constant 1 : i32
    %dma_start3A_387 = arith.constant 1 : i32
    %dma_start3A_388 = arith.constant 1 : i32
    %dma_start3A_389 = arith.constant 0 : i32
    %dma_start3A_390 = arith.constant 0 : i32
    %dma_start3A_391 = tpu.memref_slice %arg7[%dma_start3A_385, %dma_start3A_389, %dma_start3A_390] : memref<2x128x128xf32, #tpu.memory_space<vmem>> -> memref<1x128x128xf32, #tpu.memory_space<vmem>>
    %dma_start3A_392 = tpu.memref_squeeze %dma_start3A_391 : memref<1x128x128xf32, #tpu.memory_space<vmem>> -> memref<128x128xf32, #tpu.memory_space<vmem>>
    %dma_start3A_393 = arith.constant 0 : i32
    %dma_start3A_394 = tpu.memref_slice %arg6[%dma_start3A_386, %dma_start3A_387, %dma_start3A_388, %dma_start3A_393] : memref<2x2x2x128xi32, #tpu.memory_space<vmem>> -> memref<1x1x1x128xi32, #tpu.memory_space<vmem>>
    %dma_start3A_395 = tpu.memref_squeeze %dma_start3A_394 : memref<1x1x1x128xi32, #tpu.memory_space<vmem>> -> memref<128xi32, #tpu.memory_space<vmem>>
    %dma_start3A_396 = arith.constant 0 : i32
    %dma_start3A_397 = arith.constant 0 : i32
    %dma_start3A_398 = tpu.memref_slice %arg8[%dma_start3A_396, %dma_start3A_397] : memref<10112x128xf32, #tpu.memory_space<vmem_shared>> -> memref<10112x128xf32, #tpu.memory_space<vmem_shared>>
    tpu.enqueue_indirect_dma source(%dma_start3A_392 : memref<128x128xf32, #tpu.memory_space<vmem>>) target(%dma_start3A_398 : memref<10112x128xf32, #tpu.memory_space<vmem_shared>>) offsets(%dma_start3A_395 : memref<128xi32, #tpu.memory_space<vmem>>) semaphore(%arg13 : memref<!tpu.dma_semaphore, #tpu.memory_space<semaphore_mem>>) {add = true}
    %dma_wait3A_399 = arith.constant 0 : i32
    %dma_wait3A_400 = arith.constant 0 : i32
    %dma_wait3A_401 = arith.constant 0 : i32
    %dma_wait3A_402 = arith.constant 1 : i32
    %dma_wait3A_403 = arith.constant 0 : i32
    %dma_wait3A_404 = arith.constant 0 : i32
    %dma_wait3A_405 = tpu.memref_slice %arg7[%dma_wait3A_399, %dma_wait3A_403, %dma_wait3A_404] : memref<2x128x128xf32, #tpu.memory_space<vmem>> -> memref<1x128x128xf32, #tpu.memory_space<vmem>>
    %dma_wait3A_406 = tpu.memref_squeeze %dma_wait3A_405 : memref<1x128x128xf32, #tpu.memory_space<vmem>> -> memref<128x128xf32, #tpu.memory_space<vmem>>
    %dma_wait3A_407 = arith.constant 0 : i32
    %dma_wait3A_408 = tpu.memref_slice %arg6[%dma_wait3A_400, %dma_wait3A_401, %dma_wait3A_402, %dma_wait3A_407] : memref<2x2x2x128xi32, #tpu.memory_space<vmem>> -> memref<1x1x1x128xi32, #tpu.memory_space<vmem>>
    %dma_wait3A_409 = tpu.memref_squeeze %dma_wait3A_408 : memref<1x1x1x128xi32, #tpu.memory_space<vmem>> -> memref<128xi32, #tpu.memory_space<vmem>>
    %dma_wait3A_410 = arith.constant 0 : i32
    %dma_wait3A_411 = arith.constant 0 : i32
    %dma_wait3A_412 = tpu.memref_slice %arg8[%dma_wait3A_410, %dma_wait3A_411] : memref<10112x128xf32, #tpu.memory_space<vmem_shared>> -> memref<10112x128xf32, #tpu.memory_space<vmem_shared>>
    tpu.wait_indirect_dma semaphore(%arg12 : memref<!tpu.dma_semaphore, #tpu.memory_space<semaphore_mem>>) src(%dma_wait3A_406 : memref<128x128xf32, #tpu.memory_space<vmem>>) dst(%dma_wait3A_412 : memref<10112x128xf32, #tpu.memory_space<vmem_shared>>)
    %dma_wait3A_413 = arith.constant 0 : i32
    %dma_wait3A_414 = arith.constant 0 : i32
    %dma_wait3A_415 = arith.constant 0 : i32
    %dma_wait3A_416 = arith.constant 1 : i32
    %dma_wait3A_417 = arith.constant 0 : i32
    %dma_wait3A_418 = arith.constant 0 : i32
    %dma_wait3A_419 = tpu.memref_slice %arg7[%dma_wait3A_413, %dma_wait3A_417, %dma_wait3A_418] : memref<2x128x128xf32, #tpu.memory_space<vmem>> -> memref<1x128x128xf32, #tpu.memory_space<vmem>>
    %dma_wait3A_420 = tpu.memref_squeeze %dma_wait3A_419 : memref<1x128x128xf32, #tpu.memory_space<vmem>> -> memref<128x128xf32, #tpu.memory_space<vmem>>
    %dma_wait3A_421 = arith.constant 0 : i32
    %dma_wait3A_422 = tpu.memref_slice %arg6[%dma_wait3A_414, %dma_wait3A_415, %dma_wait3A_416, %dma_wait3A_421] : memref<2x2x2x128xi32, #tpu.memory_space<vmem>> -> memref<1x1x1x128xi32, #tpu.memory_space<vmem>>
    %dma_wait3A_423 = tpu.memref_squeeze %dma_wait3A_422 : memref<1x1x1x128xi32, #tpu.memory_space<vmem>> -> memref<128xi32, #tpu.memory_space<vmem>>
    %dma_wait3A_424 = arith.constant 0 : i32
    %dma_wait3A_425 = arith.constant 0 : i32
    %dma_wait3A_426 = tpu.memref_slice %arg8[%dma_wait3A_424, %dma_wait3A_425] : memref<10112x128xf32, #tpu.memory_space<vmem_shared>> -> memref<10112x128xf32, #tpu.memory_space<vmem_shared>>
    tpu.wait_indirect_dma semaphore(%arg13 : memref<!tpu.dma_semaphore, #tpu.memory_space<semaphore_mem>>) src(%dma_wait3A_420 : memref<128x128xf32, #tpu.memory_space<vmem>>) dst(%dma_wait3A_426 : memref<10112x128xf32, #tpu.memory_space<vmem_shared>>)
    %barrier3A_427 = arith.constant 0 : index
    tpu.barrier barrier_id(%barrier3A_427)
    %add3A_428 = arith.constant 0 : i32
    %add3A_429 = arith.addi %mul3A_2, %add3A_428 : i32
    %dma_start3A_430 = arith.constant 0 : i32
    %dma_start3A_431 = arith.constant 0 : i32
    %dma_start3A_432 = arith.constant 0 : i32
    %dma_start3A_433 = tpu.memref_slice %arg7[%dma_start3A_430, %dma_start3A_431, %dma_start3A_432] : memref<2x128x128xf32, #tpu.memory_space<vmem>> -> memref<1x128x128xf32, #tpu.memory_space<vmem>>
    %dma_start3A_434 = tpu.memref_squeeze %dma_start3A_433 : memref<1x128x128xf32, #tpu.memory_space<vmem>> -> memref<128x128xf32, #tpu.memory_space<vmem>>
    %dma_start3A_435 = arith.constant 0 : i32
    %dma_start3A_436 = tpu.memref_slice %arg8[%add3A_429, %dma_start3A_435] : memref<10112x128xf32, #tpu.memory_space<vmem_shared>> -> memref<128x128xf32, #tpu.memory_space<vmem_shared>>
    %dma_start3A_437 = arith.constant 0 : i32
    %dma_start3A_438 = arith.constant 0 : i32
    %dma_start3A_439 = tpu.memref_slice %arg7[%dma_start3A_430, %dma_start3A_437, %dma_start3A_438] : memref<2x128x128xf32, #tpu.memory_space<vmem>> -> memref<1x128x128xf32, #tpu.memory_space<vmem>>
    %dma_start3A_440 = tpu.memref_squeeze %dma_start3A_439 : memref<1x128x128xf32, #tpu.memory_space<vmem>> -> memref<128x128xf32, #tpu.memory_space<vmem>>
    %dma_start3A_441 = arith.constant 0 : i32
    %dma_start3A_442 = tpu.memref_slice %arg8[%add3A_429, %dma_start3A_441] : memref<10112x128xf32, #tpu.memory_space<vmem_shared>> -> memref<128x128xf32, #tpu.memory_space<vmem_shared>>
    tpu.enqueue_dma source(%dma_start3A_442 : memref<128x128xf32, #tpu.memory_space<vmem_shared>>) target(%dma_start3A_440 : memref<128x128xf32, #tpu.memory_space<vmem>>) target_semaphore(%arg10 : memref<!tpu.dma_semaphore, #tpu.memory_space<semaphore_mem>>)
    %add3A_443 = arith.constant 0 : i32
    %add3A_444 = arith.addi %mul3A_2, %add3A_443 : i32
    %dma_wait3A_445 = arith.constant 0 : i32
    %dma_wait3A_446 = arith.constant 0 : i32
    %dma_wait3A_447 = arith.constant 0 : i32
    %dma_wait3A_448 = tpu.memref_slice %arg7[%dma_wait3A_445, %dma_wait3A_446, %dma_wait3A_447] : memref<2x128x128xf32, #tpu.memory_space<vmem>> -> memref<1x128x128xf32, #tpu.memory_space<vmem>>
    %dma_wait3A_449 = tpu.memref_squeeze %dma_wait3A_448 : memref<1x128x128xf32, #tpu.memory_space<vmem>> -> memref<128x128xf32, #tpu.memory_space<vmem>>
    %dma_wait3A_450 = arith.constant 0 : i32
    %dma_wait3A_451 = tpu.memref_slice %arg8[%add3A_444, %dma_wait3A_450] : memref<10112x128xf32, #tpu.memory_space<vmem_shared>> -> memref<128x128xf32, #tpu.memory_space<vmem_shared>>
    %dma_wait3A_452 = arith.constant 0 : i32
    %dma_wait3A_453 = arith.constant 0 : i32
    %dma_wait3A_454 = tpu.memref_slice %arg7[%dma_wait3A_445, %dma_wait3A_452, %dma_wait3A_453] : memref<2x128x128xf32, #tpu.memory_space<vmem>> -> memref<1x128x128xf32, #tpu.memory_space<vmem>>
    %dma_wait3A_455 = tpu.memref_squeeze %dma_wait3A_454 : memref<1x128x128xf32, #tpu.memory_space<vmem>> -> memref<128x128xf32, #tpu.memory_space<vmem>>
    %dma_wait3A_456 = arith.constant 0 : i32
    %dma_wait3A_457 = tpu.memref_slice %arg8[%add3A_444, %dma_wait3A_456] : memref<10112x128xf32, #tpu.memory_space<vmem_shared>> -> memref<128x128xf32, #tpu.memory_space<vmem_shared>>
    tpu.wait_dma2 semaphore(%arg10 : memref<!tpu.dma_semaphore, #tpu.memory_space<semaphore_mem>>) src(%dma_wait3A_457 : memref<128x128xf32, #tpu.memory_space<vmem_shared>>) dst(%dma_wait3A_455 : memref<128x128xf32, #tpu.memory_space<vmem>>)
    %add3A_458 = arith.constant 0 : i32
    %add3A_459 = arith.addi %mul3A_2, %add3A_458 : i32
    %dma_start3A_460 = arith.constant 0 : i32
    %dma_start3A_461 = arith.constant 0 : i32
    %dma_start3A_462 = arith.constant 0 : i32
    %dma_start3A_463 = tpu.memref_slice %arg7[%dma_start3A_460, %dma_start3A_461, %dma_start3A_462] : memref<2x128x128xf32, #tpu.memory_space<vmem>> -> memref<1x128x128xf32, #tpu.memory_space<vmem>>
    %dma_start3A_464 = tpu.memref_squeeze %dma_start3A_463 : memref<1x128x128xf32, #tpu.memory_space<vmem>> -> memref<128x128xf32, #tpu.memory_space<vmem>>
    %dma_start3A_465 = arith.constant 0 : i32
    %dma_start3A_466 = tpu.memref_slice %arg5[%arg0, %add3A_459, %dma_start3A_465] : memref<2x10112x128xf32, #tpu.memory_space<hbm>> -> memref<1x128x128xf32, #tpu.memory_space<hbm>>
    %dma_start3A_467 = tpu.memref_squeeze %dma_start3A_466 : memref<1x128x128xf32, #tpu.memory_space<hbm>> -> memref<128x128xf32, #tpu.memory_space<hbm>>
    %dma_start3A_468 = arith.constant 0 : i32
    %dma_start3A_469 = tpu.memref_slice %arg5[%arg0, %add3A_459, %dma_start3A_468] : memref<2x10112x128xf32, #tpu.memory_space<hbm>> -> memref<1x128x128xf32, #tpu.memory_space<hbm>>
    %dma_start3A_470 = tpu.memref_squeeze %dma_start3A_469 : memref<1x128x128xf32, #tpu.memory_space<hbm>> -> memref<128x128xf32, #tpu.memory_space<hbm>>
    %dma_start3A_471 = arith.constant 0 : i32
    %dma_start3A_472 = arith.constant 0 : i32
    %dma_start3A_473 = tpu.memref_slice %arg7[%dma_start3A_460, %dma_start3A_471, %dma_start3A_472] : memref<2x128x128xf32, #tpu.memory_space<vmem>> -> memref<1x128x128xf32, #tpu.memory_space<vmem>>
    %dma_start3A_474 = tpu.memref_squeeze %dma_start3A_473 : memref<1x128x128xf32, #tpu.memory_space<vmem>> -> memref<128x128xf32, #tpu.memory_space<vmem>>
    tpu.enqueue_dma source(%dma_start3A_474 : memref<128x128xf32, #tpu.memory_space<vmem>>) target(%dma_start3A_470 : memref<128x128xf32, #tpu.memory_space<hbm>>) target_semaphore(%arg11 : memref<!tpu.dma_semaphore, #tpu.memory_space<semaphore_mem>>)
    %add3A_475 = arith.constant 128 : i32
    %add3A_476 = arith.addi %mul3A_2, %add3A_475 : i32
    %dma_start3A_477 = arith.constant 1 : i32
    %dma_start3A_478 = arith.constant 0 : i32
    %dma_start3A_479 = arith.constant 0 : i32
    %dma_start3A_480 = tpu.memref_slice %arg7[%dma_start3A_477, %dma_start3A_478, %dma_start3A_479] : memref<2x128x128xf32, #tpu.memory_space<vmem>> -> memref<1x128x128xf32, #tpu.memory_space<vmem>>
    %dma_start3A_481 = tpu.memref_squeeze %dma_start3A_480 : memref<1x128x128xf32, #tpu.memory_space<vmem>> -> memref<128x128xf32, #tpu.memory_space<vmem>>
    %dma_start3A_482 = arith.constant 0 : i32
    %dma_start3A_483 = tpu.memref_slice %arg8[%add3A_476, %dma_start3A_482] : memref<10112x128xf32, #tpu.memory_space<vmem_shared>> -> memref<128x128xf32, #tpu.memory_space<vmem_shared>>
    %dma_start3A_484 = arith.constant 0 : i32
    %dma_start3A_485 = arith.constant 0 : i32
    %dma_start3A_486 = tpu.memref_slice %arg7[%dma_start3A_477, %dma_start3A_484, %dma_start3A_485] : memref<2x128x128xf32, #tpu.memory_space<vmem>> -> memref<1x128x128xf32, #tpu.memory_space<vmem>>
    %dma_start3A_487 = tpu.memref_squeeze %dma_start3A_486 : memref<1x128x128xf32, #tpu.memory_space<vmem>> -> memref<128x128xf32, #tpu.memory_space<vmem>>
    %dma_start3A_488 = arith.constant 0 : i32
    %dma_start3A_489 = tpu.memref_slice %arg8[%add3A_476, %dma_start3A_488] : memref<10112x128xf32, #tpu.memory_space<vmem_shared>> -> memref<128x128xf32, #tpu.memory_space<vmem_shared>>
    tpu.enqueue_dma source(%dma_start3A_489 : memref<128x128xf32, #tpu.memory_space<vmem_shared>>) target(%dma_start3A_487 : memref<128x128xf32, #tpu.memory_space<vmem>>) target_semaphore(%arg10 : memref<!tpu.dma_semaphore, #tpu.memory_space<semaphore_mem>>)
    %add3A_490 = arith.constant 128 : i32
    %add3A_491 = arith.addi %mul3A_2, %add3A_490 : i32
    %dma_wait3A_492 = arith.constant 1 : i32
    %dma_wait3A_493 = arith.constant 0 : i32
    %dma_wait3A_494 = arith.constant 0 : i32
    %dma_wait3A_495 = tpu.memref_slice %arg7[%dma_wait3A_492, %dma_wait3A_493, %dma_wait3A_494] : memref<2x128x128xf32, #tpu.memory_space<vmem>> -> memref<1x128x128xf32, #tpu.memory_space<vmem>>
    %dma_wait3A_496 = tpu.memref_squeeze %dma_wait3A_495 : memref<1x128x128xf32, #tpu.memory_space<vmem>> -> memref<128x128xf32, #tpu.memory_space<vmem>>
    %dma_wait3A_497 = arith.constant 0 : i32
    %dma_wait3A_498 = tpu.memref_slice %arg8[%add3A_491, %dma_wait3A_497] : memref<10112x128xf32, #tpu.memory_space<vmem_shared>> -> memref<128x128xf32, #tpu.memory_space<vmem_shared>>
    %dma_wait3A_499 = arith.constant 0 : i32
    %dma_wait3A_500 = arith.constant 0 : i32
    %dma_wait3A_501 = tpu.memref_slice %arg7[%dma_wait3A_492, %dma_wait3A_499, %dma_wait3A_500] : memref<2x128x128xf32, #tpu.memory_space<vmem>> -> memref<1x128x128xf32, #tpu.memory_space<vmem>>
    %dma_wait3A_502 = tpu.memref_squeeze %dma_wait3A_501 : memref<1x128x128xf32, #tpu.memory_space<vmem>> -> memref<128x128xf32, #tpu.memory_space<vmem>>
    %dma_wait3A_503 = arith.constant 0 : i32
    %dma_wait3A_504 = tpu.memref_slice %arg8[%add3A_491, %dma_wait3A_503] : memref<10112x128xf32, #tpu.memory_space<vmem_shared>> -> memref<128x128xf32, #tpu.memory_space<vmem_shared>>
    tpu.wait_dma2 semaphore(%arg10 : memref<!tpu.dma_semaphore, #tpu.memory_space<semaphore_mem>>) src(%dma_wait3A_504 : memref<128x128xf32, #tpu.memory_space<vmem_shared>>) dst(%dma_wait3A_502 : memref<128x128xf32, #tpu.memory_space<vmem>>)
    %add3A_505 = arith.constant 128 : i32
    %add3A_506 = arith.addi %mul3A_2, %add3A_505 : i32
    %dma_start3A_507 = arith.constant 1 : i32
    %dma_start3A_508 = arith.constant 0 : i32
    %dma_start3A_509 = arith.constant 0 : i32
    %dma_start3A_510 = tpu.memref_slice %arg7[%dma_start3A_507, %dma_start3A_508, %dma_start3A_509] : memref<2x128x128xf32, #tpu.memory_space<vmem>> -> memref<1x128x128xf32, #tpu.memory_space<vmem>>
    %dma_start3A_511 = tpu.memref_squeeze %dma_start3A_510 : memref<1x128x128xf32, #tpu.memory_space<vmem>> -> memref<128x128xf32, #tpu.memory_space<vmem>>
    %dma_start3A_512 = arith.constant 0 : i32
    %dma_start3A_513 = tpu.memref_slice %arg5[%arg0, %add3A_506, %dma_start3A_512] : memref<2x10112x128xf32, #tpu.memory_space<hbm>> -> memref<1x128x128xf32, #tpu.memory_space<hbm>>
    %dma_start3A_514 = tpu.memref_squeeze %dma_start3A_513 : memref<1x128x128xf32, #tpu.memory_space<hbm>> -> memref<128x128xf32, #tpu.memory_space<hbm>>
    %dma_start3A_515 = arith.constant 0 : i32
    %dma_start3A_516 = tpu.memref_slice %arg5[%arg0, %add3A_506, %dma_start3A_515] : memref<2x10112x128xf32, #tpu.memory_space<hbm>> -> memref<1x128x128xf32, #tpu.memory_space<hbm>>
    %dma_start3A_517 = tpu.memref_squeeze %dma_start3A_516 : memref<1x128x128xf32, #tpu.memory_space<hbm>> -> memref<128x128xf32, #tpu.memory_space<hbm>>
    %dma_start3A_518 = arith.constant 0 : i32
    %dma_start3A_519 = arith.constant 0 : i32
    %dma_start3A_520 = tpu.memref_slice %arg7[%dma_start3A_507, %dma_start3A_518, %dma_start3A_519] : memref<2x128x128xf32, #tpu.memory_space<vmem>> -> memref<1x128x128xf32, #tpu.memory_space<vmem>>
    %dma_start3A_521 = tpu.memref_squeeze %dma_start3A_520 : memref<1x128x128xf32, #tpu.memory_space<vmem>> -> memref<128x128xf32, #tpu.memory_space<vmem>>
    tpu.enqueue_dma source(%dma_start3A_521 : memref<128x128xf32, #tpu.memory_space<vmem>>) target(%dma_start3A_517 : memref<128x128xf32, #tpu.memory_space<hbm>>) target_semaphore(%arg11 : memref<!tpu.dma_semaphore, #tpu.memory_space<semaphore_mem>>)
    %add3A_522 = arith.constant 0 : i32
    %add3A_523 = arith.addi %mul3A_2, %add3A_522 : i32
    %dma_wait3A_524 = arith.constant 0 : i32
    %dma_wait3A_525 = arith.constant 0 : i32
    %dma_wait3A_526 = arith.constant 0 : i32
    %dma_wait3A_527 = tpu.memref_slice %arg7[%dma_wait3A_524, %dma_wait3A_525, %dma_wait3A_526] : memref<2x128x128xf32, #tpu.memory_space<vmem>> -> memref<1x128x128xf32, #tpu.memory_space<vmem>>
    %dma_wait3A_528 = tpu.memref_squeeze %dma_wait3A_527 : memref<1x128x128xf32, #tpu.memory_space<vmem>> -> memref<128x128xf32, #tpu.memory_space<vmem>>
    %dma_wait3A_529 = arith.constant 0 : i32
    %dma_wait3A_530 = tpu.memref_slice %arg5[%arg0, %add3A_523, %dma_wait3A_529] : memref<2x10112x128xf32, #tpu.memory_space<hbm>> -> memref<1x128x128xf32, #tpu.memory_space<hbm>>
    %dma_wait3A_531 = tpu.memref_squeeze %dma_wait3A_530 : memref<1x128x128xf32, #tpu.memory_space<hbm>> -> memref<128x128xf32, #tpu.memory_space<hbm>>
    %dma_wait3A_532 = arith.constant 0 : i32
    %dma_wait3A_533 = tpu.memref_slice %arg5[%arg0, %add3A_523, %dma_wait3A_532] : memref<2x10112x128xf32, #tpu.memory_space<hbm>> -> memref<1x128x128xf32, #tpu.memory_space<hbm>>
    %dma_wait3A_534 = tpu.memref_squeeze %dma_wait3A_533 : memref<1x128x128xf32, #tpu.memory_space<hbm>> -> memref<128x128xf32, #tpu.memory_space<hbm>>
    %dma_wait3A_535 = arith.constant 0 : i32
    %dma_wait3A_536 = arith.constant 0 : i32
    %dma_wait3A_537 = tpu.memref_slice %arg7[%dma_wait3A_524, %dma_wait3A_535, %dma_wait3A_536] : memref<2x128x128xf32, #tpu.memory_space<vmem>> -> memref<1x128x128xf32, #tpu.memory_space<vmem>>
    %dma_wait3A_538 = tpu.memref_squeeze %dma_wait3A_537 : memref<1x128x128xf32, #tpu.memory_space<vmem>> -> memref<128x128xf32, #tpu.memory_space<vmem>>
    tpu.wait_dma2 semaphore(%arg11 : memref<!tpu.dma_semaphore, #tpu.memory_space<semaphore_mem>>) src(%dma_wait3A_538 : memref<128x128xf32, #tpu.memory_space<vmem>>) dst(%dma_wait3A_534 : memref<128x128xf32, #tpu.memory_space<hbm>>)
    %add3A_539 = arith.constant 256 : i32
    %add3A_540 = arith.addi %mul3A_2, %add3A_539 : i32
    %dma_start3A_541 = arith.constant 0 : i32
    %dma_start3A_542 = arith.constant 0 : i32
    %dma_start3A_543 = arith.constant 0 : i32
    %dma_start3A_544 = tpu.memref_slice %arg7[%dma_start3A_541, %dma_start3A_542, %dma_start3A_543] : memref<2x128x128xf32, #tpu.memory_space<vmem>> -> memref<1x128x128xf32, #tpu.memory_space<vmem>>
    %dma_start3A_545 = tpu.memref_squeeze %dma_start3A_544 : memref<1x128x128xf32, #tpu.memory_space<vmem>> -> memref<128x128xf32, #tpu.memory_space<vmem>>
    %dma_start3A_546 = arith.constant 0 : i32
    %dma_start3A_547 = tpu.memref_slice %arg8[%add3A_540, %dma_start3A_546] : memref<10112x128xf32, #tpu.memory_space<vmem_shared>> -> memref<128x128xf32, #tpu.memory_space<vmem_shared>>
    %dma_start3A_548 = arith.constant 0 : i32
    %dma_start3A_549 = arith.constant 0 : i32
    %dma_start3A_550 = tpu.memref_slice %arg7[%dma_start3A_541, %dma_start3A_548, %dma_start3A_549] : memref<2x128x128xf32, #tpu.memory_space<vmem>> -> memref<1x128x128xf32, #tpu.memory_space<vmem>>
    %dma_start3A_551 = tpu.memref_squeeze %dma_start3A_550 : memref<1x128x128xf32, #tpu.memory_space<vmem>> -> memref<128x128xf32, #tpu.memory_space<vmem>>
    %dma_start3A_552 = arith.constant 0 : i32
    %dma_start3A_553 = tpu.memref_slice %arg8[%add3A_540, %dma_start3A_552] : memref<10112x128xf32, #tpu.memory_space<vmem_shared>> -> memref<128x128xf32, #tpu.memory_space<vmem_shared>>
    tpu.enqueue_dma source(%dma_start3A_553 : memref<128x128xf32, #tpu.memory_space<vmem_shared>>) target(%dma_start3A_551 : memref<128x128xf32, #tpu.memory_space<vmem>>) target_semaphore(%arg10 : memref<!tpu.dma_semaphore, #tpu.memory_space<semaphore_mem>>)
    %add3A_554 = arith.constant 256 : i32
    %add3A_555 = arith.addi %mul3A_2, %add3A_554 : i32
    %dma_wait3A_556 = arith.constant 0 : i32
    %dma_wait3A_557 = arith.constant 0 : i32
    %dma_wait3A_558 = arith.constant 0 : i32
    %dma_wait3A_559 = tpu.memref_slice %arg7[%dma_wait3A_556, %dma_wait3A_557, %dma_wait3A_558] : memref<2x128x128xf32, #tpu.memory_space<vmem>> -> memref<1x128x128xf32, #tpu.memory_space<vmem>>
    %dma_wait3A_560 = tpu.memref_squeeze %dma_wait3A_559 : memref<1x128x128xf32, #tpu.memory_space<vmem>> -> memref<128x128xf32, #tpu.memory_space<vmem>>
    %dma_wait3A_561 = arith.constant 0 : i32
    %dma_wait3A_562 = tpu.memref_slice %arg8[%add3A_555, %dma_wait3A_561] : memref<10112x128xf32, #tpu.memory_space<vmem_shared>> -> memref<128x128xf32, #tpu.memory_space<vmem_shared>>
    %dma_wait3A_563 = arith.constant 0 : i32
    %dma_wait3A_564 = arith.constant 0 : i32
    %dma_wait3A_565 = tpu.memref_slice %arg7[%dma_wait3A_556, %dma_wait3A_563, %dma_wait3A_564] : memref<2x128x128xf32, #tpu.memory_space<vmem>> -> memref<1x128x128xf32, #tpu.memory_space<vmem>>
    %dma_wait3A_566 = tpu.memref_squeeze %dma_wait3A_565 : memref<1x128x128xf32, #tpu.memory_space<vmem>> -> memref<128x128xf32, #tpu.memory_space<vmem>>
    %dma_wait3A_567 = arith.constant 0 : i32
    %dma_wait3A_568 = tpu.memref_slice %arg8[%add3A_555, %dma_wait3A_567] : memref<10112x128xf32, #tpu.memory_space<vmem_shared>> -> memref<128x128xf32, #tpu.memory_space<vmem_shared>>
    tpu.wait_dma2 semaphore(%arg10 : memref<!tpu.dma_semaphore, #tpu.memory_space<semaphore_mem>>) src(%dma_wait3A_568 : memref<128x128xf32, #tpu.memory_space<vmem_shared>>) dst(%dma_wait3A_566 : memref<128x128xf32, #tpu.memory_space<vmem>>)
    %add3A_569 = arith.constant 256 : i32
    %add3A_570 = arith.addi %mul3A_2, %add3A_569 : i32
    %dma_start3A_571 = arith.constant 0 : i32
    %dma_start3A_572 = arith.constant 0 : i32
    %dma_start3A_573 = arith.constant 0 : i32
    %dma_start3A_574 = tpu.memref_slice %arg7[%dma_start3A_571, %dma_start3A_572, %dma_start3A_573] : memref<2x128x128xf32, #tpu.memory_space<vmem>> -> memref<1x128x128xf32, #tpu.memory_space<vmem>>
    %dma_start3A_575 = tpu.memref_squeeze %dma_start3A_574 : memref<1x128x128xf32, #tpu.memory_space<vmem>> -> memref<128x128xf32, #tpu.memory_space<vmem>>
    %dma_start3A_576 = arith.constant 0 : i32
    %dma_start3A_577 = tpu.memref_slice %arg5[%arg0, %add3A_570, %dma_start3A_576] : memref<2x10112x128xf32, #tpu.memory_space<hbm>> -> memref<1x128x128xf32, #tpu.memory_space<hbm>>
    %dma_start3A_578 = tpu.memref_squeeze %dma_start3A_577 : memref<1x128x128xf32, #tpu.memory_space<hbm>> -> memref<128x128xf32, #tpu.memory_space<hbm>>
    %dma_start3A_579 = arith.constant 0 : i32
    %dma_start3A_580 = tpu.memref_slice %arg5[%arg0, %add3A_570, %dma_start3A_579] : memref<2x10112x128xf32, #tpu.memory_space<hbm>> -> memref<1x128x128xf32, #tpu.memory_space<hbm>>
    %dma_start3A_581 = tpu.memref_squeeze %dma_start3A_580 : memref<1x128x128xf32, #tpu.memory_space<hbm>> -> memref<128x128xf32, #tpu.memory_space<hbm>>
    %dma_start3A_582 = arith.constant 0 : i32
    %dma_start3A_583 = arith.constant 0 : i32
    %dma_start3A_584 = tpu.memref_slice %arg7[%dma_start3A_571, %dma_start3A_582, %dma_start3A_583] : memref<2x128x128xf32, #tpu.memory_space<vmem>> -> memref<1x128x128xf32, #tpu.memory_space<vmem>>
    %dma_start3A_585 = tpu.memref_squeeze %dma_start3A_584 : memref<1x128x128xf32, #tpu.memory_space<vmem>> -> memref<128x128xf32, #tpu.memory_space<vmem>>
    tpu.enqueue_dma source(%dma_start3A_585 : memref<128x128xf32, #tpu.memory_space<vmem>>) target(%dma_start3A_581 : memref<128x128xf32, #tpu.memory_space<hbm>>) target_semaphore(%arg11 : memref<!tpu.dma_semaphore, #tpu.memory_space<semaphore_mem>>)
    %add3A_586 = arith.constant 128 : i32
    %add3A_587 = arith.addi %mul3A_2, %add3A_586 : i32
    %dma_wait3A_588 = arith.constant 1 : i32
    %dma_wait3A_589 = arith.constant 0 : i32
    %dma_wait3A_590 = arith.constant 0 : i32
    %dma_wait3A_591 = tpu.memref_slice %arg7[%dma_wait3A_588, %dma_wait3A_589, %dma_wait3A_590] : memref<2x128x128xf32, #tpu.memory_space<vmem>> -> memref<1x128x128xf32, #tpu.memory_space<vmem>>
    %dma_wait3A_592 = tpu.memref_squeeze %dma_wait3A_591 : memref<1x128x128xf32, #tpu.memory_space<vmem>> -> memref<128x128xf32, #tpu.memory_space<vmem>>
    %dma_wait3A_593 = arith.constant 0 : i32
    %dma_wait3A_594 = tpu.memref_slice %arg5[%arg0, %add3A_587, %dma_wait3A_593] : memref<2x10112x128xf32, #tpu.memory_space<hbm>> -> memref<1x128x128xf32, #tpu.memory_space<hbm>>
    %dma_wait3A_595 = tpu.memref_squeeze %dma_wait3A_594 : memref<1x128x128xf32, #tpu.memory_space<hbm>> -> memref<128x128xf32, #tpu.memory_space<hbm>>
    %dma_wait3A_596 = arith.constant 0 : i32
    %dma_wait3A_597 = tpu.memref_slice %arg5[%arg0, %add3A_587, %dma_wait3A_596] : memref<2x10112x128xf32, #tpu.memory_space<hbm>> -> memref<1x128x128xf32, #tpu.memory_space<hbm>>
    %dma_wait3A_598 = tpu.memref_squeeze %dma_wait3A_597 : memref<1x128x128xf32, #tpu.memory_space<hbm>> -> memref<128x128xf32, #tpu.memory_space<hbm>>
    %dma_wait3A_599 = arith.constant 0 : i32
    %dma_wait3A_600 = arith.constant 0 : i32
    %dma_wait3A_601 = tpu.memref_slice %arg7[%dma_wait3A_588, %dma_wait3A_599, %dma_wait3A_600] : memref<2x128x128xf32, #tpu.memory_space<vmem>> -> memref<1x128x128xf32, #tpu.memory_space<vmem>>
    %dma_wait3A_602 = tpu.memref_squeeze %dma_wait3A_601 : memref<1x128x128xf32, #tpu.memory_space<vmem>> -> memref<128x128xf32, #tpu.memory_space<vmem>>
    tpu.wait_dma2 semaphore(%arg11 : memref<!tpu.dma_semaphore, #tpu.memory_space<semaphore_mem>>) src(%dma_wait3A_602 : memref<128x128xf32, #tpu.memory_space<vmem>>) dst(%dma_wait3A_598 : memref<128x128xf32, #tpu.memory_space<hbm>>)
    %add3A_603 = arith.constant 384 : i32
    %add3A_604 = arith.addi %mul3A_2, %add3A_603 : i32
    %dma_start3A_605 = arith.constant 1 : i32
    %dma_start3A_606 = arith.constant 0 : i32
    %dma_start3A_607 = arith.constant 0 : i32
    %dma_start3A_608 = tpu.memref_slice %arg7[%dma_start3A_605, %dma_start3A_606, %dma_start3A_607] : memref<2x128x128xf32, #tpu.memory_space<vmem>> -> memref<1x128x128xf32, #tpu.memory_space<vmem>>
    %dma_start3A_609 = tpu.memref_squeeze %dma_start3A_608 : memref<1x128x128xf32, #tpu.memory_space<vmem>> -> memref<128x128xf32, #tpu.memory_space<vmem>>
    %dma_start3A_610 = arith.constant 0 : i32
    %dma_start3A_611 = tpu.memref_slice %arg8[%add3A_604, %dma_start3A_610] : memref<10112x128xf32, #tpu.memory_space<vmem_shared>> -> memref<128x128xf32, #tpu.memory_space<vmem_shared>>
    %dma_start3A_612 = arith.constant 0 : i32
    %dma_start3A_613 = arith.constant 0 : i32
    %dma_start3A_614 = tpu.memref_slice %arg7[%dma_start3A_605, %dma_start3A_612, %dma_start3A_613] : memref<2x128x128xf32, #tpu.memory_space<vmem>> -> memref<1x128x128xf32, #tpu.memory_space<vmem>>
    %dma_start3A_615 = tpu.memref_squeeze %dma_start3A_614 : memref<1x128x128xf32, #tpu.memory_space<vmem>> -> memref<128x128xf32, #tpu.memory_space<vmem>>
    %dma_start3A_616 = arith.constant 0 : i32
    %dma_start3A_617 = tpu.memref_slice %arg8[%add3A_604, %dma_start3A_616] : memref<10112x128xf32, #tpu.memory_space<vmem_shared>> -> memref<128x128xf32, #tpu.memory_space<vmem_shared>>
    tpu.enqueue_dma source(%dma_start3A_617 : memref<128x128xf32, #tpu.memory_space<vmem_shared>>) target(%dma_start3A_615 : memref<128x128xf32, #tpu.memory_space<vmem>>) target_semaphore(%arg10 : memref<!tpu.dma_semaphore, #tpu.memory_space<semaphore_mem>>)
    %add3A_618 = arith.constant 384 : i32
    %add3A_619 = arith.addi %mul3A_2, %add3A_618 : i32
    %dma_wait3A_620 = arith.constant 1 : i32
    %dma_wait3A_621 = arith.constant 0 : i32
    %dma_wait3A_622 = arith.constant 0 : i32
    %dma_wait3A_623 = tpu.memref_slice %arg7[%dma_wait3A_620, %dma_wait3A_621, %dma_wait3A_622] : memref<2x128x128xf32, #tpu.memory_space<vmem>> -> memref<1x128x128xf32, #tpu.memory_space<vmem>>
    %dma_wait3A_624 = tpu.memref_squeeze %dma_wait3A_623 : memref<1x128x128xf32, #tpu.memory_space<vmem>> -> memref<128x128xf32, #tpu.memory_space<vmem>>
    %dma_wait3A_625 = arith.constant 0 : i32
    %dma_wait3A_626 = tpu.memref_slice %arg8[%add3A_619, %dma_wait3A_625] : memref<10112x128xf32, #tpu.memory_space<vmem_shared>> -> memref<128x128xf32, #tpu.memory_space<vmem_shared>>
    %dma_wait3A_627 = arith.constant 0 : i32
    %dma_wait3A_628 = arith.constant 0 : i32
    %dma_wait3A_629 = tpu.memref_slice %arg7[%dma_wait3A_620, %dma_wait3A_627, %dma_wait3A_628] : memref<2x128x128xf32, #tpu.memory_space<vmem>> -> memref<1x128x128xf32, #tpu.memory_space<vmem>>
    %dma_wait3A_630 = tpu.memref_squeeze %dma_wait3A_629 : memref<1x128x128xf32, #tpu.memory_space<vmem>> -> memref<128x128xf32, #tpu.memory_space<vmem>>
    %dma_wait3A_631 = arith.constant 0 : i32
    %dma_wait3A_632 = tpu.memref_slice %arg8[%add3A_619, %dma_wait3A_631] : memref<10112x128xf32, #tpu.memory_space<vmem_shared>> -> memref<128x128xf32, #tpu.memory_space<vmem_shared>>
    tpu.wait_dma2 semaphore(%arg10 : memref<!tpu.dma_semaphore, #tpu.memory_space<semaphore_mem>>) src(%dma_wait3A_632 : memref<128x128xf32, #tpu.memory_space<vmem_shared>>) dst(%dma_wait3A_630 : memref<128x128xf32, #tpu.memory_space<vmem>>)
    %add3A_633 = arith.constant 384 : i32
    %add3A_634 = arith.addi %mul3A_2, %add3A_633 : i32
    %dma_start3A_635 = arith.constant 1 : i32
    %dma_start3A_636 = arith.constant 0 : i32
    %dma_start3A_637 = arith.constant 0 : i32
    %dma_start3A_638 = tpu.memref_slice %arg7[%dma_start3A_635, %dma_start3A_636, %dma_start3A_637] : memref<2x128x128xf32, #tpu.memory_space<vmem>> -> memref<1x128x128xf32, #tpu.memory_space<vmem>>
    %dma_start3A_639 = tpu.memref_squeeze %dma_start3A_638 : memref<1x128x128xf32, #tpu.memory_space<vmem>> -> memref<128x128xf32, #tpu.memory_space<vmem>>
    %dma_start3A_640 = arith.constant 0 : i32
    %dma_start3A_641 = tpu.memref_slice %arg5[%arg0, %add3A_634, %dma_start3A_640] : memref<2x10112x128xf32, #tpu.memory_space<hbm>> -> memref<1x128x128xf32, #tpu.memory_space<hbm>>
    %dma_start3A_642 = tpu.memref_squeeze %dma_start3A_641 : memref<1x128x128xf32, #tpu.memory_space<hbm>> -> memref<128x128xf32, #tpu.memory_space<hbm>>
    %dma_start3A_643 = arith.constant 0 : i32
    %dma_start3A_644 = tpu.memref_slice %arg5[%arg0, %add3A_634, %dma_start3A_643] : memref<2x10112x128xf32, #tpu.memory_space<hbm>> -> memref<1x128x128xf32, #tpu.memory_space<hbm>>
    %dma_start3A_645 = tpu.memref_squeeze %dma_start3A_644 : memref<1x128x128xf32, #tpu.memory_space<hbm>> -> memref<128x128xf32, #tpu.memory_space<hbm>>
    %dma_start3A_646 = arith.constant 0 : i32
    %dma_start3A_647 = arith.constant 0 : i32
    %dma_start3A_648 = tpu.memref_slice %arg7[%dma_start3A_635, %dma_start3A_646, %dma_start3A_647] : memref<2x128x128xf32, #tpu.memory_space<vmem>> -> memref<1x128x128xf32, #tpu.memory_space<vmem>>
    %dma_start3A_649 = tpu.memref_squeeze %dma_start3A_648 : memref<1x128x128xf32, #tpu.memory_space<vmem>> -> memref<128x128xf32, #tpu.memory_space<vmem>>
    tpu.enqueue_dma source(%dma_start3A_649 : memref<128x128xf32, #tpu.memory_space<vmem>>) target(%dma_start3A_645 : memref<128x128xf32, #tpu.memory_space<hbm>>) target_semaphore(%arg11 : memref<!tpu.dma_semaphore, #tpu.memory_space<semaphore_mem>>)
    %add3A_650 = arith.constant 256 : i32
    %add3A_651 = arith.addi %mul3A_2, %add3A_650 : i32
    %dma_wait3A_652 = arith.constant 0 : i32
    %dma_wait3A_653 = arith.constant 0 : i32
    %dma_wait3A_654 = arith.constant 0 : i32
    %dma_wait3A_655 = tpu.memref_slice %arg7[%dma_wait3A_652, %dma_wait3A_653, %dma_wait3A_654] : memref<2x128x128xf32, #tpu.memory_space<vmem>> -> memref<1x128x128xf32, #tpu.memory_space<vmem>>
    %dma_wait3A_656 = tpu.memref_squeeze %dma_wait3A_655 : memref<1x128x128xf32, #tpu.memory_space<vmem>> -> memref<128x128xf32, #tpu.memory_space<vmem>>
    %dma_wait3A_657 = arith.constant 0 : i32
    %dma_wait3A_658 = tpu.memref_slice %arg5[%arg0, %add3A_651, %dma_wait3A_657] : memref<2x10112x128xf32, #tpu.memory_space<hbm>> -> memref<1x128x128xf32, #tpu.memory_space<hbm>>
    %dma_wait3A_659 = tpu.memref_squeeze %dma_wait3A_658 : memref<1x128x128xf32, #tpu.memory_space<hbm>> -> memref<128x128xf32, #tpu.memory_space<hbm>>
    %dma_wait3A_660 = arith.constant 0 : i32
    %dma_wait3A_661 = tpu.memref_slice %arg5[%arg0, %add3A_651, %dma_wait3A_660] : memref<2x10112x128xf32, #tpu.memory_space<hbm>> -> memref<1x128x128xf32, #tpu.memory_space<hbm>>
    %dma_wait3A_662 = tpu.memref_squeeze %dma_wait3A_661 : memref<1x128x128xf32, #tpu.memory_space<hbm>> -> memref<128x128xf32, #tpu.memory_space<hbm>>
    %dma_wait3A_663 = arith.constant 0 : i32
    %dma_wait3A_664 = arith.constant 0 : i32
    %dma_wait3A_665 = tpu.memref_slice %arg7[%dma_wait3A_652, %dma_wait3A_663, %dma_wait3A_664] : memref<2x128x128xf32, #tpu.memory_space<vmem>> -> memref<1x128x128xf32, #tpu.memory_space<vmem>>
    %dma_wait3A_666 = tpu.memref_squeeze %dma_wait3A_665 : memref<1x128x128xf32, #tpu.memory_space<vmem>> -> memref<128x128xf32, #tpu.memory_space<vmem>>
    tpu.wait_dma2 semaphore(%arg11 : memref<!tpu.dma_semaphore, #tpu.memory_space<semaphore_mem>>) src(%dma_wait3A_666 : memref<128x128xf32, #tpu.memory_space<vmem>>) dst(%dma_wait3A_662 : memref<128x128xf32, #tpu.memory_space<hbm>>)
    %add3A_667 = arith.constant 512 : i32
    %add3A_668 = arith.addi %mul3A_2, %add3A_667 : i32
    %dma_start3A_669 = arith.constant 0 : i32
    %dma_start3A_670 = arith.constant 0 : i32
    %dma_start3A_671 = arith.constant 0 : i32
    %dma_start3A_672 = tpu.memref_slice %arg7[%dma_start3A_669, %dma_start3A_670, %dma_start3A_671] : memref<2x128x128xf32, #tpu.memory_space<vmem>> -> memref<1x120x128xf32, #tpu.memory_space<vmem>>
    %dma_start3A_673 = tpu.memref_squeeze %dma_start3A_672 : memref<1x120x128xf32, #tpu.memory_space<vmem>> -> memref<120x128xf32, #tpu.memory_space<vmem>>
    %dma_start3A_674 = arith.constant 0 : i32
    %dma_start3A_675 = tpu.memref_slice %arg8[%add3A_668, %dma_start3A_674] : memref<10112x128xf32, #tpu.memory_space<vmem_shared>> -> memref<120x128xf32, #tpu.memory_space<vmem_shared>>
    %dma_start3A_676 = arith.constant 0 : i32
    %dma_start3A_677 = arith.constant 0 : i32
    %dma_start3A_678 = tpu.memref_slice %arg7[%dma_start3A_669, %dma_start3A_676, %dma_start3A_677] : memref<2x128x128xf32, #tpu.memory_space<vmem>> -> memref<1x120x128xf32, #tpu.memory_space<vmem>>
    %dma_start3A_679 = tpu.memref_squeeze %dma_start3A_678 : memref<1x120x128xf32, #tpu.memory_space<vmem>> -> memref<120x128xf32, #tpu.memory_space<vmem>>
    %dma_start3A_680 = arith.constant 0 : i32
    %dma_start3A_681 = tpu.memref_slice %arg8[%add3A_668, %dma_start3A_680] : memref<10112x128xf32, #tpu.memory_space<vmem_shared>> -> memref<120x128xf32, #tpu.memory_space<vmem_shared>>
    tpu.enqueue_dma source(%dma_start3A_681 : memref<120x128xf32, #tpu.memory_space<vmem_shared>>) target(%dma_start3A_679 : memref<120x128xf32, #tpu.memory_space<vmem>>) target_semaphore(%arg10 : memref<!tpu.dma_semaphore, #tpu.memory_space<semaphore_mem>>)
    %add3A_682 = arith.constant 512 : i32
    %add3A_683 = arith.addi %mul3A_2, %add3A_682 : i32
    %dma_wait3A_684 = arith.constant 0 : i32
    %dma_wait3A_685 = arith.constant 0 : i32
    %dma_wait3A_686 = arith.constant 0 : i32
    %dma_wait3A_687 = tpu.memref_slice %arg7[%dma_wait3A_684, %dma_wait3A_685, %dma_wait3A_686] : memref<2x128x128xf32, #tpu.memory_space<vmem>> -> memref<1x120x128xf32, #tpu.memory_space<vmem>>
    %dma_wait3A_688 = tpu.memref_squeeze %dma_wait3A_687 : memref<1x120x128xf32, #tpu.memory_space<vmem>> -> memref<120x128xf32, #tpu.memory_space<vmem>>
    %dma_wait3A_689 = arith.constant 0 : i32
    %dma_wait3A_690 = tpu.memref_slice %arg8[%add3A_683, %dma_wait3A_689] : memref<10112x128xf32, #tpu.memory_space<vmem_shared>> -> memref<120x128xf32, #tpu.memory_space<vmem_shared>>
    %dma_wait3A_691 = arith.constant 0 : i32
    %dma_wait3A_692 = arith.constant 0 : i32
    %dma_wait3A_693 = tpu.memref_slice %arg7[%dma_wait3A_684, %dma_wait3A_691, %dma_wait3A_692] : memref<2x128x128xf32, #tpu.memory_space<vmem>> -> memref<1x120x128xf32, #tpu.memory_space<vmem>>
    %dma_wait3A_694 = tpu.memref_squeeze %dma_wait3A_693 : memref<1x120x128xf32, #tpu.memory_space<vmem>> -> memref<120x128xf32, #tpu.memory_space<vmem>>
    %dma_wait3A_695 = arith.constant 0 : i32
    %dma_wait3A_696 = tpu.memref_slice %arg8[%add3A_683, %dma_wait3A_695] : memref<10112x128xf32, #tpu.memory_space<vmem_shared>> -> memref<120x128xf32, #tpu.memory_space<vmem_shared>>
    tpu.wait_dma2 semaphore(%arg10 : memref<!tpu.dma_semaphore, #tpu.memory_space<semaphore_mem>>) src(%dma_wait3A_696 : memref<120x128xf32, #tpu.memory_space<vmem_shared>>) dst(%dma_wait3A_694 : memref<120x128xf32, #tpu.memory_space<vmem>>)
    %add3A_697 = arith.constant 512 : i32
    %add3A_698 = arith.addi %mul3A_2, %add3A_697 : i32
    %dma_start3A_699 = arith.constant 0 : i32
    %dma_start3A_700 = arith.constant 0 : i32
    %dma_start3A_701 = arith.constant 0 : i32
    %dma_start3A_702 = tpu.memref_slice %arg7[%dma_start3A_699, %dma_start3A_700, %dma_start3A_701] : memref<2x128x128xf32, #tpu.memory_space<vmem>> -> memref<1x120x128xf32, #tpu.memory_space<vmem>>
    %dma_start3A_703 = tpu.memref_squeeze %dma_start3A_702 : memref<1x120x128xf32, #tpu.memory_space<vmem>> -> memref<120x128xf32, #tpu.memory_space<vmem>>
    %dma_start3A_704 = arith.constant 0 : i32
    %dma_start3A_705 = tpu.memref_slice %arg5[%arg0, %add3A_698, %dma_start3A_704] : memref<2x10112x128xf32, #tpu.memory_space<hbm>> -> memref<1x120x128xf32, #tpu.memory_space<hbm>>
    %dma_start3A_706 = tpu.memref_squeeze %dma_start3A_705 : memref<1x120x128xf32, #tpu.memory_space<hbm>> -> memref<120x128xf32, #tpu.memory_space<hbm>>
    %dma_start3A_707 = arith.constant 0 : i32
    %dma_start3A_708 = tpu.memref_slice %arg5[%arg0, %add3A_698, %dma_start3A_707] : memref<2x10112x128xf32, #tpu.memory_space<hbm>> -> memref<1x120x128xf32, #tpu.memory_space<hbm>>
    %dma_start3A_709 = tpu.memref_squeeze %dma_start3A_708 : memref<1x120x128xf32, #tpu.memory_space<hbm>> -> memref<120x128xf32, #tpu.memory_space<hbm>>
    %dma_start3A_710 = arith.constant 0 : i32
    %dma_start3A_711 = arith.constant 0 : i32
    %dma_start3A_712 = tpu.memref_slice %arg7[%dma_start3A_699, %dma_start3A_710, %dma_start3A_711] : memref<2x128x128xf32, #tpu.memory_space<vmem>> -> memref<1x120x128xf32, #tpu.memory_space<vmem>>
    %dma_start3A_713 = tpu.memref_squeeze %dma_start3A_712 : memref<1x120x128xf32, #tpu.memory_space<vmem>> -> memref<120x128xf32, #tpu.memory_space<vmem>>
    tpu.enqueue_dma source(%dma_start3A_713 : memref<120x128xf32, #tpu.memory_space<vmem>>) target(%dma_start3A_709 : memref<120x128xf32, #tpu.memory_space<hbm>>) target_semaphore(%arg11 : memref<!tpu.dma_semaphore, #tpu.memory_space<semaphore_mem>>)
    %add3A_714 = arith.constant 384 : i32
    %add3A_715 = arith.addi %mul3A_2, %add3A_714 : i32
    %dma_wait3A_716 = arith.constant 1 : i32
    %dma_wait3A_717 = arith.constant 0 : i32
    %dma_wait3A_718 = arith.constant 0 : i32
    %dma_wait3A_719 = tpu.memref_slice %arg7[%dma_wait3A_716, %dma_wait3A_717, %dma_wait3A_718] : memref<2x128x128xf32, #tpu.memory_space<vmem>> -> memref<1x128x128xf32, #tpu.memory_space<vmem>>
    %dma_wait3A_720 = tpu.memref_squeeze %dma_wait3A_719 : memref<1x128x128xf32, #tpu.memory_space<vmem>> -> memref<128x128xf32, #tpu.memory_space<vmem>>
    %dma_wait3A_721 = arith.constant 0 : i32
    %dma_wait3A_722 = tpu.memref_slice %arg5[%arg0, %add3A_715, %dma_wait3A_721] : memref<2x10112x128xf32, #tpu.memory_space<hbm>> -> memref<1x128x128xf32, #tpu.memory_space<hbm>>
    %dma_wait3A_723 = tpu.memref_squeeze %dma_wait3A_722 : memref<1x128x128xf32, #tpu.memory_space<hbm>> -> memref<128x128xf32, #tpu.memory_space<hbm>>
    %dma_wait3A_724 = arith.constant 0 : i32
    %dma_wait3A_725 = tpu.memref_slice %arg5[%arg0, %add3A_715, %dma_wait3A_724] : memref<2x10112x128xf32, #tpu.memory_space<hbm>> -> memref<1x128x128xf32, #tpu.memory_space<hbm>>
    %dma_wait3A_726 = tpu.memref_squeeze %dma_wait3A_725 : memref<1x128x128xf32, #tpu.memory_space<hbm>> -> memref<128x128xf32, #tpu.memory_space<hbm>>
    %dma_wait3A_727 = arith.constant 0 : i32
    %dma_wait3A_728 = arith.constant 0 : i32
    %dma_wait3A_729 = tpu.memref_slice %arg7[%dma_wait3A_716, %dma_wait3A_727, %dma_wait3A_728] : memref<2x128x128xf32, #tpu.memory_space<vmem>> -> memref<1x128x128xf32, #tpu.memory_space<vmem>>
    %dma_wait3A_730 = tpu.memref_squeeze %dma_wait3A_729 : memref<1x128x128xf32, #tpu.memory_space<vmem>> -> memref<128x128xf32, #tpu.memory_space<vmem>>
    tpu.wait_dma2 semaphore(%arg11 : memref<!tpu.dma_semaphore, #tpu.memory_space<semaphore_mem>>) src(%dma_wait3A_730 : memref<128x128xf32, #tpu.memory_space<vmem>>) dst(%dma_wait3A_726 : memref<128x128xf32, #tpu.memory_space<hbm>>)
    %add3A_731 = arith.constant 512 : i32
    %add3A_732 = arith.addi %mul3A_2, %add3A_731 : i32
    %dma_wait3A_733 = arith.constant 0 : i32
    %dma_wait3A_734 = arith.constant 0 : i32
    %dma_wait3A_735 = arith.constant 0 : i32
    %dma_wait3A_736 = tpu.memref_slice %arg7[%dma_wait3A_733, %dma_wait3A_734, %dma_wait3A_735] : memref<2x128x128xf32, #tpu.memory_space<vmem>> -> memref<1x120x128xf32, #tpu.memory_space<vmem>>
    %dma_wait3A_737 = tpu.memref_squeeze %dma_wait3A_736 : memref<1x120x128xf32, #tpu.memory_space<vmem>> -> memref<120x128xf32, #tpu.memory_space<vmem>>
    %dma_wait3A_738 = arith.constant 0 : i32
    %dma_wait3A_739 = tpu.memref_slice %arg5[%arg0, %add3A_732, %dma_wait3A_738] : memref<2x10112x128xf32, #tpu.memory_space<hbm>> -> memref<1x120x128xf32, #tpu.memory_space<hbm>>
    %dma_wait3A_740 = tpu.memref_squeeze %dma_wait3A_739 : memref<1x120x128xf32, #tpu.memory_space<hbm>> -> memref<120x128xf32, #tpu.memory_space<hbm>>
    %dma_wait3A_741 = arith.constant 0 : i32
    %dma_wait3A_742 = tpu.memref_slice %arg5[%arg0, %add3A_732, %dma_wait3A_741] : memref<2x10112x128xf32, #tpu.memory_space<hbm>> -> memref<1x120x128xf32, #tpu.memory_space<hbm>>
    %dma_wait3A_743 = tpu.memref_squeeze %dma_wait3A_742 : memref<1x120x128xf32, #tpu.memory_space<hbm>> -> memref<120x128xf32, #tpu.memory_space<hbm>>
    %dma_wait3A_744 = arith.constant 0 : i32
    %dma_wait3A_745 = arith.constant 0 : i32
    %dma_wait3A_746 = tpu.memref_slice %arg7[%dma_wait3A_733, %dma_wait3A_744, %dma_wait3A_745] : memref<2x128x128xf32, #tpu.memory_space<vmem>> -> memref<1x120x128xf32, #tpu.memory_space<vmem>>
    %dma_wait3A_747 = tpu.memref_squeeze %dma_wait3A_746 : memref<1x120x128xf32, #tpu.memory_space<vmem>> -> memref<120x128xf32, #tpu.memory_space<vmem>>
    tpu.wait_dma2 semaphore(%arg11 : memref<!tpu.dma_semaphore, #tpu.memory_space<semaphore_mem>>) src(%dma_wait3A_747 : memref<120x128xf32, #tpu.memory_space<vmem>>) dst(%dma_wait3A_743 : memref<120x128xf32, #tpu.memory_space<hbm>>)
    return
  }
}

module attributes {stable_mosaic.version = 14 : i64} {
  func.func @_proj_body(%arg0: memref<4000x128xf32, #tpu.memory_space<vmem>>, %arg1: memref<3000x256xf32, #tpu.memory_space<vmem>>, %arg2: memref<3000x64xf32, #tpu.memory_space<vmem>>, %arg3: memref<128x128xf32, #tpu.memory_space<vmem>>, %arg4: memref<128xf32, #tpu.memory_space<vmem>>, %arg5: memref<256x128xf32, #tpu.memory_space<vmem>>, %arg6: memref<128xf32, #tpu.memory_space<vmem>>, %arg7: memref<64x128xf32, #tpu.memory_space<vmem>>, %arg8: memref<128xf32, #tpu.memory_space<vmem>>, %arg9: memref<2x16x10112xf32, #tpu.memory_space<vmem>>, %arg10: memref<10000x128xf32, #tpu.memory_space<vmem>>, %arg11: memref<10000x1xf32, #tpu.memory_space<vmem>>, %arg12: memref<10000x1xf32, #tpu.memory_space<vmem>>) attributes {dimension_semantics = [], scalar_prefetch = 0 : i64, scratch_operands = 0 : i64, tpu.core_type = #tpu.core_type<tc>} {
    %get3A = arith.constant 0 : index
    %get3A_0 = arith.constant 0 : index
    %get3A_1 = vector.load %arg0[%get3A, %get3A_0] : memref<4000x128xf32, #tpu.memory_space<vmem>>, vector<4000x128xf32>
    %get3A_2 = arith.constant 0 : index
    %get3A_3 = arith.constant 0 : index
    %get3A_4 = vector.load %arg3[%get3A_2, %get3A_3] : memref<128x128xf32, #tpu.memory_space<vmem>>, vector<128x128xf32>
    %dot_general3A = arith.constant dense<0.000000e+00> : vector<4000x128xf32>
    %dot_general3A_5 = tpu.matmul %get3A_1, %get3A_4, %dot_general3A {dimension_numbers = #tpu.dot_dimension_numbers<[1], [0], [0], [1], [0, 0, 1, 1], [], []>, transpose_lhs_hint = false} : vector<4000x128xf32>, vector<128x128xf32>, vector<4000x128xf32> -> vector<4000x128xf32>
    %get3A_6 = arith.constant 0 : index
    %get3A_7 = vector.load %arg4[%get3A_6] : memref<128xf32, #tpu.memory_space<vmem>>, vector<128xf32>
    %broadcast_in_dim3A = vector.shape_cast %get3A_7 : vector<128xf32> to vector<1x128xf32>
    %add3A = vector.broadcast %broadcast_in_dim3A : vector<1x128xf32> to vector<4000x128xf32>
    %add3A_8 = arith.addf %dot_general3A_5, %add3A : vector<4000x128xf32>
    %get3A_9 = arith.constant 0 : index
    %get3A_10 = arith.constant 0 : index
    %get3A_11 = vector.load %arg1[%get3A_9, %get3A_10] : memref<3000x256xf32, #tpu.memory_space<vmem>>, vector<3000x256xf32>
    %get3A_12 = arith.constant 0 : index
    %get3A_13 = arith.constant 0 : index
    %get3A_14 = vector.load %arg5[%get3A_12, %get3A_13] : memref<256x128xf32, #tpu.memory_space<vmem>>, vector<256x128xf32>
    %dot_general3A_15 = arith.constant dense<0.000000e+00> : vector<3000x128xf32>
    %dot_general3A_16 = tpu.matmul %get3A_11, %get3A_14, %dot_general3A_15 {dimension_numbers = #tpu.dot_dimension_numbers<[1], [0], [0], [1], [0, 0, 1, 1], [], []>, transpose_lhs_hint = false} : vector<3000x256xf32>, vector<256x128xf32>, vector<3000x128xf32> -> vector<3000x128xf32>
    %get3A_17 = arith.constant 0 : index
    %get3A_18 = vector.load %arg6[%get3A_17] : memref<128xf32, #tpu.memory_space<vmem>>, vector<128xf32>
    %broadcast_in_dim3A_19 = vector.shape_cast %get3A_18 : vector<128xf32> to vector<1x128xf32>
    %add3A_20 = vector.broadcast %broadcast_in_dim3A_19 : vector<1x128xf32> to vector<3000x128xf32>
    %add3A_21 = arith.addf %dot_general3A_16, %add3A_20 : vector<3000x128xf32>
    %get3A_22 = arith.constant 0 : index
    %get3A_23 = arith.constant 0 : index
    %get3A_24 = vector.load %arg2[%get3A_22, %get3A_23] : memref<3000x64xf32, #tpu.memory_space<vmem>>, vector<3000x64xf32>
    %get3A_25 = arith.constant 0 : index
    %get3A_26 = arith.constant 0 : index
    %get3A_27 = vector.load %arg7[%get3A_25, %get3A_26] : memref<64x128xf32, #tpu.memory_space<vmem>>, vector<64x128xf32>
    %dot_general3A_28 = arith.constant dense<0.000000e+00> : vector<3000x128xf32>
    %dot_general3A_29 = tpu.matmul %get3A_24, %get3A_27, %dot_general3A_28 {dimension_numbers = #tpu.dot_dimension_numbers<[1], [0], [0], [1], [0, 0, 1, 1], [], []>, transpose_lhs_hint = false} : vector<3000x64xf32>, vector<64x128xf32>, vector<3000x128xf32> -> vector<3000x128xf32>
    %get3A_30 = arith.constant 0 : index
    %get3A_31 = vector.load %arg8[%get3A_30] : memref<128xf32, #tpu.memory_space<vmem>>, vector<128xf32>
    %broadcast_in_dim3A_32 = vector.shape_cast %get3A_31 : vector<128xf32> to vector<1x128xf32>
    %add3A_33 = vector.broadcast %broadcast_in_dim3A_32 : vector<1x128xf32> to vector<3000x128xf32>
    %add3A_34 = arith.addf %dot_general3A_29, %add3A_33 : vector<3000x128xf32>
    %concatenate3A = tpu.concatenate %add3A_8, %add3A_21, %add3A_34 in 0 : vector<4000x128xf32>, vector<3000x128xf32>, vector<3000x128xf32> -> vector<10000x128xf32>
    %get3A_35 = arith.constant 0 : index
    %get3A_36 = arith.constant 0 : index
    %get3A_37 = arith.constant 0 : index
    %get3A_38 = vector.load %arg9[%get3A_35, %get3A_36, %get3A_37] : memref<2x16x10112xf32, #tpu.memory_space<vmem>>, vector<1x16x10112xf32>
    %get3A_39 = vector.shape_cast %get3A_38 : vector<1x16x10112xf32> to vector<16x10112xf32>
    %reduce_sum3A = arith.constant dense<0.000000e+00> : vector<10112xf32>
    %reduce_sum3A_40 = vector.multi_reduction <add>, %get3A_39, %reduce_sum3A [0] : vector<16x10112xf32> to vector<10112xf32>
    %slice3A = vector.extract_strided_slice %reduce_sum3A_40 {offsets = [0], sizes = [10000], strides = [1]} : vector<10112xf32> to vector<10000xf32>
    %get3A_41 = arith.constant 1 : index
    %get3A_42 = arith.constant 0 : index
    %get3A_43 = arith.constant 0 : index
    %get3A_44 = vector.load %arg9[%get3A_41, %get3A_42, %get3A_43] : memref<2x16x10112xf32, #tpu.memory_space<vmem>>, vector<1x16x10112xf32>
    %get3A_45 = vector.shape_cast %get3A_44 : vector<1x16x10112xf32> to vector<16x10112xf32>
    %reduce_sum3A_46 = arith.constant dense<0.000000e+00> : vector<10112xf32>
    %reduce_sum3A_47 = vector.multi_reduction <add>, %get3A_45, %reduce_sum3A_46 [0] : vector<16x10112xf32> to vector<10112xf32>
    %slice3A_48 = vector.extract_strided_slice %reduce_sum3A_47 {offsets = [0], sizes = [10000], strides = [1]} : vector<10112xf32> to vector<10000xf32>
    %max3A = arith.constant 1.000000e+00 : f32
    %max3A_49 = vector.broadcast %max3A : f32 to vector<10000xf32>
    %max3A_50 = arith.maximumf %slice3A, %max3A_49 : vector<10000xf32>
    %rsqrt3A = math.rsqrt %max3A_50 : vector<10000xf32>
    %max3A_51 = arith.constant 1.000000e+00 : f32
    %max3A_52 = vector.broadcast %max3A_51 : f32 to vector<10000xf32>
    %max3A_53 = arith.maximumf %slice3A_48, %max3A_52 : vector<10000xf32>
    %rsqrt3A_54 = math.rsqrt %max3A_53 : vector<10000xf32>
    %broadcast_in_dim3A_55 = vector.shape_cast %rsqrt3A : vector<10000xf32> to vector<10000x1xf32>
    %mul3A = vector.broadcast %broadcast_in_dim3A_55 : vector<10000x1xf32> to vector<10000x128xf32>
    %mul3A_56 = arith.mulf %concatenate3A, %mul3A : vector<10000x128xf32>
    %swap3A = arith.constant 0 : index
    %swap3A_57 = arith.constant 0 : index
    %swap3A_58 = vector.load %arg10[%swap3A, %swap3A_57] : memref<10000x128xf32, #tpu.memory_space<vmem>>, vector<10000x128xf32>
    tpu.vector_store %arg10[%swap3A, %swap3A_57], %mul3A_56 {strides = array<i32>} : memref<10000x128xf32, #tpu.memory_space<vmem>>, vector<10000x128xf32>,
    %broadcast_in_dim3A_59 = vector.shape_cast %rsqrt3A : vector<10000xf32> to vector<10000x1xf32>
    %swap3A_60 = arith.constant 0 : index
    %swap3A_61 = arith.constant 0 : index
    %swap3A_62 = vector.load %arg11[%swap3A_60, %swap3A_61] : memref<10000x1xf32, #tpu.memory_space<vmem>>, vector<10000x1xf32>
    tpu.vector_store %arg11[%swap3A_60, %swap3A_61], %broadcast_in_dim3A_59 {strides = array<i32>} : memref<10000x1xf32, #tpu.memory_space<vmem>>, vector<10000x1xf32>,
    %broadcast_in_dim3A_63 = vector.shape_cast %rsqrt3A_54 : vector<10000xf32> to vector<10000x1xf32>
    %swap3A_64 = arith.constant 0 : index
    %swap3A_65 = arith.constant 0 : index
    %swap3A_66 = vector.load %arg12[%swap3A_64, %swap3A_65] : memref<10000x1xf32, #tpu.memory_space<vmem>>, vector<10000x1xf32>
    tpu.vector_store %arg12[%swap3A_64, %swap3A_65], %broadcast_in_dim3A_63 {strides = array<i32>} : memref<10000x1xf32, #tpu.memory_space<vmem>>, vector<10000x1xf32>,
    return
  }
}

module attributes {stable_mosaic.version = 14 : i64} {
  func.func @_scale_body(%arg0: memref<2x10112x128xf32, #tpu.memory_space<vmem>>, %arg1: memref<10000x1xf32, #tpu.memory_space<vmem>>, %arg2: memref<10000x1xf32, #tpu.memory_space<vmem>>, %arg3: memref<10000x128xf32, #tpu.memory_space<vmem>>) attributes {dimension_semantics = [], scalar_prefetch = 0 : i64, scratch_operands = 0 : i64, tpu.core_type = #tpu.core_type<tc>} {
    %get3A = arith.constant 0 : index
    %get3A_0 = arith.constant 0 : index
    %get3A_1 = arith.constant 0 : index
    %get3A_2 = vector.load %arg0[%get3A, %get3A_0, %get3A_1] : memref<2x10112x128xf32, #tpu.memory_space<vmem>>, vector<1x10000x128xf32>
    %get3A_3 = vector.shape_cast %get3A_2 : vector<1x10000x128xf32> to vector<10000x128xf32>
    %get3A_4 = arith.constant 1 : index
    %get3A_5 = arith.constant 0 : index
    %get3A_6 = arith.constant 0 : index
    %get3A_7 = vector.load %arg0[%get3A_4, %get3A_5, %get3A_6] : memref<2x10112x128xf32, #tpu.memory_space<vmem>>, vector<1x10000x128xf32>
    %get3A_8 = vector.shape_cast %get3A_7 : vector<1x10000x128xf32> to vector<10000x128xf32>
    %add3A = arith.addf %get3A_3, %get3A_8 : vector<10000x128xf32>
    %get3A_9 = arith.constant 0 : index
    %get3A_10 = arith.constant 0 : index
    %get3A_11 = vector.load %arg1[%get3A_9, %get3A_10] : memref<10000x1xf32, #tpu.memory_space<vmem>>, vector<10000x1xf32>
    %mul3A = vector.broadcast %get3A_11 : vector<10000x1xf32> to vector<10000x128xf32>
    %mul3A_12 = arith.mulf %add3A, %mul3A : vector<10000x128xf32>
    %max3A = arith.constant 0.000000e+00 : f32
    %max3A_13 = vector.broadcast %max3A : f32 to vector<10000x128xf32>
    %max3A_14 = arith.maximumf %mul3A_12, %max3A_13 : vector<10000x128xf32>
    %get3A_15 = arith.constant 0 : index
    %get3A_16 = arith.constant 0 : index
    %get3A_17 = vector.load %arg2[%get3A_15, %get3A_16] : memref<10000x1xf32, #tpu.memory_space<vmem>>, vector<10000x1xf32>
    %mul3A_18 = vector.broadcast %get3A_17 : vector<10000x1xf32> to vector<10000x128xf32>
    %mul3A_19 = arith.mulf %max3A_14, %mul3A_18 : vector<10000x128xf32>
    %swap3A = arith.constant 0 : index
    %swap3A_20 = arith.constant 0 : index
    %swap3A_21 = vector.load %arg3[%swap3A, %swap3A_20] : memref<10000x128xf32, #tpu.memory_space<vmem>>, vector<10000x128xf32>
    tpu.vector_store %arg3[%swap3A, %swap3A_20], %mul3A_19 {strides = array<i32>} : memref<10000x128xf32, #tpu.memory_space<vmem>>, vector<10000x128xf32>,
    return
  }
}

module attributes {stable_mosaic.version = 14 : i64} {
  func.func @_final_body(%arg0: memref<2x10112x128xf32, #tpu.memory_space<vmem>>, %arg1: memref<10000x1xf32, #tpu.memory_space<vmem>>, %arg2: memref<128x128xf32, #tpu.memory_space<vmem>>, %arg3: memref<128xf32, #tpu.memory_space<vmem>>, %arg4: memref<10000x128xf32, #tpu.memory_space<vmem>>) attributes {dimension_semantics = [], scalar_prefetch = 0 : i64, scratch_operands = 0 : i64, tpu.core_type = #tpu.core_type<tc>} {
    %get3A = arith.constant 0 : index
    %get3A_0 = arith.constant 0 : index
    %get3A_1 = arith.constant 0 : index
    %get3A_2 = vector.load %arg0[%get3A, %get3A_0, %get3A_1] : memref<2x10112x128xf32, #tpu.memory_space<vmem>>, vector<1x10000x128xf32>
    %get3A_3 = vector.shape_cast %get3A_2 : vector<1x10000x128xf32> to vector<10000x128xf32>
    %get3A_4 = arith.constant 1 : index
    %get3A_5 = arith.constant 0 : index
    %get3A_6 = arith.constant 0 : index
    %get3A_7 = vector.load %arg0[%get3A_4, %get3A_5, %get3A_6] : memref<2x10112x128xf32, #tpu.memory_space<vmem>>, vector<1x10000x128xf32>
    %get3A_8 = vector.shape_cast %get3A_7 : vector<1x10000x128xf32> to vector<10000x128xf32>
    %add3A = arith.addf %get3A_3, %get3A_8 : vector<10000x128xf32>
    %get3A_9 = arith.constant 0 : index
    %get3A_10 = arith.constant 0 : index
    %get3A_11 = vector.load %arg1[%get3A_9, %get3A_10] : memref<10000x1xf32, #tpu.memory_space<vmem>>, vector<10000x1xf32>
    %mul3A = vector.broadcast %get3A_11 : vector<10000x1xf32> to vector<10000x128xf32>
    %mul3A_12 = arith.mulf %add3A, %mul3A : vector<10000x128xf32>
    %get3A_13 = arith.constant 0 : index
    %get3A_14 = arith.constant 0 : index
    %get3A_15 = vector.load %arg2[%get3A_13, %get3A_14] : memref<128x128xf32, #tpu.memory_space<vmem>>, vector<128x128xf32>
    %dot_general3A = arith.constant dense<0.000000e+00> : vector<10000x128xf32>
    %dot_general3A_16 = tpu.matmul %mul3A_12, %get3A_15, %dot_general3A {dimension_numbers = #tpu.dot_dimension_numbers<[1], [0], [0], [1], [0, 0, 1, 1], [], []>, transpose_lhs_hint = false} : vector<10000x128xf32>, vector<128x128xf32>, vector<10000x128xf32> -> vector<10000x128xf32>
    %get3A_17 = arith.constant 0 : index
    %get3A_18 = vector.load %arg3[%get3A_17] : memref<128xf32, #tpu.memory_space<vmem>>, vector<128xf32>
    %broadcast_in_dim3A = vector.shape_cast %get3A_18 : vector<128xf32> to vector<1x128xf32>
    %add3A_19 = vector.broadcast %broadcast_in_dim3A : vector<1x128xf32> to vector<10000x128xf32>
    %add3A_20 = arith.addf %dot_general3A_16, %add3A_19 : vector<10000x128xf32>
    %max3A = arith.constant 0.000000e+00 : f32
    %max3A_21 = vector.broadcast %max3A : f32 to vector<10000x128xf32>
    %max3A_22 = arith.maximumf %add3A_20, %max3A_21 : vector<10000x128xf32>
    %swap3A = arith.constant 0 : index
    %swap3A_23 = arith.constant 0 : index
    %swap3A_24 = vector.load %arg4[%swap3A, %swap3A_23] : memref<10000x128xf32, #tpu.memory_space<vmem>>, vector<10000x128xf32>
    tpu.vector_store %arg4[%swap3A, %swap3A_23], %max3A_22 {strides = array<i32>} : memref<10000x128xf32, #tpu.memory_space<vmem>>, vector<10000x128xf32>,
    return
  }
}

</mosaic_0001>

<sc_bundles>
// kernel: kernel.11.cloned.1.call-start
scs
__scs_entry_jumppad:
0x0: {  	(pc) =	sbr.rel $0x88, $3  }
0x1: {  	(tag) =	ssettag $0x0;
	lr =	simm.s32 $0x1  }
0x2: {  	[smem:$0x3F94] =	sst lr;
	_ =	strace $0xD0000000  }
0x3: {  	_ = 	snop  }
0x4: {  	_ = 	snop  }
0x5: {  	_ = 	snop  }
0x6: {  	_ = 	snop  }
0x7: {  	_ = 	snop  }
__scs_overlays_trampoline_lowered:
0x8: {  	[smem:$0x3FA3] =	sst s0  }
0x9: {  	[smem:$0x3FA4] =	sst s1  }
0xa: {  	[smem:$0x3FA5] =	sst s2  }
0xb: {  	[smem:$0x3FA6] =	sst s3  }
0xc: {  	[smem:$0x3FA7] =	sst s4  }
0xd: {  	[smem:$0x3FA8] =	sst s5  }
0xe: {  	[smem:$0x3FA9] =	sst s6  }
0xf: {  	[smem:$0x3FAA] =	sst s7  }
0x10: {  	[smem:$0x3FAB] =	sst s8  }
0x11: {  	[smem:$0x3FAC] =	sst s9;
	s0 =	simm.s32 @!p0 $0x0  }
0x12: {  	s1 =	sld [smem:$0x3F92];
	s0 =	simm.s32 @p0 $0x1  }
0x13: {  	[smem:$0x3FAD] =	sst s0;
	s0 =	simm.s32 @!p1 $0x0  }
0x14: {  	s2 =	sld [smem:$0x3F91];
	s0 =	simm.s32 @p1 $0x1  }
0x15: {  	[smem:$0x3FAE] =	sst s0;
	s0 =	simm.s32 @!p2 $0x0  }
0x16: {  	s3 =	sld [smem:$0x3FDB];
	s0 =	simm.s32 @p2 $0x1  }
0x17: {  	s4 =	simm.s32 $0x1BF5;
	[smem:$0x3FB0] =	sst s0  }
0x18: {  	s0 =	sld [smem:$0x3F93];
	_ =	swait.ge [sflag:s4], $0x0  }
0x19: {  	s7 =	sld [smem:$0x3F94]  }
0x1a: {  	s8 =	sadd.s32 $0xFFFFE003, lr  }
0x1b: {  	s9 =	sadd.s32 $0xFFFFFEF7, lr;
	s5 =	simm.s32 $0xFFFFFFFF;
	p2 =	slt.u32 s8, $0xFFFFF086  }
0x1c: {  	p1 =	slt.u32 s9, $0xF7A;
	s5 =	simm.s32 @!p2 $0x0  }
0x1d: {  	s5 =	simm.s32 @p1 $0x1;
	p0 =	seq.s32 s7, s2  }
0x1e: {  	s7 =	smul.u32 @!p0 $0xF7A, s2;
	p2 =	seq.s32 @!p0 s5, $0x0  }
0x1f: {  	s9 =	smul.u32 $0xF7A, s1;
	s8 =	simm.s32 @!p0 $0x1BF5;
	p2 =	por !p2, p0  }
0x20: {  	[sflag:s8] =	ssyncset.s32 @!p0 $0xFFFFF086;
	s6 =	sadd.s32 @!p0 s3, s7;
	s7 =	simm.s32 @!p0 $0x108  }
0x21: {  	s3 =	sadd.s32 s3, s9;
	s6 =	sadd.s32 @!p0 $0x88, s6;
	s7 =	simm.s32 @p2 $0x1082  }
0x22: {  	[simem:s7], [sflag:s8] =	dma.local @!p0 [hbm:s6], $0xF7A  }
0x23: {  	s9 =	sor.u32 $0xD0000000, s2;
	s6 =	simm.s32 $0x108;
	_ =	swait.ge @!p0 [sflag:s8], $0x0  }
0x24: {  	s3 =	sadd.s32 $0x88, s3;
	s6 =	simm.s32 @!p1 $0x1082;
	[sflag:s4] =	ssyncset.s32 $0xFFFFF086  }
0x25: {  	[simem:s6], [sflag:s4] =	dma.local [hbm:s3], $0xF7A  }
0x26: {  	[smem:$0x3F94] =	sst s1;
	(tag) =	ssettag s2;
	_ =	strace s9  }
0x27: {  	s1 =	sld [smem:$0x3FA4]  }
0x28: {  	s2 =	sld [smem:$0x3FA5]  }
0x29: {  	s4 =	sld [smem:$0x3FA7]  }
0x2a: {  	p0 =	seq.s32 s5, $0x0;
	s5 =	sld [smem:$0x3FA8]  }
0x2b: {  	s6 =	sld [smem:$0x3FA9]  }
0x2c: {  	s7 =	sld [smem:$0x3FAA]  }
0x2d: {  	s3 =	simm.s32 $0x108;
	s8 =	sld [smem:$0x3FAB]  }
0x2e: {  	s3 =	simm.s32 @!p0 $0x1082;
	s9 =	sld [smem:$0x3FAC]  }
0x2f: {  	lr =	sadd.s32 s0, s3;
	s0 =	sld [smem:$0x3FA3]  }
0x30: {  	s3 =	sld [smem:$0x3FA6]  }
0x31: {  	[smem:$0x3FAF] =	sst s10  }
0x32: {  	s10 =	sld [smem:$0x3FAD];
	_ =	sdelay $0x3  }
0x33: {  	p0 =	seq.s32 s10, $0x1;
	s10 =	sld [smem:$0x3FAF];
	_ =	sdelay $0x3  }
0x34: {  	[smem:$0x3FAF] =	sst s10  }
0x35: {  	s10 =	sld [smem:$0x3FAE];
	_ =	sdelay $0x3  }
0x36: {  	p1 =	seq.s32 s10, $0x1;
	s10 =	sld [smem:$0x3FAF];
	_ =	sdelay $0x3  }
0x37: {  	[smem:$0x3FAF] =	sst s10  }
0x38: {  	s10 =	sld [smem:$0x3FB0]  }
0x39: {  	_ = 	snop;
	(pc) =	sbr.ind lr, $3  }
0x3a: {  	_ = 	snop  }
0x3b: {  	_ = 	snop  }
0x3c: {  	p2 =	seq.s32 s10, $0x1;
	s10 =	sld [smem:$0x3FAF]  }
0x3d: {  	_ =	shalt  }
0x3e: {  	_ =	shalt  }
0x3f: {  	_ =	shalt  }
0x40: {  	_ =	shalt  }
0x41: {  	_ =	shalt  }
0x42: {  	_ =	shalt  }
0x43: {  	_ =	shalt  }
0x44: {  	_ =	shalt  }
0x45: {  	_ =	shalt  }
0x46: {  	_ =	shalt  }
0x47: {  	_ =	shalt  }
0x48: {  	_ =	shalt  }
0x49: {  	_ =	shalt  }
0x4a: {  	_ =	shalt  }
0x4b: {  	_ =	shalt  }
0x4c: {  	_ =	shalt  }
0x4d: {  	_ =	shalt  }
0x4e: {  	_ =	shalt  }
0x4f: {  	_ =	shalt  }
0x50: {  	_ =	shalt  }
0x51: {  	_ =	shalt  }
0x52: {  	_ =	shalt  }
0x53: {  	_ =	shalt  }
0x54: {  	_ =	shalt  }
0x55: {  	_ =	shalt  }
0x56: {  	_ =	shalt  }
0x57: {  	_ =	shalt  }
0x58: {  	_ =	shalt  }
0x59: {  	_ =	shalt  }
0x5a: {  	_ =	shalt  }
0x5b: {  	_ =	shalt  }
0x5c: {  	_ =	shalt  }
0x5d: {  	_ =	shalt  }
0x5e: {  	_ =	shalt  }
0x5f: {  	_ =	shalt  }
0x60: {  	_ =	shalt  }
0x61: {  	_ =	shalt  }
0x62: {  	_ =	shalt  }
0x63: {  	_ =	shalt  }
0x64: {  	_ =	shalt  }
0x65: {  	_ =	shalt  }
0x66: {  	_ =	shalt  }
0x67: {  	_ =	shalt  }
0x68: {  	_ =	shalt  }
0x69: {  	_ =	shalt  }
0x6a: {  	_ =	shalt  }
0x6b: {  	_ =	shalt  }
0x6c: {  	_ =	shalt  }
0x6d: {  	_ =	shalt  }
0x6e: {  	_ =	shalt  }
0x6f: {  	_ =	shalt  }
0x70: {  	_ =	shalt  }
0x71: {  	_ =	shalt  }
0x72: {  	_ =	shalt  }
0x73: {  	_ =	shalt  }
0x74: {  	_ =	shalt  }
0x75: {  	_ =	shalt  }
0x76: {  	_ =	shalt  }
0x77: {  	_ =	shalt  }
0x78: {  	_ =	shalt  }
0x79: {  	_ =	shalt  }
0x7a: {  	_ =	shalt  }
0x7b: {  	_ =	shalt  }
0x7c: {  	_ =	shalt  }
0x7d: {  	_ =	shalt  }
0x7e: {  	_ =	shalt  }
0x7f: {  	_ =	shalt  }
0x80: {  	_ =	shalt  }
0x81: {  	_ =	shalt  }
0x82: {  	_ =	shalt  }
0x83: {  	_ =	shalt  }
0x84: {  	_ =	shalt  }
0x85: {  	_ =	shalt  }
0x86: {  	_ =	shalt  }
0x87: {  	_ =	shalt  }
.Lfunc_end0:
.L_simem_size_0:
called_computation.1_lowered:
.L_overlay_start_0:
0x88: {  	s2 =	sld [smem:$0x3FD9]  }
0x89: {  	s3 =	sld [smem:$0x3FFE];
	_ =	sdelay $0x1  }
0x8a: {  	s1 =	srdreg.scid  }
0x8b: {  	s0 =	sand.u32 $0x1, s1  }
0x8c: {  	s16 =	sshll.u32 s0, $0xA;
	s2 =	sadd.s32 s3, s2  }
0x8d: {  	s2 =	sadd.s32 s2, s16  }
0x8e: {  	[smem:$0x3FBB] =	sst s2  }
0x8f: {  	_ = 	snop  }
0x90: {  	(tm) =	ssettm $0x1  }
0x91: {  	s17 =	sld [smem:$0x3FFB];
	_ =	sdelay $0x3  }
0x92: {  	_ =	strace s17  }
0x93: {  	s2 =	sld [smem:$0x3FFC];
	_ =	sdelay $0x3  }
0x94: {  	_ =	strace s2  }
0x95: {  	s2 =	sld [smem:$0x3FFD];
	_ =	sdelay $0x3  }
0x96: {  	_ =	strace s2  }
0x97: {  	_ =	strace $0x8FFFFFFF  }
0x98: {  	s18 =	sld [smem:$0x3FDB];
	_ =	sdelay $0x1  }
0x99: {  	s19 =	simm.s32 $_scs_section_size  }
0x9a: {  	s4 =	simm.s32 $_size__tile_overlayer_lowered;
	s5 =	simm.s32 $_tile_overlayer_lowered  }
0x9b: {  	s22 =	simm.s32 $0x1BFF;
	s21 =	sshll.u32 s5, $0x1;
	s2 =	sadd.s32 s19, s18  }
0x9c: {  	s6 =	simm.s32 $0x0;
	s20 =	sshll.u32 s4, $0x1;
	s4 =	sadd.s32 s21, s2  }
0x9d: {  	[timem:s6], [sflag:s22] =	dma.local [hbm:s4], s20  }
0x9e: {  	_ =	swait.ge [sflag:s22], s20  }
0x9f: {  	s3 =	ssub.s32 $0x0, s20;
	[sflag:s22] =	ssyncset.done $0x0  }
0xa0: {  	[sflag:s22] =	ssyncadd.s32 s3;
	_ =	sdelay $0x1  }
0xa1: {  	s23 =	simm.s32 $0x1B8B  }
0xa2: {  	_ =	swait.ge [sflag:s23], $0x1  }
0xa3: {  	[sflag:s23] =	ssyncset.done $0x0  }
0xa4: {  	s25 =	simm.s32 $0x1B8E;
	s24 =	sld [smem:$0x3FFE];
	[sflag:s23] =	ssyncadd.s32 $0xFFFFFFFF  }
0xa5: {  	s26 =	simm.s32 $execute0_lowered;
	[smem:$0x3FD2] =	sst s25  }
0xa6: {  	s4 =	sshll.u32 s26, $0x1;
	_ =	strace $0x80000049;
	[dreg:$0x1] =	wrdreg $0xFFFFFFFF  }
0xa7: {  	s28 =	simm.s32 $_size_execute0_lowered;
	s2 =	sadd.s32 s2, s4;
	[dreg:$0x0] =	wrdreg $0x0  }
0xa8: {  	s4 =	sshll.u32 s28, $0x1;
	[dreg:$0x2] =	wrdreg s2  }
0xa9: {  	[dreg:$0x3] =	wrdreg s4  }
0xaa: {  	[dreg:$0x4] =	wrdreg $0xC0  }
0xab: {  	_ =	task [dreg:s6], $0x5FFFF  }
0xac: {  	[dreg:$0x1] =	wrdreg $0xFFFFFFFF  }
0xad: {  	[dreg:$0x0] =	wrdreg $0x60  }
0xae: {  	[dreg:$0x2] =	wrdreg s24  }
0xaf: {  	[dreg:$0x3] =	wrdreg $0x84000  }
0xb0: {  	[dreg:$0x4] =	wrdreg $0x9  }
0xb1: {  	_ =	task.clear_ibuf [dreg:s6], $0x5FFFF;
	_ =	strace $0x90000049  }
0xb2: {  	s29 =	simm.s32 $0x9;
	_ =	strace $0x8000004B  }
0xb3: {  	_ =	swait.ge [sflag:s29], $0x1  }
0xb4: {  	[sflag:s29] =	ssyncadd.s32 $0xFFFFFFFF  }
0xb5: {  	_ =	strace $0x9000004B  }
0xb6: {  	_ =	sfence  }
0xb7: {  	s30 =	sld [smem:$0x0];
	_ =	sdelay $0x2  }
0xb8: {  	s31 =	sshll.u32 s1, $0xD;
	s1 =	sshrl.u32 s1, $0x2  }
0xb9: {  	s3 =	sand.u32 $0x4000, s31;
	s1 =	sadd.s32 s1, s30  }
0xba: {  	s0 =	sor.u32 s3, s0;
	s1 =	sshll.u32 s1, $0x11  }
0xbb: {  	s0 =	sor.u32 s1, s0  }
0xbc: {  	s0 =	sadd.s32 $0x8F2B, s0  }
0xbd: {  	[sflag:s0] =	ssyncadd.remote.s32 $0x1  }
0xbe: {  	_ =	sfence.sel $0xFFFF  }
0xbf: {  	[dreg:$0x0] =	wrdreg $0xFFFFFFFF;
	(pc) =	sbr.abs _section_cstart, $3  }
0xc0: {  	[dreg:$0x1] =	wrdreg $0xFFFFFFFF  }
0xc1: {  	_ =	task.clear_ibuf [dreg:s6], $0x2FFFF;
	_ =	strace $0x9FFFFFFF  }
0xc2: {  	(tm) =	ssettm $0x7FFFFFFF  }
0xc3: {  	_ =	shalt  }
tec
execute0_lowered:
.L_overlay_start_1:
0x0: {  	(tag) =	ssettag $0x1  }
0x1: {  	s0 =	rddreg [dreg:$0x0]  }
0x2: {  	s1 =	rddreg [dreg:$0x1]  }
0x3: {  	s2 =	simm.s32 $0x0;
	s6 =	srdreg.scid;
	s26 =	stileid.u32  }
0x4: {  	s28 =	simm.s32 $0x4;
	s29 =	simm.s32 $0x3;
	s31 =	simm.s32 $0x5  }
0x5: {  	s30 =	simm.s32 $0x0;
	[smem:$0x7FF] =	sst s2;
	s4 =	sadd.s32 $0x20E00, s0  }
0x6: {  	s3 =	sadd.s32 $0xCE00, s0;
	s5 =	sadd.s32 $0x3000, s0;
	s7 =	smul.u32 $0x4F000, s26  }
0x7: {  	s13 =	sand.u32 $0x1, s6;
	s0 =	sadd.s32 $0x48000, s0;
	s14 =	smul.u32 $0x13C00, s26  }
0x8: {  	_ =	strace $0x8000004A;
	[dreg:$0x3] =	wrdreg s5;
	s19 =	smul.u32 $0x13C000, s13  }
0x9: {  	s6 =	ssub.s32 $0x2, s13;
	s9 =	sshll.u32 s13, $0x4;
	s21 =	smul.u32 $0x50000, s13  }
0xa: {  	s8 =	sshrl.u32 s6, $0x1;
	s22 =	sor.u32 s26, s9;
	s7 =	sshrl.u32 s7, $0x2  }
0xb: {  	s15 =	sadd.s32 $0x4000, s14;
	s16 =	sadd.s32 $0x8000, s14;
	s17 =	sadd.s32 $0xC000, s14  }
0xc: {  	s20 =	sadd.s32 $0x10000, s14;
	s18 =	ssub.s32 s6, s8;
	s9 =	smul.u32 $0x5000, s22  }
0xd: {  	s6 =	sadd.s32 s7, s1;
	s7 =	sadd.s32 s15, s1;
	s8 =	sadd.s32 s16, s1  }
0xe: {  	s11 =	sadd.s32 s20, s1;
	s14 =	sadd.s32 s14, s19;
	s15 =	sadd.s32 s19, s15  }
0xf: {  	s16 =	sadd.s32 s19, s16;
	s22 =	smul.u32 $0x5000, s26;
	s24 =	sadd.s32 s19, s17  }
0x10: {  	s19 =	sadd.s32 s19, s20;
	s20 =	simm.s32 $0x400;
	s14 =	sshrl.u32 s14, $0x3  }
0x11: {  	s15 =	sshrl.u32 s15, $0x3;
	s23 =	sshrl.u32 s16, $0x3;
	s16 =	sshrl.u32 s24, $0x3  }
0x12: {  	s19 =	sshrl.u32 s19, $0x3;
	s18 =	smax.u32 s18, $0x1;
	s10 =	sshrl.u32 s9, $0x3  }
0x13: {  	s9 =	sadd.s32 s17, s1;
	s13 =	sadd.s32 s0, s14;
	s14 =	sadd.s32 s0, s15  }
0x14: {  	s15 =	sadd.s32 s0, s23;
	s25 =	sadd.s32 s22, s21;
	s16 =	sadd.s32 s0, s16  }
0x15: {  	s21 =	simm.s32 $0x6;
	s22 =	simm.s32 $0x1;
	s23 =	simm.s32 $0x80  }
0x16: {  	s10 =	sadd.s32 s3, s10;
	s17 =	sor.u32 $0x400, s25;
	s25 =	simm.s32 $0x4400  }
0x17: {  	s12 =	sadd.s32 $0x40, s10;
	s26 =	sshrl.u32 s17, $0x3;
	s17 =	sadd.s32 s0, s19  }
0x18: {  	[dreg:$0x4] =	wrdreg s12;
	s19 =	sadd.s32 s26, s3;
	s26 =	simm.s32 $0x2  }
.LBB2_1:
0x19: {  	s0 =	rddreg [dreg:$0x3]  }
0x1a: {  	[tilespmem:s20], [sflag:$0x6] =	stream.linear.gather [hbm4b:s0+s2], $0x4000, $0x38;
	[tilespmem:$0x1C000] =	vst v63  }
0x1b: {  	_ =	swait.ge [sflag:s21], $0x4000  }
0x1c: {  	[sflag:s21] =	ssyncset.done $0x0  }
0x1d: {  	[sflag:s21] =	ssyncadd.s32 $0xFFFFC000  }
0x1e: {  	[spmem:s6] =	stream.linear.scatter [tilespmem:s20], [sflag:$0x1], $0x4000, $0x38;
	[tilespmem:$0x1C000] =	vst v63  }
0x1f: {  	_ = 	snop  }
0x20: {  	[spmem:s7] =	stream.linear.scatter [tilespmem:s20], [sflag:$0x1], $0x4000, $0x38;
	[tilespmem:$0x1C000] =	vst v63  }
0x21: {  	_ = 	snop  }
0x22: {  	[spmem:s8] =	stream.linear.scatter [tilespmem:s20], [sflag:$0x1], $0x4000, $0x38;
	[tilespmem:$0x1C000] =	vst v63  }
0x23: {  	_ = 	snop  }
0x24: {  	[spmem:s9] =	stream.linear.scatter [tilespmem:s20], [sflag:$0x1], $0x4000, $0x38;
	[tilespmem:$0x1C000] =	vst v63  }
0x25: {  	_ = 	snop  }
0x26: {  	[spmem:s11] =	stream.linear.scatter [tilespmem:s20], [sflag:$0x1], $0x3C00, $0x38;
	[tilespmem:$0x1C000] =	vst v63  }
0x27: {  	_ =	swait.ge [sflag:s22], $0x4000  }
0x28: {  	[sflag:s22] =	ssyncset.done $0x0  }
0x29: {  	[sflag:s22] =	ssyncadd.s32 $0xFFFFC000  }
0x2a: {  	_ =	swait.ge [sflag:s22], $0x4000  }
0x2b: {  	[sflag:s22] =	ssyncset.done $0x0  }
0x2c: {  	[sflag:s22] =	ssyncadd.s32 $0xFFFFC000  }
0x2d: {  	_ =	swait.ge [sflag:s22], $0x4000  }
0x2e: {  	[sflag:s22] =	ssyncset.done $0x0  }
0x2f: {  	[sflag:s22] =	ssyncadd.s32 $0xFFFFC000  }
0x30: {  	_ =	swait.ge [sflag:s22], $0x4000  }
0x31: {  	[sflag:s22] =	ssyncset.done $0x0  }
0x32: {  	[sflag:s22] =	ssyncadd.s32 $0xFFFFC000  }
0x33: {  	_ =	swait.ge [sflag:s22], $0x3C00  }
0x34: {  	[sflag:s22] =	ssyncset.done $0x0  }
0x35: {  	[sflag:s22] =	ssyncadd.s32 $0xFFFFC400  }
0x36: {  	[bflag:$0x0] =	sbarrier.arrive $0xFFFF  }
0x37: {  	[tilespmem:s2], [sflag:$0x6] =	stream.linear.gather [hbm4b:s10+s2], $0x200, $0x38;
	[tilespmem:$0x1C000] =	vst v63  }
0x38: {  	_ =	swait.ge [sflag:s21], $0x200  }
0x39: {  	[sflag:s21] =	ssyncset.done $0x0  }
0x3a: {  	[sflag:s21] =	ssyncadd.s32 $0xFFFFFE00  }
0x3b: {  	[tilespmem:s20], [sflag:$0x2] =	stream.indirect.gather [hbm4b:s4+s23], $0x80, s2, s23, $0xb8;
	[tilespmem:$0x1C000] =	vst v63  }
0x3c: {  	s5 =	simm.s32 $0x200;
	s3 =	rddreg [dreg:$0x4]  }
0x3d: {  	[tilespmem:s5], [sflag:$0x1] =	stream.linear.gather [hbm4b:s3+s2], $0x200, $0x38;
	[tilespmem:$0x1C000] =	vst v63  }
0x3e: {  	s12 =	simm.s32 $0x100  }
0x3f: {  	[tilespmem:s25], [sflag:$0x3] =	stream.indirect.gather [hbm4b:s4+s23], $0x80, s12, s23, $0xb8;
	[tilespmem:$0x1C000] =	vst v63  }
0x40: {  	_ =	swait.ge [sflag:s26], $0x4000  }
0x41: {  	[sflag:s26] =	ssyncset.done $0x0  }
0x42: {  	[sflag:s26] =	ssyncadd.s32 $0xFFFFC000  }
0x43: {  	[spmem:s1] =	stream.indirect.scatter.add.f32 [tilespmem:s20], [sflag:$0x4], $0x80, s23, s23, $0xb8;
	[tilespmem:$0x1C000] =	vst v63  }
0x44: {  	_ =	swait.ge [sflag:s22], $0x200  }
0x45: {  	[sflag:s22] =	ssyncset.done $0x0  }
0x46: {  	[sflag:s22] =	ssyncadd.s32 $0xFFFFFE00  }
0x47: {  	_ =	swait.ge [sflag:s28], $0x4000  }
0x48: {  	[sflag:s28] =	ssyncset.done $0x0  }
0x49: {  	[sflag:s28] =	ssyncadd.s32 $0xFFFFC000  }
0x4a: {  	[tilespmem:s20], [sflag:$0x2] =	stream.indirect.gather [hbm4b:s4+s23], $0x80, s5, s23, $0xb8;
	[tilespmem:$0x1C000] =	vst v63  }
0x4b: {  	_ =	swait.ge [sflag:s29], $0x4000  }
0x4c: {  	[sflag:s29] =	ssyncset.done $0x0  }
0x4d: {  	s24 =	simm.s32 $0x180;
	[sflag:s29] =	ssyncadd.s32 $0xFFFFC000  }
0x4e: {  	[spmem:s1] =	stream.indirect.scatter.add.f32 [tilespmem:s25], [sflag:$0x5], $0x80, s24, s23, $0xb8;
	[tilespmem:$0x1C000] =	vst v63  }
0x4f: {  	_ =	swait.ge [sflag:s31], $0x4000  }
0x50: {  	s5 =	sand.u32 $0x200, s5;
	[sflag:s31] =	ssyncset.done $0x0  }
0x51: {  	s0 =	sxor.u32 $0x200, s5;
	[sflag:s31] =	ssyncadd.s32 $0xFFFFC000  }
0x52: {  	[tilespmem:s0], [sflag:$0x1] =	stream.linear.gather [hbm4b:s19+s2], $0x200, $0x38;
	[tilespmem:$0x1C000] =	vst v63  }
0x53: {  	s24 =	sor.u32 $0x100, s5  }
0x54: {  	[tilespmem:s25], [sflag:$0x3] =	stream.indirect.gather [hbm4b:s4+s23], $0x80, s24, s23, $0xb8;
	[tilespmem:$0x1C000] =	vst v63  }
0x55: {  	_ =	swait.ge [sflag:s26], $0x4000  }
0x56: {  	[sflag:s26] =	ssyncset.done $0x0  }
0x57: {  	s12 =	sor.u32 $0x80, s5;
	[sflag:s26] =	ssyncadd.s32 $0xFFFFC000  }
0x58: {  	[spmem:s1] =	stream.indirect.scatter.add.f32 [tilespmem:s20], [sflag:$0x4], $0x80, s12, s23, $0xb8;
	[tilespmem:$0x1C000] =	vst v63  }
0x59: {  	_ =	swait.ge [sflag:s22], $0x200  }
0x5a: {  	[sflag:s22] =	ssyncset.done $0x0  }
0x5b: {  	[sflag:s22] =	ssyncadd.s32 $0xFFFFFE00  }
0x5c: {  	_ =	swait.ge [sflag:s28], $0x4000  }
0x5d: {  	[sflag:s28] =	ssyncset.done $0x0  }
0x5e: {  	[sflag:s28] =	ssyncadd.s32 $0xFFFFC000  }
0x5f: {  	[tilespmem:s20], [sflag:$0x2] =	stream.indirect.gather [hbm4b:s4+s23], $0x80, s0, s23, $0xb8;
	[tilespmem:$0x1C000] =	vst v63  }
0x60: {  	_ =	swait.ge [sflag:s29], $0x4000  }
0x61: {  	s3 =	sadd.s32 $0x40, s19;
	[sflag:s29] =	ssyncset.done $0x0  }
0x62: {  	s24 =	sor.u32 $0x180, s5;
	s0 =	simm.s32 $0x400;
	[sflag:s29] =	ssyncadd.s32 $0xFFFFC000  }
.LBB2_2:
0x63: {  	[spmem:s1] =	stream.indirect.scatter.add.f32 [tilespmem:s25], [sflag:$0x5], $0x80, s24, s23, $0xb8;
	[tilespmem:$0x1C000] =	vst v63  }
0x64: {  	s24 =	smov.u32 s0  }
0x65: {  	p0 =	sne.s32 s0, $0x4C00;
	s0 =	sadd.s32 $0x200, s0;
	_ =	swait.ge [sflag:s31], $0x4000  }
0x66: {  	s24 =	sand.u32 $0x200, s24;
	[sflag:s31] =	ssyncset.done $0x0  }
0x67: {  	s5 =	sxor.u32 $0x200, s24;
	[sflag:s31] =	ssyncadd.s32 $0xFFFFC000  }
0x68: {  	[tilespmem:s5], [sflag:$0x1] =	stream.linear.gather [hbm4b:s3+s2], $0x200, $0x38;
	[tilespmem:$0x1C000] =	vst v63  }
0x69: {  	s12 =	sor.u32 $0x100, s24  }
0x6a: {  	[tilespmem:s25], [sflag:$0x3] =	stream.indirect.gather [hbm4b:s4+s23], $0x80, s12, s23, $0xb8;
	[tilespmem:$0x1C000] =	vst v63  }
0x6b: {  	_ =	swait.ge [sflag:s26], $0x4000  }
0x6c: {  	[sflag:s26] =	ssyncset.done $0x0  }
0x6d: {  	s12 =	sor.u32 $0x80, s24;
	[sflag:s26] =	ssyncadd.s32 $0xFFFFC000  }
0x6e: {  	[spmem:s1] =	stream.indirect.scatter.add.f32 [tilespmem:s20], [sflag:$0x4], $0x80, s12, s23, $0xb8;
	[tilespmem:$0x1C000] =	vst v63  }
0x6f: {  	_ =	swait.ge [sflag:s22], $0x200  }
0x70: {  	[sflag:s22] =	ssyncset.done $0x0  }
0x71: {  	[sflag:s22] =	ssyncadd.s32 $0xFFFFFE00  }
0x72: {  	_ =	swait.ge [sflag:s28], $0x4000  }
0x73: {  	[sflag:s28] =	ssyncset.done $0x0  }
.Ltmp0:
0x74: {  	[sflag:s28] =	ssyncadd.s32 $0xFFFFC000;
	(pc) =	sbr.rel @p0 .LBB2_2-.Ltmp0, $4  }
0x75: {  	[tilespmem:s20], [sflag:$0x2] =	stream.indirect.gather [hbm4b:s4+s23], $0x80, s5, s23, $0xb8;
	[tilespmem:$0x1C000] =	vst v63  }
0x76: {  	_ =	swait.ge [sflag:s29], $0x4000  }
0x77: {  	[sflag:s29] =	ssyncset.done $0x0  }
0x78: {  	s3 =	sadd.s32 $0x40, s3;
	s24 =	sor.u32 $0x180, s24;
	[sflag:s29] =	ssyncadd.s32 $0xFFFFC000  }
0x79: {  	[spmem:s1] =	stream.indirect.scatter.add.f32 [tilespmem:s25], [sflag:$0x5], $0x80, s24, s23, $0xb8;
	[tilespmem:$0x1C000] =	vst v63  }
0x7a: {  	_ =	swait.ge [sflag:s31], $0x4000  }
0x7b: {  	[sflag:s31] =	ssyncset.done $0x0  }
0x7c: {  	s0 =	simm.s32 $0x300;
	[sflag:s31] =	ssyncadd.s32 $0xFFFFC000  }
0x7d: {  	[tilespmem:s25], [sflag:$0x3] =	stream.indirect.gather [hbm4b:s4+s23], $0x80, s0, s23, $0xb8;
	[tilespmem:$0x1C000] =	vst v63  }
0x7e: {  	_ =	swait.ge [sflag:s26], $0x4000  }
0x7f: {  	[sflag:s26] =	ssyncset.done $0x0  }
0x80: {  	s12 =	simm.s32 $0x280;
	[sflag:s26] =	ssyncadd.s32 $0xFFFFC000  }
0x81: {  	[spmem:s1] =	stream.indirect.scatter.add.f32 [tilespmem:s20], [sflag:$0x4], $0x80, s12, s23, $0xb8;
	[tilespmem:$0x1C000] =	vst v63  }
0x82: {  	_ =	swait.ge [sflag:s29], $0x4000  }
0x83: {  	[sflag:s29] =	ssyncset.done $0x0  }
0x84: {  	s24 =	simm.s32 $0x380;
	[sflag:s29] =	ssyncadd.s32 $0xFFFFC000  }
0x85: {  	[spmem:s1] =	stream.indirect.scatter.add.f32 [tilespmem:s25], [sflag:$0x5], $0x80, s24, s23, $0xb8;
	[tilespmem:$0x1C000] =	vst v63  }
0x86: {  	_ =	swait.ge [sflag:s28], $0x4000  }
0x87: {  	[sflag:s28] =	ssyncset.done $0x0  }
0x88: {  	[sflag:s28] =	ssyncadd.s32 $0xFFFFC000  }
0x89: {  	_ =	swait.ge [sflag:s31], $0x4000  }
0x8a: {  	[sflag:s31] =	ssyncset.done $0x0  }
0x8b: {  	[sflag:s31] =	ssyncadd.s32 $0xFFFFC000  }
0x8c: {  	[bflag:$0x0] =	sbarrier.arrive $0xFFFF  }
0x8d: {  	[tilespmem:s20], [sflag:$0x2] =	stream.linear.gather [spmem:s6], $0x4000, $0x38;
	[tilespmem:$0x1C000] =	vst v63  }
0x8e: {  	_ =	swait.ge [sflag:s26], $0x4000  }
0x8f: {  	[sflag:s26] =	ssyncset.done $0x0  }
0x90: {  	[sflag:s26] =	ssyncadd.s32 $0xFFFFC000  }
0x91: {  	[hbm4b:s13+s2] =	stream.linear.scatter [tilespmem:s20], [sflag:$0x3], $0x4000, $0x38;
	[tilespmem:$0x1C000] =	vst v63  }
0x92: {  	_ = 	snop  }
0x93: {  	[tilespmem:s25], [sflag:$0x2] =	stream.linear.gather [spmem:s7], $0x4000, $0x38;
	[tilespmem:$0x1C000] =	vst v63  }
0x94: {  	_ =	swait.ge [sflag:s26], $0x4000  }
0x95: {  	[sflag:s26] =	ssyncset.done $0x0  }
0x96: {  	[sflag:s26] =	ssyncadd.s32 $0xFFFFC000  }
0x97: {  	[hbm4b:s14+s2] =	stream.linear.scatter [tilespmem:s25], [sflag:$0x3], $0x4000, $0x38;
	[tilespmem:$0x1C000] =	vst v63  }
0x98: {  	_ =	swait.ge [sflag:s29], $0x4000  }
0x99: {  	[sflag:s29] =	ssyncset.done $0x0  }
0x9a: {  	[sflag:s29] =	ssyncadd.s32 $0xFFFFC000  }
0x9b: {  	[tilespmem:s20], [sflag:$0x2] =	stream.linear.gather [spmem:s8], $0x4000, $0x38;
	[tilespmem:$0x1C000] =	vst v63  }
0x9c: {  	_ =	swait.ge [sflag:s26], $0x4000  }
0x9d: {  	[sflag:s26] =	ssyncset.done $0x0  }
0x9e: {  	[sflag:s26] =	ssyncadd.s32 $0xFFFFC000  }
0x9f: {  	[hbm4b:s15+s2] =	stream.linear.scatter [tilespmem:s20], [sflag:$0x3], $0x4000, $0x38;
	[tilespmem:$0x1C000] =	vst v63  }
0xa0: {  	_ =	swait.ge [sflag:s29], $0x4000  }
0xa1: {  	[sflag:s29] =	ssyncset.done $0x0  }
0xa2: {  	[sflag:s29] =	ssyncadd.s32 $0xFFFFC000  }
0xa3: {  	[tilespmem:s25], [sflag:$0x2] =	stream.linear.gather [spmem:s9], $0x4000, $0x38;
	[tilespmem:$0x1C000] =	vst v63  }
0xa4: {  	_ =	swait.ge [sflag:s26], $0x4000  }
0xa5: {  	[sflag:s26] =	ssyncset.done $0x0  }
0xa6: {  	[sflag:s26] =	ssyncadd.s32 $0xFFFFC000  }
0xa7: {  	[hbm4b:s16+s2] =	stream.linear.scatter [tilespmem:s25], [sflag:$0x3], $0x4000, $0x38;
	[tilespmem:$0x1C000] =	vst v63  }
0xa8: {  	_ =	swait.ge [sflag:s29], $0x4000  }
0xa9: {  	[sflag:s29] =	ssyncset.done $0x0  }
0xaa: {  	[sflag:s29] =	ssyncadd.s32 $0xFFFFC000  }
0xab: {  	[tilespmem:s20], [sflag:$0x2] =	stream.linear.gather [spmem:s11], $0x3C00, $0x38;
	[tilespmem:$0x1C000] =	vst v63  }
0xac: {  	_ =	swait.ge [sflag:s26], $0x3C00  }
0xad: {  	[sflag:s26] =	ssyncset.done $0x0  }
0xae: {  	s30 =	sadd.s32 $0x1, s30;
	[sflag:s26] =	ssyncadd.s32 $0xFFFFC400  }
0xaf: {  	[hbm4b:s17+s2] =	stream.linear.scatter [tilespmem:s20], [sflag:$0x3], $0x3C00, $0x38;
	[tilespmem:$0x1C000] =	vst v63  }
0xb0: {  	p0 =	sne.s32 s30, s18;
	_ =	swait.ge [sflag:s29], $0x4000  }
.Ltmp1:
0xb1: {  	[sflag:s29] =	ssyncset.done $0x0;
	(pc) =	sbr.rel @p0 .LBB2_1-.Ltmp1, $4  }
0xb2: {  	[sflag:s29] =	ssyncadd.s32 $0xFFFFC000  }
0xb3: {  	_ =	swait.ge [sflag:s29], $0x3C00  }
0xb4: {  	[sflag:s29] =	ssyncset.done $0x0  }
0xb5: {  	[sflag:s29] =	ssyncadd.s32 $0xFFFFC400  }
0xb6: {  	_ =	sfence.sel $0x180000  }
0xb7: {  	[bflag:$0x0] =	sbarrier.arrive $0xFFFF  }
0xb8: {  	_ =	strace $0x9000004A  }
0xb9: {  	s0 =	stileid.u32;
	[bflag:$0x2] =	sbarrier.arrive $0xFFFF  }
0xba: {  	p0 =	sne.s32 s0, $0x0;
	s0 =	rddreg [dreg:$0x2]  }
0xbb: {  	s0 =	sadd.s32 @!p0 $0x100000, s0  }
0xbc: {  	[sflag:s0] =	ssyncadd.tile.s32 @!p0 $0x1;
	_ =	shalt  }
.Lfunc_end2:
_tile_overlayer_lowered:
.L_overlay_start_2:
0xbd: {  	(tag) =	ssettag $0x2  }
0xbe: {  	s0 =	rddreg [dreg:$0x0];
	s2 =	stileid.u32  }
0xbf: {  	s1 =	rddreg [dreg:$0x1];
	p0 =	sne.s32 s2, $0x0  }
0xc0: {  	s3 =	rddreg [dreg:$0x2];
	[bflag:$0x3] =	sbarrier.arrive $0xFFFF;
	s2 =	simm.s32 @!p0 $0x1C06  }
0xc1: {  	[timem:s3], [sflag:s2] =	dma.local @!p0 [hbm:s0], s1  }
0xc2: {  	s0 =	simm.s32 @!p0 $0x6  }
0xc3: {  	_ =	swait.ge @!p0 [sflag:s0], s1  }
0xc4: {  	s1 =	ssub.s32 @!p0 $0x0, s1;
	[sflag:s0] =	ssyncset.done @!p0 $0x0  }
0xc5: {  	[sflag:s0] =	ssyncadd.s32 @!p0 s1  }
0xc6: {  	[bflag:$0x3] =	sbarrier.arrive $0xFFFF  }
0xc7: {  	_ =	shalt  }

// kernel: kernel.14.cloned.1.call-start
scs
__scs_entry_jumppad:
0x0: {  	(pc) =	sbr.rel $0x88, $3  }
0x1: {  	(tag) =	ssettag $0x0;
	lr =	simm.s32 $0x1  }
0x2: {  	[smem:$0x3F94] =	sst lr;
	_ =	strace $0xD0000000  }
0x3: {  	_ = 	snop  }
0x4: {  	_ = 	snop  }
0x5: {  	_ = 	snop  }
0x6: {  	_ = 	snop  }
0x7: {  	_ = 	snop  }
__scs_overlays_trampoline_lowered:
0x8: {  	[smem:$0x3FA3] =	sst s0  }
0x9: {  	[smem:$0x3FA4] =	sst s1  }
0xa: {  	[smem:$0x3FA5] =	sst s2  }
0xb: {  	[smem:$0x3FA6] =	sst s3  }
0xc: {  	[smem:$0x3FA7] =	sst s4  }
0xd: {  	[smem:$0x3FA8] =	sst s5  }
0xe: {  	[smem:$0x3FA9] =	sst s6  }
0xf: {  	[smem:$0x3FAA] =	sst s7  }
0x10: {  	[smem:$0x3FAB] =	sst s8  }
0x11: {  	[smem:$0x3FAC] =	sst s9;
	s0 =	simm.s32 @!p0 $0x0  }
0x12: {  	s1 =	sld [smem:$0x3F92];
	s0 =	simm.s32 @p0 $0x1  }
0x13: {  	[smem:$0x3FAD] =	sst s0;
	s0 =	simm.s32 @!p1 $0x0  }
0x14: {  	s2 =	sld [smem:$0x3F91];
	s0 =	simm.s32 @p1 $0x1  }
0x15: {  	[smem:$0x3FAE] =	sst s0;
	s0 =	simm.s32 @!p2 $0x0  }
0x16: {  	s3 =	sld [smem:$0x3FDB];
	s0 =	simm.s32 @p2 $0x1  }
0x17: {  	s4 =	simm.s32 $0x1BF5;
	[smem:$0x3FB0] =	sst s0  }
0x18: {  	s0 =	sld [smem:$0x3F93];
	_ =	swait.ge [sflag:s4], $0x0  }
0x19: {  	s7 =	sld [smem:$0x3F94]  }
0x1a: {  	s8 =	sadd.s32 $0xFFFFE003, lr  }
0x1b: {  	s9 =	sadd.s32 $0xFFFFFEF7, lr;
	s5 =	simm.s32 $0xFFFFFFFF;
	p2 =	slt.u32 s8, $0xFFFFF086  }
0x1c: {  	p1 =	slt.u32 s9, $0xF7A;
	s5 =	simm.s32 @!p2 $0x0  }
0x1d: {  	s5 =	simm.s32 @p1 $0x1;
	p0 =	seq.s32 s7, s2  }
0x1e: {  	s7 =	smul.u32 @!p0 $0xF7A, s2;
	p2 =	seq.s32 @!p0 s5, $0x0  }
0x1f: {  	s9 =	smul.u32 $0xF7A, s1;
	s8 =	simm.s32 @!p0 $0x1BF5;
	p2 =	por !p2, p0  }
0x20: {  	[sflag:s8] =	ssyncset.s32 @!p0 $0xFFFFF086;
	s6 =	sadd.s32 @!p0 s3, s7;
	s7 =	simm.s32 @!p0 $0x108  }
0x21: {  	s3 =	sadd.s32 s3, s9;
	s6 =	sadd.s32 @!p0 $0x88, s6;
	s7 =	simm.s32 @p2 $0x1082  }
0x22: {  	[simem:s7], [sflag:s8] =	dma.local @!p0 [hbm:s6], $0xF7A  }
0x23: {  	s9 =	sor.u32 $0xD0000000, s2;
	s6 =	simm.s32 $0x108;
	_ =	swait.ge @!p0 [sflag:s8], $0x0  }
0x24: {  	s3 =	sadd.s32 $0x88, s3;
	s6 =	simm.s32 @!p1 $0x1082;
	[sflag:s4] =	ssyncset.s32 $0xFFFFF086  }
0x25: {  	[simem:s6], [sflag:s4] =	dma.local [hbm:s3], $0xF7A  }
0x26: {  	[smem:$0x3F94] =	sst s1;
	(tag) =	ssettag s2;
	_ =	strace s9  }
0x27: {  	s1 =	sld [smem:$0x3FA4]  }
0x28: {  	s2 =	sld [smem:$0x3FA5]  }
0x29: {  	s4 =	sld [smem:$0x3FA7]  }
0x2a: {  	p0 =	seq.s32 s5, $0x0;
	s5 =	sld [smem:$0x3FA8]  }
0x2b: {  	s6 =	sld [smem:$0x3FA9]  }
0x2c: {  	s7 =	sld [smem:$0x3FAA]  }
0x2d: {  	s3 =	simm.s32 $0x108;
	s8 =	sld [smem:$0x3FAB]  }
0x2e: {  	s3 =	simm.s32 @!p0 $0x1082;
	s9 =	sld [smem:$0x3FAC]  }
0x2f: {  	lr =	sadd.s32 s0, s3;
	s0 =	sld [smem:$0x3FA3]  }
0x30: {  	s3 =	sld [smem:$0x3FA6]  }
0x31: {  	[smem:$0x3FAF] =	sst s10  }
0x32: {  	s10 =	sld [smem:$0x3FAD];
	_ =	sdelay $0x3  }
0x33: {  	p0 =	seq.s32 s10, $0x1;
	s10 =	sld [smem:$0x3FAF];
	_ =	sdelay $0x3  }
0x34: {  	[smem:$0x3FAF] =	sst s10  }
0x35: {  	s10 =	sld [smem:$0x3FAE];
	_ =	sdelay $0x3  }
0x36: {  	p1 =	seq.s32 s10, $0x1;
	s10 =	sld [smem:$0x3FAF];
	_ =	sdelay $0x3  }
0x37: {  	[smem:$0x3FAF] =	sst s10  }
0x38: {  	s10 =	sld [smem:$0x3FB0]  }
0x39: {  	_ = 	snop;
	(pc) =	sbr.ind lr, $3  }
0x3a: {  	_ = 	snop  }
0x3b: {  	_ = 	snop  }
0x3c: {  	p2 =	seq.s32 s10, $0x1;
	s10 =	sld [smem:$0x3FAF]  }
0x3d: {  	_ =	shalt  }
0x3e: {  	_ =	shalt  }
0x3f: {  	_ =	shalt  }
0x40: {  	_ =	shalt  }
0x41: {  	_ =	shalt  }
0x42: {  	_ =	shalt  }
0x43: {  	_ =	shalt  }
0x44: {  	_ =	shalt  }
0x45: {  	_ =	shalt  }
0x46: {  	_ =	shalt  }
0x47: {  	_ =	shalt  }
0x48: {  	_ =	shalt  }
0x49: {  	_ =	shalt  }
0x4a: {  	_ =	shalt  }
0x4b: {  	_ =	shalt  }
0x4c: {  	_ =	shalt  }
0x4d: {  	_ =	shalt  }
0x4e: {  	_ =	shalt  }
0x4f: {  	_ =	shalt  }
0x50: {  	_ =	shalt  }
0x51: {  	_ =	shalt  }
0x52: {  	_ =	shalt  }
0x53: {  	_ =	shalt  }
0x54: {  	_ =	shalt  }
0x55: {  	_ =	shalt  }
0x56: {  	_ =	shalt  }
0x57: {  	_ =	shalt  }
0x58: {  	_ =	shalt  }
0x59: {  	_ =	shalt  }
0x5a: {  	_ =	shalt  }
0x5b: {  	_ =	shalt  }
0x5c: {  	_ =	shalt  }
0x5d: {  	_ =	shalt  }
0x5e: {  	_ =	shalt  }
0x5f: {  	_ =	shalt  }
0x60: {  	_ =	shalt  }
0x61: {  	_ =	shalt  }
0x62: {  	_ =	shalt  }
0x63: {  	_ =	shalt  }
0x64: {  	_ =	shalt  }
0x65: {  	_ =	shalt  }
0x66: {  	_ =	shalt  }
0x67: {  	_ =	shalt  }
0x68: {  	_ =	shalt  }
0x69: {  	_ =	shalt  }
0x6a: {  	_ =	shalt  }
0x6b: {  	_ =	shalt  }
0x6c: {  	_ =	shalt  }
0x6d: {  	_ =	shalt  }
0x6e: {  	_ =	shalt  }
0x6f: {  	_ =	shalt  }
0x70: {  	_ =	shalt  }
0x71: {  	_ =	shalt  }
0x72: {  	_ =	shalt  }
0x73: {  	_ =	shalt  }
0x74: {  	_ =	shalt  }
0x75: {  	_ =	shalt  }
0x76: {  	_ =	shalt  }
0x77: {  	_ =	shalt  }
0x78: {  	_ =	shalt  }
0x79: {  	_ =	shalt  }
0x7a: {  	_ =	shalt  }
0x7b: {  	_ =	shalt  }
0x7c: {  	_ =	shalt  }
0x7d: {  	_ =	shalt  }
0x7e: {  	_ =	shalt  }
0x7f: {  	_ =	shalt  }
0x80: {  	_ =	shalt  }
0x81: {  	_ =	shalt  }
0x82: {  	_ =	shalt  }
0x83: {  	_ =	shalt  }
0x84: {  	_ =	shalt  }
0x85: {  	_ =	shalt  }
0x86: {  	_ =	shalt  }
0x87: {  	_ =	shalt  }
.Lfunc_end0:
.L_simem_size_0:
called_computation.2_lowered:
.L_overlay_start_0:
0x88: {  	s2 =	sld [smem:$0x3FD9]  }
0x89: {  	s3 =	sld [smem:$0x3FFE];
	_ =	sdelay $0x1  }
0x8a: {  	s1 =	srdreg.scid  }
0x8b: {  	s0 =	sand.u32 $0x1, s1  }
0x8c: {  	s14 =	sshll.u32 s0, $0xA;
	s2 =	sadd.s32 s3, s2  }
0x8d: {  	s2 =	sadd.s32 s2, s14  }
0x8e: {  	[smem:$0x3FBB] =	sst s2  }
0x8f: {  	_ = 	snop  }
0x90: {  	s2 =	sld [smem:$0x3FD0];
	_ =	sdelay $0x2  }
0x91: {  	s15 =	simm.s32 $0xA;
	s4 =	simm.s32 $0x10  }
0x92: {  	[smem:s4], [sflag:s15] =	dma.local [hbm:s2], $0x1  }
0x93: {  	_ =	swait.eq [sflag:s15], $0x1  }
0x94: {  	[sflag:s15] =	ssyncset.done $0x0  }
0x95: {  	[sflag:s15] =	ssyncadd.s32 $0xFFFFFFFF  }
0x96: {  	s16 =	sld [smem:$0x10];
	(tm) =	ssettm $0x1  }
0x97: {  	s17 =	sld [smem:$0x3FFB];
	_ =	sdelay $0x3  }
0x98: {  	_ =	strace s17  }
0x99: {  	s3 =	sld [smem:$0x3FFC];
	_ =	sdelay $0x3  }
0x9a: {  	_ =	strace s3  }
0x9b: {  	s3 =	sld [smem:$0x3FFD];
	_ =	sdelay $0x3  }
0x9c: {  	_ =	strace s3  }
0x9d: {  	_ =	strace $0x8FFFFFFF  }
0x9e: {  	s18 =	sld [smem:$0x3FDB];
	_ =	sdelay $0x1  }
0x9f: {  	s19 =	simm.s32 $_scs_section_size  }
0xa0: {  	s5 =	simm.s32 $_size__tile_overlayer_lowered;
	s6 =	simm.s32 $_tile_overlayer_lowered  }
0xa1: {  	s22 =	simm.s32 $0x1BFF;
	s21 =	sshll.u32 s6, $0x1;
	s3 =	sadd.s32 s19, s18  }
0xa2: {  	s7 =	simm.s32 $0x0;
	s20 =	sshll.u32 s5, $0x1;
	s5 =	sadd.s32 s21, s3  }
0xa3: {  	[timem:s7], [sflag:s22] =	dma.local [hbm:s5], s20  }
0xa4: {  	_ =	swait.ge [sflag:s22], s20  }
0xa5: {  	s4 =	ssub.s32 $0x0, s20;
	[sflag:s22] =	ssyncset.done $0x0  }
0xa6: {  	[sflag:s22] =	ssyncadd.s32 s4;
	_ =	sdelay $0x1  }
0xa7: {  	s23 =	simm.s32 $0x1B8B  }
0xa8: {  	_ =	swait.ge [sflag:s23], $0x1  }
0xa9: {  	[sflag:s23] =	ssyncset.done $0x0  }
0xaa: {  	s25 =	simm.s32 $0x1B8E;
	s24 =	sld [smem:$0x3FFE];
	[sflag:s23] =	ssyncadd.s32 $0xFFFFFFFF  }
0xab: {  	s26 =	simm.s32 $execute0_lowered;
	[smem:$0x3FD2] =	sst s25  }
0xac: {  	s5 =	sshll.u32 s26, $0x1;
	_ =	strace $0x8000004C;
	[dreg:$0x1] =	wrdreg $0xFFFFFFFF  }
0xad: {  	s28 =	simm.s32 $_size_execute0_lowered;
	s3 =	sadd.s32 s3, s5;
	[dreg:$0x0] =	wrdreg $0x0  }
0xae: {  	s5 =	sshll.u32 s28, $0x1;
	[dreg:$0x2] =	wrdreg s3  }
0xaf: {  	[dreg:$0x3] =	wrdreg s5  }
0xb0: {  	[dreg:$0x4] =	wrdreg $0xC0  }
0xb1: {  	_ =	task [dreg:s7], $0x5FFFF  }
0xb2: {  	[dreg:$0x1] =	wrdreg $0xFFFFFFFF  }
0xb3: {  	[dreg:$0x0] =	wrdreg $0x60  }
0xb4: {  	[dreg:$0x2] =	wrdreg s16  }
0xb5: {  	[dreg:$0x3] =	wrdreg s24  }
0xb6: {  	[dreg:$0x4] =	wrdreg $0x84000  }
0xb7: {  	[dreg:$0x5] =	wrdreg $0x9  }
0xb8: {  	_ =	task.clear_ibuf [dreg:s7], $0x6FFFF;
	_ =	strace $0x9000004C  }
0xb9: {  	s29 =	simm.s32 $0x9;
	_ =	strace $0x8000004E  }
0xba: {  	_ =	swait.ge [sflag:s29], $0x1  }
0xbb: {  	[sflag:s29] =	ssyncadd.s32 $0xFFFFFFFF  }
0xbc: {  	_ =	strace $0x9000004E  }
0xbd: {  	_ =	sfence  }
0xbe: {  	s30 =	sld [smem:$0x0];
	_ =	sdelay $0x2  }
0xbf: {  	s31 =	sshll.u32 s1, $0xD;
	s1 =	sshrl.u32 s1, $0x2  }
0xc0: {  	s3 =	sand.u32 $0x4000, s31;
	s1 =	sadd.s32 s1, s30  }
0xc1: {  	s0 =	sor.u32 s3, s0;
	s1 =	sshll.u32 s1, $0x11  }
0xc2: {  	s0 =	sor.u32 s1, s0  }
0xc3: {  	s0 =	sadd.s32 $0x8F2B, s0  }
0xc4: {  	[sflag:s0] =	ssyncadd.remote.s32 $0x1  }
0xc5: {  	_ =	sfence.sel $0xFFFF  }
0xc6: {  	[dreg:$0x0] =	wrdreg $0xFFFFFFFF;
	(pc) =	sbr.abs _section_cstart, $3  }
0xc7: {  	[dreg:$0x1] =	wrdreg $0xFFFFFFFF  }
0xc8: {  	_ =	task.clear_ibuf [dreg:s7], $0x2FFFF;
	_ =	strace $0x9FFFFFFF  }
0xc9: {  	(tm) =	ssettm $0x7FFFFFFF  }
tec
execute0_lowered:
.L_overlay_start_1:
0x0: {  	(tag) =	ssettag $0x1  }
0x1: {  	s1 =	rddreg [dreg:$0x0]  }
0x2: {  	s0 =	rddreg [dreg:$0x1]  }
0x3: {  	s2 =	rddreg [dreg:$0x2];
	s3 =	simm.s32 $0x0;
	s6 =	srdreg.scid  }
0x4: {  	s26 =	stileid.u32;
	s28 =	simm.s32 $0x4;
	s29 =	simm.s32 $0x3  }
0x5: {  	s31 =	simm.s32 $0x5;
	s30 =	simm.s32 $0x0;
	[smem:$0x7FF] =	sst s3  }
0x6: {  	s4 =	sadd.s32 $0xCE00, s0;
	s5 =	sadd.s32 $0x3000, s0;
	s7 =	smul.u32 $0x4F000, s26  }
0x7: {  	s13 =	sand.u32 $0x1, s6;
	s0 =	sadd.s32 $0x20E00, s0;
	s14 =	smul.u32 $0x13C00, s26  }
0x8: {  	_ =	strace $0x8000004D;
	[dreg:$0x4] =	wrdreg s5;
	s19 =	smul.u32 $0x13C000, s13  }
0x9: {  	s6 =	ssub.s32 $0x2, s13;
	s9 =	sshll.u32 s13, $0x4;
	s21 =	smul.u32 $0x50000, s13  }
0xa: {  	s8 =	sshrl.u32 s6, $0x1;
	s22 =	sor.u32 s26, s9;
	s7 =	sshrl.u32 s7, $0x2  }
0xb: {  	s15 =	sadd.s32 $0x4000, s14;
	s16 =	sadd.s32 $0x8000, s14;
	s17 =	sadd.s32 $0xC000, s14  }
0xc: {  	s20 =	sadd.s32 $0x10000, s14;
	s18 =	ssub.s32 s6, s8;
	s9 =	smul.u32 $0x5000, s22  }
0xd: {  	s6 =	sadd.s32 s7, s2;
	s7 =	sadd.s32 s15, s2;
	s8 =	sadd.s32 s16, s2  }
0xe: {  	s11 =	sadd.s32 s20, s2;
	s14 =	sadd.s32 s14, s19;
	s15 =	sadd.s32 s19, s15  }
0xf: {  	s16 =	sadd.s32 s19, s16;
	s22 =	smul.u32 $0x5000, s26;
	s24 =	sadd.s32 s19, s17  }
0x10: {  	s19 =	sadd.s32 s19, s20;
	s20 =	simm.s32 $0x400;
	s14 =	sshrl.u32 s14, $0x3  }
0x11: {  	s15 =	sshrl.u32 s15, $0x3;
	s23 =	sshrl.u32 s16, $0x3;
	s16 =	sshrl.u32 s24, $0x3  }
0x12: {  	s19 =	sshrl.u32 s19, $0x3;
	s18 =	smax.u32 s18, $0x1;
	s10 =	sshrl.u32 s9, $0x3  }
0x13: {  	s9 =	sadd.s32 s17, s2;
	s13 =	sadd.s32 s0, s14;
	s14 =	sadd.s32 s0, s15  }
0x14: {  	s15 =	sadd.s32 s0, s23;
	s25 =	sadd.s32 s22, s21;
	s16 =	sadd.s32 s0, s16  }
0x15: {  	s21 =	simm.s32 $0x6;
	s22 =	simm.s32 $0x1;
	s23 =	simm.s32 $0x80  }
0x16: {  	s10 =	sadd.s32 s4, s10;
	s17 =	sor.u32 $0x400, s25;
	s25 =	simm.s32 $0x4400  }
0x17: {  	s12 =	sadd.s32 $0x40, s10;
	s26 =	sshrl.u32 s17, $0x3;
	s17 =	sadd.s32 s0, s19  }
0x18: {  	[dreg:$0x5] =	wrdreg s12;
	s19 =	sadd.s32 s26, s4;
	s26 =	simm.s32 $0x2  }
.LBB2_1:
0x19: {  	s0 =	rddreg [dreg:$0x4]  }
0x1a: {  	[tilespmem:s20], [sflag:$0x6] =	stream.linear.gather [hbm4b:s0+s3], $0x4000, $0x38;
	[tilespmem:$0x1C000] =	vst v63  }
0x1b: {  	_ =	swait.ge [sflag:s21], $0x4000  }
0x1c: {  	[sflag:s21] =	ssyncset.done $0x0  }
0x1d: {  	[sflag:s21] =	ssyncadd.s32 $0xFFFFC000  }
0x1e: {  	[spmem:s6] =	stream.linear.scatter [tilespmem:s20], [sflag:$0x1], $0x4000, $0x38;
	[tilespmem:$0x1C000] =	vst v63  }
0x1f: {  	_ = 	snop  }
0x20: {  	[spmem:s7] =	stream.linear.scatter [tilespmem:s20], [sflag:$0x1], $0x4000, $0x38;
	[tilespmem:$0x1C000] =	vst v63  }
0x21: {  	_ = 	snop  }
0x22: {  	[spmem:s8] =	stream.linear.scatter [tilespmem:s20], [sflag:$0x1], $0x4000, $0x38;
	[tilespmem:$0x1C000] =	vst v63  }
0x23: {  	_ = 	snop  }
0x24: {  	[spmem:s9] =	stream.linear.scatter [tilespmem:s20], [sflag:$0x1], $0x4000, $0x38;
	[tilespmem:$0x1C000] =	vst v63  }
0x25: {  	_ = 	snop  }
0x26: {  	[spmem:s11] =	stream.linear.scatter [tilespmem:s20], [sflag:$0x1], $0x3C00, $0x38;
	[tilespmem:$0x1C000] =	vst v63  }
0x27: {  	_ =	swait.ge [sflag:s22], $0x4000  }
0x28: {  	[sflag:s22] =	ssyncset.done $0x0  }
0x29: {  	[sflag:s22] =	ssyncadd.s32 $0xFFFFC000  }
0x2a: {  	_ =	swait.ge [sflag:s22], $0x4000  }
0x2b: {  	[sflag:s22] =	ssyncset.done $0x0  }
0x2c: {  	[sflag:s22] =	ssyncadd.s32 $0xFFFFC000  }
0x2d: {  	_ =	swait.ge [sflag:s22], $0x4000  }
0x2e: {  	[sflag:s22] =	ssyncset.done $0x0  }
0x2f: {  	[sflag:s22] =	ssyncadd.s32 $0xFFFFC000  }
0x30: {  	_ =	swait.ge [sflag:s22], $0x4000  }
0x31: {  	[sflag:s22] =	ssyncset.done $0x0  }
0x32: {  	[sflag:s22] =	ssyncadd.s32 $0xFFFFC000  }
0x33: {  	_ =	swait.ge [sflag:s22], $0x3C00  }
0x34: {  	[sflag:s22] =	ssyncset.done $0x0  }
0x35: {  	[sflag:s22] =	ssyncadd.s32 $0xFFFFC400  }
0x36: {  	[bflag:$0x0] =	sbarrier.arrive $0xFFFF  }
0x37: {  	[tilespmem:s3], [sflag:$0x6] =	stream.linear.gather [hbm4b:s10+s3], $0x200, $0x38;
	[tilespmem:$0x1C000] =	vst v63  }
0x38: {  	_ =	swait.ge [sflag:s21], $0x200  }
0x39: {  	[sflag:s21] =	ssyncset.done $0x0  }
0x3a: {  	[sflag:s21] =	ssyncadd.s32 $0xFFFFFE00  }
0x3b: {  	[tilespmem:s20], [sflag:$0x2] =	stream.indirect.gather [hbm4b:s1+s23], $0x80, s3, s23, $0xb8;
	[tilespmem:$0x1C000] =	vst v63  }
0x3c: {  	s5 =	simm.s32 $0x200;
	s4 =	rddreg [dreg:$0x5]  }
0x3d: {  	[tilespmem:s5], [sflag:$0x1] =	stream.linear.gather [hbm4b:s4+s3], $0x200, $0x38;
	[tilespmem:$0x1C000] =	vst v63  }
0x3e: {  	s12 =	simm.s32 $0x100  }
0x3f: {  	[tilespmem:s25], [sflag:$0x3] =	stream.indirect.gather [hbm4b:s1+s23], $0x80, s12, s23, $0xb8;
	[tilespmem:$0x1C000] =	vst v63  }
0x40: {  	_ =	swait.ge [sflag:s26], $0x4000  }
0x41: {  	[sflag:s26] =	ssyncset.done $0x0  }
0x42: {  	[sflag:s26] =	ssyncadd.s32 $0xFFFFC000  }
0x43: {  	[spmem:s2] =	stream.indirect.scatter.add.f32 [tilespmem:s20], [sflag:$0x4], $0x80, s23, s23, $0xb8;
	[tilespmem:$0x1C000] =	vst v63  }
0x44: {  	_ =	swait.ge [sflag:s22], $0x200  }
0x45: {  	[sflag:s22] =	ssyncset.done $0x0  }
0x46: {  	[sflag:s22] =	ssyncadd.s32 $0xFFFFFE00  }
0x47: {  	_ =	swait.ge [sflag:s28], $0x4000  }
0x48: {  	[sflag:s28] =	ssyncset.done $0x0  }
0x49: {  	[sflag:s28] =	ssyncadd.s32 $0xFFFFC000  }
0x4a: {  	[tilespmem:s20], [sflag:$0x2] =	stream.indirect.gather [hbm4b:s1+s23], $0x80, s5, s23, $0xb8;
	[tilespmem:$0x1C000] =	vst v63  }
0x4b: {  	_ =	swait.ge [sflag:s29], $0x4000  }
0x4c: {  	[sflag:s29] =	ssyncset.done $0x0  }
0x4d: {  	s24 =	simm.s32 $0x180;
	[sflag:s29] =	ssyncadd.s32 $0xFFFFC000  }
0x4e: {  	[spmem:s2] =	stream.indirect.scatter.add.f32 [tilespmem:s25], [sflag:$0x5], $0x80, s24, s23, $0xb8;
	[tilespmem:$0x1C000] =	vst v63  }
0x4f: {  	_ =	swait.ge [sflag:s31], $0x4000  }
0x50: {  	s5 =	sand.u32 $0x200, s5;
	[sflag:s31] =	ssyncset.done $0x0  }
0x51: {  	s0 =	sxor.u32 $0x200, s5;
	[sflag:s31] =	ssyncadd.s32 $0xFFFFC000  }
0x52: {  	[tilespmem:s0], [sflag:$0x1] =	stream.linear.gather [hbm4b:s19+s3], $0x200, $0x38;
	[tilespmem:$0x1C000] =	vst v63  }
0x53: {  	s24 =	sor.u32 $0x100, s5  }
0x54: {  	[tilespmem:s25], [sflag:$0x3] =	stream.indirect.gather [hbm4b:s1+s23], $0x80, s24, s23, $0xb8;
	[tilespmem:$0x1C000] =	vst v63  }
0x55: {  	_ =	swait.ge [sflag:s26], $0x4000  }
0x56: {  	[sflag:s26] =	ssyncset.done $0x0  }
0x57: {  	s12 =	sor.u32 $0x80, s5;
	[sflag:s26] =	ssyncadd.s32 $0xFFFFC000  }
0x58: {  	[spmem:s2] =	stream.indirect.scatter.add.f32 [tilespmem:s20], [sflag:$0x4], $0x80, s12, s23, $0xb8;
	[tilespmem:$0x1C000] =	vst v63  }
0x59: {  	_ =	swait.ge [sflag:s22], $0x200  }
0x5a: {  	[sflag:s22] =	ssyncset.done $0x0  }
0x5b: {  	[sflag:s22] =	ssyncadd.s32 $0xFFFFFE00  }
0x5c: {  	_ =	swait.ge [sflag:s28], $0x4000  }
0x5d: {  	[sflag:s28] =	ssyncset.done $0x0  }
0x5e: {  	[sflag:s28] =	ssyncadd.s32 $0xFFFFC000  }
0x5f: {  	[tilespmem:s20], [sflag:$0x2] =	stream.indirect.gather [hbm4b:s1+s23], $0x80, s0, s23, $0xb8;
	[tilespmem:$0x1C000] =	vst v63  }
0x60: {  	_ =	swait.ge [sflag:s29], $0x4000  }
0x61: {  	s4 =	sadd.s32 $0x40, s19;
	[sflag:s29] =	ssyncset.done $0x0  }
0x62: {  	s24 =	sor.u32 $0x180, s5;
	s0 =	simm.s32 $0x400;
	[sflag:s29] =	ssyncadd.s32 $0xFFFFC000  }
.LBB2_2:
0x63: {  	[spmem:s2] =	stream.indirect.scatter.add.f32 [tilespmem:s25], [sflag:$0x5], $0x80, s24, s23, $0xb8;
	[tilespmem:$0x1C000] =	vst v63  }
0x64: {  	s24 =	smov.u32 s0  }
0x65: {  	p0 =	sne.s32 s0, $0x4C00;
	s0 =	sadd.s32 $0x200, s0;
	_ =	swait.ge [sflag:s31], $0x4000  }
0x66: {  	s24 =	sand.u32 $0x200, s24;
	[sflag:s31] =	ssyncset.done $0x0  }
0x67: {  	s5 =	sxor.u32 $0x200, s24;
	[sflag:s31] =	ssyncadd.s32 $0xFFFFC000  }
0x68: {  	[tilespmem:s5], [sflag:$0x1] =	stream.linear.gather [hbm4b:s4+s3], $0x200, $0x38;
	[tilespmem:$0x1C000] =	vst v63  }
0x69: {  	s12 =	sor.u32 $0x100, s24  }
0x6a: {  	[tilespmem:s25], [sflag:$0x3] =	stream.indirect.gather [hbm4b:s1+s23], $0x80, s12, s23, $0xb8;
	[tilespmem:$0x1C000] =	vst v63  }
0x6b: {  	_ =	swait.ge [sflag:s26], $0x4000  }
0x6c: {  	[sflag:s26] =	ssyncset.done $0x0  }
0x6d: {  	s12 =	sor.u32 $0x80, s24;
	[sflag:s26] =	ssyncadd.s32 $0xFFFFC000  }
0x6e: {  	[spmem:s2] =	stream.indirect.scatter.add.f32 [tilespmem:s20], [sflag:$0x4], $0x80, s12, s23, $0xb8;
	[tilespmem:$0x1C000] =	vst v63  }
0x6f: {  	_ =	swait.ge [sflag:s22], $0x200  }
0x70: {  	[sflag:s22] =	ssyncset.done $0x0  }
0x71: {  	[sflag:s22] =	ssyncadd.s32 $0xFFFFFE00  }
0x72: {  	_ =	swait.ge [sflag:s28], $0x4000  }
0x73: {  	[sflag:s28] =	ssyncset.done $0x0  }
.Ltmp0:
0x74: {  	[sflag:s28] =	ssyncadd.s32 $0xFFFFC000;
	(pc) =	sbr.rel @p0 .LBB2_2-.Ltmp0, $4  }
0x75: {  	[tilespmem:s20], [sflag:$0x2] =	stream.indirect.gather [hbm4b:s1+s23], $0x80, s5, s23, $0xb8;
	[tilespmem:$0x1C000] =	vst v63  }
0x76: {  	_ =	swait.ge [sflag:s29], $0x4000  }
0x77: {  	[sflag:s29] =	ssyncset.done $0x0  }
0x78: {  	s4 =	sadd.s32 $0x40, s4;
	s24 =	sor.u32 $0x180, s24;
	[sflag:s29] =	ssyncadd.s32 $0xFFFFC000  }
0x79: {  	[spmem:s2] =	stream.indirect.scatter.add.f32 [tilespmem:s25], [sflag:$0x5], $0x80, s24, s23, $0xb8;
	[tilespmem:$0x1C000] =	vst v63  }
0x7a: {  	_ =	swait.ge [sflag:s31], $0x4000  }
0x7b: {  	[sflag:s31] =	ssyncset.done $0x0  }
0x7c: {  	s0 =	simm.s32 $0x300;
	[sflag:s31] =	ssyncadd.s32 $0xFFFFC000  }
0x7d: {  	[tilespmem:s25], [sflag:$0x3] =	stream.indirect.gather [hbm4b:s1+s23], $0x80, s0, s23, $0xb8;
	[tilespmem:$0x1C000] =	vst v63  }
0x7e: {  	_ =	swait.ge [sflag:s26], $0x4000  }
0x7f: {  	[sflag:s26] =	ssyncset.done $0x0  }
0x80: {  	s12 =	simm.s32 $0x280;
	[sflag:s26] =	ssyncadd.s32 $0xFFFFC000  }
0x81: {  	[spmem:s2] =	stream.indirect.scatter.add.f32 [tilespmem:s20], [sflag:$0x4], $0x80, s12, s23, $0xb8;
	[tilespmem:$0x1C000] =	vst v63  }
0x82: {  	_ =	swait.ge [sflag:s29], $0x4000  }
0x83: {  	[sflag:s29] =	ssyncset.done $0x0  }
0x84: {  	s24 =	simm.s32 $0x380;
	[sflag:s29] =	ssyncadd.s32 $0xFFFFC000  }
0x85: {  	[spmem:s2] =	stream.indirect.scatter.add.f32 [tilespmem:s25], [sflag:$0x5], $0x80, s24, s23, $0xb8;
	[tilespmem:$0x1C000] =	vst v63  }
0x86: {  	_ =	swait.ge [sflag:s28], $0x4000  }
0x87: {  	[sflag:s28] =	ssyncset.done $0x0  }
0x88: {  	[sflag:s28] =	ssyncadd.s32 $0xFFFFC000  }
0x89: {  	_ =	swait.ge [sflag:s31], $0x4000  }
0x8a: {  	[sflag:s31] =	ssyncset.done $0x0  }
0x8b: {  	[sflag:s31] =	ssyncadd.s32 $0xFFFFC000  }
0x8c: {  	[bflag:$0x0] =	sbarrier.arrive $0xFFFF  }
0x8d: {  	[tilespmem:s20], [sflag:$0x2] =	stream.linear.gather [spmem:s6], $0x4000, $0x38;
	[tilespmem:$0x1C000] =	vst v63  }
0x8e: {  	_ =	swait.ge [sflag:s26], $0x4000  }
0x8f: {  	[sflag:s26] =	ssyncset.done $0x0  }
0x90: {  	[sflag:s26] =	ssyncadd.s32 $0xFFFFC000  }
0x91: {  	[hbm4b:s13+s3] =	stream.linear.scatter [tilespmem:s20], [sflag:$0x3], $0x4000, $0x38;
	[tilespmem:$0x1C000] =	vst v63  }
0x92: {  	_ = 	snop  }
0x93: {  	[tilespmem:s25], [sflag:$0x2] =	stream.linear.gather [spmem:s7], $0x4000, $0x38;
	[tilespmem:$0x1C000] =	vst v63  }
0x94: {  	_ =	swait.ge [sflag:s26], $0x4000  }
0x95: {  	[sflag:s26] =	ssyncset.done $0x0  }
0x96: {  	[sflag:s26] =	ssyncadd.s32 $0xFFFFC000  }
0x97: {  	[hbm4b:s14+s3] =	stream.linear.scatter [tilespmem:s25], [sflag:$0x3], $0x4000, $0x38;
	[tilespmem:$0x1C000] =	vst v63  }
0x98: {  	_ =	swait.ge [sflag:s29], $0x4000  }
0x99: {  	[sflag:s29] =	ssyncset.done $0x0  }
0x9a: {  	[sflag:s29] =	ssyncadd.s32 $0xFFFFC000  }
0x9b: {  	[tilespmem:s20], [sflag:$0x2] =	stream.linear.gather [spmem:s8], $0x4000, $0x38;
	[tilespmem:$0x1C000] =	vst v63  }
0x9c: {  	_ =	swait.ge [sflag:s26], $0x4000  }
0x9d: {  	[sflag:s26] =	ssyncset.done $0x0  }
0x9e: {  	[sflag:s26] =	ssyncadd.s32 $0xFFFFC000  }
0x9f: {  	[hbm4b:s15+s3] =	stream.linear.scatter [tilespmem:s20], [sflag:$0x3], $0x4000, $0x38;
	[tilespmem:$0x1C000] =	vst v63  }
0xa0: {  	_ =	swait.ge [sflag:s29], $0x4000  }
0xa1: {  	[sflag:s29] =	ssyncset.done $0x0  }
0xa2: {  	[sflag:s29] =	ssyncadd.s32 $0xFFFFC000  }
0xa3: {  	[tilespmem:s25], [sflag:$0x2] =	stream.linear.gather [spmem:s9], $0x4000, $0x38;
	[tilespmem:$0x1C000] =	vst v63  }
0xa4: {  	_ =	swait.ge [sflag:s26], $0x4000  }
0xa5: {  	[sflag:s26] =	ssyncset.done $0x0  }
0xa6: {  	[sflag:s26] =	ssyncadd.s32 $0xFFFFC000  }
0xa7: {  	[hbm4b:s16+s3] =	stream.linear.scatter [tilespmem:s25], [sflag:$0x3], $0x4000, $0x38;
	[tilespmem:$0x1C000] =	vst v63  }
0xa8: {  	_ =	swait.ge [sflag:s29], $0x4000  }
0xa9: {  	[sflag:s29] =	ssyncset.done $0x0  }
0xaa: {  	[sflag:s29] =	ssyncadd.s32 $0xFFFFC000  }
0xab: {  	[tilespmem:s20], [sflag:$0x2] =	stream.linear.gather [spmem:s11], $0x3C00, $0x38;
	[tilespmem:$0x1C000] =	vst v63  }
0xac: {  	_ =	swait.ge [sflag:s26], $0x3C00  }
0xad: {  	[sflag:s26] =	ssyncset.done $0x0  }
0xae: {  	s30 =	sadd.s32 $0x1, s30;
	[sflag:s26] =	ssyncadd.s32 $0xFFFFC400  }
0xaf: {  	[hbm4b:s17+s3] =	stream.linear.scatter [tilespmem:s20], [sflag:$0x3], $0x3C00, $0x38;
	[tilespmem:$0x1C000] =	vst v63  }
0xb0: {  	p0 =	sne.s32 s30, s18;
	_ =	swait.ge [sflag:s29], $0x4000  }
.Ltmp1:
0xb1: {  	[sflag:s29] =	ssyncset.done $0x0;
	(pc) =	sbr.rel @p0 .LBB2_1-.Ltmp1, $4  }
0xb2: {  	[sflag:s29] =	ssyncadd.s32 $0xFFFFC000  }
0xb3: {  	_ =	swait.ge [sflag:s29], $0x3C00  }
0xb4: {  	[sflag:s29] =	ssyncset.done $0x0  }
0xb5: {  	[sflag:s29] =	ssyncadd.s32 $0xFFFFC400  }
0xb6: {  	_ =	sfence.sel $0x180000  }
0xb7: {  	[bflag:$0x0] =	sbarrier.arrive $0xFFFF  }
0xb8: {  	_ =	strace $0x9000004D  }
0xb9: {  	s0 =	stileid.u32;
	[bflag:$0x2] =	sbarrier.arrive $0xFFFF  }
0xba: {  	p0 =	sne.s32 s0, $0x0;
	s0 =	rddreg [dreg:$0x3]  }
0xbb: {  	s0 =	sadd.s32 @!p0 $0x100000, s0  }
0xbc: {  	[sflag:s0] =	ssyncadd.tile.s32 @!p0 $0x1;
	_ =	shalt  }
.Lfunc_end2:
_tile_overlayer_lowered:
.L_overlay_start_2:
0xbd: {  	(tag) =	ssettag $0x2  }
0xbe: {  	s0 =	rddreg [dreg:$0x0];
	s2 =	stileid.u32  }
0xbf: {  	s1 =	rddreg [dreg:$0x1];
	p0 =	sne.s32 s2, $0x0  }
0xc0: {  	s3 =	rddreg [dreg:$0x2];
	[bflag:$0x3] =	sbarrier.arrive $0xFFFF;
	s2 =	simm.s32 @!p0 $0x1C06  }
0xc1: {  	[timem:s3], [sflag:s2] =	dma.local @!p0 [hbm:s0], s1  }
0xc2: {  	s0 =	simm.s32 @!p0 $0x6  }
0xc3: {  	_ =	swait.ge @!p0 [sflag:s0], s1  }
0xc4: {  	s1 =	ssub.s32 @!p0 $0x0, s1;
	[sflag:s0] =	ssyncset.done @!p0 $0x0  }
0xc5: {  	[sflag:s0] =	ssyncadd.s32 @!p0 s1  }
0xc6: {  	[bflag:$0x3] =	sbarrier.arrive $0xFFFF  }
0xc7: {  	_ =	shalt  }

// kernel: kernel.8.cloned.1.call-start
scs
__scs_entry_jumppad:
0x0: {  	(pc) =	sbr.rel $0x88, $3  }
0x1: {  	(tag) =	ssettag $0x0;
	lr =	simm.s32 $0x1  }
0x2: {  	[smem:$0x3F94] =	sst lr;
	_ =	strace $0xD0000000  }
0x3: {  	_ = 	snop  }
0x4: {  	_ = 	snop  }
0x5: {  	_ = 	snop  }
0x6: {  	_ = 	snop  }
0x7: {  	_ = 	snop  }
__scs_overlays_trampoline_lowered:
0x8: {  	[smem:$0x3FA3] =	sst s0  }
0x9: {  	[smem:$0x3FA4] =	sst s1  }
0xa: {  	[smem:$0x3FA5] =	sst s2  }
0xb: {  	[smem:$0x3FA6] =	sst s3  }
0xc: {  	[smem:$0x3FA7] =	sst s4  }
0xd: {  	[smem:$0x3FA8] =	sst s5  }
0xe: {  	[smem:$0x3FA9] =	sst s6  }
0xf: {  	[smem:$0x3FAA] =	sst s7  }
0x10: {  	[smem:$0x3FAB] =	sst s8  }
0x11: {  	[smem:$0x3FAC] =	sst s9;
	s0 =	simm.s32 @!p0 $0x0  }
0x12: {  	s1 =	sld [smem:$0x3F92];
	s0 =	simm.s32 @p0 $0x1  }
0x13: {  	[smem:$0x3FAD] =	sst s0;
	s0 =	simm.s32 @!p1 $0x0  }
0x14: {  	s2 =	sld [smem:$0x3F91];
	s0 =	simm.s32 @p1 $0x1  }
0x15: {  	[smem:$0x3FAE] =	sst s0;
	s0 =	simm.s32 @!p2 $0x0  }
0x16: {  	s3 =	sld [smem:$0x3FDB];
	s0 =	simm.s32 @p2 $0x1  }
0x17: {  	s4 =	simm.s32 $0x1BF5;
	[smem:$0x3FB0] =	sst s0  }
0x18: {  	s0 =	sld [smem:$0x3F93];
	_ =	swait.ge [sflag:s4], $0x0  }
0x19: {  	s7 =	sld [smem:$0x3F94]  }
0x1a: {  	s8 =	sadd.s32 $0xFFFFE003, lr  }
0x1b: {  	s9 =	sadd.s32 $0xFFFFFEF7, lr;
	s5 =	simm.s32 $0xFFFFFFFF;
	p2 =	slt.u32 s8, $0xFFFFF086  }
0x1c: {  	p1 =	slt.u32 s9, $0xF7A;
	s5 =	simm.s32 @!p2 $0x0  }
0x1d: {  	s5 =	simm.s32 @p1 $0x1;
	p0 =	seq.s32 s7, s2  }
0x1e: {  	s7 =	smul.u32 @!p0 $0xF7A, s2;
	p2 =	seq.s32 @!p0 s5, $0x0  }
0x1f: {  	s9 =	smul.u32 $0xF7A, s1;
	s8 =	simm.s32 @!p0 $0x1BF5;
	p2 =	por !p2, p0  }
0x20: {  	[sflag:s8] =	ssyncset.s32 @!p0 $0xFFFFF086;
	s6 =	sadd.s32 @!p0 s3, s7;
	s7 =	simm.s32 @!p0 $0x108  }
0x21: {  	s3 =	sadd.s32 s3, s9;
	s6 =	sadd.s32 @!p0 $0x88, s6;
	s7 =	simm.s32 @p2 $0x1082  }
0x22: {  	[simem:s7], [sflag:s8] =	dma.local @!p0 [hbm:s6], $0xF7A  }
0x23: {  	s9 =	sor.u32 $0xD0000000, s2;
	s6 =	simm.s32 $0x108;
	_ =	swait.ge @!p0 [sflag:s8], $0x0  }
0x24: {  	s3 =	sadd.s32 $0x88, s3;
	s6 =	simm.s32 @!p1 $0x1082;
	[sflag:s4] =	ssyncset.s32 $0xFFFFF086  }
0x25: {  	[simem:s6], [sflag:s4] =	dma.local [hbm:s3], $0xF7A  }
0x26: {  	[smem:$0x3F94] =	sst s1;
	(tag) =	ssettag s2;
	_ =	strace s9  }
0x27: {  	s1 =	sld [smem:$0x3FA4]  }
0x28: {  	s2 =	sld [smem:$0x3FA5]  }
0x29: {  	s4 =	sld [smem:$0x3FA7]  }
0x2a: {  	p0 =	seq.s32 s5, $0x0;
	s5 =	sld [smem:$0x3FA8]  }
0x2b: {  	s6 =	sld [smem:$0x3FA9]  }
0x2c: {  	s7 =	sld [smem:$0x3FAA]  }
0x2d: {  	s3 =	simm.s32 $0x108;
	s8 =	sld [smem:$0x3FAB]  }
0x2e: {  	s3 =	simm.s32 @!p0 $0x1082;
	s9 =	sld [smem:$0x3FAC]  }
0x2f: {  	lr =	sadd.s32 s0, s3;
	s0 =	sld [smem:$0x3FA3]  }
0x30: {  	s3 =	sld [smem:$0x3FA6]  }
0x31: {  	[smem:$0x3FAF] =	sst s10  }
0x32: {  	s10 =	sld [smem:$0x3FAD];
	_ =	sdelay $0x3  }
0x33: {  	p0 =	seq.s32 s10, $0x1;
	s10 =	sld [smem:$0x3FAF];
	_ =	sdelay $0x3  }
0x34: {  	[smem:$0x3FAF] =	sst s10  }
0x35: {  	s10 =	sld [smem:$0x3FAE];
	_ =	sdelay $0x3  }
0x36: {  	p1 =	seq.s32 s10, $0x1;
	s10 =	sld [smem:$0x3FAF];
	_ =	sdelay $0x3  }
0x37: {  	[smem:$0x3FAF] =	sst s10  }
0x38: {  	s10 =	sld [smem:$0x3FB0]  }
0x39: {  	_ = 	snop;
	(pc) =	sbr.ind lr, $3  }
0x3a: {  	_ = 	snop  }
0x3b: {  	_ = 	snop  }
0x3c: {  	p2 =	seq.s32 s10, $0x1;
	s10 =	sld [smem:$0x3FAF]  }
0x3d: {  	_ =	shalt  }
0x3e: {  	_ =	shalt  }
0x3f: {  	_ =	shalt  }
0x40: {  	_ =	shalt  }
0x41: {  	_ =	shalt  }
0x42: {  	_ =	shalt  }
0x43: {  	_ =	shalt  }
0x44: {  	_ =	shalt  }
0x45: {  	_ =	shalt  }
0x46: {  	_ =	shalt  }
0x47: {  	_ =	shalt  }
0x48: {  	_ =	shalt  }
0x49: {  	_ =	shalt  }
0x4a: {  	_ =	shalt  }
0x4b: {  	_ =	shalt  }
0x4c: {  	_ =	shalt  }
0x4d: {  	_ =	shalt  }
0x4e: {  	_ =	shalt  }
0x4f: {  	_ =	shalt  }
0x50: {  	_ =	shalt  }
0x51: {  	_ =	shalt  }
0x52: {  	_ =	shalt  }
0x53: {  	_ =	shalt  }
0x54: {  	_ =	shalt  }
0x55: {  	_ =	shalt  }
0x56: {  	_ =	shalt  }
0x57: {  	_ =	shalt  }
0x58: {  	_ =	shalt  }
0x59: {  	_ =	shalt  }
0x5a: {  	_ =	shalt  }
0x5b: {  	_ =	shalt  }
0x5c: {  	_ =	shalt  }
0x5d: {  	_ =	shalt  }
0x5e: {  	_ =	shalt  }
0x5f: {  	_ =	shalt  }
0x60: {  	_ =	shalt  }
0x61: {  	_ =	shalt  }
0x62: {  	_ =	shalt  }
0x63: {  	_ =	shalt  }
0x64: {  	_ =	shalt  }
0x65: {  	_ =	shalt  }
0x66: {  	_ =	shalt  }
0x67: {  	_ =	shalt  }
0x68: {  	_ =	shalt  }
0x69: {  	_ =	shalt  }
0x6a: {  	_ =	shalt  }
0x6b: {  	_ =	shalt  }
0x6c: {  	_ =	shalt  }
0x6d: {  	_ =	shalt  }
0x6e: {  	_ =	shalt  }
0x6f: {  	_ =	shalt  }
0x70: {  	_ =	shalt  }
0x71: {  	_ =	shalt  }
0x72: {  	_ =	shalt  }
0x73: {  	_ =	shalt  }
0x74: {  	_ =	shalt  }
0x75: {  	_ =	shalt  }
0x76: {  	_ =	shalt  }
0x77: {  	_ =	shalt  }
0x78: {  	_ =	shalt  }
0x79: {  	_ =	shalt  }
0x7a: {  	_ =	shalt  }
0x7b: {  	_ =	shalt  }
0x7c: {  	_ =	shalt  }
0x7d: {  	_ =	shalt  }
0x7e: {  	_ =	shalt  }
0x7f: {  	_ =	shalt  }
0x80: {  	_ =	shalt  }
0x81: {  	_ =	shalt  }
0x82: {  	_ =	shalt  }
0x83: {  	_ =	shalt  }
0x84: {  	_ =	shalt  }
0x85: {  	_ =	shalt  }
0x86: {  	_ =	shalt  }
0x87: {  	_ =	shalt  }
.Lfunc_end0:
.L_simem_size_0:
called_computation_lowered:
.L_overlay_start_0:
0x88: {  	s2 =	sld [smem:$0x3FD9]  }
0x89: {  	s3 =	sld [smem:$0x3FFE];
	_ =	sdelay $0x1  }
0x8a: {  	s1 =	srdreg.scid  }
0x8b: {  	s0 =	sand.u32 $0x1, s1  }
0x8c: {  	s14 =	sshll.u32 s0, $0xA;
	s2 =	sadd.s32 s3, s2  }
0x8d: {  	s2 =	sadd.s32 s2, s14  }
0x8e: {  	[smem:$0x3FBB] =	sst s2  }
0x8f: {  	_ = 	snop  }
0x90: {  	s2 =	sld [smem:$0x3FD0];
	_ =	sdelay $0x2  }
0x91: {  	s15 =	simm.s32 $0xA;
	s4 =	simm.s32 $0x10  }
0x92: {  	[smem:s4], [sflag:s15] =	dma.local [hbm:s2], $0x1  }
0x93: {  	_ =	swait.eq [sflag:s15], $0x1  }
0x94: {  	[sflag:s15] =	ssyncset.done $0x0  }
0x95: {  	[sflag:s15] =	ssyncadd.s32 $0xFFFFFFFF  }
0x96: {  	s16 =	sld [smem:$0x10];
	(tm) =	ssettm $0x1  }
0x97: {  	s17 =	sld [smem:$0x3FFB];
	_ =	sdelay $0x3  }
0x98: {  	_ =	strace s17  }
0x99: {  	s3 =	sld [smem:$0x3FFC];
	_ =	sdelay $0x3  }
0x9a: {  	_ =	strace s3  }
0x9b: {  	s3 =	sld [smem:$0x3FFD];
	_ =	sdelay $0x3  }
0x9c: {  	_ =	strace s3  }
0x9d: {  	_ =	strace $0x8FFFFFFF  }
0x9e: {  	s18 =	sld [smem:$0x3FDB];
	_ =	sdelay $0x1  }
0x9f: {  	s19 =	simm.s32 $_scs_section_size  }
0xa0: {  	s5 =	simm.s32 $_size__tile_overlayer_lowered;
	s6 =	simm.s32 $_tile_overlayer_lowered  }
0xa1: {  	s22 =	simm.s32 $0x1BFF;
	s21 =	sshll.u32 s6, $0x1;
	s3 =	sadd.s32 s19, s18  }
0xa2: {  	s7 =	simm.s32 $0x0;
	s20 =	sshll.u32 s5, $0x1;
	s5 =	sadd.s32 s21, s3  }
0xa3: {  	[timem:s7], [sflag:s22] =	dma.local [hbm:s5], s20  }
0xa4: {  	_ =	swait.ge [sflag:s22], s20  }
0xa5: {  	s4 =	ssub.s32 $0x0, s20;
	[sflag:s22] =	ssyncset.done $0x0  }
0xa6: {  	[sflag:s22] =	ssyncadd.s32 s4;
	_ =	sdelay $0x1  }
0xa7: {  	s23 =	simm.s32 $0x1B8B  }
0xa8: {  	_ =	swait.ge [sflag:s23], $0x1  }
0xa9: {  	[sflag:s23] =	ssyncset.done $0x0  }
0xaa: {  	s25 =	simm.s32 $0x1B8E;
	s24 =	sld [smem:$0x3FFE];
	[sflag:s23] =	ssyncadd.s32 $0xFFFFFFFF  }
0xab: {  	s26 =	simm.s32 $execute0_lowered;
	[smem:$0x3FD2] =	sst s25  }
0xac: {  	s5 =	sshll.u32 s26, $0x1;
	_ =	strace $0x80000046;
	[dreg:$0x1] =	wrdreg $0xFFFFFFFF  }
0xad: {  	s28 =	simm.s32 $_size_execute0_lowered;
	s3 =	sadd.s32 s3, s5;
	[dreg:$0x0] =	wrdreg $0x0  }
0xae: {  	s5 =	sshll.u32 s28, $0x1;
	[dreg:$0x2] =	wrdreg s3  }
0xaf: {  	[dreg:$0x3] =	wrdreg s5  }
0xb0: {  	[dreg:$0x4] =	wrdreg $0xC0  }
0xb1: {  	_ =	task [dreg:s7], $0x5FFFF  }
0xb2: {  	[dreg:$0x1] =	wrdreg $0xFFFFFFFF  }
0xb3: {  	[dreg:$0x0] =	wrdreg $0x60  }
0xb4: {  	[dreg:$0x2] =	wrdreg s16  }
0xb5: {  	[dreg:$0x3] =	wrdreg s24  }
0xb6: {  	[dreg:$0x4] =	wrdreg $0x9  }
0xb7: {  	_ =	task.clear_ibuf [dreg:s7], $0x5FFFF;
	_ =	strace $0x90000046  }
0xb8: {  	s29 =	simm.s32 $0x9;
	_ =	strace $0x80000048  }
0xb9: {  	_ =	swait.ge [sflag:s29], $0x1  }
0xba: {  	[sflag:s29] =	ssyncadd.s32 $0xFFFFFFFF  }
0xbb: {  	_ =	strace $0x90000048  }
0xbc: {  	_ =	sfence  }
0xbd: {  	s30 =	sld [smem:$0x0];
	_ =	sdelay $0x2  }
0xbe: {  	s31 =	sshll.u32 s1, $0xD;
	s1 =	sshrl.u32 s1, $0x2  }
0xbf: {  	s3 =	sand.u32 $0x4000, s31;
	s1 =	sadd.s32 s1, s30  }
0xc0: {  	s0 =	sor.u32 s3, s0;
	s1 =	sshll.u32 s1, $0x11  }
0xc1: {  	s0 =	sor.u32 s1, s0  }
0xc2: {  	s0 =	sadd.s32 $0x8F2B, s0  }
0xc3: {  	[sflag:s0] =	ssyncadd.remote.s32 $0x1  }
0xc4: {  	_ =	sfence.sel $0xFFFF  }
0xc5: {  	[dreg:$0x0] =	wrdreg $0xFFFFFFFF;
	(pc) =	sbr.abs _section_cstart, $3  }
0xc6: {  	[dreg:$0x1] =	wrdreg $0xFFFFFFFF  }
0xc7: {  	_ =	task.clear_ibuf [dreg:s7], $0x2FFFF;
	_ =	strace $0x9FFFFFFF  }
0xc8: {  	(tm) =	ssettm $0x7FFFFFFF  }
0xc9: {  	_ =	shalt  }
tec
execute0_lowered:
.L_overlay_start_1:
0x0: {  	(tag) =	ssettag $0x1  }
0x1: {  	s1 =	srdreg.scid  }
0x2: {  	s0 =	stileid.u32;
	s6 =	rddreg [dreg:$0x0];
	s3 =	sand.u32 $0x1, s1  }
0x3: {  	s8 =	rddreg [dreg:$0x1];
	s4 =	sshrl.u32 s0, $0x3;
	s5 =	smul.u32 $0x27800, s3  }
0x4: {  	s2 =	simm.s32 $0x0;
	s1 =	rddreg [dreg:$0x2];
	s7 =	smul.u32 $0x13C00, s4  }
0x5: {  	[smem:$0x7FF] =	sst s2;
	s9 =	smul.u32 $0x50000, s3  }
0x6: {  	s30 =	sshll.u32 s0, $0x7;
	s4 =	smul.u32 $0x28000, s4;
	_ =	strace $0x80000047  }
0x7: {  	s3 =	ssub.s32 $0x2, s3;
	s5 =	sadd.s32 s5, s7;
	s7 =	sand.u32 $0x380, s30  }
0x8: {  	s31 =	sshrl.u32 s3, $0x1;
	s4 =	sadd.s32 s9, s4;
	s5 =	sor.u32 s7, s5  }
0x9: {  	s9 =	simm.s32 $0x5000;
	s4 =	sor.u32 s7, s4;
	s5 =	sshrl.u32 s5, $0x3  }
0xa: {  	s7 =	ssub.s32 s3, s31;
	s4 =	sshrl.u32 s4, $0x3;
	s5 =	sadd.s32 s5, s8  }
0xb: {  	s3 =	sadd.s32 s6, s4;
	s6 =	simm.s32 $0x80;
	s8 =	simm.s32 $0x1  }
0xc: {  	v0 =	vimm.f32 $0.0e+00;
	v1 =	vimm.f32 $1.000000000e+00;
	s4 =	sadd.s32 $0x3000, s5;
	s5 =	smax.u32 s7, $0x1;
	s7 =	simm.s32 $0x400  }
.LBB2_1:
0xd: {  	s10 =	simm.s32 $0x40;
	s11 =	simm.s32 $0x0  }
.LBB2_2:
0xe: {  	p0 =	sne.s32 s10, $0x9DC0;
	[tilespmem:s11+$0x5000] =	vst v0;
	s11 =	smov.u32 s10;
	s10 =	sadd.s32 $0x40, s10  }
.Ltmp0:
0xf: {  	(pc) =	sbr.rel @p0 .LBB2_2-.Ltmp0, $2  }
0x10: {  	_ =	sdelay $0x2  }
0x11: {  	s11 =	sshra.s32 s11, $0x2  }
0x12: {  	[tilespmem:s11+$0x5000] =	vst v0;
	s10 =	simm.s32 $0x0  }
0x13: {  	[tilespmem:s10], [sflag:$0x1] =	stream.strided.gather [hbm4b:s3+s6], $0x5000, s7, s6, $0x38;
	[tilespmem:$0x7780] =	vst v63  }
0x14: {  	_ =	swait.ge [sflag:s8], $0x5000  }
0x15: {  	[sflag:s8] =	ssyncset.done $0x0  }
0x16: {  	s11 =	simm.s32 $0x0;
	s10 =	simm.s32 $0x40;
	[sflag:s8] =	ssyncadd.s32 $0xFFFFB000  }
.LBB2_4:
0x17: {  	p0 =	sne.s32 s10, $0x13FC0;
	v2 =	vld [tilespmem:s11+$0x0];
	_ =	sdelay $0x3  }
.Ltmp1:
0x18: {  	(pc) =	sbr.rel @p0 .LBB2_4-.Ltmp1, $2  }
0x19: {  	_ =	sdelay $0x2  }
0x1a: {  	s11 =	sshra.s32 s10, $0x2;
	s10 =	sadd.s32 $0x40, s10;
	[tilespmem:v2+s9+$0x0] =	vst.idx.add.f32.msk $0xffff, v1  }
0x1b: {  	v2 =	vld [tilespmem:s11+$0x0];
	_ =	sdelay $0x5  }
0x1c: {  	s2 =	sadd.s32 $0x1, s2  }
0x1d: {  	p0 =	sne.s32 s2, s5  }
.Ltmp2:
0x1e: {  	[tilespmem:v2+s9+$0x0] =	vst.idx.add.f32.msk $0xffff, v1;
	(pc) =	sbr.rel @p0 .LBB2_1-.Ltmp2, $4  }
0x1f: {  	[hbm4b:s4+s6] =	stream.strided.scatter [tilespmem:s9], [sflag:$0x1], $0x2780, s7, s6, $0x38;
	[tilespmem:$0x7780] =	vst v63  }
0x20: {  	_ =	swait.ge [sflag:s8], $0x2780  }
0x21: {  	[sflag:s8] =	ssyncset.done $0x0  }
0x22: {  	[sflag:s8] =	ssyncadd.s32 $0xFFFFD880  }
0x23: {  	_ =	sfence.sel $0x180000  }
0x24: {  	[bflag:$0x0] =	sbarrier.arrive $0xFFFF  }
0x25: {  	p0 =	sne.s32 s0, $0x0;
	_ =	strace $0x90000047  }
0x26: {  	s0 =	sadd.s32 @!p0 $0x100000, s1;
	[bflag:$0x2] =	sbarrier.arrive $0xFFFF  }
0x27: {  	[sflag:s0] =	ssyncadd.tile.s32 @!p0 $0x1;
	_ =	shalt  }
.Lfunc_end2:
_tile_overlayer_lowered:
.L_overlay_start_2:
0x28: {  	(tag) =	ssettag $0x2  }
0x29: {  	s0 =	rddreg [dreg:$0x0];
	s2 =	stileid.u32  }
0x2a: {  	s1 =	rddreg [dreg:$0x1];
	p0 =	sne.s32 s2, $0x0  }
0x2b: {  	s3 =	rddreg [dreg:$0x2];
	[bflag:$0x3] =	sbarrier.arrive $0xFFFF;
	s2 =	simm.s32 @!p0 $0x1C01  }
0x2c: {  	[timem:s3], [sflag:s2] =	dma.local @!p0 [hbm:s0], s1  }
0x2d: {  	s0 =	simm.s32 @!p0 $0x1  }
0x2e: {  	_ =	swait.ge @!p0 [sflag:s0], s1  }
0x2f: {  	s1 =	ssub.s32 @!p0 $0x0, s1;
	[sflag:s0] =	ssyncset.done @!p0 $0x0  }
0x30: {  	[sflag:s0] =	ssyncadd.s32 @!p0 s1  }
0x31: {  	[bflag:$0x3] =	sbarrier.arrive $0xFFFF  }
0x32: {  	_ =	shalt  }

</sc_bundles>
